<compile_context>
chip_gen: v7x
topology: tpu7x:2x2x1
jax: 0.10.2.dev20260603
libtpu: 0.0.44.dev20260713+nightly
codegen_flags: <defaults>
</compile_context>

<pallas_src>
import functools

import jax
import jax.numpy as jnp
from jax import lax
from jax.experimental import pallas as pl
from jax.experimental.pallas import tpu as pltpu
from jax.experimental.pallas import tpu_sc as plsc

N = 10000
E = 320000
D = 128

DH = D // 2
ROWS = 10240
BLK = 128
N_SUB = 16
NBLK = 160
EPT = NBLK * BLK
E_PAD = N_SUB * EPT
TOT_BLK = E_PAD // BLK
NBUF = 2


def _spmm_body(edata_hbm, feat_hbm, out_hbm,
               e0, e1, d0, d1, r0, r1,
               es0, es1, gs0, gs1, ss0, ss1, shmem):
    ebuf = [e0, e1]
    dbuf = [d0, d1]
    rbuf = [r0, r1]
    esem = [es0, es1]
    gsem = [gs0, gs1]
    ssem = [ss0, ss1]

    c = lax.axis_index("c")
    s = lax.axis_index("s")
    blk0 = s * NBLK
    rbase = s * 640

    for z in range(5):
        pltpu.sync_copy(feat_hbm.at[c, pl.ds(rbase + z * 128, 128)], r0)
        pltpu.sync_copy(r0, shmem.at[pl.ds(rbase + z * 128, 128)])

    plsc.subcore_barrier()

    def start_edata(q, i):
        @pl.when(q < NBLK)
        def _():
            pltpu.async_copy(edata_hbm.at[blk0 + q], ebuf[i], esem[i])

    def wait_edata(i):
        pltpu.make_async_copy(edata_hbm.at[0], ebuf[i], esem[i]).wait()

    def start_gather(i):
        pltpu.async_copy(shmem.at[ebuf[i].at[1]], rbuf[i], gsem[i])

    def wait_gather(i):
        pltpu.make_async_copy(shmem.at[ebuf[i].at[1]], rbuf[i],
                              gsem[i]).wait()

    def start_scatter(i):
        pltpu.async_copy(rbuf[i], shmem.at[dbuf[i]], ssem[i], add=True)

    def wait_scatter(i):
        pltpu.make_async_copy(rbuf[i], shmem.at[dbuf[i]], ssem[i]).wait()

    def copy_dst(i):
        for k in range(BLK // 16):
            dbuf[i][pl.ds(k * 16, 16)] = ebuf[i][0, pl.ds(k * 16, 16)]

    def scale(i):
        eb, rb = ebuf[i], rbuf[i]
        zero16 = jnp.zeros((16,), jnp.float32)

        def _grp(g, _):
            w16 = lax.bitcast_convert_type(
                eb[2, pl.ds(g * 16, 16)], jnp.float32)
            for k in range(16):
                e = g * 16 + k
                w = jnp.broadcast_to(w16[k], (16,))
                for j in range(DH // 16):
                    rb[e, pl.ds(DH + j * 16, 16)] = (
                        rb[e, pl.ds(j * 16, 16)] * w)
                    rb[e, pl.ds(j * 16, 16)] = zero16
            return 0
        lax.fori_loop(0, BLK // 16, _grp, 0)

    def prep(q, i):
        @pl.when(q < NBLK)
        def _():
            wait_edata(i)

            @pl.when(q >= NBUF)
            def _():
                wait_scatter(i)
            start_gather(i)
            copy_dst(i)

    def finish(q, i):
        wait_gather(i)
        scale(i)
        start_edata(q + NBUF, i)
        start_scatter(i)

    for i in range(NBUF):
        start_edata(i, i)
    prep(0, 0)

    def _iter(t, _):
        base = t * NBUF
        for i in range(NBUF):
            q = base + i
            prep(q + 1, (i + 1) % NBUF)
            finish(q, i)
        return 0
    lax.fori_loop(0, NBLK // NBUF, _iter, 0)

    for i in range(NBUF):
        wait_scatter(i)

    plsc.subcore_barrier()

    for z in range(5):
        pltpu.sync_copy(shmem.at[pl.ds(rbase + z * 128, 128)], r0)
        pltpu.sync_copy(r0, out_hbm.at[c, pl.ds(rbase + z * 128, 128)])


@jax.jit
def _spmm(edata, feat2):
    mesh = plsc.VectorSubcoreMesh(core_axis_name="c", subcore_axis_name="s")
    run = functools.partial(
        pl.kernel,
        mesh=mesh,
        out_type=jax.ShapeDtypeStruct((2, ROWS, D), jnp.float32),
        scratch_types=(
            [pltpu.VMEM((3, BLK), jnp.int32) for _ in range(NBUF)]
            + [pltpu.VMEM((BLK,), jnp.int32) for _ in range(NBUF)]
            + [pltpu.VMEM((BLK, D), jnp.float32) for _ in range(NBUF)]
            + [pltpu.SemaphoreType.DMA for _ in range(3 * NBUF)]
            + [pltpu.VMEM_SHARED((ROWS, D), jnp.float32)]
        ),
    )(_spmm_body)
    out = run(edata, feat2)
    return jnp.concatenate([out[0, :N, DH:], out[1, :N, DH:]], axis=1)


def kernel(edge_index, adj_values, feat):
    dst = edge_index[0].astype(jnp.int32)
    col = edge_index[1].astype(jnp.int32)
    pad = E_PAD - E
    dst = jnp.pad(dst, (0, pad)).reshape(TOT_BLK, BLK)
    col = jnp.pad(col, (0, pad)).reshape(TOT_BLK, BLK)
    wi = lax.bitcast_convert_type(
        jnp.pad(adj_values, (0, pad)), jnp.int32).reshape(TOT_BLK, BLK)
    edata = jnp.stack([dst, col, wi], axis=1)
    fpad = jnp.pad(feat, ((0, ROWS - N), (0, 0)))
    halves = fpad.reshape(ROWS, 2, DH).transpose(1, 0, 2)
    feat2 = jnp.concatenate(
        [halves, jnp.zeros((2, ROWS, DH), jnp.float32)], axis=2)
    return _spmm(edata, feat2)

# --- scband reference (transcript-rebuilt; emitter-appended) ---
"""Pipeline reference for scband-sgcn-conv-49581102465507 (READ-ONLY COPY).

The authoritative reference and input builder live on the scoring server;
editing this copy changes nothing except your own understanding.
"""

import jax, jax.numpy as jnp
import numpy as np

N = 10000
E = 320000
D = 128

def setup_inputs(seed: int = 0) -> dict:
    key = jax.random.key(seed)
    k1, k2, k3 = jax.random.split(key, 3)
    edge_index = jax.random.randint(k1, (2, E), 0, N, dtype=jnp.int64) if jax.config.jax_enable_x64 else jax.random.randint(k1, (2, E), 0, N)
    adj_values = jax.random.uniform(k2, (E,), dtype=jnp.float32)
    feat = jax.random.normal(k3, (N, D), dtype=jnp.float32)
    return {"edge_index": edge_index, "adj_values": adj_values, "feat": feat}

def reference(edge_index, adj_values, feat):
    # torch.sparse.mm(adj, feat) where adj is COO with indices=edge_index, values=adj_values, shape (N, N)
    row = edge_index[0]
    col = edge_index[1]
    msgs = adj_values[:, None] * jnp.take(feat, col, axis=0)  # gather source features, scale by edge weight
    out = jax.ops.segment_sum(msgs, row, num_segments=N)       # scatter-add into destination rows
    return out

if __name__ == "__main__":
    import jax
    _d = setup_inputs()
    print(jax.jit(kernel)(*tuple(_d.values())))

</pallas_src>

<mosaic_0001>
#map = affine_map<(d0, d1) -> (0, 0, 0)>
module attributes {stable_mosaic.version = 14 : i64} {
  func.func @_spmm_body(%arg0: i32, %arg1: i32, %arg2: memref<2560x3x128xi32, #tpu.memory_space<hbm>>, %arg3: memref<2x10240x128xf32, #tpu.memory_space<hbm>>, %arg4: memref<2x10240x128xf32, #tpu.memory_space<hbm>>, %arg5: memref<3x128xi32, #tpu.memory_space<vmem>>, %arg6: memref<3x128xi32, #tpu.memory_space<vmem>>, %arg7: memref<128xi32, #tpu.memory_space<vmem>>, %arg8: memref<128xi32, #tpu.memory_space<vmem>>, %arg9: memref<128x128xf32, #tpu.memory_space<vmem>>, %arg10: memref<128x128xf32, #tpu.memory_space<vmem>>, %arg11: memref<!tpu.dma_semaphore, #tpu.memory_space<semaphore_mem>>, %arg12: memref<!tpu.dma_semaphore, #tpu.memory_space<semaphore_mem>>, %arg13: memref<!tpu.dma_semaphore, #tpu.memory_space<semaphore_mem>>, %arg14: memref<!tpu.dma_semaphore, #tpu.memory_space<semaphore_mem>>, %arg15: memref<!tpu.dma_semaphore, #tpu.memory_space<semaphore_mem>>, %arg16: memref<!tpu.dma_semaphore, #tpu.memory_space<semaphore_mem>>, %arg17: memref<10240x128xf32, #tpu.memory_space<vmem_shared>>) attributes {dimension_semantics = [#tpu.dimension_semantics<core_parallel>, #tpu.dimension_semantics<subcore_parallel>], iteration_bounds = array<i64: 2, 16>, scalar_prefetch = 0 : i64, scratch_operands = 13 : i64, tpu.core_type = #tpu.core_type<sc_vector_subcore>, window_params = [{transform_indices = #map}, {transform_indices = #map}, {transform_indices = #map}]} {
    %mul3A = arith.constant 160 : i32
    %mul3A_0 = arith.muli %arg1, %mul3A : i32
    %mul3A_1 = arith.constant 640 : i32
    %mul3A_2 = arith.muli %arg1, %mul3A_1 : i32
    %add3A = arith.constant 0 : i32
    %add3A_3 = arith.addi %mul3A_2, %add3A : i32
    "tpu.region"() ({
      %run_scoped3A = tpu.sem_alloc : memref<!tpu.dma_semaphore, #tpu.memory_space<semaphore_mem>>
      %dma_start3A_159 = arith.constant 0 : i32
      %dma_start3A_160 = tpu.memref_slice %arg3[%arg0, %add3A_3, %dma_start3A_159] : memref<2x10240x128xf32, #tpu.memory_space<hbm>> -> memref<1x128x128xf32, #tpu.memory_space<hbm>>
      %dma_start3A_161 = tpu.memref_squeeze %dma_start3A_160 : memref<1x128x128xf32, #tpu.memory_space<hbm>> -> memref<128x128xf32, #tpu.memory_space<hbm>>
      %dma_start3A_162 = arith.constant 0 : i32
      %dma_start3A_163 = tpu.memref_slice %arg3[%arg0, %add3A_3, %dma_start3A_162] : memref<2x10240x128xf32, #tpu.memory_space<hbm>> -> memref<1x128x128xf32, #tpu.memory_space<hbm>>
      %dma_start3A_164 = tpu.memref_squeeze %dma_start3A_163 : memref<1x128x128xf32, #tpu.memory_space<hbm>> -> memref<128x128xf32, #tpu.memory_space<hbm>>
      tpu.enqueue_dma source(%dma_start3A_164 : memref<128x128xf32, #tpu.memory_space<hbm>>) target(%arg9 : memref<128x128xf32, #tpu.memory_space<vmem>>) target_semaphore(%run_scoped3A : memref<!tpu.dma_semaphore, #tpu.memory_space<semaphore_mem>>)
      %dma_wait3A_165 = arith.constant 0 : i32
      %dma_wait3A_166 = tpu.memref_slice %arg3[%arg0, %add3A_3, %dma_wait3A_165] : memref<2x10240x128xf32, #tpu.memory_space<hbm>> -> memref<1x128x128xf32, #tpu.memory_space<hbm>>
      %dma_wait3A_167 = tpu.memref_squeeze %dma_wait3A_166 : memref<1x128x128xf32, #tpu.memory_space<hbm>> -> memref<128x128xf32, #tpu.memory_space<hbm>>
      %dma_wait3A_168 = arith.constant 0 : i32
      %dma_wait3A_169 = tpu.memref_slice %arg3[%arg0, %add3A_3, %dma_wait3A_168] : memref<2x10240x128xf32, #tpu.memory_space<hbm>> -> memref<1x128x128xf32, #tpu.memory_space<hbm>>
      %dma_wait3A_170 = tpu.memref_squeeze %dma_wait3A_169 : memref<1x128x128xf32, #tpu.memory_space<hbm>> -> memref<128x128xf32, #tpu.memory_space<hbm>>
      tpu.wait_dma2 semaphore(%run_scoped3A : memref<!tpu.dma_semaphore, #tpu.memory_space<semaphore_mem>>) src(%dma_wait3A_170 : memref<128x128xf32, #tpu.memory_space<hbm>>) dst(%arg9 : memref<128x128xf32, #tpu.memory_space<vmem>>)
      tpu.yield
    }) : () -> ()
    %add3A_4 = arith.constant 0 : i32
    %add3A_5 = arith.addi %mul3A_2, %add3A_4 : i32
    "tpu.region"() ({
      %run_scoped3A = tpu.sem_alloc : memref<!tpu.dma_semaphore, #tpu.memory_space<semaphore_mem>>
      %dma_start3A_159 = arith.constant 0 : i32
      %dma_start3A_160 = tpu.memref_slice %arg17[%add3A_5, %dma_start3A_159] : memref<10240x128xf32, #tpu.memory_space<vmem_shared>> -> memref<128x128xf32, #tpu.memory_space<vmem_shared>>
      %dma_start3A_161 = arith.constant 0 : i32
      %dma_start3A_162 = tpu.memref_slice %arg17[%add3A_5, %dma_start3A_161] : memref<10240x128xf32, #tpu.memory_space<vmem_shared>> -> memref<128x128xf32, #tpu.memory_space<vmem_shared>>
      tpu.enqueue_dma source(%arg9 : memref<128x128xf32, #tpu.memory_space<vmem>>) target(%dma_start3A_162 : memref<128x128xf32, #tpu.memory_space<vmem_shared>>) target_semaphore(%run_scoped3A : memref<!tpu.dma_semaphore, #tpu.memory_space<semaphore_mem>>)
      %dma_wait3A_163 = arith.constant 0 : i32
      %dma_wait3A_164 = tpu.memref_slice %arg17[%add3A_5, %dma_wait3A_163] : memref<10240x128xf32, #tpu.memory_space<vmem_shared>> -> memref<128x128xf32, #tpu.memory_space<vmem_shared>>
      %dma_wait3A_165 = arith.constant 0 : i32
      %dma_wait3A_166 = tpu.memref_slice %arg17[%add3A_5, %dma_wait3A_165] : memref<10240x128xf32, #tpu.memory_space<vmem_shared>> -> memref<128x128xf32, #tpu.memory_space<vmem_shared>>
      tpu.wait_dma2 semaphore(%run_scoped3A : memref<!tpu.dma_semaphore, #tpu.memory_space<semaphore_mem>>) src(%arg9 : memref<128x128xf32, #tpu.memory_space<vmem>>) dst(%dma_wait3A_166 : memref<128x128xf32, #tpu.memory_space<vmem_shared>>)
      tpu.yield
    }) : () -> ()
    %add3A_6 = arith.constant 128 : i32
    %add3A_7 = arith.addi %mul3A_2, %add3A_6 : i32
    "tpu.region"() ({
      %run_scoped3A = tpu.sem_alloc : memref<!tpu.dma_semaphore, #tpu.memory_space<semaphore_mem>>
      %dma_start3A_159 = arith.constant 0 : i32
      %dma_start3A_160 = tpu.memref_slice %arg3[%arg0, %add3A_7, %dma_start3A_159] : memref<2x10240x128xf32, #tpu.memory_space<hbm>> -> memref<1x128x128xf32, #tpu.memory_space<hbm>>
      %dma_start3A_161 = tpu.memref_squeeze %dma_start3A_160 : memref<1x128x128xf32, #tpu.memory_space<hbm>> -> memref<128x128xf32, #tpu.memory_space<hbm>>
      %dma_start3A_162 = arith.constant 0 : i32
      %dma_start3A_163 = tpu.memref_slice %arg3[%arg0, %add3A_7, %dma_start3A_162] : memref<2x10240x128xf32, #tpu.memory_space<hbm>> -> memref<1x128x128xf32, #tpu.memory_space<hbm>>
      %dma_start3A_164 = tpu.memref_squeeze %dma_start3A_163 : memref<1x128x128xf32, #tpu.memory_space<hbm>> -> memref<128x128xf32, #tpu.memory_space<hbm>>
      tpu.enqueue_dma source(%dma_start3A_164 : memref<128x128xf32, #tpu.memory_space<hbm>>) target(%arg9 : memref<128x128xf32, #tpu.memory_space<vmem>>) target_semaphore(%run_scoped3A : memref<!tpu.dma_semaphore, #tpu.memory_space<semaphore_mem>>)
      %dma_wait3A_165 = arith.constant 0 : i32
      %dma_wait3A_166 = tpu.memref_slice %arg3[%arg0, %add3A_7, %dma_wait3A_165] : memref<2x10240x128xf32, #tpu.memory_space<hbm>> -> memref<1x128x128xf32, #tpu.memory_space<hbm>>
      %dma_wait3A_167 = tpu.memref_squeeze %dma_wait3A_166 : memref<1x128x128xf32, #tpu.memory_space<hbm>> -> memref<128x128xf32, #tpu.memory_space<hbm>>
      %dma_wait3A_168 = arith.constant 0 : i32
      %dma_wait3A_169 = tpu.memref_slice %arg3[%arg0, %add3A_7, %dma_wait3A_168] : memref<2x10240x128xf32, #tpu.memory_space<hbm>> -> memref<1x128x128xf32, #tpu.memory_space<hbm>>
      %dma_wait3A_170 = tpu.memref_squeeze %dma_wait3A_169 : memref<1x128x128xf32, #tpu.memory_space<hbm>> -> memref<128x128xf32, #tpu.memory_space<hbm>>
      tpu.wait_dma2 semaphore(%run_scoped3A : memref<!tpu.dma_semaphore, #tpu.memory_space<semaphore_mem>>) src(%dma_wait3A_170 : memref<128x128xf32, #tpu.memory_space<hbm>>) dst(%arg9 : memref<128x128xf32, #tpu.memory_space<vmem>>)
      tpu.yield
    }) : () -> ()
    %add3A_8 = arith.constant 128 : i32
    %add3A_9 = arith.addi %mul3A_2, %add3A_8 : i32
    "tpu.region"() ({
      %run_scoped3A = tpu.sem_alloc : memref<!tpu.dma_semaphore, #tpu.memory_space<semaphore_mem>>
      %dma_start3A_159 = arith.constant 0 : i32
      %dma_start3A_160 = tpu.memref_slice %arg17[%add3A_9, %dma_start3A_159] : memref<10240x128xf32, #tpu.memory_space<vmem_shared>> -> memref<128x128xf32, #tpu.memory_space<vmem_shared>>
      %dma_start3A_161 = arith.constant 0 : i32
      %dma_start3A_162 = tpu.memref_slice %arg17[%add3A_9, %dma_start3A_161] : memref<10240x128xf32, #tpu.memory_space<vmem_shared>> -> memref<128x128xf32, #tpu.memory_space<vmem_shared>>
      tpu.enqueue_dma source(%arg9 : memref<128x128xf32, #tpu.memory_space<vmem>>) target(%dma_start3A_162 : memref<128x128xf32, #tpu.memory_space<vmem_shared>>) target_semaphore(%run_scoped3A : memref<!tpu.dma_semaphore, #tpu.memory_space<semaphore_mem>>)
      %dma_wait3A_163 = arith.constant 0 : i32
      %dma_wait3A_164 = tpu.memref_slice %arg17[%add3A_9, %dma_wait3A_163] : memref<10240x128xf32, #tpu.memory_space<vmem_shared>> -> memref<128x128xf32, #tpu.memory_space<vmem_shared>>
      %dma_wait3A_165 = arith.constant 0 : i32
      %dma_wait3A_166 = tpu.memref_slice %arg17[%add3A_9, %dma_wait3A_165] : memref<10240x128xf32, #tpu.memory_space<vmem_shared>> -> memref<128x128xf32, #tpu.memory_space<vmem_shared>>
      tpu.wait_dma2 semaphore(%run_scoped3A : memref<!tpu.dma_semaphore, #tpu.memory_space<semaphore_mem>>) src(%arg9 : memref<128x128xf32, #tpu.memory_space<vmem>>) dst(%dma_wait3A_166 : memref<128x128xf32, #tpu.memory_space<vmem_shared>>)
      tpu.yield
    }) : () -> ()
    %add3A_10 = arith.constant 256 : i32
    %add3A_11 = arith.addi %mul3A_2, %add3A_10 : i32
    "tpu.region"() ({
      %run_scoped3A = tpu.sem_alloc : memref<!tpu.dma_semaphore, #tpu.memory_space<semaphore_mem>>
      %dma_start3A_159 = arith.constant 0 : i32
      %dma_start3A_160 = tpu.memref_slice %arg3[%arg0, %add3A_11, %dma_start3A_159] : memref<2x10240x128xf32, #tpu.memory_space<hbm>> -> memref<1x128x128xf32, #tpu.memory_space<hbm>>
      %dma_start3A_161 = tpu.memref_squeeze %dma_start3A_160 : memref<1x128x128xf32, #tpu.memory_space<hbm>> -> memref<128x128xf32, #tpu.memory_space<hbm>>
      %dma_start3A_162 = arith.constant 0 : i32
      %dma_start3A_163 = tpu.memref_slice %arg3[%arg0, %add3A_11, %dma_start3A_162] : memref<2x10240x128xf32, #tpu.memory_space<hbm>> -> memref<1x128x128xf32, #tpu.memory_space<hbm>>
      %dma_start3A_164 = tpu.memref_squeeze %dma_start3A_163 : memref<1x128x128xf32, #tpu.memory_space<hbm>> -> memref<128x128xf32, #tpu.memory_space<hbm>>
      tpu.enqueue_dma source(%dma_start3A_164 : memref<128x128xf32, #tpu.memory_space<hbm>>) target(%arg9 : memref<128x128xf32, #tpu.memory_space<vmem>>) target_semaphore(%run_scoped3A : memref<!tpu.dma_semaphore, #tpu.memory_space<semaphore_mem>>)
      %dma_wait3A_165 = arith.constant 0 : i32
      %dma_wait3A_166 = tpu.memref_slice %arg3[%arg0, %add3A_11, %dma_wait3A_165] : memref<2x10240x128xf32, #tpu.memory_space<hbm>> -> memref<1x128x128xf32, #tpu.memory_space<hbm>>
      %dma_wait3A_167 = tpu.memref_squeeze %dma_wait3A_166 : memref<1x128x128xf32, #tpu.memory_space<hbm>> -> memref<128x128xf32, #tpu.memory_space<hbm>>
      %dma_wait3A_168 = arith.constant 0 : i32
      %dma_wait3A_169 = tpu.memref_slice %arg3[%arg0, %add3A_11, %dma_wait3A_168] : memref<2x10240x128xf32, #tpu.memory_space<hbm>> -> memref<1x128x128xf32, #tpu.memory_space<hbm>>
      %dma_wait3A_170 = tpu.memref_squeeze %dma_wait3A_169 : memref<1x128x128xf32, #tpu.memory_space<hbm>> -> memref<128x128xf32, #tpu.memory_space<hbm>>
      tpu.wait_dma2 semaphore(%run_scoped3A : memref<!tpu.dma_semaphore, #tpu.memory_space<semaphore_mem>>) src(%dma_wait3A_170 : memref<128x128xf32, #tpu.memory_space<hbm>>) dst(%arg9 : memref<128x128xf32, #tpu.memory_space<vmem>>)
      tpu.yield
    }) : () -> ()
    %add3A_12 = arith.constant 256 : i32
    %add3A_13 = arith.addi %mul3A_2, %add3A_12 : i32
    "tpu.region"() ({
      %run_scoped3A = tpu.sem_alloc : memref<!tpu.dma_semaphore, #tpu.memory_space<semaphore_mem>>
      %dma_start3A_159 = arith.constant 0 : i32
      %dma_start3A_160 = tpu.memref_slice %arg17[%add3A_13, %dma_start3A_159] : memref<10240x128xf32, #tpu.memory_space<vmem_shared>> -> memref<128x128xf32, #tpu.memory_space<vmem_shared>>
      %dma_start3A_161 = arith.constant 0 : i32
      %dma_start3A_162 = tpu.memref_slice %arg17[%add3A_13, %dma_start3A_161] : memref<10240x128xf32, #tpu.memory_space<vmem_shared>> -> memref<128x128xf32, #tpu.memory_space<vmem_shared>>
      tpu.enqueue_dma source(%arg9 : memref<128x128xf32, #tpu.memory_space<vmem>>) target(%dma_start3A_162 : memref<128x128xf32, #tpu.memory_space<vmem_shared>>) target_semaphore(%run_scoped3A : memref<!tpu.dma_semaphore, #tpu.memory_space<semaphore_mem>>)
      %dma_wait3A_163 = arith.constant 0 : i32
      %dma_wait3A_164 = tpu.memref_slice %arg17[%add3A_13, %dma_wait3A_163] : memref<10240x128xf32, #tpu.memory_space<vmem_shared>> -> memref<128x128xf32, #tpu.memory_space<vmem_shared>>
      %dma_wait3A_165 = arith.constant 0 : i32
      %dma_wait3A_166 = tpu.memref_slice %arg17[%add3A_13, %dma_wait3A_165] : memref<10240x128xf32, #tpu.memory_space<vmem_shared>> -> memref<128x128xf32, #tpu.memory_space<vmem_shared>>
      tpu.wait_dma2 semaphore(%run_scoped3A : memref<!tpu.dma_semaphore, #tpu.memory_space<semaphore_mem>>) src(%arg9 : memref<128x128xf32, #tpu.memory_space<vmem>>) dst(%dma_wait3A_166 : memref<128x128xf32, #tpu.memory_space<vmem_shared>>)
      tpu.yield
    }) : () -> ()
    %add3A_14 = arith.constant 384 : i32
    %add3A_15 = arith.addi %mul3A_2, %add3A_14 : i32
    "tpu.region"() ({
      %run_scoped3A = tpu.sem_alloc : memref<!tpu.dma_semaphore, #tpu.memory_space<semaphore_mem>>
      %dma_start3A_159 = arith.constant 0 : i32
      %dma_start3A_160 = tpu.memref_slice %arg3[%arg0, %add3A_15, %dma_start3A_159] : memref<2x10240x128xf32, #tpu.memory_space<hbm>> -> memref<1x128x128xf32, #tpu.memory_space<hbm>>
      %dma_start3A_161 = tpu.memref_squeeze %dma_start3A_160 : memref<1x128x128xf32, #tpu.memory_space<hbm>> -> memref<128x128xf32, #tpu.memory_space<hbm>>
      %dma_start3A_162 = arith.constant 0 : i32
      %dma_start3A_163 = tpu.memref_slice %arg3[%arg0, %add3A_15, %dma_start3A_162] : memref<2x10240x128xf32, #tpu.memory_space<hbm>> -> memref<1x128x128xf32, #tpu.memory_space<hbm>>
      %dma_start3A_164 = tpu.memref_squeeze %dma_start3A_163 : memref<1x128x128xf32, #tpu.memory_space<hbm>> -> memref<128x128xf32, #tpu.memory_space<hbm>>
      tpu.enqueue_dma source(%dma_start3A_164 : memref<128x128xf32, #tpu.memory_space<hbm>>) target(%arg9 : memref<128x128xf32, #tpu.memory_space<vmem>>) target_semaphore(%run_scoped3A : memref<!tpu.dma_semaphore, #tpu.memory_space<semaphore_mem>>)
      %dma_wait3A_165 = arith.constant 0 : i32
      %dma_wait3A_166 = tpu.memref_slice %arg3[%arg0, %add3A_15, %dma_wait3A_165] : memref<2x10240x128xf32, #tpu.memory_space<hbm>> -> memref<1x128x128xf32, #tpu.memory_space<hbm>>
      %dma_wait3A_167 = tpu.memref_squeeze %dma_wait3A_166 : memref<1x128x128xf32, #tpu.memory_space<hbm>> -> memref<128x128xf32, #tpu.memory_space<hbm>>
      %dma_wait3A_168 = arith.constant 0 : i32
      %dma_wait3A_169 = tpu.memref_slice %arg3[%arg0, %add3A_15, %dma_wait3A_168] : memref<2x10240x128xf32, #tpu.memory_space<hbm>> -> memref<1x128x128xf32, #tpu.memory_space<hbm>>
      %dma_wait3A_170 = tpu.memref_squeeze %dma_wait3A_169 : memref<1x128x128xf32, #tpu.memory_space<hbm>> -> memref<128x128xf32, #tpu.memory_space<hbm>>
      tpu.wait_dma2 semaphore(%run_scoped3A : memref<!tpu.dma_semaphore, #tpu.memory_space<semaphore_mem>>) src(%dma_wait3A_170 : memref<128x128xf32, #tpu.memory_space<hbm>>) dst(%arg9 : memref<128x128xf32, #tpu.memory_space<vmem>>)
      tpu.yield
    }) : () -> ()
    %add3A_16 = arith.constant 384 : i32
    %add3A_17 = arith.addi %mul3A_2, %add3A_16 : i32
    "tpu.region"() ({
      %run_scoped3A = tpu.sem_alloc : memref<!tpu.dma_semaphore, #tpu.memory_space<semaphore_mem>>
      %dma_start3A_159 = arith.constant 0 : i32
      %dma_start3A_160 = tpu.memref_slice %arg17[%add3A_17, %dma_start3A_159] : memref<10240x128xf32, #tpu.memory_space<vmem_shared>> -> memref<128x128xf32, #tpu.memory_space<vmem_shared>>
      %dma_start3A_161 = arith.constant 0 : i32
      %dma_start3A_162 = tpu.memref_slice %arg17[%add3A_17, %dma_start3A_161] : memref<10240x128xf32, #tpu.memory_space<vmem_shared>> -> memref<128x128xf32, #tpu.memory_space<vmem_shared>>
      tpu.enqueue_dma source(%arg9 : memref<128x128xf32, #tpu.memory_space<vmem>>) target(%dma_start3A_162 : memref<128x128xf32, #tpu.memory_space<vmem_shared>>) target_semaphore(%run_scoped3A : memref<!tpu.dma_semaphore, #tpu.memory_space<semaphore_mem>>)
      %dma_wait3A_163 = arith.constant 0 : i32
      %dma_wait3A_164 = tpu.memref_slice %arg17[%add3A_17, %dma_wait3A_163] : memref<10240x128xf32, #tpu.memory_space<vmem_shared>> -> memref<128x128xf32, #tpu.memory_space<vmem_shared>>
      %dma_wait3A_165 = arith.constant 0 : i32
      %dma_wait3A_166 = tpu.memref_slice %arg17[%add3A_17, %dma_wait3A_165] : memref<10240x128xf32, #tpu.memory_space<vmem_shared>> -> memref<128x128xf32, #tpu.memory_space<vmem_shared>>
      tpu.wait_dma2 semaphore(%run_scoped3A : memref<!tpu.dma_semaphore, #tpu.memory_space<semaphore_mem>>) src(%arg9 : memref<128x128xf32, #tpu.memory_space<vmem>>) dst(%dma_wait3A_166 : memref<128x128xf32, #tpu.memory_space<vmem_shared>>)
      tpu.yield
    }) : () -> ()
    %add3A_18 = arith.constant 512 : i32
    %add3A_19 = arith.addi %mul3A_2, %add3A_18 : i32
    "tpu.region"() ({
      %run_scoped3A = tpu.sem_alloc : memref<!tpu.dma_semaphore, #tpu.memory_space<semaphore_mem>>
      %dma_start3A_159 = arith.constant 0 : i32
      %dma_start3A_160 = tpu.memref_slice %arg3[%arg0, %add3A_19, %dma_start3A_159] : memref<2x10240x128xf32, #tpu.memory_space<hbm>> -> memref<1x128x128xf32, #tpu.memory_space<hbm>>
      %dma_start3A_161 = tpu.memref_squeeze %dma_start3A_160 : memref<1x128x128xf32, #tpu.memory_space<hbm>> -> memref<128x128xf32, #tpu.memory_space<hbm>>
      %dma_start3A_162 = arith.constant 0 : i32
      %dma_start3A_163 = tpu.memref_slice %arg3[%arg0, %add3A_19, %dma_start3A_162] : memref<2x10240x128xf32, #tpu.memory_space<hbm>> -> memref<1x128x128xf32, #tpu.memory_space<hbm>>
      %dma_start3A_164 = tpu.memref_squeeze %dma_start3A_163 : memref<1x128x128xf32, #tpu.memory_space<hbm>> -> memref<128x128xf32, #tpu.memory_space<hbm>>
      tpu.enqueue_dma source(%dma_start3A_164 : memref<128x128xf32, #tpu.memory_space<hbm>>) target(%arg9 : memref<128x128xf32, #tpu.memory_space<vmem>>) target_semaphore(%run_scoped3A : memref<!tpu.dma_semaphore, #tpu.memory_space<semaphore_mem>>)
      %dma_wait3A_165 = arith.constant 0 : i32
      %dma_wait3A_166 = tpu.memref_slice %arg3[%arg0, %add3A_19, %dma_wait3A_165] : memref<2x10240x128xf32, #tpu.memory_space<hbm>> -> memref<1x128x128xf32, #tpu.memory_space<hbm>>
      %dma_wait3A_167 = tpu.memref_squeeze %dma_wait3A_166 : memref<1x128x128xf32, #tpu.memory_space<hbm>> -> memref<128x128xf32, #tpu.memory_space<hbm>>
      %dma_wait3A_168 = arith.constant 0 : i32
      %dma_wait3A_169 = tpu.memref_slice %arg3[%arg0, %add3A_19, %dma_wait3A_168] : memref<2x10240x128xf32, #tpu.memory_space<hbm>> -> memref<1x128x128xf32, #tpu.memory_space<hbm>>
      %dma_wait3A_170 = tpu.memref_squeeze %dma_wait3A_169 : memref<1x128x128xf32, #tpu.memory_space<hbm>> -> memref<128x128xf32, #tpu.memory_space<hbm>>
      tpu.wait_dma2 semaphore(%run_scoped3A : memref<!tpu.dma_semaphore, #tpu.memory_space<semaphore_mem>>) src(%dma_wait3A_170 : memref<128x128xf32, #tpu.memory_space<hbm>>) dst(%arg9 : memref<128x128xf32, #tpu.memory_space<vmem>>)
      tpu.yield
    }) : () -> ()
    %add3A_20 = arith.constant 512 : i32
    %add3A_21 = arith.addi %mul3A_2, %add3A_20 : i32
    "tpu.region"() ({
      %run_scoped3A = tpu.sem_alloc : memref<!tpu.dma_semaphore, #tpu.memory_space<semaphore_mem>>
      %dma_start3A_159 = arith.constant 0 : i32
      %dma_start3A_160 = tpu.memref_slice %arg17[%add3A_21, %dma_start3A_159] : memref<10240x128xf32, #tpu.memory_space<vmem_shared>> -> memref<128x128xf32, #tpu.memory_space<vmem_shared>>
      %dma_start3A_161 = arith.constant 0 : i32
      %dma_start3A_162 = tpu.memref_slice %arg17[%add3A_21, %dma_start3A_161] : memref<10240x128xf32, #tpu.memory_space<vmem_shared>> -> memref<128x128xf32, #tpu.memory_space<vmem_shared>>
      tpu.enqueue_dma source(%arg9 : memref<128x128xf32, #tpu.memory_space<vmem>>) target(%dma_start3A_162 : memref<128x128xf32, #tpu.memory_space<vmem_shared>>) target_semaphore(%run_scoped3A : memref<!tpu.dma_semaphore, #tpu.memory_space<semaphore_mem>>)
      %dma_wait3A_163 = arith.constant 0 : i32
      %dma_wait3A_164 = tpu.memref_slice %arg17[%add3A_21, %dma_wait3A_163] : memref<10240x128xf32, #tpu.memory_space<vmem_shared>> -> memref<128x128xf32, #tpu.memory_space<vmem_shared>>
      %dma_wait3A_165 = arith.constant 0 : i32
      %dma_wait3A_166 = tpu.memref_slice %arg17[%add3A_21, %dma_wait3A_165] : memref<10240x128xf32, #tpu.memory_space<vmem_shared>> -> memref<128x128xf32, #tpu.memory_space<vmem_shared>>
      tpu.wait_dma2 semaphore(%run_scoped3A : memref<!tpu.dma_semaphore, #tpu.memory_space<semaphore_mem>>) src(%arg9 : memref<128x128xf32, #tpu.memory_space<vmem>>) dst(%dma_wait3A_166 : memref<128x128xf32, #tpu.memory_space<vmem_shared>>)
      tpu.yield
    }) : () -> ()
    %barrier3A = arith.constant 0 : index
    tpu.barrier barrier_id(%barrier3A)
    %add3A_22 = arith.constant 0 : i32
    %add3A_23 = arith.addi %mul3A_0, %add3A_22 : i32
    %dma_start3A = arith.constant 0 : i32
    %dma_start3A_24 = arith.constant 0 : i32
    %dma_start3A_25 = tpu.memref_slice %arg2[%add3A_23, %dma_start3A, %dma_start3A_24] : memref<2560x3x128xi32, #tpu.memory_space<hbm>> -> memref<1x3x128xi32, #tpu.memory_space<hbm>>
    %dma_start3A_26 = tpu.memref_squeeze %dma_start3A_25 : memref<1x3x128xi32, #tpu.memory_space<hbm>> -> memref<3x128xi32, #tpu.memory_space<hbm>>
    %dma_start3A_27 = arith.constant 0 : i32
    %dma_start3A_28 = arith.constant 0 : i32
    %dma_start3A_29 = tpu.memref_slice %arg2[%add3A_23, %dma_start3A_27, %dma_start3A_28] : memref<2560x3x128xi32, #tpu.memory_space<hbm>> -> memref<1x3x128xi32, #tpu.memory_space<hbm>>
    %dma_start3A_30 = tpu.memref_squeeze %dma_start3A_29 : memref<1x3x128xi32, #tpu.memory_space<hbm>> -> memref<3x128xi32, #tpu.memory_space<hbm>>
    tpu.enqueue_dma source(%dma_start3A_30 : memref<3x128xi32, #tpu.memory_space<hbm>>) target(%arg5 : memref<3x128xi32, #tpu.memory_space<vmem>>) target_semaphore(%arg11 : memref<!tpu.dma_semaphore, #tpu.memory_space<semaphore_mem>>)
    %add3A_31 = arith.constant 1 : i32
    %add3A_32 = arith.addi %mul3A_0, %add3A_31 : i32
    %dma_start3A_33 = arith.constant 0 : i32
    %dma_start3A_34 = arith.constant 0 : i32
    %dma_start3A_35 = tpu.memref_slice %arg2[%add3A_32, %dma_start3A_33, %dma_start3A_34] : memref<2560x3x128xi32, #tpu.memory_space<hbm>> -> memref<1x3x128xi32, #tpu.memory_space<hbm>>
    %dma_start3A_36 = tpu.memref_squeeze %dma_start3A_35 : memref<1x3x128xi32, #tpu.memory_space<hbm>> -> memref<3x128xi32, #tpu.memory_space<hbm>>
    %dma_start3A_37 = arith.constant 0 : i32
    %dma_start3A_38 = arith.constant 0 : i32
    %dma_start3A_39 = tpu.memref_slice %arg2[%add3A_32, %dma_start3A_37, %dma_start3A_38] : memref<2560x3x128xi32, #tpu.memory_space<hbm>> -> memref<1x3x128xi32, #tpu.memory_space<hbm>>
    %dma_start3A_40 = tpu.memref_squeeze %dma_start3A_39 : memref<1x3x128xi32, #tpu.memory_space<hbm>> -> memref<3x128xi32, #tpu.memory_space<hbm>>
    tpu.enqueue_dma source(%dma_start3A_40 : memref<3x128xi32, #tpu.memory_space<hbm>>) target(%arg6 : memref<3x128xi32, #tpu.memory_space<vmem>>) target_semaphore(%arg12 : memref<!tpu.dma_semaphore, #tpu.memory_space<semaphore_mem>>)
    %dma_wait3A = arith.constant 0 : i32
    %dma_wait3A_41 = arith.constant 0 : i32
    %dma_wait3A_42 = arith.constant 0 : i32
    %dma_wait3A_43 = tpu.memref_slice %arg2[%dma_wait3A, %dma_wait3A_41, %dma_wait3A_42] : memref<2560x3x128xi32, #tpu.memory_space<hbm>> -> memref<1x3x128xi32, #tpu.memory_space<hbm>>
    %dma_wait3A_44 = tpu.memref_squeeze %dma_wait3A_43 : memref<1x3x128xi32, #tpu.memory_space<hbm>> -> memref<3x128xi32, #tpu.memory_space<hbm>>
    %dma_wait3A_45 = arith.constant 0 : i32
    %dma_wait3A_46 = arith.constant 0 : i32
    %dma_wait3A_47 = tpu.memref_slice %arg2[%dma_wait3A, %dma_wait3A_45, %dma_wait3A_46] : memref<2560x3x128xi32, #tpu.memory_space<hbm>> -> memref<1x3x128xi32, #tpu.memory_space<hbm>>
    %dma_wait3A_48 = tpu.memref_squeeze %dma_wait3A_47 : memref<1x3x128xi32, #tpu.memory_space<hbm>> -> memref<3x128xi32, #tpu.memory_space<hbm>>
    tpu.wait_dma2 semaphore(%arg11 : memref<!tpu.dma_semaphore, #tpu.memory_space<semaphore_mem>>) src(%dma_wait3A_48 : memref<3x128xi32, #tpu.memory_space<hbm>>) dst(%arg5 : memref<3x128xi32, #tpu.memory_space<vmem>>)
    %dma_start3A_49 = arith.constant 1 : i32
    %dma_start3A_50 = arith.constant 0 : i32
    %dma_start3A_51 = tpu.memref_slice %arg5[%dma_start3A_49, %dma_start3A_50] : memref<3x128xi32, #tpu.memory_space<vmem>> -> memref<1x128xi32, #tpu.memory_space<vmem>>
    %dma_start3A_52 = tpu.memref_squeeze %dma_start3A_51 : memref<1x128xi32, #tpu.memory_space<vmem>> -> memref<128xi32, #tpu.memory_space<vmem>>
    %dma_start3A_53 = arith.constant 0 : i32
    %dma_start3A_54 = arith.constant 0 : i32
    %dma_start3A_55 = tpu.memref_slice %arg17[%dma_start3A_53, %dma_start3A_54] : memref<10240x128xf32, #tpu.memory_space<vmem_shared>> -> memref<10240x128xf32, #tpu.memory_space<vmem_shared>>
    tpu.enqueue_indirect_dma source(%dma_start3A_55 : memref<10240x128xf32, #tpu.memory_space<vmem_shared>>) target(%arg9 : memref<128x128xf32, #tpu.memory_space<vmem>>) offsets(%dma_start3A_52 : memref<128xi32, #tpu.memory_space<vmem>>) semaphore(%arg13 : memref<!tpu.dma_semaphore, #tpu.memory_space<semaphore_mem>>)
    %get3A = arith.constant 0 : i32
    %get3A_56 = arith.index_cast %get3A : i32 to index
    %get3A_57 = arith.constant 0 : index
    %get3A_58 = tpu.vector_load %arg5[%get3A_56, %get3A_57] {strides = array<i32>} : memref<3x128xi32, #tpu.memory_space<vmem>>, vector<1x16xi32>,
    %get3A_59 = vector.shape_cast %get3A_58 : vector<1x16xi32> to vector<16xi32>
    %swap3A = arith.constant 0 : index
    %swap3A_60 = tpu.vector_load %arg7[%swap3A] {strides = array<i32>} : memref<128xi32, #tpu.memory_space<vmem>>, vector<16xi32>,
    %swap3A_61 = vector.shape_cast %swap3A_60 : vector<16xi32> to vector<16xi32>
    %swap3A_62 = vector.shape_cast %get3A_59 : vector<16xi32> to vector<16xi32>
    tpu.vector_store %arg7[%swap3A], %swap3A_62 {strides = array<i32>} : memref<128xi32, #tpu.memory_space<vmem>>, vector<16xi32>,
    %get3A_63 = arith.constant 0 : i32
    %get3A_64 = arith.index_cast %get3A_63 : i32 to index
    %get3A_65 = arith.constant 16 : index
    %get3A_66 = tpu.vector_load %arg5[%get3A_64, %get3A_65] {strides = array<i32>} : memref<3x128xi32, #tpu.memory_space<vmem>>, vector<1x16xi32>,
    %get3A_67 = vector.shape_cast %get3A_66 : vector<1x16xi32> to vector<16xi32>
    %swap3A_68 = arith.constant 16 : index
    %swap3A_69 = tpu.vector_load %arg7[%swap3A_68] {strides = array<i32>} : memref<128xi32, #tpu.memory_space<vmem>>, vector<16xi32>,
    %swap3A_70 = vector.shape_cast %swap3A_69 : vector<16xi32> to vector<16xi32>
    %swap3A_71 = vector.shape_cast %get3A_67 : vector<16xi32> to vector<16xi32>
    tpu.vector_store %arg7[%swap3A_68], %swap3A_71 {strides = array<i32>} : memref<128xi32, #tpu.memory_space<vmem>>, vector<16xi32>,
    %get3A_72 = arith.constant 0 : i32
    %get3A_73 = arith.index_cast %get3A_72 : i32 to index
    %get3A_74 = arith.constant 32 : index
    %get3A_75 = tpu.vector_load %arg5[%get3A_73, %get3A_74] {strides = array<i32>} : memref<3x128xi32, #tpu.memory_space<vmem>>, vector<1x16xi32>,
    %get3A_76 = vector.shape_cast %get3A_75 : vector<1x16xi32> to vector<16xi32>
    %swap3A_77 = arith.constant 32 : index
    %swap3A_78 = tpu.vector_load %arg7[%swap3A_77] {strides = array<i32>} : memref<128xi32, #tpu.memory_space<vmem>>, vector<16xi32>,
    %swap3A_79 = vector.shape_cast %swap3A_78 : vector<16xi32> to vector<16xi32>
    %swap3A_80 = vector.shape_cast %get3A_76 : vector<16xi32> to vector<16xi32>
    tpu.vector_store %arg7[%swap3A_77], %swap3A_80 {strides = array<i32>} : memref<128xi32, #tpu.memory_space<vmem>>, vector<16xi32>,
    %get3A_81 = arith.constant 0 : i32
    %get3A_82 = arith.index_cast %get3A_81 : i32 to index
    %get3A_83 = arith.constant 48 : index
    %get3A_84 = tpu.vector_load %arg5[%get3A_82, %get3A_83] {strides = array<i32>} : memref<3x128xi32, #tpu.memory_space<vmem>>, vector<1x16xi32>,
    %get3A_85 = vector.shape_cast %get3A_84 : vector<1x16xi32> to vector<16xi32>
    %swap3A_86 = arith.constant 48 : index
    %swap3A_87 = tpu.vector_load %arg7[%swap3A_86] {strides = array<i32>} : memref<128xi32, #tpu.memory_space<vmem>>, vector<16xi32>,
    %swap3A_88 = vector.shape_cast %swap3A_87 : vector<16xi32> to vector<16xi32>
    %swap3A_89 = vector.shape_cast %get3A_85 : vector<16xi32> to vector<16xi32>
    tpu.vector_store %arg7[%swap3A_86], %swap3A_89 {strides = array<i32>} : memref<128xi32, #tpu.memory_space<vmem>>, vector<16xi32>,
    %get3A_90 = arith.constant 0 : i32
    %get3A_91 = arith.index_cast %get3A_90 : i32 to index
    %get3A_92 = arith.constant 64 : index
    %get3A_93 = tpu.vector_load %arg5[%get3A_91, %get3A_92] {strides = array<i32>} : memref<3x128xi32, #tpu.memory_space<vmem>>, vector<1x16xi32>,
    %get3A_94 = vector.shape_cast %get3A_93 : vector<1x16xi32> to vector<16xi32>
    %swap3A_95 = arith.constant 64 : index
    %swap3A_96 = tpu.vector_load %arg7[%swap3A_95] {strides = array<i32>} : memref<128xi32, #tpu.memory_space<vmem>>, vector<16xi32>,
    %swap3A_97 = vector.shape_cast %swap3A_96 : vector<16xi32> to vector<16xi32>
    %swap3A_98 = vector.shape_cast %get3A_94 : vector<16xi32> to vector<16xi32>
    tpu.vector_store %arg7[%swap3A_95], %swap3A_98 {strides = array<i32>} : memref<128xi32, #tpu.memory_space<vmem>>, vector<16xi32>,
    %get3A_99 = arith.constant 0 : i32
    %get3A_100 = arith.index_cast %get3A_99 : i32 to index
    %get3A_101 = arith.constant 80 : index
    %get3A_102 = tpu.vector_load %arg5[%get3A_100, %get3A_101] {strides = array<i32>} : memref<3x128xi32, #tpu.memory_space<vmem>>, vector<1x16xi32>,
    %get3A_103 = vector.shape_cast %get3A_102 : vector<1x16xi32> to vector<16xi32>
    %swap3A_104 = arith.constant 80 : index
    %swap3A_105 = tpu.vector_load %arg7[%swap3A_104] {strides = array<i32>} : memref<128xi32, #tpu.memory_space<vmem>>, vector<16xi32>,
    %swap3A_106 = vector.shape_cast %swap3A_105 : vector<16xi32> to vector<16xi32>
    %swap3A_107 = vector.shape_cast %get3A_103 : vector<16xi32> to vector<16xi32>
    tpu.vector_store %arg7[%swap3A_104], %swap3A_107 {strides = array<i32>} : memref<128xi32, #tpu.memory_space<vmem>>, vector<16xi32>,
    %get3A_108 = arith.constant 0 : i32
    %get3A_109 = arith.index_cast %get3A_108 : i32 to index
    %get3A_110 = arith.constant 96 : index
    %get3A_111 = tpu.vector_load %arg5[%get3A_109, %get3A_110] {strides = array<i32>} : memref<3x128xi32, #tpu.memory_space<vmem>>, vector<1x16xi32>,
    %get3A_112 = vector.shape_cast %get3A_111 : vector<1x16xi32> to vector<16xi32>
    %swap3A_113 = arith.constant 96 : index
    %swap3A_114 = tpu.vector_load %arg7[%swap3A_113] {strides = array<i32>} : memref<128xi32, #tpu.memory_space<vmem>>, vector<16xi32>,
    %swap3A_115 = vector.shape_cast %swap3A_114 : vector<16xi32> to vector<16xi32>
    %swap3A_116 = vector.shape_cast %get3A_112 : vector<16xi32> to vector<16xi32>
    tpu.vector_store %arg7[%swap3A_113], %swap3A_116 {strides = array<i32>} : memref<128xi32, #tpu.memory_space<vmem>>, vector<16xi32>,
    %get3A_117 = arith.constant 0 : i32
    %get3A_118 = arith.index_cast %get3A_117 : i32 to index
    %get3A_119 = arith.constant 112 : index
    %get3A_120 = tpu.vector_load %arg5[%get3A_118, %get3A_119] {strides = array<i32>} : memref<3x128xi32, #tpu.memory_space<vmem>>, vector<1x16xi32>,
    %get3A_121 = vector.shape_cast %get3A_120 : vector<1x16xi32> to vector<16xi32>
    %swap3A_122 = arith.constant 112 : index
    %swap3A_123 = tpu.vector_load %arg7[%swap3A_122] {strides = array<i32>} : memref<128xi32, #tpu.memory_space<vmem>>, vector<16xi32>,
    %swap3A_124 = vector.shape_cast %swap3A_123 : vector<16xi32> to vector<16xi32>
    %swap3A_125 = vector.shape_cast %get3A_121 : vector<16xi32> to vector<16xi32>
    tpu.vector_store %arg7[%swap3A_122], %swap3A_125 {strides = array<i32>} : memref<128xi32, #tpu.memory_space<vmem>>, vector<16xi32>,
    %scan3A = arith.constant 0 : i32
    %scan3A_126 = arith.constant 0 : i32
    %scan3A_127 = arith.constant 80 : i32
    %scan3A_128 = arith.addi %scan3A_126, %scan3A_127 : i32
    %scan3A_129 = arith.constant 1 : i32
    %scan3A_130 = scf.for %scan3A_159 = %scan3A_126 to %scan3A_128 step %scan3A_129 iter_args(%scan3A_160 = %scan3A) -> (i32)  : i32 {
      %mul3A_161 = arith.constant 2 : i32
      %mul3A_162 = arith.muli %scan3A_159, %mul3A_161 : i32
      %add3A_163 = arith.constant 0 : i32
      %add3A_164 = arith.addi %mul3A_162, %add3A_163 : i32
      %add3A_165 = arith.constant 1 : i32
      %add3A_166 = arith.addi %add3A_164, %add3A_165 : i32
      %lt3A = arith.constant 160 : i32
      %lt3A_167 = arith.cmpi slt, %add3A_166, %lt3A : i32
      %convert_element_type3A = arith.extui %lt3A_167 : i1 to i32
      %cond3A = arith.constant 0 : i32
      %cond3A_168 = arith.cmpi ne, %convert_element_type3A, %cond3A : i32
      scf.if %cond3A_168 {
        %dma_wait3A_230 = arith.constant 0 : i32
        %dma_wait3A_231 = arith.constant 0 : i32
        %dma_wait3A_232 = arith.constant 0 : i32
        %dma_wait3A_233 = tpu.memref_slice %arg2[%dma_wait3A_230, %dma_wait3A_231, %dma_wait3A_232] : memref<2560x3x128xi32, #tpu.memory_space<hbm>> -> memref<1x3x128xi32, #tpu.memory_space<hbm>>
        %dma_wait3A_234 = tpu.memref_squeeze %dma_wait3A_233 : memref<1x3x128xi32, #tpu.memory_space<hbm>> -> memref<3x128xi32, #tpu.memory_space<hbm>>
        %dma_wait3A_235 = arith.constant 0 : i32
        %dma_wait3A_236 = arith.constant 0 : i32
        %dma_wait3A_237 = tpu.memref_slice %arg2[%dma_wait3A_230, %dma_wait3A_235, %dma_wait3A_236] : memref<2560x3x128xi32, #tpu.memory_space<hbm>> -> memref<1x3x128xi32, #tpu.memory_space<hbm>>
        %dma_wait3A_238 = tpu.memref_squeeze %dma_wait3A_237 : memref<1x3x128xi32, #tpu.memory_space<hbm>> -> memref<3x128xi32, #tpu.memory_space<hbm>>
        tpu.wait_dma2 semaphore(%arg12 : memref<!tpu.dma_semaphore, #tpu.memory_space<semaphore_mem>>) src(%dma_wait3A_238 : memref<3x128xi32, #tpu.memory_space<hbm>>) dst(%arg6 : memref<3x128xi32, #tpu.memory_space<vmem>>)
        %ge3A = arith.constant 2 : i32
        %ge3A_239 = arith.cmpi sge, %add3A_166, %ge3A : i32
        %convert_element_type3A_240 = arith.extui %ge3A_239 : i1 to i32
        %cond3A_241 = arith.constant 0 : i32
        %cond3A_242 = arith.cmpi ne, %convert_element_type3A_240, %cond3A_241 : i32
        scf.if %cond3A_242 {
          %dma_wait3A_322 = arith.constant 0 : i32
          %dma_wait3A_323 = arith.constant 0 : i32
          %dma_wait3A_324 = tpu.memref_slice %arg17[%dma_wait3A_322, %dma_wait3A_323] : memref<10240x128xf32, #tpu.memory_space<vmem_shared>> -> memref<10240x128xf32, #tpu.memory_space<vmem_shared>>
          tpu.wait_indirect_dma semaphore(%arg16 : memref<!tpu.dma_semaphore, #tpu.memory_space<semaphore_mem>>) src(%arg10 : memref<128x128xf32, #tpu.memory_space<vmem>>) dst(%dma_wait3A_324 : memref<10240x128xf32, #tpu.memory_space<vmem_shared>>)
        } else {
        }
        %dma_start3A_243 = arith.constant 1 : i32
        %dma_start3A_244 = arith.constant 0 : i32
        %dma_start3A_245 = tpu.memref_slice %arg6[%dma_start3A_243, %dma_start3A_244] : memref<3x128xi32, #tpu.memory_space<vmem>> -> memref<1x128xi32, #tpu.memory_space<vmem>>
        %dma_start3A_246 = tpu.memref_squeeze %dma_start3A_245 : memref<1x128xi32, #tpu.memory_space<vmem>> -> memref<128xi32, #tpu.memory_space<vmem>>
        %dma_start3A_247 = arith.constant 0 : i32
        %dma_start3A_248 = arith.constant 0 : i32
        %dma_start3A_249 = tpu.memref_slice %arg17[%dma_start3A_247, %dma_start3A_248] : memref<10240x128xf32, #tpu.memory_space<vmem_shared>> -> memref<10240x128xf32, #tpu.memory_space<vmem_shared>>
        tpu.enqueue_indirect_dma source(%dma_start3A_249 : memref<10240x128xf32, #tpu.memory_space<vmem_shared>>) target(%arg10 : memref<128x128xf32, #tpu.memory_space<vmem>>) offsets(%dma_start3A_246 : memref<128xi32, #tpu.memory_space<vmem>>) semaphore(%arg14 : memref<!tpu.dma_semaphore, #tpu.memory_space<semaphore_mem>>)
        %get3A_250 = arith.constant 0 : i32
        %get3A_251 = arith.index_cast %get3A_250 : i32 to index
        %get3A_252 = arith.constant 0 : index
        %get3A_253 = tpu.vector_load %arg6[%get3A_251, %get3A_252] {strides = array<i32>} : memref<3x128xi32, #tpu.memory_space<vmem>>, vector<1x16xi32>,
        %get3A_254 = vector.shape_cast %get3A_253 : vector<1x16xi32> to vector<16xi32>
        %swap3A_255 = arith.constant 0 : index
        %swap3A_256 = tpu.vector_load %arg8[%swap3A_255] {strides = array<i32>} : memref<128xi32, #tpu.memory_space<vmem>>, vector<16xi32>,
        %swap3A_257 = vector.shape_cast %swap3A_256 : vector<16xi32> to vector<16xi32>
        %swap3A_258 = vector.shape_cast %get3A_254 : vector<16xi32> to vector<16xi32>
        tpu.vector_store %arg8[%swap3A_255], %swap3A_258 {strides = array<i32>} : memref<128xi32, #tpu.memory_space<vmem>>, vector<16xi32>,
        %get3A_259 = arith.constant 0 : i32
        %get3A_260 = arith.index_cast %get3A_259 : i32 to index
        %get3A_261 = arith.constant 16 : index
        %get3A_262 = tpu.vector_load %arg6[%get3A_260, %get3A_261] {strides = array<i32>} : memref<3x128xi32, #tpu.memory_space<vmem>>, vector<1x16xi32>,
        %get3A_263 = vector.shape_cast %get3A_262 : vector<1x16xi32> to vector<16xi32>
        %swap3A_264 = arith.constant 16 : index
        %swap3A_265 = tpu.vector_load %arg8[%swap3A_264] {strides = array<i32>} : memref<128xi32, #tpu.memory_space<vmem>>, vector<16xi32>,
        %swap3A_266 = vector.shape_cast %swap3A_265 : vector<16xi32> to vector<16xi32>
        %swap3A_267 = vector.shape_cast %get3A_263 : vector<16xi32> to vector<16xi32>
        tpu.vector_store %arg8[%swap3A_264], %swap3A_267 {strides = array<i32>} : memref<128xi32, #tpu.memory_space<vmem>>, vector<16xi32>,
        %get3A_268 = arith.constant 0 : i32
        %get3A_269 = arith.index_cast %get3A_268 : i32 to index
        %get3A_270 = arith.constant 32 : index
        %get3A_271 = tpu.vector_load %arg6[%get3A_269, %get3A_270] {strides = array<i32>} : memref<3x128xi32, #tpu.memory_space<vmem>>, vector<1x16xi32>,
        %get3A_272 = vector.shape_cast %get3A_271 : vector<1x16xi32> to vector<16xi32>
        %swap3A_273 = arith.constant 32 : index
        %swap3A_274 = tpu.vector_load %arg8[%swap3A_273] {strides = array<i32>} : memref<128xi32, #tpu.memory_space<vmem>>, vector<16xi32>,
        %swap3A_275 = vector.shape_cast %swap3A_274 : vector<16xi32> to vector<16xi32>
        %swap3A_276 = vector.shape_cast %get3A_272 : vector<16xi32> to vector<16xi32>
        tpu.vector_store %arg8[%swap3A_273], %swap3A_276 {strides = array<i32>} : memref<128xi32, #tpu.memory_space<vmem>>, vector<16xi32>,
        %get3A_277 = arith.constant 0 : i32
        %get3A_278 = arith.index_cast %get3A_277 : i32 to index
        %get3A_279 = arith.constant 48 : index
        %get3A_280 = tpu.vector_load %arg6[%get3A_278, %get3A_279] {strides = array<i32>} : memref<3x128xi32, #tpu.memory_space<vmem>>, vector<1x16xi32>,
        %get3A_281 = vector.shape_cast %get3A_280 : vector<1x16xi32> to vector<16xi32>
        %swap3A_282 = arith.constant 48 : index
        %swap3A_283 = tpu.vector_load %arg8[%swap3A_282] {strides = array<i32>} : memref<128xi32, #tpu.memory_space<vmem>>, vector<16xi32>,
        %swap3A_284 = vector.shape_cast %swap3A_283 : vector<16xi32> to vector<16xi32>
        %swap3A_285 = vector.shape_cast %get3A_281 : vector<16xi32> to vector<16xi32>
        tpu.vector_store %arg8[%swap3A_282], %swap3A_285 {strides = array<i32>} : memref<128xi32, #tpu.memory_space<vmem>>, vector<16xi32>,
        %get3A_286 = arith.constant 0 : i32
        %get3A_287 = arith.index_cast %get3A_286 : i32 to index
        %get3A_288 = arith.constant 64 : index
        %get3A_289 = tpu.vector_load %arg6[%get3A_287, %get3A_288] {strides = array<i32>} : memref<3x128xi32, #tpu.memory_space<vmem>>, vector<1x16xi32>,
        %get3A_290 = vector.shape_cast %get3A_289 : vector<1x16xi32> to vector<16xi32>
        %swap3A_291 = arith.constant 64 : index
        %swap3A_292 = tpu.vector_load %arg8[%swap3A_291] {strides = array<i32>} : memref<128xi32, #tpu.memory_space<vmem>>, vector<16xi32>,
        %swap3A_293 = vector.shape_cast %swap3A_292 : vector<16xi32> to vector<16xi32>
        %swap3A_294 = vector.shape_cast %get3A_290 : vector<16xi32> to vector<16xi32>
        tpu.vector_store %arg8[%swap3A_291], %swap3A_294 {strides = array<i32>} : memref<128xi32, #tpu.memory_space<vmem>>, vector<16xi32>,
        %get3A_295 = arith.constant 0 : i32
        %get3A_296 = arith.index_cast %get3A_295 : i32 to index
        %get3A_297 = arith.constant 80 : index
        %get3A_298 = tpu.vector_load %arg6[%get3A_296, %get3A_297] {strides = array<i32>} : memref<3x128xi32, #tpu.memory_space<vmem>>, vector<1x16xi32>,
        %get3A_299 = vector.shape_cast %get3A_298 : vector<1x16xi32> to vector<16xi32>
        %swap3A_300 = arith.constant 80 : index
        %swap3A_301 = tpu.vector_load %arg8[%swap3A_300] {strides = array<i32>} : memref<128xi32, #tpu.memory_space<vmem>>, vector<16xi32>,
        %swap3A_302 = vector.shape_cast %swap3A_301 : vector<16xi32> to vector<16xi32>
        %swap3A_303 = vector.shape_cast %get3A_299 : vector<16xi32> to vector<16xi32>
        tpu.vector_store %arg8[%swap3A_300], %swap3A_303 {strides = array<i32>} : memref<128xi32, #tpu.memory_space<vmem>>, vector<16xi32>,
        %get3A_304 = arith.constant 0 : i32
        %get3A_305 = arith.index_cast %get3A_304 : i32 to index
        %get3A_306 = arith.constant 96 : index
        %get3A_307 = tpu.vector_load %arg6[%get3A_305, %get3A_306] {strides = array<i32>} : memref<3x128xi32, #tpu.memory_space<vmem>>, vector<1x16xi32>,
        %get3A_308 = vector.shape_cast %get3A_307 : vector<1x16xi32> to vector<16xi32>
        %swap3A_309 = arith.constant 96 : index
        %swap3A_310 = tpu.vector_load %arg8[%swap3A_309] {strides = array<i32>} : memref<128xi32, #tpu.memory_space<vmem>>, vector<16xi32>,
        %swap3A_311 = vector.shape_cast %swap3A_310 : vector<16xi32> to vector<16xi32>
        %swap3A_312 = vector.shape_cast %get3A_308 : vector<16xi32> to vector<16xi32>
        tpu.vector_store %arg8[%swap3A_309], %swap3A_312 {strides = array<i32>} : memref<128xi32, #tpu.memory_space<vmem>>, vector<16xi32>,
        %get3A_313 = arith.constant 0 : i32
        %get3A_314 = arith.index_cast %get3A_313 : i32 to index
        %get3A_315 = arith.constant 112 : index
        %get3A_316 = tpu.vector_load %arg6[%get3A_314, %get3A_315] {strides = array<i32>} : memref<3x128xi32, #tpu.memory_space<vmem>>, vector<1x16xi32>,
        %get3A_317 = vector.shape_cast %get3A_316 : vector<1x16xi32> to vector<16xi32>
        %swap3A_318 = arith.constant 112 : index
        %swap3A_319 = tpu.vector_load %arg8[%swap3A_318] {strides = array<i32>} : memref<128xi32, #tpu.memory_space<vmem>>, vector<16xi32>,
        %swap3A_320 = vector.shape_cast %swap3A_319 : vector<16xi32> to vector<16xi32>
        %swap3A_321 = vector.shape_cast %get3A_317 : vector<16xi32> to vector<16xi32>
        tpu.vector_store %arg8[%swap3A_318], %swap3A_321 {strides = array<i32>} : memref<128xi32, #tpu.memory_space<vmem>>, vector<16xi32>,
      } else {
      }
      %dma_wait3A_169 = arith.constant 1 : i32
      %dma_wait3A_170 = arith.constant 0 : i32
      %dma_wait3A_171 = tpu.memref_slice %arg5[%dma_wait3A_169, %dma_wait3A_170] : memref<3x128xi32, #tpu.memory_space<vmem>> -> memref<1x128xi32, #tpu.memory_space<vmem>>
      %dma_wait3A_172 = tpu.memref_squeeze %dma_wait3A_171 : memref<1x128xi32, #tpu.memory_space<vmem>> -> memref<128xi32, #tpu.memory_space<vmem>>
      %dma_wait3A_173 = arith.constant 0 : i32
      %dma_wait3A_174 = arith.constant 0 : i32
      %dma_wait3A_175 = tpu.memref_slice %arg17[%dma_wait3A_173, %dma_wait3A_174] : memref<10240x128xf32, #tpu.memory_space<vmem_shared>> -> memref<10240x128xf32, #tpu.memory_space<vmem_shared>>
      tpu.wait_indirect_dma semaphore(%arg13 : memref<!tpu.dma_semaphore, #tpu.memory_space<semaphore_mem>>) src(%dma_wait3A_175 : memref<10240x128xf32, #tpu.memory_space<vmem_shared>>) dst(%arg9 : memref<128x128xf32, #tpu.memory_space<vmem>>)
      %broadcast_in_dim3A = arith.constant 0.000000e+00 : f32
      %broadcast_in_dim3A_176 = vector.broadcast %broadcast_in_dim3A : f32 to vector<16xf32>
      %scan3A_177 = arith.constant 0 : i32
      %scan3A_178 = arith.constant 0 : i32
      %scan3A_179 = arith.constant 8 : i32
      %scan3A_180 = arith.addi %scan3A_178, %scan3A_179 : i32
      %scan3A_181 = arith.constant 1 : i32
      %scan3A_182 = scf.for %scan3A_230 = %scan3A_178 to %scan3A_180 step %scan3A_181 iter_args(%scan3A_231 = %scan3A_177) -> (i32)  : i32 {
        %mul3A_232 = arith.constant 16 : i32
        %mul3A_233 = arith.muli %scan3A_230, %mul3A_232 : i32
        %get3A_234 = arith.constant 2 : i32
        %get3A_235 = arith.index_cast %get3A_234 : i32 to index
        %get3A_236 = arith.index_cast %mul3A_233 : i32 to index
        %get3A_237 = tpu.vector_load %arg5[%get3A_235, %get3A_236] {strides = array<i32>} : memref<3x128xi32, #tpu.memory_space<vmem>>, vector<1x16xi32>,
        %get3A_238 = vector.shape_cast %get3A_237 : vector<1x16xi32> to vector<16xi32>
        %bitcast_convert_type3A = tpu.bitcast %get3A_238 : vector<16xi32> -> vector<16xf32>
        %mul3A_239 = arith.constant 16 : i32
        %mul3A_240 = arith.muli %scan3A_230, %mul3A_239 : i32
        %add3A_241 = arith.constant 0 : i32
        %add3A_242 = arith.addi %mul3A_240, %add3A_241 : i32
        %slice3A = vector.extract_strided_slice %bitcast_convert_type3A {offsets = [0], sizes = [1], strides = [1]} : vector<16xf32> to vector<1xf32>
        %squeeze3A = vector.extract %slice3A[0] : f32 from vector<1xf32>
        %broadcast_in_dim3A_243 = vector.broadcast %squeeze3A : f32 to vector<16xf32>
        %get3A_244 = arith.index_cast %add3A_242 : i32 to index
        %get3A_245 = arith.constant 0 : index
        %get3A_246 = tpu.vector_load %arg9[%get3A_244, %get3A_245] {strides = array<i32>} : memref<128x128xf32, #tpu.memory_space<vmem>>, vector<1x16xf32>,
        %get3A_247 = vector.shape_cast %get3A_246 : vector<1x16xf32> to vector<16xf32>
        %mul3A_248 = arith.mulf %get3A_247, %broadcast_in_dim3A_243 : vector<16xf32>
        %swap3A_249 = arith.index_cast %add3A_242 : i32 to index
        %swap3A_250 = arith.constant 64 : index
        %swap3A_251 = tpu.vector_load %arg9[%swap3A_249, %swap3A_250] {strides = array<i32>} : memref<128x128xf32, #tpu.memory_space<vmem>>, vector<1x16xf32>,
        %swap3A_252 = vector.shape_cast %swap3A_251 : vector<1x16xf32> to vector<16xf32>
        %swap3A_253 = vector.shape_cast %mul3A_248 : vector<16xf32> to vector<1x16xf32>
        tpu.vector_store %arg9[%swap3A_249, %swap3A_250], %swap3A_253 {strides = array<i32>} : memref<128x128xf32, #tpu.memory_space<vmem>>, vector<1x16xf32>,
        %swap3A_254 = arith.index_cast %add3A_242 : i32 to index
        %swap3A_255 = arith.constant 0 : index
        %swap3A_256 = tpu.vector_load %arg9[%swap3A_254, %swap3A_255] {strides = array<i32>} : memref<128x128xf32, #tpu.memory_space<vmem>>, vector<1x16xf32>,
        %swap3A_257 = vector.shape_cast %swap3A_256 : vector<1x16xf32> to vector<16xf32>
        %swap3A_258 = vector.shape_cast %broadcast_in_dim3A_176 : vector<16xf32> to vector<1x16xf32>
        tpu.vector_store %arg9[%swap3A_254, %swap3A_255], %swap3A_258 {strides = array<i32>} : memref<128x128xf32, #tpu.memory_space<vmem>>, vector<1x16xf32>,
        %get3A_259 = arith.index_cast %add3A_242 : i32 to index
        %get3A_260 = arith.constant 16 : index
        %get3A_261 = tpu.vector_load %arg9[%get3A_259, %get3A_260] {strides = array<i32>} : memref<128x128xf32, #tpu.memory_space<vmem>>, vector<1x16xf32>,
        %get3A_262 = vector.shape_cast %get3A_261 : vector<1x16xf32> to vector<16xf32>
        %mul3A_263 = arith.mulf %get3A_262, %broadcast_in_dim3A_243 : vector<16xf32>
        %swap3A_264 = arith.index_cast %add3A_242 : i32 to index
        %swap3A_265 = arith.constant 80 : index
        %swap3A_266 = tpu.vector_load %arg9[%swap3A_264, %swap3A_265] {strides = array<i32>} : memref<128x128xf32, #tpu.memory_space<vmem>>, vector<1x16xf32>,
        %swap3A_267 = vector.shape_cast %swap3A_266 : vector<1x16xf32> to vector<16xf32>
        %swap3A_268 = vector.shape_cast %mul3A_263 : vector<16xf32> to vector<1x16xf32>
        tpu.vector_store %arg9[%swap3A_264, %swap3A_265], %swap3A_268 {strides = array<i32>} : memref<128x128xf32, #tpu.memory_space<vmem>>, vector<1x16xf32>,
        %swap3A_269 = arith.index_cast %add3A_242 : i32 to index
        %swap3A_270 = arith.constant 16 : index
        %swap3A_271 = tpu.vector_load %arg9[%swap3A_269, %swap3A_270] {strides = array<i32>} : memref<128x128xf32, #tpu.memory_space<vmem>>, vector<1x16xf32>,
        %swap3A_272 = vector.shape_cast %swap3A_271 : vector<1x16xf32> to vector<16xf32>
        %swap3A_273 = vector.shape_cast %broadcast_in_dim3A_176 : vector<16xf32> to vector<1x16xf32>
        tpu.vector_store %arg9[%swap3A_269, %swap3A_270], %swap3A_273 {strides = array<i32>} : memref<128x128xf32, #tpu.memory_space<vmem>>, vector<1x16xf32>,
        %get3A_274 = arith.index_cast %add3A_242 : i32 to index
        %get3A_275 = arith.constant 32 : index
        %get3A_276 = tpu.vector_load %arg9[%get3A_274, %get3A_275] {strides = array<i32>} : memref<128x128xf32, #tpu.memory_space<vmem>>, vector<1x16xf32>,
        %get3A_277 = vector.shape_cast %get3A_276 : vector<1x16xf32> to vector<16xf32>
        %mul3A_278 = arith.mulf %get3A_277, %broadcast_in_dim3A_243 : vector<16xf32>
        %swap3A_279 = arith.index_cast %add3A_242 : i32 to index
        %swap3A_280 = arith.constant 96 : index
        %swap3A_281 = tpu.vector_load %arg9[%swap3A_279, %swap3A_280] {strides = array<i32>} : memref<128x128xf32, #tpu.memory_space<vmem>>, vector<1x16xf32>,
        %swap3A_282 = vector.shape_cast %swap3A_281 : vector<1x16xf32> to vector<16xf32>
        %swap3A_283 = vector.shape_cast %mul3A_278 : vector<16xf32> to vector<1x16xf32>
        tpu.vector_store %arg9[%swap3A_279, %swap3A_280], %swap3A_283 {strides = array<i32>} : memref<128x128xf32, #tpu.memory_space<vmem>>, vector<1x16xf32>,
        %swap3A_284 = arith.index_cast %add3A_242 : i32 to index
        %swap3A_285 = arith.constant 32 : index
        %swap3A_286 = tpu.vector_load %arg9[%swap3A_284, %swap3A_285] {strides = array<i32>} : memref<128x128xf32, #tpu.memory_space<vmem>>, vector<1x16xf32>,
        %swap3A_287 = vector.shape_cast %swap3A_286 : vector<1x16xf32> to vector<16xf32>
        %swap3A_288 = vector.shape_cast %broadcast_in_dim3A_176 : vector<16xf32> to vector<1x16xf32>
        tpu.vector_store %arg9[%swap3A_284, %swap3A_285], %swap3A_288 {strides = array<i32>} : memref<128x128xf32, #tpu.memory_space<vmem>>, vector<1x16xf32>,
        %get3A_289 = arith.index_cast %add3A_242 : i32 to index
        %get3A_290 = arith.constant 48 : index
        %get3A_291 = tpu.vector_load %arg9[%get3A_289, %get3A_290] {strides = array<i32>} : memref<128x128xf32, #tpu.memory_space<vmem>>, vector<1x16xf32>,
        %get3A_292 = vector.shape_cast %get3A_291 : vector<1x16xf32> to vector<16xf32>
        %mul3A_293 = arith.mulf %get3A_292, %broadcast_in_dim3A_243 : vector<16xf32>
        %swap3A_294 = arith.index_cast %add3A_242 : i32 to index
        %swap3A_295 = arith.constant 112 : index
        %swap3A_296 = tpu.vector_load %arg9[%swap3A_294, %swap3A_295] {strides = array<i32>} : memref<128x128xf32, #tpu.memory_space<vmem>>, vector<1x16xf32>,
        %swap3A_297 = vector.shape_cast %swap3A_296 : vector<1x16xf32> to vector<16xf32>
        %swap3A_298 = vector.shape_cast %mul3A_293 : vector<16xf32> to vector<1x16xf32>
        tpu.vector_store %arg9[%swap3A_294, %swap3A_295], %swap3A_298 {strides = array<i32>} : memref<128x128xf32, #tpu.memory_space<vmem>>, vector<1x16xf32>,
        %swap3A_299 = arith.index_cast %add3A_242 : i32 to index
        %swap3A_300 = arith.constant 48 : index
        %swap3A_301 = tpu.vector_load %arg9[%swap3A_299, %swap3A_300] {strides = array<i32>} : memref<128x128xf32, #tpu.memory_space<vmem>>, vector<1x16xf32>,
        %swap3A_302 = vector.shape_cast %swap3A_301 : vector<1x16xf32> to vector<16xf32>
        %swap3A_303 = vector.shape_cast %broadcast_in_dim3A_176 : vector<16xf32> to vector<1x16xf32>
        tpu.vector_store %arg9[%swap3A_299, %swap3A_300], %swap3A_303 {strides = array<i32>} : memref<128x128xf32, #tpu.memory_space<vmem>>, vector<1x16xf32>,
        %mul3A_304 = arith.constant 16 : i32
        %mul3A_305 = arith.muli %scan3A_230, %mul3A_304 : i32
        %add3A_306 = arith.constant 1 : i32
        %add3A_307 = arith.addi %mul3A_305, %add3A_306 : i32
        %slice3A_308 = vector.extract_strided_slice %bitcast_convert_type3A {offsets = [1], sizes = [1], strides = [1]} : vector<16xf32> to vector<1xf32>
        %squeeze3A_309 = vector.extract %slice3A_308[0] : f32 from vector<1xf32>
        %broadcast_in_dim3A_310 = vector.broadcast %squeeze3A_309 : f32 to vector<16xf32>
        %get3A_311 = arith.index_cast %add3A_307 : i32 to index
        %get3A_312 = arith.constant 0 : index
        %get3A_313 = tpu.vector_load %arg9[%get3A_311, %get3A_312] {strides = array<i32>} : memref<128x128xf32, #tpu.memory_space<vmem>>, vector<1x16xf32>,
        %get3A_314 = vector.shape_cast %get3A_313 : vector<1x16xf32> to vector<16xf32>
        %mul3A_315 = arith.mulf %get3A_314, %broadcast_in_dim3A_310 : vector<16xf32>
        %swap3A_316 = arith.index_cast %add3A_307 : i32 to index
        %swap3A_317 = arith.constant 64 : index
        %swap3A_318 = tpu.vector_load %arg9[%swap3A_316, %swap3A_317] {strides = array<i32>} : memref<128x128xf32, #tpu.memory_space<vmem>>, vector<1x16xf32>,
        %swap3A_319 = vector.shape_cast %swap3A_318 : vector<1x16xf32> to vector<16xf32>
        %swap3A_320 = vector.shape_cast %mul3A_315 : vector<16xf32> to vector<1x16xf32>
        tpu.vector_store %arg9[%swap3A_316, %swap3A_317], %swap3A_320 {strides = array<i32>} : memref<128x128xf32, #tpu.memory_space<vmem>>, vector<1x16xf32>,
        %swap3A_321 = arith.index_cast %add3A_307 : i32 to index
        %swap3A_322 = arith.constant 0 : index
        %swap3A_323 = tpu.vector_load %arg9[%swap3A_321, %swap3A_322] {strides = array<i32>} : memref<128x128xf32, #tpu.memory_space<vmem>>, vector<1x16xf32>,
        %swap3A_324 = vector.shape_cast %swap3A_323 : vector<1x16xf32> to vector<16xf32>
        %swap3A_325 = vector.shape_cast %broadcast_in_dim3A_176 : vector<16xf32> to vector<1x16xf32>
        tpu.vector_store %arg9[%swap3A_321, %swap3A_322], %swap3A_325 {strides = array<i32>} : memref<128x128xf32, #tpu.memory_space<vmem>>, vector<1x16xf32>,
        %get3A_326 = arith.index_cast %add3A_307 : i32 to index
        %get3A_327 = arith.constant 16 : index
        %get3A_328 = tpu.vector_load %arg9[%get3A_326, %get3A_327] {strides = array<i32>} : memref<128x128xf32, #tpu.memory_space<vmem>>, vector<1x16xf32>,
        %get3A_329 = vector.shape_cast %get3A_328 : vector<1x16xf32> to vector<16xf32>
        %mul3A_330 = arith.mulf %get3A_329, %broadcast_in_dim3A_310 : vector<16xf32>
        %swap3A_331 = arith.index_cast %add3A_307 : i32 to index
        %swap3A_332 = arith.constant 80 : index
        %swap3A_333 = tpu.vector_load %arg9[%swap3A_331, %swap3A_332] {strides = array<i32>} : memref<128x128xf32, #tpu.memory_space<vmem>>, vector<1x16xf32>,
        %swap3A_334 = vector.shape_cast %swap3A_333 : vector<1x16xf32> to vector<16xf32>
        %swap3A_335 = vector.shape_cast %mul3A_330 : vector<16xf32> to vector<1x16xf32>
        tpu.vector_store %arg9[%swap3A_331, %swap3A_332], %swap3A_335 {strides = array<i32>} : memref<128x128xf32, #tpu.memory_space<vmem>>, vector<1x16xf32>,
        %swap3A_336 = arith.index_cast %add3A_307 : i32 to index
        %swap3A_337 = arith.constant 16 : index
        %swap3A_338 = tpu.vector_load %arg9[%swap3A_336, %swap3A_337] {strides = array<i32>} : memref<128x128xf32, #tpu.memory_space<vmem>>, vector<1x16xf32>,
        %swap3A_339 = vector.shape_cast %swap3A_338 : vector<1x16xf32> to vector<16xf32>
        %swap3A_340 = vector.shape_cast %broadcast_in_dim3A_176 : vector<16xf32> to vector<1x16xf32>
        tpu.vector_store %arg9[%swap3A_336, %swap3A_337], %swap3A_340 {strides = array<i32>} : memref<128x128xf32, #tpu.memory_space<vmem>>, vector<1x16xf32>,
        %get3A_341 = arith.index_cast %add3A_307 : i32 to index
        %get3A_342 = arith.constant 32 : index
        %get3A_343 = tpu.vector_load %arg9[%get3A_341, %get3A_342] {strides = array<i32>} : memref<128x128xf32, #tpu.memory_space<vmem>>, vector<1x16xf32>,
        %get3A_344 = vector.shape_cast %get3A_343 : vector<1x16xf32> to vector<16xf32>
        %mul3A_345 = arith.mulf %get3A_344, %broadcast_in_dim3A_310 : vector<16xf32>
        %swap3A_346 = arith.index_cast %add3A_307 : i32 to index
        %swap3A_347 = arith.constant 96 : index
        %swap3A_348 = tpu.vector_load %arg9[%swap3A_346, %swap3A_347] {strides = array<i32>} : memref<128x128xf32, #tpu.memory_space<vmem>>, vector<1x16xf32>,
        %swap3A_349 = vector.shape_cast %swap3A_348 : vector<1x16xf32> to vector<16xf32>
        %swap3A_350 = vector.shape_cast %mul3A_345 : vector<16xf32> to vector<1x16xf32>
        tpu.vector_store %arg9[%swap3A_346, %swap3A_347], %swap3A_350 {strides = array<i32>} : memref<128x128xf32, #tpu.memory_space<vmem>>, vector<1x16xf32>,
        %swap3A_351 = arith.index_cast %add3A_307 : i32 to index
        %swap3A_352 = arith.constant 32 : index
        %swap3A_353 = tpu.vector_load %arg9[%swap3A_351, %swap3A_352] {strides = array<i32>} : memref<128x128xf32, #tpu.memory_space<vmem>>, vector<1x16xf32>,
        %swap3A_354 = vector.shape_cast %swap3A_353 : vector<1x16xf32> to vector<16xf32>
        %swap3A_355 = vector.shape_cast %broadcast_in_dim3A_176 : vector<16xf32> to vector<1x16xf32>
        tpu.vector_store %arg9[%swap3A_351, %swap3A_352], %swap3A_355 {strides = array<i32>} : memref<128x128xf32, #tpu.memory_space<vmem>>, vector<1x16xf32>,
        %get3A_356 = arith.index_cast %add3A_307 : i32 to index
        %get3A_357 = arith.constant 48 : index
        %get3A_358 = tpu.vector_load %arg9[%get3A_356, %get3A_357] {strides = array<i32>} : memref<128x128xf32, #tpu.memory_space<vmem>>, vector<1x16xf32>,
        %get3A_359 = vector.shape_cast %get3A_358 : vector<1x16xf32> to vector<16xf32>
        %mul3A_360 = arith.mulf %get3A_359, %broadcast_in_dim3A_310 : vector<16xf32>
        %swap3A_361 = arith.index_cast %add3A_307 : i32 to index
        %swap3A_362 = arith.constant 112 : index
        %swap3A_363 = tpu.vector_load %arg9[%swap3A_361, %swap3A_362] {strides = array<i32>} : memref<128x128xf32, #tpu.memory_space<vmem>>, vector<1x16xf32>,
        %swap3A_364 = vector.shape_cast %swap3A_363 : vector<1x16xf32> to vector<16xf32>
        %swap3A_365 = vector.shape_cast %mul3A_360 : vector<16xf32> to vector<1x16xf32>
        tpu.vector_store %arg9[%swap3A_361, %swap3A_362], %swap3A_365 {strides = array<i32>} : memref<128x128xf32, #tpu.memory_space<vmem>>, vector<1x16xf32>,
        %swap3A_366 = arith.index_cast %add3A_307 : i32 to index
        %swap3A_367 = arith.constant 48 : index
        %swap3A_368 = tpu.vector_load %arg9[%swap3A_366, %swap3A_367] {strides = array<i32>} : memref<128x128xf32, #tpu.memory_space<vmem>>, vector<1x16xf32>,
        %swap3A_369 = vector.shape_cast %swap3A_368 : vector<1x16xf32> to vector<16xf32>
        %swap3A_370 = vector.shape_cast %broadcast_in_dim3A_176 : vector<16xf32> to vector<1x16xf32>
        tpu.vector_store %arg9[%swap3A_366, %swap3A_367], %swap3A_370 {strides = array<i32>} : memref<128x128xf32, #tpu.memory_space<vmem>>, vector<1x16xf32>,
        %mul3A_371 = arith.constant 16 : i32
        %mul3A_372 = arith.muli %scan3A_230, %mul3A_371 : i32
        %add3A_373 = arith.constant 2 : i32
        %add3A_374 = arith.addi %mul3A_372, %add3A_373 : i32
        %slice3A_375 = vector.extract_strided_slice %bitcast_convert_type3A {offsets = [2], sizes = [1], strides = [1]} : vector<16xf32> to vector<1xf32>
        %squeeze3A_376 = vector.extract %slice3A_375[0] : f32 from vector<1xf32>
        %broadcast_in_dim3A_377 = vector.broadcast %squeeze3A_376 : f32 to vector<16xf32>
        %get3A_378 = arith.index_cast %add3A_374 : i32 to index
        %get3A_379 = arith.constant 0 : index
        %get3A_380 = tpu.vector_load %arg9[%get3A_378, %get3A_379] {strides = array<i32>} : memref<128x128xf32, #tpu.memory_space<vmem>>, vector<1x16xf32>,
        %get3A_381 = vector.shape_cast %get3A_380 : vector<1x16xf32> to vector<16xf32>
        %mul3A_382 = arith.mulf %get3A_381, %broadcast_in_dim3A_377 : vector<16xf32>
        %swap3A_383 = arith.index_cast %add3A_374 : i32 to index
        %swap3A_384 = arith.constant 64 : index
        %swap3A_385 = tpu.vector_load %arg9[%swap3A_383, %swap3A_384] {strides = array<i32>} : memref<128x128xf32, #tpu.memory_space<vmem>>, vector<1x16xf32>,
        %swap3A_386 = vector.shape_cast %swap3A_385 : vector<1x16xf32> to vector<16xf32>
        %swap3A_387 = vector.shape_cast %mul3A_382 : vector<16xf32> to vector<1x16xf32>
        tpu.vector_store %arg9[%swap3A_383, %swap3A_384], %swap3A_387 {strides = array<i32>} : memref<128x128xf32, #tpu.memory_space<vmem>>, vector<1x16xf32>,
        %swap3A_388 = arith.index_cast %add3A_374 : i32 to index
        %swap3A_389 = arith.constant 0 : index
        %swap3A_390 = tpu.vector_load %arg9[%swap3A_388, %swap3A_389] {strides = array<i32>} : memref<128x128xf32, #tpu.memory_space<vmem>>, vector<1x16xf32>,
        %swap3A_391 = vector.shape_cast %swap3A_390 : vector<1x16xf32> to vector<16xf32>
        %swap3A_392 = vector.shape_cast %broadcast_in_dim3A_176 : vector<16xf32> to vector<1x16xf32>
        tpu.vector_store %arg9[%swap3A_388, %swap3A_389], %swap3A_392 {strides = array<i32>} : memref<128x128xf32, #tpu.memory_space<vmem>>, vector<1x16xf32>,
        %get3A_393 = arith.index_cast %add3A_374 : i32 to index
        %get3A_394 = arith.constant 16 : index
        %get3A_395 = tpu.vector_load %arg9[%get3A_393, %get3A_394] {strides = array<i32>} : memref<128x128xf32, #tpu.memory_space<vmem>>, vector<1x16xf32>,
        %get3A_396 = vector.shape_cast %get3A_395 : vector<1x16xf32> to vector<16xf32>
        %mul3A_397 = arith.mulf %get3A_396, %broadcast_in_dim3A_377 : vector<16xf32>
        %swap3A_398 = arith.index_cast %add3A_374 : i32 to index
        %swap3A_399 = arith.constant 80 : index
        %swap3A_400 = tpu.vector_load %arg9[%swap3A_398, %swap3A_399] {strides = array<i32>} : memref<128x128xf32, #tpu.memory_space<vmem>>, vector<1x16xf32>,
        %swap3A_401 = vector.shape_cast %swap3A_400 : vector<1x16xf32> to vector<16xf32>
        %swap3A_402 = vector.shape_cast %mul3A_397 : vector<16xf32> to vector<1x16xf32>
        tpu.vector_store %arg9[%swap3A_398, %swap3A_399], %swap3A_402 {strides = array<i32>} : memref<128x128xf32, #tpu.memory_space<vmem>>, vector<1x16xf32>,
        %swap3A_403 = arith.index_cast %add3A_374 : i32 to index
        %swap3A_404 = arith.constant 16 : index
        %swap3A_405 = tpu.vector_load %arg9[%swap3A_403, %swap3A_404] {strides = array<i32>} : memref<128x128xf32, #tpu.memory_space<vmem>>, vector<1x16xf32>,
        %swap3A_406 = vector.shape_cast %swap3A_405 : vector<1x16xf32> to vector<16xf32>
        %swap3A_407 = vector.shape_cast %broadcast_in_dim3A_176 : vector<16xf32> to vector<1x16xf32>
        tpu.vector_store %arg9[%swap3A_403, %swap3A_404], %swap3A_407 {strides = array<i32>} : memref<128x128xf32, #tpu.memory_space<vmem>>, vector<1x16xf32>,
        %get3A_408 = arith.index_cast %add3A_374 : i32 to index
        %get3A_409 = arith.constant 32 : index
        %get3A_410 = tpu.vector_load %arg9[%get3A_408, %get3A_409] {strides = array<i32>} : memref<128x128xf32, #tpu.memory_space<vmem>>, vector<1x16xf32>,
        %get3A_411 = vector.shape_cast %get3A_410 : vector<1x16xf32> to vector<16xf32>
        %mul3A_412 = arith.mulf %get3A_411, %broadcast_in_dim3A_377 : vector<16xf32>
        %swap3A_413 = arith.index_cast %add3A_374 : i32 to index
        %swap3A_414 = arith.constant 96 : index
        %swap3A_415 = tpu.vector_load %arg9[%swap3A_413, %swap3A_414] {strides = array<i32>} : memref<128x128xf32, #tpu.memory_space<vmem>>, vector<1x16xf32>,
        %swap3A_416 = vector.shape_cast %swap3A_415 : vector<1x16xf32> to vector<16xf32>
        %swap3A_417 = vector.shape_cast %mul3A_412 : vector<16xf32> to vector<1x16xf32>
        tpu.vector_store %arg9[%swap3A_413, %swap3A_414], %swap3A_417 {strides = array<i32>} : memref<128x128xf32, #tpu.memory_space<vmem>>, vector<1x16xf32>,
        %swap3A_418 = arith.index_cast %add3A_374 : i32 to index
        %swap3A_419 = arith.constant 32 : index
        %swap3A_420 = tpu.vector_load %arg9[%swap3A_418, %swap3A_419] {strides = array<i32>} : memref<128x128xf32, #tpu.memory_space<vmem>>, vector<1x16xf32>,
        %swap3A_421 = vector.shape_cast %swap3A_420 : vector<1x16xf32> to vector<16xf32>
        %swap3A_422 = vector.shape_cast %broadcast_in_dim3A_176 : vector<16xf32> to vector<1x16xf32>
        tpu.vector_store %arg9[%swap3A_418, %swap3A_419], %swap3A_422 {strides = array<i32>} : memref<128x128xf32, #tpu.memory_space<vmem>>, vector<1x16xf32>,
        %get3A_423 = arith.index_cast %add3A_374 : i32 to index
        %get3A_424 = arith.constant 48 : index
        %get3A_425 = tpu.vector_load %arg9[%get3A_423, %get3A_424] {strides = array<i32>} : memref<128x128xf32, #tpu.memory_space<vmem>>, vector<1x16xf32>,
        %get3A_426 = vector.shape_cast %get3A_425 : vector<1x16xf32> to vector<16xf32>
        %mul3A_427 = arith.mulf %get3A_426, %broadcast_in_dim3A_377 : vector<16xf32>
        %swap3A_428 = arith.index_cast %add3A_374 : i32 to index
        %swap3A_429 = arith.constant 112 : index
        %swap3A_430 = tpu.vector_load %arg9[%swap3A_428, %swap3A_429] {strides = array<i32>} : memref<128x128xf32, #tpu.memory_space<vmem>>, vector<1x16xf32>,
        %swap3A_431 = vector.shape_cast %swap3A_430 : vector<1x16xf32> to vector<16xf32>
        %swap3A_432 = vector.shape_cast %mul3A_427 : vector<16xf32> to vector<1x16xf32>
        tpu.vector_store %arg9[%swap3A_428, %swap3A_429], %swap3A_432 {strides = array<i32>} : memref<128x128xf32, #tpu.memory_space<vmem>>, vector<1x16xf32>,
        %swap3A_433 = arith.index_cast %add3A_374 : i32 to index
        %swap3A_434 = arith.constant 48 : index
        %swap3A_435 = tpu.vector_load %arg9[%swap3A_433, %swap3A_434] {strides = array<i32>} : memref<128x128xf32, #tpu.memory_space<vmem>>, vector<1x16xf32>,
        %swap3A_436 = vector.shape_cast %swap3A_435 : vector<1x16xf32> to vector<16xf32>
        %swap3A_437 = vector.shape_cast %broadcast_in_dim3A_176 : vector<16xf32> to vector<1x16xf32>
        tpu.vector_store %arg9[%swap3A_433, %swap3A_434], %swap3A_437 {strides = array<i32>} : memref<128x128xf32, #tpu.memory_space<vmem>>, vector<1x16xf32>,
        %mul3A_438 = arith.constant 16 : i32
        %mul3A_439 = arith.muli %scan3A_230, %mul3A_438 : i32
        %add3A_440 = arith.constant 3 : i32
        %add3A_441 = arith.addi %mul3A_439, %add3A_440 : i32
        %slice3A_442 = vector.extract_strided_slice %bitcast_convert_type3A {offsets = [3], sizes = [1], strides = [1]} : vector<16xf32> to vector<1xf32>
        %squeeze3A_443 = vector.extract %slice3A_442[0] : f32 from vector<1xf32>
        %broadcast_in_dim3A_444 = vector.broadcast %squeeze3A_443 : f32 to vector<16xf32>
        %get3A_445 = arith.index_cast %add3A_441 : i32 to index
        %get3A_446 = arith.constant 0 : index
        %get3A_447 = tpu.vector_load %arg9[%get3A_445, %get3A_446] {strides = array<i32>} : memref<128x128xf32, #tpu.memory_space<vmem>>, vector<1x16xf32>,
        %get3A_448 = vector.shape_cast %get3A_447 : vector<1x16xf32> to vector<16xf32>
        %mul3A_449 = arith.mulf %get3A_448, %broadcast_in_dim3A_444 : vector<16xf32>
        %swap3A_450 = arith.index_cast %add3A_441 : i32 to index
        %swap3A_451 = arith.constant 64 : index
        %swap3A_452 = tpu.vector_load %arg9[%swap3A_450, %swap3A_451] {strides = array<i32>} : memref<128x128xf32, #tpu.memory_space<vmem>>, vector<1x16xf32>,
        %swap3A_453 = vector.shape_cast %swap3A_452 : vector<1x16xf32> to vector<16xf32>
        %swap3A_454 = vector.shape_cast %mul3A_449 : vector<16xf32> to vector<1x16xf32>
        tpu.vector_store %arg9[%swap3A_450, %swap3A_451], %swap3A_454 {strides = array<i32>} : memref<128x128xf32, #tpu.memory_space<vmem>>, vector<1x16xf32>,
        %swap3A_455 = arith.index_cast %add3A_441 : i32 to index
        %swap3A_456 = arith.constant 0 : index
        %swap3A_457 = tpu.vector_load %arg9[%swap3A_455, %swap3A_456] {strides = array<i32>} : memref<128x128xf32, #tpu.memory_space<vmem>>, vector<1x16xf32>,
        %swap3A_458 = vector.shape_cast %swap3A_457 : vector<1x16xf32> to vector<16xf32>
        %swap3A_459 = vector.shape_cast %broadcast_in_dim3A_176 : vector<16xf32> to vector<1x16xf32>
        tpu.vector_store %arg9[%swap3A_455, %swap3A_456], %swap3A_459 {strides = array<i32>} : memref<128x128xf32, #tpu.memory_space<vmem>>, vector<1x16xf32>,
        %get3A_460 = arith.index_cast %add3A_441 : i32 to index
        %get3A_461 = arith.constant 16 : index
        %get3A_462 = tpu.vector_load %arg9[%get3A_460, %get3A_461] {strides = array<i32>} : memref<128x128xf32, #tpu.memory_space<vmem>>, vector<1x16xf32>,
        %get3A_463 = vector.shape_cast %get3A_462 : vector<1x16xf32> to vector<16xf32>
        %mul3A_464 = arith.mulf %get3A_463, %broadcast_in_dim3A_444 : vector<16xf32>
        %swap3A_465 = arith.index_cast %add3A_441 : i32 to index
        %swap3A_466 = arith.constant 80 : index
        %swap3A_467 = tpu.vector_load %arg9[%swap3A_465, %swap3A_466] {strides = array<i32>} : memref<128x128xf32, #tpu.memory_space<vmem>>, vector<1x16xf32>,
        %swap3A_468 = vector.shape_cast %swap3A_467 : vector<1x16xf32> to vector<16xf32>
        %swap3A_469 = vector.shape_cast %mul3A_464 : vector<16xf32> to vector<1x16xf32>
        tpu.vector_store %arg9[%swap3A_465, %swap3A_466], %swap3A_469 {strides = array<i32>} : memref<128x128xf32, #tpu.memory_space<vmem>>, vector<1x16xf32>,
        %swap3A_470 = arith.index_cast %add3A_441 : i32 to index
        %swap3A_471 = arith.constant 16 : index
        %swap3A_472 = tpu.vector_load %arg9[%swap3A_470, %swap3A_471] {strides = array<i32>} : memref<128x128xf32, #tpu.memory_space<vmem>>, vector<1x16xf32>,
        %swap3A_473 = vector.shape_cast %swap3A_472 : vector<1x16xf32> to vector<16xf32>
        %swap3A_474 = vector.shape_cast %broadcast_in_dim3A_176 : vector<16xf32> to vector<1x16xf32>
        tpu.vector_store %arg9[%swap3A_470, %swap3A_471], %swap3A_474 {strides = array<i32>} : memref<128x128xf32, #tpu.memory_space<vmem>>, vector<1x16xf32>,
        %get3A_475 = arith.index_cast %add3A_441 : i32 to index
        %get3A_476 = arith.constant 32 : index
        %get3A_477 = tpu.vector_load %arg9[%get3A_475, %get3A_476] {strides = array<i32>} : memref<128x128xf32, #tpu.memory_space<vmem>>, vector<1x16xf32>,
        %get3A_478 = vector.shape_cast %get3A_477 : vector<1x16xf32> to vector<16xf32>
        %mul3A_479 = arith.mulf %get3A_478, %broadcast_in_dim3A_444 : vector<16xf32>
        %swap3A_480 = arith.index_cast %add3A_441 : i32 to index
        %swap3A_481 = arith.constant 96 : index
        %swap3A_482 = tpu.vector_load %arg9[%swap3A_480, %swap3A_481] {strides = array<i32>} : memref<128x128xf32, #tpu.memory_space<vmem>>, vector<1x16xf32>,
        %swap3A_483 = vector.shape_cast %swap3A_482 : vector<1x16xf32> to vector<16xf32>
        %swap3A_484 = vector.shape_cast %mul3A_479 : vector<16xf32> to vector<1x16xf32>
        tpu.vector_store %arg9[%swap3A_480, %swap3A_481], %swap3A_484 {strides = array<i32>} : memref<128x128xf32, #tpu.memory_space<vmem>>, vector<1x16xf32>,
        %swap3A_485 = arith.index_cast %add3A_441 : i32 to index
        %swap3A_486 = arith.constant 32 : index
        %swap3A_487 = tpu.vector_load %arg9[%swap3A_485, %swap3A_486] {strides = array<i32>} : memref<128x128xf32, #tpu.memory_space<vmem>>, vector<1x16xf32>,
        %swap3A_488 = vector.shape_cast %swap3A_487 : vector<1x16xf32> to vector<16xf32>
        %swap3A_489 = vector.shape_cast %broadcast_in_dim3A_176 : vector<16xf32> to vector<1x16xf32>
        tpu.vector_store %arg9[%swap3A_485, %swap3A_486], %swap3A_489 {strides = array<i32>} : memref<128x128xf32, #tpu.memory_space<vmem>>, vector<1x16xf32>,
        %get3A_490 = arith.index_cast %add3A_441 : i32 to index
        %get3A_491 = arith.constant 48 : index
        %get3A_492 = tpu.vector_load %arg9[%get3A_490, %get3A_491] {strides = array<i32>} : memref<128x128xf32, #tpu.memory_space<vmem>>, vector<1x16xf32>,
        %get3A_493 = vector.shape_cast %get3A_492 : vector<1x16xf32> to vector<16xf32>
        %mul3A_494 = arith.mulf %get3A_493, %broadcast_in_dim3A_444 : vector<16xf32>
        %swap3A_495 = arith.index_cast %add3A_441 : i32 to index
        %swap3A_496 = arith.constant 112 : index
        %swap3A_497 = tpu.vector_load %arg9[%swap3A_495, %swap3A_496] {strides = array<i32>} : memref<128x128xf32, #tpu.memory_space<vmem>>, vector<1x16xf32>,
        %swap3A_498 = vector.shape_cast %swap3A_497 : vector<1x16xf32> to vector<16xf32>
        %swap3A_499 = vector.shape_cast %mul3A_494 : vector<16xf32> to vector<1x16xf32>
        tpu.vector_store %arg9[%swap3A_495, %swap3A_496], %swap3A_499 {strides = array<i32>} : memref<128x128xf32, #tpu.memory_space<vmem>>, vector<1x16xf32>,
        %swap3A_500 = arith.index_cast %add3A_441 : i32 to index
        %swap3A_501 = arith.constant 48 : index
        %swap3A_502 = tpu.vector_load %arg9[%swap3A_500, %swap3A_501] {strides = array<i32>} : memref<128x128xf32, #tpu.memory_space<vmem>>, vector<1x16xf32>,
        %swap3A_503 = vector.shape_cast %swap3A_502 : vector<1x16xf32> to vector<16xf32>
        %swap3A_504 = vector.shape_cast %broadcast_in_dim3A_176 : vector<16xf32> to vector<1x16xf32>
        tpu.vector_store %arg9[%swap3A_500, %swap3A_501], %swap3A_504 {strides = array<i32>} : memref<128x128xf32, #tpu.memory_space<vmem>>, vector<1x16xf32>,
        %mul3A_505 = arith.constant 16 : i32
        %mul3A_506 = arith.muli %scan3A_230, %mul3A_505 : i32
        %add3A_507 = arith.constant 4 : i32
        %add3A_508 = arith.addi %mul3A_506, %add3A_507 : i32
        %slice3A_509 = vector.extract_strided_slice %bitcast_convert_type3A {offsets = [4], sizes = [1], strides = [1]} : vector<16xf32> to vector<1xf32>
        %squeeze3A_510 = vector.extract %slice3A_509[0] : f32 from vector<1xf32>
        %broadcast_in_dim3A_511 = vector.broadcast %squeeze3A_510 : f32 to vector<16xf32>
        %get3A_512 = arith.index_cast %add3A_508 : i32 to index
        %get3A_513 = arith.constant 0 : index
        %get3A_514 = tpu.vector_load %arg9[%get3A_512, %get3A_513] {strides = array<i32>} : memref<128x128xf32, #tpu.memory_space<vmem>>, vector<1x16xf32>,
        %get3A_515 = vector.shape_cast %get3A_514 : vector<1x16xf32> to vector<16xf32>
        %mul3A_516 = arith.mulf %get3A_515, %broadcast_in_dim3A_511 : vector<16xf32>
        %swap3A_517 = arith.index_cast %add3A_508 : i32 to index
        %swap3A_518 = arith.constant 64 : index
        %swap3A_519 = tpu.vector_load %arg9[%swap3A_517, %swap3A_518] {strides = array<i32>} : memref<128x128xf32, #tpu.memory_space<vmem>>, vector<1x16xf32>,
        %swap3A_520 = vector.shape_cast %swap3A_519 : vector<1x16xf32> to vector<16xf32>
        %swap3A_521 = vector.shape_cast %mul3A_516 : vector<16xf32> to vector<1x16xf32>
        tpu.vector_store %arg9[%swap3A_517, %swap3A_518], %swap3A_521 {strides = array<i32>} : memref<128x128xf32, #tpu.memory_space<vmem>>, vector<1x16xf32>,
        %swap3A_522 = arith.index_cast %add3A_508 : i32 to index
        %swap3A_523 = arith.constant 0 : index
        %swap3A_524 = tpu.vector_load %arg9[%swap3A_522, %swap3A_523] {strides = array<i32>} : memref<128x128xf32, #tpu.memory_space<vmem>>, vector<1x16xf32>,
        %swap3A_525 = vector.shape_cast %swap3A_524 : vector<1x16xf32> to vector<16xf32>
        %swap3A_526 = vector.shape_cast %broadcast_in_dim3A_176 : vector<16xf32> to vector<1x16xf32>
        tpu.vector_store %arg9[%swap3A_522, %swap3A_523], %swap3A_526 {strides = array<i32>} : memref<128x128xf32, #tpu.memory_space<vmem>>, vector<1x16xf32>,
        %get3A_527 = arith.index_cast %add3A_508 : i32 to index
        %get3A_528 = arith.constant 16 : index
        %get3A_529 = tpu.vector_load %arg9[%get3A_527, %get3A_528] {strides = array<i32>} : memref<128x128xf32, #tpu.memory_space<vmem>>, vector<1x16xf32>,
        %get3A_530 = vector.shape_cast %get3A_529 : vector<1x16xf32> to vector<16xf32>
        %mul3A_531 = arith.mulf %get3A_530, %broadcast_in_dim3A_511 : vector<16xf32>
        %swap3A_532 = arith.index_cast %add3A_508 : i32 to index
        %swap3A_533 = arith.constant 80 : index
        %swap3A_534 = tpu.vector_load %arg9[%swap3A_532, %swap3A_533] {strides = array<i32>} : memref<128x128xf32, #tpu.memory_space<vmem>>, vector<1x16xf32>,
        %swap3A_535 = vector.shape_cast %swap3A_534 : vector<1x16xf32> to vector<16xf32>
        %swap3A_536 = vector.shape_cast %mul3A_531 : vector<16xf32> to vector<1x16xf32>
        tpu.vector_store %arg9[%swap3A_532, %swap3A_533], %swap3A_536 {strides = array<i32>} : memref<128x128xf32, #tpu.memory_space<vmem>>, vector<1x16xf32>,
        %swap3A_537 = arith.index_cast %add3A_508 : i32 to index
        %swap3A_538 = arith.constant 16 : index
        %swap3A_539 = tpu.vector_load %arg9[%swap3A_537, %swap3A_538] {strides = array<i32>} : memref<128x128xf32, #tpu.memory_space<vmem>>, vector<1x16xf32>,
        %swap3A_540 = vector.shape_cast %swap3A_539 : vector<1x16xf32> to vector<16xf32>
        %swap3A_541 = vector.shape_cast %broadcast_in_dim3A_176 : vector<16xf32> to vector<1x16xf32>
        tpu.vector_store %arg9[%swap3A_537, %swap3A_538], %swap3A_541 {strides = array<i32>} : memref<128x128xf32, #tpu.memory_space<vmem>>, vector<1x16xf32>,
        %get3A_542 = arith.index_cast %add3A_508 : i32 to index
        %get3A_543 = arith.constant 32 : index
        %get3A_544 = tpu.vector_load %arg9[%get3A_542, %get3A_543] {strides = array<i32>} : memref<128x128xf32, #tpu.memory_space<vmem>>, vector<1x16xf32>,
        %get3A_545 = vector.shape_cast %get3A_544 : vector<1x16xf32> to vector<16xf32>
        %mul3A_546 = arith.mulf %get3A_545, %broadcast_in_dim3A_511 : vector<16xf32>
        %swap3A_547 = arith.index_cast %add3A_508 : i32 to index
        %swap3A_548 = arith.constant 96 : index
        %swap3A_549 = tpu.vector_load %arg9[%swap3A_547, %swap3A_548] {strides = array<i32>} : memref<128x128xf32, #tpu.memory_space<vmem>>, vector<1x16xf32>,
        %swap3A_550 = vector.shape_cast %swap3A_549 : vector<1x16xf32> to vector<16xf32>
        %swap3A_551 = vector.shape_cast %mul3A_546 : vector<16xf32> to vector<1x16xf32>
        tpu.vector_store %arg9[%swap3A_547, %swap3A_548], %swap3A_551 {strides = array<i32>} : memref<128x128xf32, #tpu.memory_space<vmem>>, vector<1x16xf32>,
        %swap3A_552 = arith.index_cast %add3A_508 : i32 to index
        %swap3A_553 = arith.constant 32 : index
        %swap3A_554 = tpu.vector_load %arg9[%swap3A_552, %swap3A_553] {strides = array<i32>} : memref<128x128xf32, #tpu.memory_space<vmem>>, vector<1x16xf32>,
        %swap3A_555 = vector.shape_cast %swap3A_554 : vector<1x16xf32> to vector<16xf32>
        %swap3A_556 = vector.shape_cast %broadcast_in_dim3A_176 : vector<16xf32> to vector<1x16xf32>
        tpu.vector_store %arg9[%swap3A_552, %swap3A_553], %swap3A_556 {strides = array<i32>} : memref<128x128xf32, #tpu.memory_space<vmem>>, vector<1x16xf32>,
        %get3A_557 = arith.index_cast %add3A_508 : i32 to index
        %get3A_558 = arith.constant 48 : index
        %get3A_559 = tpu.vector_load %arg9[%get3A_557, %get3A_558] {strides = array<i32>} : memref<128x128xf32, #tpu.memory_space<vmem>>, vector<1x16xf32>,
        %get3A_560 = vector.shape_cast %get3A_559 : vector<1x16xf32> to vector<16xf32>
        %mul3A_561 = arith.mulf %get3A_560, %broadcast_in_dim3A_511 : vector<16xf32>
        %swap3A_562 = arith.index_cast %add3A_508 : i32 to index
        %swap3A_563 = arith.constant 112 : index
        %swap3A_564 = tpu.vector_load %arg9[%swap3A_562, %swap3A_563] {strides = array<i32>} : memref<128x128xf32, #tpu.memory_space<vmem>>, vector<1x16xf32>,
        %swap3A_565 = vector.shape_cast %swap3A_564 : vector<1x16xf32> to vector<16xf32>
        %swap3A_566 = vector.shape_cast %mul3A_561 : vector<16xf32> to vector<1x16xf32>
        tpu.vector_store %arg9[%swap3A_562, %swap3A_563], %swap3A_566 {strides = array<i32>} : memref<128x128xf32, #tpu.memory_space<vmem>>, vector<1x16xf32>,
        %swap3A_567 = arith.index_cast %add3A_508 : i32 to index
        %swap3A_568 = arith.constant 48 : index
        %swap3A_569 = tpu.vector_load %arg9[%swap3A_567, %swap3A_568] {strides = array<i32>} : memref<128x128xf32, #tpu.memory_space<vmem>>, vector<1x16xf32>,
        %swap3A_570 = vector.shape_cast %swap3A_569 : vector<1x16xf32> to vector<16xf32>
        %swap3A_571 = vector.shape_cast %broadcast_in_dim3A_176 : vector<16xf32> to vector<1x16xf32>
        tpu.vector_store %arg9[%swap3A_567, %swap3A_568], %swap3A_571 {strides = array<i32>} : memref<128x128xf32, #tpu.memory_space<vmem>>, vector<1x16xf32>,
        %mul3A_572 = arith.constant 16 : i32
        %mul3A_573 = arith.muli %scan3A_230, %mul3A_572 : i32
        %add3A_574 = arith.constant 5 : i32
        %add3A_575 = arith.addi %mul3A_573, %add3A_574 : i32
        %slice3A_576 = vector.extract_strided_slice %bitcast_convert_type3A {offsets = [5], sizes = [1], strides = [1]} : vector<16xf32> to vector<1xf32>
        %squeeze3A_577 = vector.extract %slice3A_576[0] : f32 from vector<1xf32>
        %broadcast_in_dim3A_578 = vector.broadcast %squeeze3A_577 : f32 to vector<16xf32>
        %get3A_579 = arith.index_cast %add3A_575 : i32 to index
        %get3A_580 = arith.constant 0 : index
        %get3A_581 = tpu.vector_load %arg9[%get3A_579, %get3A_580] {strides = array<i32>} : memref<128x128xf32, #tpu.memory_space<vmem>>, vector<1x16xf32>,
        %get3A_582 = vector.shape_cast %get3A_581 : vector<1x16xf32> to vector<16xf32>
        %mul3A_583 = arith.mulf %get3A_582, %broadcast_in_dim3A_578 : vector<16xf32>
        %swap3A_584 = arith.index_cast %add3A_575 : i32 to index
        %swap3A_585 = arith.constant 64 : index
        %swap3A_586 = tpu.vector_load %arg9[%swap3A_584, %swap3A_585] {strides = array<i32>} : memref<128x128xf32, #tpu.memory_space<vmem>>, vector<1x16xf32>,
        %swap3A_587 = vector.shape_cast %swap3A_586 : vector<1x16xf32> to vector<16xf32>
        %swap3A_588 = vector.shape_cast %mul3A_583 : vector<16xf32> to vector<1x16xf32>
        tpu.vector_store %arg9[%swap3A_584, %swap3A_585], %swap3A_588 {strides = array<i32>} : memref<128x128xf32, #tpu.memory_space<vmem>>, vector<1x16xf32>,
        %swap3A_589 = arith.index_cast %add3A_575 : i32 to index
        %swap3A_590 = arith.constant 0 : index
        %swap3A_591 = tpu.vector_load %arg9[%swap3A_589, %swap3A_590] {strides = array<i32>} : memref<128x128xf32, #tpu.memory_space<vmem>>, vector<1x16xf32>,
        %swap3A_592 = vector.shape_cast %swap3A_591 : vector<1x16xf32> to vector<16xf32>
        %swap3A_593 = vector.shape_cast %broadcast_in_dim3A_176 : vector<16xf32> to vector<1x16xf32>
        tpu.vector_store %arg9[%swap3A_589, %swap3A_590], %swap3A_593 {strides = array<i32>} : memref<128x128xf32, #tpu.memory_space<vmem>>, vector<1x16xf32>,
        %get3A_594 = arith.index_cast %add3A_575 : i32 to index
        %get3A_595 = arith.constant 16 : index
        %get3A_596 = tpu.vector_load %arg9[%get3A_594, %get3A_595] {strides = array<i32>} : memref<128x128xf32, #tpu.memory_space<vmem>>, vector<1x16xf32>,
        %get3A_597 = vector.shape_cast %get3A_596 : vector<1x16xf32> to vector<16xf32>
        %mul3A_598 = arith.mulf %get3A_597, %broadcast_in_dim3A_578 : vector<16xf32>
        %swap3A_599 = arith.index_cast %add3A_575 : i32 to index
        %swap3A_600 = arith.constant 80 : index
        %swap3A_601 = tpu.vector_load %arg9[%swap3A_599, %swap3A_600] {strides = array<i32>} : memref<128x128xf32, #tpu.memory_space<vmem>>, vector<1x16xf32>,
        %swap3A_602 = vector.shape_cast %swap3A_601 : vector<1x16xf32> to vector<16xf32>
        %swap3A_603 = vector.shape_cast %mul3A_598 : vector<16xf32> to vector<1x16xf32>
        tpu.vector_store %arg9[%swap3A_599, %swap3A_600], %swap3A_603 {strides = array<i32>} : memref<128x128xf32, #tpu.memory_space<vmem>>, vector<1x16xf32>,
        %swap3A_604 = arith.index_cast %add3A_575 : i32 to index
        %swap3A_605 = arith.constant 16 : index
        %swap3A_606 = tpu.vector_load %arg9[%swap3A_604, %swap3A_605] {strides = array<i32>} : memref<128x128xf32, #tpu.memory_space<vmem>>, vector<1x16xf32>,
        %swap3A_607 = vector.shape_cast %swap3A_606 : vector<1x16xf32> to vector<16xf32>
        %swap3A_608 = vector.shape_cast %broadcast_in_dim3A_176 : vector<16xf32> to vector<1x16xf32>
        tpu.vector_store %arg9[%swap3A_604, %swap3A_605], %swap3A_608 {strides = array<i32>} : memref<128x128xf32, #tpu.memory_space<vmem>>, vector<1x16xf32>,
        %get3A_609 = arith.index_cast %add3A_575 : i32 to index
        %get3A_610 = arith.constant 32 : index
        %get3A_611 = tpu.vector_load %arg9[%get3A_609, %get3A_610] {strides = array<i32>} : memref<128x128xf32, #tpu.memory_space<vmem>>, vector<1x16xf32>,
        %get3A_612 = vector.shape_cast %get3A_611 : vector<1x16xf32> to vector<16xf32>
        %mul3A_613 = arith.mulf %get3A_612, %broadcast_in_dim3A_578 : vector<16xf32>
        %swap3A_614 = arith.index_cast %add3A_575 : i32 to index
        %swap3A_615 = arith.constant 96 : index
        %swap3A_616 = tpu.vector_load %arg9[%swap3A_614, %swap3A_615] {strides = array<i32>} : memref<128x128xf32, #tpu.memory_space<vmem>>, vector<1x16xf32>,
        %swap3A_617 = vector.shape_cast %swap3A_616 : vector<1x16xf32> to vector<16xf32>
        %swap3A_618 = vector.shape_cast %mul3A_613 : vector<16xf32> to vector<1x16xf32>
        tpu.vector_store %arg9[%swap3A_614, %swap3A_615], %swap3A_618 {strides = array<i32>} : memref<128x128xf32, #tpu.memory_space<vmem>>, vector<1x16xf32>,
        %swap3A_619 = arith.index_cast %add3A_575 : i32 to index
        %swap3A_620 = arith.constant 32 : index
        %swap3A_621 = tpu.vector_load %arg9[%swap3A_619, %swap3A_620] {strides = array<i32>} : memref<128x128xf32, #tpu.memory_space<vmem>>, vector<1x16xf32>,
        %swap3A_622 = vector.shape_cast %swap3A_621 : vector<1x16xf32> to vector<16xf32>
        %swap3A_623 = vector.shape_cast %broadcast_in_dim3A_176 : vector<16xf32> to vector<1x16xf32>
        tpu.vector_store %arg9[%swap3A_619, %swap3A_620], %swap3A_623 {strides = array<i32>} : memref<128x128xf32, #tpu.memory_space<vmem>>, vector<1x16xf32>,
        %get3A_624 = arith.index_cast %add3A_575 : i32 to index
        %get3A_625 = arith.constant 48 : index
        %get3A_626 = tpu.vector_load %arg9[%get3A_624, %get3A_625] {strides = array<i32>} : memref<128x128xf32, #tpu.memory_space<vmem>>, vector<1x16xf32>,
        %get3A_627 = vector.shape_cast %get3A_626 : vector<1x16xf32> to vector<16xf32>
        %mul3A_628 = arith.mulf %get3A_627, %broadcast_in_dim3A_578 : vector<16xf32>
        %swap3A_629 = arith.index_cast %add3A_575 : i32 to index
        %swap3A_630 = arith.constant 112 : index
        %swap3A_631 = tpu.vector_load %arg9[%swap3A_629, %swap3A_630] {strides = array<i32>} : memref<128x128xf32, #tpu.memory_space<vmem>>, vector<1x16xf32>,
        %swap3A_632 = vector.shape_cast %swap3A_631 : vector<1x16xf32> to vector<16xf32>
        %swap3A_633 = vector.shape_cast %mul3A_628 : vector<16xf32> to vector<1x16xf32>
        tpu.vector_store %arg9[%swap3A_629, %swap3A_630], %swap3A_633 {strides = array<i32>} : memref<128x128xf32, #tpu.memory_space<vmem>>, vector<1x16xf32>,
        %swap3A_634 = arith.index_cast %add3A_575 : i32 to index
        %swap3A_635 = arith.constant 48 : index
        %swap3A_636 = tpu.vector_load %arg9[%swap3A_634, %swap3A_635] {strides = array<i32>} : memref<128x128xf32, #tpu.memory_space<vmem>>, vector<1x16xf32>,
        %swap3A_637 = vector.shape_cast %swap3A_636 : vector<1x16xf32> to vector<16xf32>
        %swap3A_638 = vector.shape_cast %broadcast_in_dim3A_176 : vector<16xf32> to vector<1x16xf32>
        tpu.vector_store %arg9[%swap3A_634, %swap3A_635], %swap3A_638 {strides = array<i32>} : memref<128x128xf32, #tpu.memory_space<vmem>>, vector<1x16xf32>,
        %mul3A_639 = arith.constant 16 : i32
        %mul3A_640 = arith.muli %scan3A_230, %mul3A_639 : i32
        %add3A_641 = arith.constant 6 : i32
        %add3A_642 = arith.addi %mul3A_640, %add3A_641 : i32
        %slice3A_643 = vector.extract_strided_slice %bitcast_convert_type3A {offsets = [6], sizes = [1], strides = [1]} : vector<16xf32> to vector<1xf32>
        %squeeze3A_644 = vector.extract %slice3A_643[0] : f32 from vector<1xf32>
        %broadcast_in_dim3A_645 = vector.broadcast %squeeze3A_644 : f32 to vector<16xf32>
        %get3A_646 = arith.index_cast %add3A_642 : i32 to index
        %get3A_647 = arith.constant 0 : index
        %get3A_648 = tpu.vector_load %arg9[%get3A_646, %get3A_647] {strides = array<i32>} : memref<128x128xf32, #tpu.memory_space<vmem>>, vector<1x16xf32>,
        %get3A_649 = vector.shape_cast %get3A_648 : vector<1x16xf32> to vector<16xf32>
        %mul3A_650 = arith.mulf %get3A_649, %broadcast_in_dim3A_645 : vector<16xf32>
        %swap3A_651 = arith.index_cast %add3A_642 : i32 to index
        %swap3A_652 = arith.constant 64 : index
        %swap3A_653 = tpu.vector_load %arg9[%swap3A_651, %swap3A_652] {strides = array<i32>} : memref<128x128xf32, #tpu.memory_space<vmem>>, vector<1x16xf32>,
        %swap3A_654 = vector.shape_cast %swap3A_653 : vector<1x16xf32> to vector<16xf32>
        %swap3A_655 = vector.shape_cast %mul3A_650 : vector<16xf32> to vector<1x16xf32>
        tpu.vector_store %arg9[%swap3A_651, %swap3A_652], %swap3A_655 {strides = array<i32>} : memref<128x128xf32, #tpu.memory_space<vmem>>, vector<1x16xf32>,
        %swap3A_656 = arith.index_cast %add3A_642 : i32 to index
        %swap3A_657 = arith.constant 0 : index
        %swap3A_658 = tpu.vector_load %arg9[%swap3A_656, %swap3A_657] {strides = array<i32>} : memref<128x128xf32, #tpu.memory_space<vmem>>, vector<1x16xf32>,
        %swap3A_659 = vector.shape_cast %swap3A_658 : vector<1x16xf32> to vector<16xf32>
        %swap3A_660 = vector.shape_cast %broadcast_in_dim3A_176 : vector<16xf32> to vector<1x16xf32>
        tpu.vector_store %arg9[%swap3A_656, %swap3A_657], %swap3A_660 {strides = array<i32>} : memref<128x128xf32, #tpu.memory_space<vmem>>, vector<1x16xf32>,
        %get3A_661 = arith.index_cast %add3A_642 : i32 to index
        %get3A_662 = arith.constant 16 : index
        %get3A_663 = tpu.vector_load %arg9[%get3A_661, %get3A_662] {strides = array<i32>} : memref<128x128xf32, #tpu.memory_space<vmem>>, vector<1x16xf32>,
        %get3A_664 = vector.shape_cast %get3A_663 : vector<1x16xf32> to vector<16xf32>
        %mul3A_665 = arith.mulf %get3A_664, %broadcast_in_dim3A_645 : vector<16xf32>
        %swap3A_666 = arith.index_cast %add3A_642 : i32 to index
        %swap3A_667 = arith.constant 80 : index
        %swap3A_668 = tpu.vector_load %arg9[%swap3A_666, %swap3A_667] {strides = array<i32>} : memref<128x128xf32, #tpu.memory_space<vmem>>, vector<1x16xf32>,
        %swap3A_669 = vector.shape_cast %swap3A_668 : vector<1x16xf32> to vector<16xf32>
        %swap3A_670 = vector.shape_cast %mul3A_665 : vector<16xf32> to vector<1x16xf32>
        tpu.vector_store %arg9[%swap3A_666, %swap3A_667], %swap3A_670 {strides = array<i32>} : memref<128x128xf32, #tpu.memory_space<vmem>>, vector<1x16xf32>,
        %swap3A_671 = arith.index_cast %add3A_642 : i32 to index
        %swap3A_672 = arith.constant 16 : index
        %swap3A_673 = tpu.vector_load %arg9[%swap3A_671, %swap3A_672] {strides = array<i32>} : memref<128x128xf32, #tpu.memory_space<vmem>>, vector<1x16xf32>,
        %swap3A_674 = vector.shape_cast %swap3A_673 : vector<1x16xf32> to vector<16xf32>
        %swap3A_675 = vector.shape_cast %broadcast_in_dim3A_176 : vector<16xf32> to vector<1x16xf32>
        tpu.vector_store %arg9[%swap3A_671, %swap3A_672], %swap3A_675 {strides = array<i32>} : memref<128x128xf32, #tpu.memory_space<vmem>>, vector<1x16xf32>,
        %get3A_676 = arith.index_cast %add3A_642 : i32 to index
        %get3A_677 = arith.constant 32 : index
        %get3A_678 = tpu.vector_load %arg9[%get3A_676, %get3A_677] {strides = array<i32>} : memref<128x128xf32, #tpu.memory_space<vmem>>, vector<1x16xf32>,
        %get3A_679 = vector.shape_cast %get3A_678 : vector<1x16xf32> to vector<16xf32>
        %mul3A_680 = arith.mulf %get3A_679, %broadcast_in_dim3A_645 : vector<16xf32>
        %swap3A_681 = arith.index_cast %add3A_642 : i32 to index
        %swap3A_682 = arith.constant 96 : index
        %swap3A_683 = tpu.vector_load %arg9[%swap3A_681, %swap3A_682] {strides = array<i32>} : memref<128x128xf32, #tpu.memory_space<vmem>>, vector<1x16xf32>,
        %swap3A_684 = vector.shape_cast %swap3A_683 : vector<1x16xf32> to vector<16xf32>
        %swap3A_685 = vector.shape_cast %mul3A_680 : vector<16xf32> to vector<1x16xf32>
        tpu.vector_store %arg9[%swap3A_681, %swap3A_682], %swap3A_685 {strides = array<i32>} : memref<128x128xf32, #tpu.memory_space<vmem>>, vector<1x16xf32>,
        %swap3A_686 = arith.index_cast %add3A_642 : i32 to index
        %swap3A_687 = arith.constant 32 : index
        %swap3A_688 = tpu.vector_load %arg9[%swap3A_686, %swap3A_687] {strides = array<i32>} : memref<128x128xf32, #tpu.memory_space<vmem>>, vector<1x16xf32>,
        %swap3A_689 = vector.shape_cast %swap3A_688 : vector<1x16xf32> to vector<16xf32>
        %swap3A_690 = vector.shape_cast %broadcast_in_dim3A_176 : vector<16xf32> to vector<1x16xf32>
        tpu.vector_store %arg9[%swap3A_686, %swap3A_687], %swap3A_690 {strides = array<i32>} : memref<128x128xf32, #tpu.memory_space<vmem>>, vector<1x16xf32>,
        %get3A_691 = arith.index_cast %add3A_642 : i32 to index
        %get3A_692 = arith.constant 48 : index
        %get3A_693 = tpu.vector_load %arg9[%get3A_691, %get3A_692] {strides = array<i32>} : memref<128x128xf32, #tpu.memory_space<vmem>>, vector<1x16xf32>,
        %get3A_694 = vector.shape_cast %get3A_693 : vector<1x16xf32> to vector<16xf32>
        %mul3A_695 = arith.mulf %get3A_694, %broadcast_in_dim3A_645 : vector<16xf32>
        %swap3A_696 = arith.index_cast %add3A_642 : i32 to index
        %swap3A_697 = arith.constant 112 : index
        %swap3A_698 = tpu.vector_load %arg9[%swap3A_696, %swap3A_697] {strides = array<i32>} : memref<128x128xf32, #tpu.memory_space<vmem>>, vector<1x16xf32>,
        %swap3A_699 = vector.shape_cast %swap3A_698 : vector<1x16xf32> to vector<16xf32>
        %swap3A_700 = vector.shape_cast %mul3A_695 : vector<16xf32> to vector<1x16xf32>
        tpu.vector_store %arg9[%swap3A_696, %swap3A_697], %swap3A_700 {strides = array<i32>} : memref<128x128xf32, #tpu.memory_space<vmem>>, vector<1x16xf32>,
        %swap3A_701 = arith.index_cast %add3A_642 : i32 to index
        %swap3A_702 = arith.constant 48 : index
        %swap3A_703 = tpu.vector_load %arg9[%swap3A_701, %swap3A_702] {strides = array<i32>} : memref<128x128xf32, #tpu.memory_space<vmem>>, vector<1x16xf32>,
        %swap3A_704 = vector.shape_cast %swap3A_703 : vector<1x16xf32> to vector<16xf32>
        %swap3A_705 = vector.shape_cast %broadcast_in_dim3A_176 : vector<16xf32> to vector<1x16xf32>
        tpu.vector_store %arg9[%swap3A_701, %swap3A_702], %swap3A_705 {strides = array<i32>} : memref<128x128xf32, #tpu.memory_space<vmem>>, vector<1x16xf32>,
        %mul3A_706 = arith.constant 16 : i32
        %mul3A_707 = arith.muli %scan3A_230, %mul3A_706 : i32
        %add3A_708 = arith.constant 7 : i32
        %add3A_709 = arith.addi %mul3A_707, %add3A_708 : i32
        %slice3A_710 = vector.extract_strided_slice %bitcast_convert_type3A {offsets = [7], sizes = [1], strides = [1]} : vector<16xf32> to vector<1xf32>
        %squeeze3A_711 = vector.extract %slice3A_710[0] : f32 from vector<1xf32>
        %broadcast_in_dim3A_712 = vector.broadcast %squeeze3A_711 : f32 to vector<16xf32>
        %get3A_713 = arith.index_cast %add3A_709 : i32 to index
        %get3A_714 = arith.constant 0 : index
        %get3A_715 = tpu.vector_load %arg9[%get3A_713, %get3A_714] {strides = array<i32>} : memref<128x128xf32, #tpu.memory_space<vmem>>, vector<1x16xf32>,
        %get3A_716 = vector.shape_cast %get3A_715 : vector<1x16xf32> to vector<16xf32>
        %mul3A_717 = arith.mulf %get3A_716, %broadcast_in_dim3A_712 : vector<16xf32>
        %swap3A_718 = arith.index_cast %add3A_709 : i32 to index
        %swap3A_719 = arith.constant 64 : index
        %swap3A_720 = tpu.vector_load %arg9[%swap3A_718, %swap3A_719] {strides = array<i32>} : memref<128x128xf32, #tpu.memory_space<vmem>>, vector<1x16xf32>,
        %swap3A_721 = vector.shape_cast %swap3A_720 : vector<1x16xf32> to vector<16xf32>
        %swap3A_722 = vector.shape_cast %mul3A_717 : vector<16xf32> to vector<1x16xf32>
        tpu.vector_store %arg9[%swap3A_718, %swap3A_719], %swap3A_722 {strides = array<i32>} : memref<128x128xf32, #tpu.memory_space<vmem>>, vector<1x16xf32>,
        %swap3A_723 = arith.index_cast %add3A_709 : i32 to index
        %swap3A_724 = arith.constant 0 : index
        %swap3A_725 = tpu.vector_load %arg9[%swap3A_723, %swap3A_724] {strides = array<i32>} : memref<128x128xf32, #tpu.memory_space<vmem>>, vector<1x16xf32>,
        %swap3A_726 = vector.shape_cast %swap3A_725 : vector<1x16xf32> to vector<16xf32>
        %swap3A_727 = vector.shape_cast %broadcast_in_dim3A_176 : vector<16xf32> to vector<1x16xf32>
        tpu.vector_store %arg9[%swap3A_723, %swap3A_724], %swap3A_727 {strides = array<i32>} : memref<128x128xf32, #tpu.memory_space<vmem>>, vector<1x16xf32>,
        %get3A_728 = arith.index_cast %add3A_709 : i32 to index
        %get3A_729 = arith.constant 16 : index
        %get3A_730 = tpu.vector_load %arg9[%get3A_728, %get3A_729] {strides = array<i32>} : memref<128x128xf32, #tpu.memory_space<vmem>>, vector<1x16xf32>,
        %get3A_731 = vector.shape_cast %get3A_730 : vector<1x16xf32> to vector<16xf32>
        %mul3A_732 = arith.mulf %get3A_731, %broadcast_in_dim3A_712 : vector<16xf32>
        %swap3A_733 = arith.index_cast %add3A_709 : i32 to index
        %swap3A_734 = arith.constant 80 : index
        %swap3A_735 = tpu.vector_load %arg9[%swap3A_733, %swap3A_734] {strides = array<i32>} : memref<128x128xf32, #tpu.memory_space<vmem>>, vector<1x16xf32>,
        %swap3A_736 = vector.shape_cast %swap3A_735 : vector<1x16xf32> to vector<16xf32>
        %swap3A_737 = vector.shape_cast %mul3A_732 : vector<16xf32> to vector<1x16xf32>
        tpu.vector_store %arg9[%swap3A_733, %swap3A_734], %swap3A_737 {strides = array<i32>} : memref<128x128xf32, #tpu.memory_space<vmem>>, vector<1x16xf32>,
        %swap3A_738 = arith.index_cast %add3A_709 : i32 to index
        %swap3A_739 = arith.constant 16 : index
        %swap3A_740 = tpu.vector_load %arg9[%swap3A_738, %swap3A_739] {strides = array<i32>} : memref<128x128xf32, #tpu.memory_space<vmem>>, vector<1x16xf32>,
        %swap3A_741 = vector.shape_cast %swap3A_740 : vector<1x16xf32> to vector<16xf32>
        %swap3A_742 = vector.shape_cast %broadcast_in_dim3A_176 : vector<16xf32> to vector<1x16xf32>
        tpu.vector_store %arg9[%swap3A_738, %swap3A_739], %swap3A_742 {strides = array<i32>} : memref<128x128xf32, #tpu.memory_space<vmem>>, vector<1x16xf32>,
        %get3A_743 = arith.index_cast %add3A_709 : i32 to index
        %get3A_744 = arith.constant 32 : index
        %get3A_745 = tpu.vector_load %arg9[%get3A_743, %get3A_744] {strides = array<i32>} : memref<128x128xf32, #tpu.memory_space<vmem>>, vector<1x16xf32>,
        %get3A_746 = vector.shape_cast %get3A_745 : vector<1x16xf32> to vector<16xf32>
        %mul3A_747 = arith.mulf %get3A_746, %broadcast_in_dim3A_712 : vector<16xf32>
        %swap3A_748 = arith.index_cast %add3A_709 : i32 to index
        %swap3A_749 = arith.constant 96 : index
        %swap3A_750 = tpu.vector_load %arg9[%swap3A_748, %swap3A_749] {strides = array<i32>} : memref<128x128xf32, #tpu.memory_space<vmem>>, vector<1x16xf32>,
        %swap3A_751 = vector.shape_cast %swap3A_750 : vector<1x16xf32> to vector<16xf32>
        %swap3A_752 = vector.shape_cast %mul3A_747 : vector<16xf32> to vector<1x16xf32>
        tpu.vector_store %arg9[%swap3A_748, %swap3A_749], %swap3A_752 {strides = array<i32>} : memref<128x128xf32, #tpu.memory_space<vmem>>, vector<1x16xf32>,
        %swap3A_753 = arith.index_cast %add3A_709 : i32 to index
        %swap3A_754 = arith.constant 32 : index
        %swap3A_755 = tpu.vector_load %arg9[%swap3A_753, %swap3A_754] {strides = array<i32>} : memref<128x128xf32, #tpu.memory_space<vmem>>, vector<1x16xf32>,
        %swap3A_756 = vector.shape_cast %swap3A_755 : vector<1x16xf32> to vector<16xf32>
        %swap3A_757 = vector.shape_cast %broadcast_in_dim3A_176 : vector<16xf32> to vector<1x16xf32>
        tpu.vector_store %arg9[%swap3A_753, %swap3A_754], %swap3A_757 {strides = array<i32>} : memref<128x128xf32, #tpu.memory_space<vmem>>, vector<1x16xf32>,
        %get3A_758 = arith.index_cast %add3A_709 : i32 to index
        %get3A_759 = arith.constant 48 : index
        %get3A_760 = tpu.vector_load %arg9[%get3A_758, %get3A_759] {strides = array<i32>} : memref<128x128xf32, #tpu.memory_space<vmem>>, vector<1x16xf32>,
        %get3A_761 = vector.shape_cast %get3A_760 : vector<1x16xf32> to vector<16xf32>
        %mul3A_762 = arith.mulf %get3A_761, %broadcast_in_dim3A_712 : vector<16xf32>
        %swap3A_763 = arith.index_cast %add3A_709 : i32 to index
        %swap3A_764 = arith.constant 112 : index
        %swap3A_765 = tpu.vector_load %arg9[%swap3A_763, %swap3A_764] {strides = array<i32>} : memref<128x128xf32, #tpu.memory_space<vmem>>, vector<1x16xf32>,
        %swap3A_766 = vector.shape_cast %swap3A_765 : vector<1x16xf32> to vector<16xf32>
        %swap3A_767 = vector.shape_cast %mul3A_762 : vector<16xf32> to vector<1x16xf32>
        tpu.vector_store %arg9[%swap3A_763, %swap3A_764], %swap3A_767 {strides = array<i32>} : memref<128x128xf32, #tpu.memory_space<vmem>>, vector<1x16xf32>,
        %swap3A_768 = arith.index_cast %add3A_709 : i32 to index
        %swap3A_769 = arith.constant 48 : index
        %swap3A_770 = tpu.vector_load %arg9[%swap3A_768, %swap3A_769] {strides = array<i32>} : memref<128x128xf32, #tpu.memory_space<vmem>>, vector<1x16xf32>,
        %swap3A_771 = vector.shape_cast %swap3A_770 : vector<1x16xf32> to vector<16xf32>
        %swap3A_772 = vector.shape_cast %broadcast_in_dim3A_176 : vector<16xf32> to vector<1x16xf32>
        tpu.vector_store %arg9[%swap3A_768, %swap3A_769], %swap3A_772 {strides = array<i32>} : memref<128x128xf32, #tpu.memory_space<vmem>>, vector<1x16xf32>,
        %mul3A_773 = arith.constant 16 : i32
        %mul3A_774 = arith.muli %scan3A_230, %mul3A_773 : i32
        %add3A_775 = arith.constant 8 : i32
        %add3A_776 = arith.addi %mul3A_774, %add3A_775 : i32
        %slice3A_777 = vector.extract_strided_slice %bitcast_convert_type3A {offsets = [8], sizes = [1], strides = [1]} : vector<16xf32> to vector<1xf32>
        %squeeze3A_778 = vector.extract %slice3A_777[0] : f32 from vector<1xf32>
        %broadcast_in_dim3A_779 = vector.broadcast %squeeze3A_778 : f32 to vector<16xf32>
        %get3A_780 = arith.index_cast %add3A_776 : i32 to index
        %get3A_781 = arith.constant 0 : index
        %get3A_782 = tpu.vector_load %arg9[%get3A_780, %get3A_781] {strides = array<i32>} : memref<128x128xf32, #tpu.memory_space<vmem>>, vector<1x16xf32>,
        %get3A_783 = vector.shape_cast %get3A_782 : vector<1x16xf32> to vector<16xf32>
        %mul3A_784 = arith.mulf %get3A_783, %broadcast_in_dim3A_779 : vector<16xf32>
        %swap3A_785 = arith.index_cast %add3A_776 : i32 to index
        %swap3A_786 = arith.constant 64 : index
        %swap3A_787 = tpu.vector_load %arg9[%swap3A_785, %swap3A_786] {strides = array<i32>} : memref<128x128xf32, #tpu.memory_space<vmem>>, vector<1x16xf32>,
        %swap3A_788 = vector.shape_cast %swap3A_787 : vector<1x16xf32> to vector<16xf32>
        %swap3A_789 = vector.shape_cast %mul3A_784 : vector<16xf32> to vector<1x16xf32>
        tpu.vector_store %arg9[%swap3A_785, %swap3A_786], %swap3A_789 {strides = array<i32>} : memref<128x128xf32, #tpu.memory_space<vmem>>, vector<1x16xf32>,
        %swap3A_790 = arith.index_cast %add3A_776 : i32 to index
        %swap3A_791 = arith.constant 0 : index
        %swap3A_792 = tpu.vector_load %arg9[%swap3A_790, %swap3A_791] {strides = array<i32>} : memref<128x128xf32, #tpu.memory_space<vmem>>, vector<1x16xf32>,
        %swap3A_793 = vector.shape_cast %swap3A_792 : vector<1x16xf32> to vector<16xf32>
        %swap3A_794 = vector.shape_cast %broadcast_in_dim3A_176 : vector<16xf32> to vector<1x16xf32>
        tpu.vector_store %arg9[%swap3A_790, %swap3A_791], %swap3A_794 {strides = array<i32>} : memref<128x128xf32, #tpu.memory_space<vmem>>, vector<1x16xf32>,
        %get3A_795 = arith.index_cast %add3A_776 : i32 to index
        %get3A_796 = arith.constant 16 : index
        %get3A_797 = tpu.vector_load %arg9[%get3A_795, %get3A_796] {strides = array<i32>} : memref<128x128xf32, #tpu.memory_space<vmem>>, vector<1x16xf32>,
        %get3A_798 = vector.shape_cast %get3A_797 : vector<1x16xf32> to vector<16xf32>
        %mul3A_799 = arith.mulf %get3A_798, %broadcast_in_dim3A_779 : vector<16xf32>
        %swap3A_800 = arith.index_cast %add3A_776 : i32 to index
        %swap3A_801 = arith.constant 80 : index
        %swap3A_802 = tpu.vector_load %arg9[%swap3A_800, %swap3A_801] {strides = array<i32>} : memref<128x128xf32, #tpu.memory_space<vmem>>, vector<1x16xf32>,
        %swap3A_803 = vector.shape_cast %swap3A_802 : vector<1x16xf32> to vector<16xf32>
        %swap3A_804 = vector.shape_cast %mul3A_799 : vector<16xf32> to vector<1x16xf32>
        tpu.vector_store %arg9[%swap3A_800, %swap3A_801], %swap3A_804 {strides = array<i32>} : memref<128x128xf32, #tpu.memory_space<vmem>>, vector<1x16xf32>,
        %swap3A_805 = arith.index_cast %add3A_776 : i32 to index
        %swap3A_806 = arith.constant 16 : index
        %swap3A_807 = tpu.vector_load %arg9[%swap3A_805, %swap3A_806] {strides = array<i32>} : memref<128x128xf32, #tpu.memory_space<vmem>>, vector<1x16xf32>,
        %swap3A_808 = vector.shape_cast %swap3A_807 : vector<1x16xf32> to vector<16xf32>
        %swap3A_809 = vector.shape_cast %broadcast_in_dim3A_176 : vector<16xf32> to vector<1x16xf32>
        tpu.vector_store %arg9[%swap3A_805, %swap3A_806], %swap3A_809 {strides = array<i32>} : memref<128x128xf32, #tpu.memory_space<vmem>>, vector<1x16xf32>,
        %get3A_810 = arith.index_cast %add3A_776 : i32 to index
        %get3A_811 = arith.constant 32 : index
        %get3A_812 = tpu.vector_load %arg9[%get3A_810, %get3A_811] {strides = array<i32>} : memref<128x128xf32, #tpu.memory_space<vmem>>, vector<1x16xf32>,
        %get3A_813 = vector.shape_cast %get3A_812 : vector<1x16xf32> to vector<16xf32>
        %mul3A_814 = arith.mulf %get3A_813, %broadcast_in_dim3A_779 : vector<16xf32>
        %swap3A_815 = arith.index_cast %add3A_776 : i32 to index
        %swap3A_816 = arith.constant 96 : index
        %swap3A_817 = tpu.vector_load %arg9[%swap3A_815, %swap3A_816] {strides = array<i32>} : memref<128x128xf32, #tpu.memory_space<vmem>>, vector<1x16xf32>,
        %swap3A_818 = vector.shape_cast %swap3A_817 : vector<1x16xf32> to vector<16xf32>
        %swap3A_819 = vector.shape_cast %mul3A_814 : vector<16xf32> to vector<1x16xf32>
        tpu.vector_store %arg9[%swap3A_815, %swap3A_816], %swap3A_819 {strides = array<i32>} : memref<128x128xf32, #tpu.memory_space<vmem>>, vector<1x16xf32>,
        %swap3A_820 = arith.index_cast %add3A_776 : i32 to index
        %swap3A_821 = arith.constant 32 : index
        %swap3A_822 = tpu.vector_load %arg9[%swap3A_820, %swap3A_821] {strides = array<i32>} : memref<128x128xf32, #tpu.memory_space<vmem>>, vector<1x16xf32>,
        %swap3A_823 = vector.shape_cast %swap3A_822 : vector<1x16xf32> to vector<16xf32>
        %swap3A_824 = vector.shape_cast %broadcast_in_dim3A_176 : vector<16xf32> to vector<1x16xf32>
        tpu.vector_store %arg9[%swap3A_820, %swap3A_821], %swap3A_824 {strides = array<i32>} : memref<128x128xf32, #tpu.memory_space<vmem>>, vector<1x16xf32>,
        %get3A_825 = arith.index_cast %add3A_776 : i32 to index
        %get3A_826 = arith.constant 48 : index
        %get3A_827 = tpu.vector_load %arg9[%get3A_825, %get3A_826] {strides = array<i32>} : memref<128x128xf32, #tpu.memory_space<vmem>>, vector<1x16xf32>,
        %get3A_828 = vector.shape_cast %get3A_827 : vector<1x16xf32> to vector<16xf32>
        %mul3A_829 = arith.mulf %get3A_828, %broadcast_in_dim3A_779 : vector<16xf32>
        %swap3A_830 = arith.index_cast %add3A_776 : i32 to index
        %swap3A_831 = arith.constant 112 : index
        %swap3A_832 = tpu.vector_load %arg9[%swap3A_830, %swap3A_831] {strides = array<i32>} : memref<128x128xf32, #tpu.memory_space<vmem>>, vector<1x16xf32>,
        %swap3A_833 = vector.shape_cast %swap3A_832 : vector<1x16xf32> to vector<16xf32>
        %swap3A_834 = vector.shape_cast %mul3A_829 : vector<16xf32> to vector<1x16xf32>
        tpu.vector_store %arg9[%swap3A_830, %swap3A_831], %swap3A_834 {strides = array<i32>} : memref<128x128xf32, #tpu.memory_space<vmem>>, vector<1x16xf32>,
        %swap3A_835 = arith.index_cast %add3A_776 : i32 to index
        %swap3A_836 = arith.constant 48 : index
        %swap3A_837 = tpu.vector_load %arg9[%swap3A_835, %swap3A_836] {strides = array<i32>} : memref<128x128xf32, #tpu.memory_space<vmem>>, vector<1x16xf32>,
        %swap3A_838 = vector.shape_cast %swap3A_837 : vector<1x16xf32> to vector<16xf32>
        %swap3A_839 = vector.shape_cast %broadcast_in_dim3A_176 : vector<16xf32> to vector<1x16xf32>
        tpu.vector_store %arg9[%swap3A_835, %swap3A_836], %swap3A_839 {strides = array<i32>} : memref<128x128xf32, #tpu.memory_space<vmem>>, vector<1x16xf32>,
        %mul3A_840 = arith.constant 16 : i32
        %mul3A_841 = arith.muli %scan3A_230, %mul3A_840 : i32
        %add3A_842 = arith.constant 9 : i32
        %add3A_843 = arith.addi %mul3A_841, %add3A_842 : i32
        %slice3A_844 = vector.extract_strided_slice %bitcast_convert_type3A {offsets = [9], sizes = [1], strides = [1]} : vector<16xf32> to vector<1xf32>
        %squeeze3A_845 = vector.extract %slice3A_844[0] : f32 from vector<1xf32>
        %broadcast_in_dim3A_846 = vector.broadcast %squeeze3A_845 : f32 to vector<16xf32>
        %get3A_847 = arith.index_cast %add3A_843 : i32 to index
        %get3A_848 = arith.constant 0 : index
        %get3A_849 = tpu.vector_load %arg9[%get3A_847, %get3A_848] {strides = array<i32>} : memref<128x128xf32, #tpu.memory_space<vmem>>, vector<1x16xf32>,
        %get3A_850 = vector.shape_cast %get3A_849 : vector<1x16xf32> to vector<16xf32>
        %mul3A_851 = arith.mulf %get3A_850, %broadcast_in_dim3A_846 : vector<16xf32>
        %swap3A_852 = arith.index_cast %add3A_843 : i32 to index
        %swap3A_853 = arith.constant 64 : index
        %swap3A_854 = tpu.vector_load %arg9[%swap3A_852, %swap3A_853] {strides = array<i32>} : memref<128x128xf32, #tpu.memory_space<vmem>>, vector<1x16xf32>,
        %swap3A_855 = vector.shape_cast %swap3A_854 : vector<1x16xf32> to vector<16xf32>
        %swap3A_856 = vector.shape_cast %mul3A_851 : vector<16xf32> to vector<1x16xf32>
        tpu.vector_store %arg9[%swap3A_852, %swap3A_853], %swap3A_856 {strides = array<i32>} : memref<128x128xf32, #tpu.memory_space<vmem>>, vector<1x16xf32>,
        %swap3A_857 = arith.index_cast %add3A_843 : i32 to index
        %swap3A_858 = arith.constant 0 : index
        %swap3A_859 = tpu.vector_load %arg9[%swap3A_857, %swap3A_858] {strides = array<i32>} : memref<128x128xf32, #tpu.memory_space<vmem>>, vector<1x16xf32>,
        %swap3A_860 = vector.shape_cast %swap3A_859 : vector<1x16xf32> to vector<16xf32>
        %swap3A_861 = vector.shape_cast %broadcast_in_dim3A_176 : vector<16xf32> to vector<1x16xf32>
        tpu.vector_store %arg9[%swap3A_857, %swap3A_858], %swap3A_861 {strides = array<i32>} : memref<128x128xf32, #tpu.memory_space<vmem>>, vector<1x16xf32>,
        %get3A_862 = arith.index_cast %add3A_843 : i32 to index
        %get3A_863 = arith.constant 16 : index
        %get3A_864 = tpu.vector_load %arg9[%get3A_862, %get3A_863] {strides = array<i32>} : memref<128x128xf32, #tpu.memory_space<vmem>>, vector<1x16xf32>,
        %get3A_865 = vector.shape_cast %get3A_864 : vector<1x16xf32> to vector<16xf32>
        %mul3A_866 = arith.mulf %get3A_865, %broadcast_in_dim3A_846 : vector<16xf32>
        %swap3A_867 = arith.index_cast %add3A_843 : i32 to index
        %swap3A_868 = arith.constant 80 : index
        %swap3A_869 = tpu.vector_load %arg9[%swap3A_867, %swap3A_868] {strides = array<i32>} : memref<128x128xf32, #tpu.memory_space<vmem>>, vector<1x16xf32>,
        %swap3A_870 = vector.shape_cast %swap3A_869 : vector<1x16xf32> to vector<16xf32>
        %swap3A_871 = vector.shape_cast %mul3A_866 : vector<16xf32> to vector<1x16xf32>
        tpu.vector_store %arg9[%swap3A_867, %swap3A_868], %swap3A_871 {strides = array<i32>} : memref<128x128xf32, #tpu.memory_space<vmem>>, vector<1x16xf32>,
        %swap3A_872 = arith.index_cast %add3A_843 : i32 to index
        %swap3A_873 = arith.constant 16 : index
        %swap3A_874 = tpu.vector_load %arg9[%swap3A_872, %swap3A_873] {strides = array<i32>} : memref<128x128xf32, #tpu.memory_space<vmem>>, vector<1x16xf32>,
        %swap3A_875 = vector.shape_cast %swap3A_874 : vector<1x16xf32> to vector<16xf32>
        %swap3A_876 = vector.shape_cast %broadcast_in_dim3A_176 : vector<16xf32> to vector<1x16xf32>
        tpu.vector_store %arg9[%swap3A_872, %swap3A_873], %swap3A_876 {strides = array<i32>} : memref<128x128xf32, #tpu.memory_space<vmem>>, vector<1x16xf32>,
        %get3A_877 = arith.index_cast %add3A_843 : i32 to index
        %get3A_878 = arith.constant 32 : index
        %get3A_879 = tpu.vector_load %arg9[%get3A_877, %get3A_878] {strides = array<i32>} : memref<128x128xf32, #tpu.memory_space<vmem>>, vector<1x16xf32>,
        %get3A_880 = vector.shape_cast %get3A_879 : vector<1x16xf32> to vector<16xf32>
        %mul3A_881 = arith.mulf %get3A_880, %broadcast_in_dim3A_846 : vector<16xf32>
        %swap3A_882 = arith.index_cast %add3A_843 : i32 to index
        %swap3A_883 = arith.constant 96 : index
        %swap3A_884 = tpu.vector_load %arg9[%swap3A_882, %swap3A_883] {strides = array<i32>} : memref<128x128xf32, #tpu.memory_space<vmem>>, vector<1x16xf32>,
        %swap3A_885 = vector.shape_cast %swap3A_884 : vector<1x16xf32> to vector<16xf32>
        %swap3A_886 = vector.shape_cast %mul3A_881 : vector<16xf32> to vector<1x16xf32>
        tpu.vector_store %arg9[%swap3A_882, %swap3A_883], %swap3A_886 {strides = array<i32>} : memref<128x128xf32, #tpu.memory_space<vmem>>, vector<1x16xf32>,
        %swap3A_887 = arith.index_cast %add3A_843 : i32 to index
        %swap3A_888 = arith.constant 32 : index
        %swap3A_889 = tpu.vector_load %arg9[%swap3A_887, %swap3A_888] {strides = array<i32>} : memref<128x128xf32, #tpu.memory_space<vmem>>, vector<1x16xf32>,
        %swap3A_890 = vector.shape_cast %swap3A_889 : vector<1x16xf32> to vector<16xf32>
        %swap3A_891 = vector.shape_cast %broadcast_in_dim3A_176 : vector<16xf32> to vector<1x16xf32>
        tpu.vector_store %arg9[%swap3A_887, %swap3A_888], %swap3A_891 {strides = array<i32>} : memref<128x128xf32, #tpu.memory_space<vmem>>, vector<1x16xf32>,
        %get3A_892 = arith.index_cast %add3A_843 : i32 to index
        %get3A_893 = arith.constant 48 : index
        %get3A_894 = tpu.vector_load %arg9[%get3A_892, %get3A_893] {strides = array<i32>} : memref<128x128xf32, #tpu.memory_space<vmem>>, vector<1x16xf32>,
        %get3A_895 = vector.shape_cast %get3A_894 : vector<1x16xf32> to vector<16xf32>
        %mul3A_896 = arith.mulf %get3A_895, %broadcast_in_dim3A_846 : vector<16xf32>
        %swap3A_897 = arith.index_cast %add3A_843 : i32 to index
        %swap3A_898 = arith.constant 112 : index
        %swap3A_899 = tpu.vector_load %arg9[%swap3A_897, %swap3A_898] {strides = array<i32>} : memref<128x128xf32, #tpu.memory_space<vmem>>, vector<1x16xf32>,
        %swap3A_900 = vector.shape_cast %swap3A_899 : vector<1x16xf32> to vector<16xf32>
        %swap3A_901 = vector.shape_cast %mul3A_896 : vector<16xf32> to vector<1x16xf32>
        tpu.vector_store %arg9[%swap3A_897, %swap3A_898], %swap3A_901 {strides = array<i32>} : memref<128x128xf32, #tpu.memory_space<vmem>>, vector<1x16xf32>,
        %swap3A_902 = arith.index_cast %add3A_843 : i32 to index
        %swap3A_903 = arith.constant 48 : index
        %swap3A_904 = tpu.vector_load %arg9[%swap3A_902, %swap3A_903] {strides = array<i32>} : memref<128x128xf32, #tpu.memory_space<vmem>>, vector<1x16xf32>,
        %swap3A_905 = vector.shape_cast %swap3A_904 : vector<1x16xf32> to vector<16xf32>
        %swap3A_906 = vector.shape_cast %broadcast_in_dim3A_176 : vector<16xf32> to vector<1x16xf32>
        tpu.vector_store %arg9[%swap3A_902, %swap3A_903], %swap3A_906 {strides = array<i32>} : memref<128x128xf32, #tpu.memory_space<vmem>>, vector<1x16xf32>,
        %mul3A_907 = arith.constant 16 : i32
        %mul3A_908 = arith.muli %scan3A_230, %mul3A_907 : i32
        %add3A_909 = arith.constant 10 : i32
        %add3A_910 = arith.addi %mul3A_908, %add3A_909 : i32
        %slice3A_911 = vector.extract_strided_slice %bitcast_convert_type3A {offsets = [10], sizes = [1], strides = [1]} : vector<16xf32> to vector<1xf32>
        %squeeze3A_912 = vector.extract %slice3A_911[0] : f32 from vector<1xf32>
        %broadcast_in_dim3A_913 = vector.broadcast %squeeze3A_912 : f32 to vector<16xf32>
        %get3A_914 = arith.index_cast %add3A_910 : i32 to index
        %get3A_915 = arith.constant 0 : index
        %get3A_916 = tpu.vector_load %arg9[%get3A_914, %get3A_915] {strides = array<i32>} : memref<128x128xf32, #tpu.memory_space<vmem>>, vector<1x16xf32>,
        %get3A_917 = vector.shape_cast %get3A_916 : vector<1x16xf32> to vector<16xf32>
        %mul3A_918 = arith.mulf %get3A_917, %broadcast_in_dim3A_913 : vector<16xf32>
        %swap3A_919 = arith.index_cast %add3A_910 : i32 to index
        %swap3A_920 = arith.constant 64 : index
        %swap3A_921 = tpu.vector_load %arg9[%swap3A_919, %swap3A_920] {strides = array<i32>} : memref<128x128xf32, #tpu.memory_space<vmem>>, vector<1x16xf32>,
        %swap3A_922 = vector.shape_cast %swap3A_921 : vector<1x16xf32> to vector<16xf32>
        %swap3A_923 = vector.shape_cast %mul3A_918 : vector<16xf32> to vector<1x16xf32>
        tpu.vector_store %arg9[%swap3A_919, %swap3A_920], %swap3A_923 {strides = array<i32>} : memref<128x128xf32, #tpu.memory_space<vmem>>, vector<1x16xf32>,
        %swap3A_924 = arith.index_cast %add3A_910 : i32 to index
        %swap3A_925 = arith.constant 0 : index
        %swap3A_926 = tpu.vector_load %arg9[%swap3A_924, %swap3A_925] {strides = array<i32>} : memref<128x128xf32, #tpu.memory_space<vmem>>, vector<1x16xf32>,
        %swap3A_927 = vector.shape_cast %swap3A_926 : vector<1x16xf32> to vector<16xf32>
        %swap3A_928 = vector.shape_cast %broadcast_in_dim3A_176 : vector<16xf32> to vector<1x16xf32>
        tpu.vector_store %arg9[%swap3A_924, %swap3A_925], %swap3A_928 {strides = array<i32>} : memref<128x128xf32, #tpu.memory_space<vmem>>, vector<1x16xf32>,
        %get3A_929 = arith.index_cast %add3A_910 : i32 to index
        %get3A_930 = arith.constant 16 : index
        %get3A_931 = tpu.vector_load %arg9[%get3A_929, %get3A_930] {strides = array<i32>} : memref<128x128xf32, #tpu.memory_space<vmem>>, vector<1x16xf32>,
        %get3A_932 = vector.shape_cast %get3A_931 : vector<1x16xf32> to vector<16xf32>
        %mul3A_933 = arith.mulf %get3A_932, %broadcast_in_dim3A_913 : vector<16xf32>
        %swap3A_934 = arith.index_cast %add3A_910 : i32 to index
        %swap3A_935 = arith.constant 80 : index
        %swap3A_936 = tpu.vector_load %arg9[%swap3A_934, %swap3A_935] {strides = array<i32>} : memref<128x128xf32, #tpu.memory_space<vmem>>, vector<1x16xf32>,
        %swap3A_937 = vector.shape_cast %swap3A_936 : vector<1x16xf32> to vector<16xf32>
        %swap3A_938 = vector.shape_cast %mul3A_933 : vector<16xf32> to vector<1x16xf32>
        tpu.vector_store %arg9[%swap3A_934, %swap3A_935], %swap3A_938 {strides = array<i32>} : memref<128x128xf32, #tpu.memory_space<vmem>>, vector<1x16xf32>,
        %swap3A_939 = arith.index_cast %add3A_910 : i32 to index
        %swap3A_940 = arith.constant 16 : index
        %swap3A_941 = tpu.vector_load %arg9[%swap3A_939, %swap3A_940] {strides = array<i32>} : memref<128x128xf32, #tpu.memory_space<vmem>>, vector<1x16xf32>,
        %swap3A_942 = vector.shape_cast %swap3A_941 : vector<1x16xf32> to vector<16xf32>
        %swap3A_943 = vector.shape_cast %broadcast_in_dim3A_176 : vector<16xf32> to vector<1x16xf32>
        tpu.vector_store %arg9[%swap3A_939, %swap3A_940], %swap3A_943 {strides = array<i32>} : memref<128x128xf32, #tpu.memory_space<vmem>>, vector<1x16xf32>,
        %get3A_944 = arith.index_cast %add3A_910 : i32 to index
        %get3A_945 = arith.constant 32 : index
        %get3A_946 = tpu.vector_load %arg9[%get3A_944, %get3A_945] {strides = array<i32>} : memref<128x128xf32, #tpu.memory_space<vmem>>, vector<1x16xf32>,
        %get3A_947 = vector.shape_cast %get3A_946 : vector<1x16xf32> to vector<16xf32>
        %mul3A_948 = arith.mulf %get3A_947, %broadcast_in_dim3A_913 : vector<16xf32>
        %swap3A_949 = arith.index_cast %add3A_910 : i32 to index
        %swap3A_950 = arith.constant 96 : index
        %swap3A_951 = tpu.vector_load %arg9[%swap3A_949, %swap3A_950] {strides = array<i32>} : memref<128x128xf32, #tpu.memory_space<vmem>>, vector<1x16xf32>,
        %swap3A_952 = vector.shape_cast %swap3A_951 : vector<1x16xf32> to vector<16xf32>
        %swap3A_953 = vector.shape_cast %mul3A_948 : vector<16xf32> to vector<1x16xf32>
        tpu.vector_store %arg9[%swap3A_949, %swap3A_950], %swap3A_953 {strides = array<i32>} : memref<128x128xf32, #tpu.memory_space<vmem>>, vector<1x16xf32>,
        %swap3A_954 = arith.index_cast %add3A_910 : i32 to index
        %swap3A_955 = arith.constant 32 : index
        %swap3A_956 = tpu.vector_load %arg9[%swap3A_954, %swap3A_955] {strides = array<i32>} : memref<128x128xf32, #tpu.memory_space<vmem>>, vector<1x16xf32>,
        %swap3A_957 = vector.shape_cast %swap3A_956 : vector<1x16xf32> to vector<16xf32>
        %swap3A_958 = vector.shape_cast %broadcast_in_dim3A_176 : vector<16xf32> to vector<1x16xf32>
        tpu.vector_store %arg9[%swap3A_954, %swap3A_955], %swap3A_958 {strides = array<i32>} : memref<128x128xf32, #tpu.memory_space<vmem>>, vector<1x16xf32>,
        %get3A_959 = arith.index_cast %add3A_910 : i32 to index
        %get3A_960 = arith.constant 48 : index
        %get3A_961 = tpu.vector_load %arg9[%get3A_959, %get3A_960] {strides = array<i32>} : memref<128x128xf32, #tpu.memory_space<vmem>>, vector<1x16xf32>,
        %get3A_962 = vector.shape_cast %get3A_961 : vector<1x16xf32> to vector<16xf32>
        %mul3A_963 = arith.mulf %get3A_962, %broadcast_in_dim3A_913 : vector<16xf32>
        %swap3A_964 = arith.index_cast %add3A_910 : i32 to index
        %swap3A_965 = arith.constant 112 : index
        %swap3A_966 = tpu.vector_load %arg9[%swap3A_964, %swap3A_965] {strides = array<i32>} : memref<128x128xf32, #tpu.memory_space<vmem>>, vector<1x16xf32>,
        %swap3A_967 = vector.shape_cast %swap3A_966 : vector<1x16xf32> to vector<16xf32>
        %swap3A_968 = vector.shape_cast %mul3A_963 : vector<16xf32> to vector<1x16xf32>
        tpu.vector_store %arg9[%swap3A_964, %swap3A_965], %swap3A_968 {strides = array<i32>} : memref<128x128xf32, #tpu.memory_space<vmem>>, vector<1x16xf32>,
        %swap3A_969 = arith.index_cast %add3A_910 : i32 to index
        %swap3A_970 = arith.constant 48 : index
        %swap3A_971 = tpu.vector_load %arg9[%swap3A_969, %swap3A_970] {strides = array<i32>} : memref<128x128xf32, #tpu.memory_space<vmem>>, vector<1x16xf32>,
        %swap3A_972 = vector.shape_cast %swap3A_971 : vector<1x16xf32> to vector<16xf32>
        %swap3A_973 = vector.shape_cast %broadcast_in_dim3A_176 : vector<16xf32> to vector<1x16xf32>
        tpu.vector_store %arg9[%swap3A_969, %swap3A_970], %swap3A_973 {strides = array<i32>} : memref<128x128xf32, #tpu.memory_space<vmem>>, vector<1x16xf32>,
        %mul3A_974 = arith.constant 16 : i32
        %mul3A_975 = arith.muli %scan3A_230, %mul3A_974 : i32
        %add3A_976 = arith.constant 11 : i32
        %add3A_977 = arith.addi %mul3A_975, %add3A_976 : i32
        %slice3A_978 = vector.extract_strided_slice %bitcast_convert_type3A {offsets = [11], sizes = [1], strides = [1]} : vector<16xf32> to vector<1xf32>
        %squeeze3A_979 = vector.extract %slice3A_978[0] : f32 from vector<1xf32>
        %broadcast_in_dim3A_980 = vector.broadcast %squeeze3A_979 : f32 to vector<16xf32>
        %get3A_981 = arith.index_cast %add3A_977 : i32 to index
        %get3A_982 = arith.constant 0 : index
        %get3A_983 = tpu.vector_load %arg9[%get3A_981, %get3A_982] {strides = array<i32>} : memref<128x128xf32, #tpu.memory_space<vmem>>, vector<1x16xf32>,
        %get3A_984 = vector.shape_cast %get3A_983 : vector<1x16xf32> to vector<16xf32>
        %mul3A_985 = arith.mulf %get3A_984, %broadcast_in_dim3A_980 : vector<16xf32>
        %swap3A_986 = arith.index_cast %add3A_977 : i32 to index
        %swap3A_987 = arith.constant 64 : index
        %swap3A_988 = tpu.vector_load %arg9[%swap3A_986, %swap3A_987] {strides = array<i32>} : memref<128x128xf32, #tpu.memory_space<vmem>>, vector<1x16xf32>,
        %swap3A_989 = vector.shape_cast %swap3A_988 : vector<1x16xf32> to vector<16xf32>
        %swap3A_990 = vector.shape_cast %mul3A_985 : vector<16xf32> to vector<1x16xf32>
        tpu.vector_store %arg9[%swap3A_986, %swap3A_987], %swap3A_990 {strides = array<i32>} : memref<128x128xf32, #tpu.memory_space<vmem>>, vector<1x16xf32>,
        %swap3A_991 = arith.index_cast %add3A_977 : i32 to index
        %swap3A_992 = arith.constant 0 : index
        %swap3A_993 = tpu.vector_load %arg9[%swap3A_991, %swap3A_992] {strides = array<i32>} : memref<128x128xf32, #tpu.memory_space<vmem>>, vector<1x16xf32>,
        %swap3A_994 = vector.shape_cast %swap3A_993 : vector<1x16xf32> to vector<16xf32>
        %swap3A_995 = vector.shape_cast %broadcast_in_dim3A_176 : vector<16xf32> to vector<1x16xf32>
        tpu.vector_store %arg9[%swap3A_991, %swap3A_992], %swap3A_995 {strides = array<i32>} : memref<128x128xf32, #tpu.memory_space<vmem>>, vector<1x16xf32>,
        %get3A_996 = arith.index_cast %add3A_977 : i32 to index
        %get3A_997 = arith.constant 16 : index
        %get3A_998 = tpu.vector_load %arg9[%get3A_996, %get3A_997] {strides = array<i32>} : memref<128x128xf32, #tpu.memory_space<vmem>>, vector<1x16xf32>,
        %get3A_999 = vector.shape_cast %get3A_998 : vector<1x16xf32> to vector<16xf32>
        %mul3A_1000 = arith.mulf %get3A_999, %broadcast_in_dim3A_980 : vector<16xf32>
        %swap3A_1001 = arith.index_cast %add3A_977 : i32 to index
        %swap3A_1002 = arith.constant 80 : index
        %swap3A_1003 = tpu.vector_load %arg9[%swap3A_1001, %swap3A_1002] {strides = array<i32>} : memref<128x128xf32, #tpu.memory_space<vmem>>, vector<1x16xf32>,
        %swap3A_1004 = vector.shape_cast %swap3A_1003 : vector<1x16xf32> to vector<16xf32>
        %swap3A_1005 = vector.shape_cast %mul3A_1000 : vector<16xf32> to vector<1x16xf32>
        tpu.vector_store %arg9[%swap3A_1001, %swap3A_1002], %swap3A_1005 {strides = array<i32>} : memref<128x128xf32, #tpu.memory_space<vmem>>, vector<1x16xf32>,
        %swap3A_1006 = arith.index_cast %add3A_977 : i32 to index
        %swap3A_1007 = arith.constant 16 : index
        %swap3A_1008 = tpu.vector_load %arg9[%swap3A_1006, %swap3A_1007] {strides = array<i32>} : memref<128x128xf32, #tpu.memory_space<vmem>>, vector<1x16xf32>,
        %swap3A_1009 = vector.shape_cast %swap3A_1008 : vector<1x16xf32> to vector<16xf32>
        %swap3A_1010 = vector.shape_cast %broadcast_in_dim3A_176 : vector<16xf32> to vector<1x16xf32>
        tpu.vector_store %arg9[%swap3A_1006, %swap3A_1007], %swap3A_1010 {strides = array<i32>} : memref<128x128xf32, #tpu.memory_space<vmem>>, vector<1x16xf32>,
        %get3A_1011 = arith.index_cast %add3A_977 : i32 to index
        %get3A_1012 = arith.constant 32 : index
        %get3A_1013 = tpu.vector_load %arg9[%get3A_1011, %get3A_1012] {strides = array<i32>} : memref<128x128xf32, #tpu.memory_space<vmem>>, vector<1x16xf32>,
        %get3A_1014 = vector.shape_cast %get3A_1013 : vector<1x16xf32> to vector<16xf32>
        %mul3A_1015 = arith.mulf %get3A_1014, %broadcast_in_dim3A_980 : vector<16xf32>
        %swap3A_1016 = arith.index_cast %add3A_977 : i32 to index
        %swap3A_1017 = arith.constant 96 : index
        %swap3A_1018 = tpu.vector_load %arg9[%swap3A_1016, %swap3A_1017] {strides = array<i32>} : memref<128x128xf32, #tpu.memory_space<vmem>>, vector<1x16xf32>,
        %swap3A_1019 = vector.shape_cast %swap3A_1018 : vector<1x16xf32> to vector<16xf32>
        %swap3A_1020 = vector.shape_cast %mul3A_1015 : vector<16xf32> to vector<1x16xf32>
        tpu.vector_store %arg9[%swap3A_1016, %swap3A_1017], %swap3A_1020 {strides = array<i32>} : memref<128x128xf32, #tpu.memory_space<vmem>>, vector<1x16xf32>,
        %swap3A_1021 = arith.index_cast %add3A_977 : i32 to index
        %swap3A_1022 = arith.constant 32 : index
        %swap3A_1023 = tpu.vector_load %arg9[%swap3A_1021, %swap3A_1022] {strides = array<i32>} : memref<128x128xf32, #tpu.memory_space<vmem>>, vector<1x16xf32>,
        %swap3A_1024 = vector.shape_cast %swap3A_1023 : vector<1x16xf32> to vector<16xf32>
        %swap3A_1025 = vector.shape_cast %broadcast_in_dim3A_176 : vector<16xf32> to vector<1x16xf32>
        tpu.vector_store %arg9[%swap3A_1021, %swap3A_1022], %swap3A_1025 {strides = array<i32>} : memref<128x128xf32, #tpu.memory_space<vmem>>, vector<1x16xf32>,
        %get3A_1026 = arith.index_cast %add3A_977 : i32 to index
        %get3A_1027 = arith.constant 48 : index
        %get3A_1028 = tpu.vector_load %arg9[%get3A_1026, %get3A_1027] {strides = array<i32>} : memref<128x128xf32, #tpu.memory_space<vmem>>, vector<1x16xf32>,
        %get3A_1029 = vector.shape_cast %get3A_1028 : vector<1x16xf32> to vector<16xf32>
        %mul3A_1030 = arith.mulf %get3A_1029, %broadcast_in_dim3A_980 : vector<16xf32>
        %swap3A_1031 = arith.index_cast %add3A_977 : i32 to index
        %swap3A_1032 = arith.constant 112 : index
        %swap3A_1033 = tpu.vector_load %arg9[%swap3A_1031, %swap3A_1032] {strides = array<i32>} : memref<128x128xf32, #tpu.memory_space<vmem>>, vector<1x16xf32>,
        %swap3A_1034 = vector.shape_cast %swap3A_1033 : vector<1x16xf32> to vector<16xf32>
        %swap3A_1035 = vector.shape_cast %mul3A_1030 : vector<16xf32> to vector<1x16xf32>
        tpu.vector_store %arg9[%swap3A_1031, %swap3A_1032], %swap3A_1035 {strides = array<i32>} : memref<128x128xf32, #tpu.memory_space<vmem>>, vector<1x16xf32>,
        %swap3A_1036 = arith.index_cast %add3A_977 : i32 to index
        %swap3A_1037 = arith.constant 48 : index
        %swap3A_1038 = tpu.vector_load %arg9[%swap3A_1036, %swap3A_1037] {strides = array<i32>} : memref<128x128xf32, #tpu.memory_space<vmem>>, vector<1x16xf32>,
        %swap3A_1039 = vector.shape_cast %swap3A_1038 : vector<1x16xf32> to vector<16xf32>
        %swap3A_1040 = vector.shape_cast %broadcast_in_dim3A_176 : vector<16xf32> to vector<1x16xf32>
        tpu.vector_store %arg9[%swap3A_1036, %swap3A_1037], %swap3A_1040 {strides = array<i32>} : memref<128x128xf32, #tpu.memory_space<vmem>>, vector<1x16xf32>,
        %mul3A_1041 = arith.constant 16 : i32
        %mul3A_1042 = arith.muli %scan3A_230, %mul3A_1041 : i32
        %add3A_1043 = arith.constant 12 : i32
        %add3A_1044 = arith.addi %mul3A_1042, %add3A_1043 : i32
        %slice3A_1045 = vector.extract_strided_slice %bitcast_convert_type3A {offsets = [12], sizes = [1], strides = [1]} : vector<16xf32> to vector<1xf32>
        %squeeze3A_1046 = vector.extract %slice3A_1045[0] : f32 from vector<1xf32>
        %broadcast_in_dim3A_1047 = vector.broadcast %squeeze3A_1046 : f32 to vector<16xf32>
        %get3A_1048 = arith.index_cast %add3A_1044 : i32 to index
        %get3A_1049 = arith.constant 0 : index
        %get3A_1050 = tpu.vector_load %arg9[%get3A_1048, %get3A_1049] {strides = array<i32>} : memref<128x128xf32, #tpu.memory_space<vmem>>, vector<1x16xf32>,
        %get3A_1051 = vector.shape_cast %get3A_1050 : vector<1x16xf32> to vector<16xf32>
        %mul3A_1052 = arith.mulf %get3A_1051, %broadcast_in_dim3A_1047 : vector<16xf32>
        %swap3A_1053 = arith.index_cast %add3A_1044 : i32 to index
        %swap3A_1054 = arith.constant 64 : index
        %swap3A_1055 = tpu.vector_load %arg9[%swap3A_1053, %swap3A_1054] {strides = array<i32>} : memref<128x128xf32, #tpu.memory_space<vmem>>, vector<1x16xf32>,
        %swap3A_1056 = vector.shape_cast %swap3A_1055 : vector<1x16xf32> to vector<16xf32>
        %swap3A_1057 = vector.shape_cast %mul3A_1052 : vector<16xf32> to vector<1x16xf32>
        tpu.vector_store %arg9[%swap3A_1053, %swap3A_1054], %swap3A_1057 {strides = array<i32>} : memref<128x128xf32, #tpu.memory_space<vmem>>, vector<1x16xf32>,
        %swap3A_1058 = arith.index_cast %add3A_1044 : i32 to index
        %swap3A_1059 = arith.constant 0 : index
        %swap3A_1060 = tpu.vector_load %arg9[%swap3A_1058, %swap3A_1059] {strides = array<i32>} : memref<128x128xf32, #tpu.memory_space<vmem>>, vector<1x16xf32>,
        %swap3A_1061 = vector.shape_cast %swap3A_1060 : vector<1x16xf32> to vector<16xf32>
        %swap3A_1062 = vector.shape_cast %broadcast_in_dim3A_176 : vector<16xf32> to vector<1x16xf32>
        tpu.vector_store %arg9[%swap3A_1058, %swap3A_1059], %swap3A_1062 {strides = array<i32>} : memref<128x128xf32, #tpu.memory_space<vmem>>, vector<1x16xf32>,
        %get3A_1063 = arith.index_cast %add3A_1044 : i32 to index
        %get3A_1064 = arith.constant 16 : index
        %get3A_1065 = tpu.vector_load %arg9[%get3A_1063, %get3A_1064] {strides = array<i32>} : memref<128x128xf32, #tpu.memory_space<vmem>>, vector<1x16xf32>,
        %get3A_1066 = vector.shape_cast %get3A_1065 : vector<1x16xf32> to vector<16xf32>
        %mul3A_1067 = arith.mulf %get3A_1066, %broadcast_in_dim3A_1047 : vector<16xf32>
        %swap3A_1068 = arith.index_cast %add3A_1044 : i32 to index
        %swap3A_1069 = arith.constant 80 : index
        %swap3A_1070 = tpu.vector_load %arg9[%swap3A_1068, %swap3A_1069] {strides = array<i32>} : memref<128x128xf32, #tpu.memory_space<vmem>>, vector<1x16xf32>,
        %swap3A_1071 = vector.shape_cast %swap3A_1070 : vector<1x16xf32> to vector<16xf32>
        %swap3A_1072 = vector.shape_cast %mul3A_1067 : vector<16xf32> to vector<1x16xf32>
        tpu.vector_store %arg9[%swap3A_1068, %swap3A_1069], %swap3A_1072 {strides = array<i32>} : memref<128x128xf32, #tpu.memory_space<vmem>>, vector<1x16xf32>,
        %swap3A_1073 = arith.index_cast %add3A_1044 : i32 to index
        %swap3A_1074 = arith.constant 16 : index
        %swap3A_1075 = tpu.vector_load %arg9[%swap3A_1073, %swap3A_1074] {strides = array<i32>} : memref<128x128xf32, #tpu.memory_space<vmem>>, vector<1x16xf32>,
        %swap3A_1076 = vector.shape_cast %swap3A_1075 : vector<1x16xf32> to vector<16xf32>
        %swap3A_1077 = vector.shape_cast %broadcast_in_dim3A_176 : vector<16xf32> to vector<1x16xf32>
        tpu.vector_store %arg9[%swap3A_1073, %swap3A_1074], %swap3A_1077 {strides = array<i32>} : memref<128x128xf32, #tpu.memory_space<vmem>>, vector<1x16xf32>,
        %get3A_1078 = arith.index_cast %add3A_1044 : i32 to index
        %get3A_1079 = arith.constant 32 : index
        %get3A_1080 = tpu.vector_load %arg9[%get3A_1078, %get3A_1079] {strides = array<i32>} : memref<128x128xf32, #tpu.memory_space<vmem>>, vector<1x16xf32>,
        %get3A_1081 = vector.shape_cast %get3A_1080 : vector<1x16xf32> to vector<16xf32>
        %mul3A_1082 = arith.mulf %get3A_1081, %broadcast_in_dim3A_1047 : vector<16xf32>
        %swap3A_1083 = arith.index_cast %add3A_1044 : i32 to index
        %swap3A_1084 = arith.constant 96 : index
        %swap3A_1085 = tpu.vector_load %arg9[%swap3A_1083, %swap3A_1084] {strides = array<i32>} : memref<128x128xf32, #tpu.memory_space<vmem>>, vector<1x16xf32>,
        %swap3A_1086 = vector.shape_cast %swap3A_1085 : vector<1x16xf32> to vector<16xf32>
        %swap3A_1087 = vector.shape_cast %mul3A_1082 : vector<16xf32> to vector<1x16xf32>
        tpu.vector_store %arg9[%swap3A_1083, %swap3A_1084], %swap3A_1087 {strides = array<i32>} : memref<128x128xf32, #tpu.memory_space<vmem>>, vector<1x16xf32>,
        %swap3A_1088 = arith.index_cast %add3A_1044 : i32 to index
        %swap3A_1089 = arith.constant 32 : index
        %swap3A_1090 = tpu.vector_load %arg9[%swap3A_1088, %swap3A_1089] {strides = array<i32>} : memref<128x128xf32, #tpu.memory_space<vmem>>, vector<1x16xf32>,
        %swap3A_1091 = vector.shape_cast %swap3A_1090 : vector<1x16xf32> to vector<16xf32>
        %swap3A_1092 = vector.shape_cast %broadcast_in_dim3A_176 : vector<16xf32> to vector<1x16xf32>
        tpu.vector_store %arg9[%swap3A_1088, %swap3A_1089], %swap3A_1092 {strides = array<i32>} : memref<128x128xf32, #tpu.memory_space<vmem>>, vector<1x16xf32>,
        %get3A_1093 = arith.index_cast %add3A_1044 : i32 to index
        %get3A_1094 = arith.constant 48 : index
        %get3A_1095 = tpu.vector_load %arg9[%get3A_1093, %get3A_1094] {strides = array<i32>} : memref<128x128xf32, #tpu.memory_space<vmem>>, vector<1x16xf32>,
        %get3A_1096 = vector.shape_cast %get3A_1095 : vector<1x16xf32> to vector<16xf32>
        %mul3A_1097 = arith.mulf %get3A_1096, %broadcast_in_dim3A_1047 : vector<16xf32>
        %swap3A_1098 = arith.index_cast %add3A_1044 : i32 to index
        %swap3A_1099 = arith.constant 112 : index
        %swap3A_1100 = tpu.vector_load %arg9[%swap3A_1098, %swap3A_1099] {strides = array<i32>} : memref<128x128xf32, #tpu.memory_space<vmem>>, vector<1x16xf32>,
        %swap3A_1101 = vector.shape_cast %swap3A_1100 : vector<1x16xf32> to vector<16xf32>
        %swap3A_1102 = vector.shape_cast %mul3A_1097 : vector<16xf32> to vector<1x16xf32>
        tpu.vector_store %arg9[%swap3A_1098, %swap3A_1099], %swap3A_1102 {strides = array<i32>} : memref<128x128xf32, #tpu.memory_space<vmem>>, vector<1x16xf32>,
        %swap3A_1103 = arith.index_cast %add3A_1044 : i32 to index
        %swap3A_1104 = arith.constant 48 : index
        %swap3A_1105 = tpu.vector_load %arg9[%swap3A_1103, %swap3A_1104] {strides = array<i32>} : memref<128x128xf32, #tpu.memory_space<vmem>>, vector<1x16xf32>,
        %swap3A_1106 = vector.shape_cast %swap3A_1105 : vector<1x16xf32> to vector<16xf32>
        %swap3A_1107 = vector.shape_cast %broadcast_in_dim3A_176 : vector<16xf32> to vector<1x16xf32>
        tpu.vector_store %arg9[%swap3A_1103, %swap3A_1104], %swap3A_1107 {strides = array<i32>} : memref<128x128xf32, #tpu.memory_space<vmem>>, vector<1x16xf32>,
        %mul3A_1108 = arith.constant 16 : i32
        %mul3A_1109 = arith.muli %scan3A_230, %mul3A_1108 : i32
        %add3A_1110 = arith.constant 13 : i32
        %add3A_1111 = arith.addi %mul3A_1109, %add3A_1110 : i32
        %slice3A_1112 = vector.extract_strided_slice %bitcast_convert_type3A {offsets = [13], sizes = [1], strides = [1]} : vector<16xf32> to vector<1xf32>
        %squeeze3A_1113 = vector.extract %slice3A_1112[0] : f32 from vector<1xf32>
        %broadcast_in_dim3A_1114 = vector.broadcast %squeeze3A_1113 : f32 to vector<16xf32>
        %get3A_1115 = arith.index_cast %add3A_1111 : i32 to index
        %get3A_1116 = arith.constant 0 : index
        %get3A_1117 = tpu.vector_load %arg9[%get3A_1115, %get3A_1116] {strides = array<i32>} : memref<128x128xf32, #tpu.memory_space<vmem>>, vector<1x16xf32>,
        %get3A_1118 = vector.shape_cast %get3A_1117 : vector<1x16xf32> to vector<16xf32>
        %mul3A_1119 = arith.mulf %get3A_1118, %broadcast_in_dim3A_1114 : vector<16xf32>
        %swap3A_1120 = arith.index_cast %add3A_1111 : i32 to index
        %swap3A_1121 = arith.constant 64 : index
        %swap3A_1122 = tpu.vector_load %arg9[%swap3A_1120, %swap3A_1121] {strides = array<i32>} : memref<128x128xf32, #tpu.memory_space<vmem>>, vector<1x16xf32>,
        %swap3A_1123 = vector.shape_cast %swap3A_1122 : vector<1x16xf32> to vector<16xf32>
        %swap3A_1124 = vector.shape_cast %mul3A_1119 : vector<16xf32> to vector<1x16xf32>
        tpu.vector_store %arg9[%swap3A_1120, %swap3A_1121], %swap3A_1124 {strides = array<i32>} : memref<128x128xf32, #tpu.memory_space<vmem>>, vector<1x16xf32>,
        %swap3A_1125 = arith.index_cast %add3A_1111 : i32 to index
        %swap3A_1126 = arith.constant 0 : index
        %swap3A_1127 = tpu.vector_load %arg9[%swap3A_1125, %swap3A_1126] {strides = array<i32>} : memref<128x128xf32, #tpu.memory_space<vmem>>, vector<1x16xf32>,
        %swap3A_1128 = vector.shape_cast %swap3A_1127 : vector<1x16xf32> to vector<16xf32>
        %swap3A_1129 = vector.shape_cast %broadcast_in_dim3A_176 : vector<16xf32> to vector<1x16xf32>
        tpu.vector_store %arg9[%swap3A_1125, %swap3A_1126], %swap3A_1129 {strides = array<i32>} : memref<128x128xf32, #tpu.memory_space<vmem>>, vector<1x16xf32>,
        %get3A_1130 = arith.index_cast %add3A_1111 : i32 to index
        %get3A_1131 = arith.constant 16 : index
        %get3A_1132 = tpu.vector_load %arg9[%get3A_1130, %get3A_1131] {strides = array<i32>} : memref<128x128xf32, #tpu.memory_space<vmem>>, vector<1x16xf32>,
        %get3A_1133 = vector.shape_cast %get3A_1132 : vector<1x16xf32> to vector<16xf32>
        %mul3A_1134 = arith.mulf %get3A_1133, %broadcast_in_dim3A_1114 : vector<16xf32>
        %swap3A_1135 = arith.index_cast %add3A_1111 : i32 to index
        %swap3A_1136 = arith.constant 80 : index
        %swap3A_1137 = tpu.vector_load %arg9[%swap3A_1135, %swap3A_1136] {strides = array<i32>} : memref<128x128xf32, #tpu.memory_space<vmem>>, vector<1x16xf32>,
        %swap3A_1138 = vector.shape_cast %swap3A_1137 : vector<1x16xf32> to vector<16xf32>
        %swap3A_1139 = vector.shape_cast %mul3A_1134 : vector<16xf32> to vector<1x16xf32>
        tpu.vector_store %arg9[%swap3A_1135, %swap3A_1136], %swap3A_1139 {strides = array<i32>} : memref<128x128xf32, #tpu.memory_space<vmem>>, vector<1x16xf32>,
        %swap3A_1140 = arith.index_cast %add3A_1111 : i32 to index
        %swap3A_1141 = arith.constant 16 : index
        %swap3A_1142 = tpu.vector_load %arg9[%swap3A_1140, %swap3A_1141] {strides = array<i32>} : memref<128x128xf32, #tpu.memory_space<vmem>>, vector<1x16xf32>,
        %swap3A_1143 = vector.shape_cast %swap3A_1142 : vector<1x16xf32> to vector<16xf32>
        %swap3A_1144 = vector.shape_cast %broadcast_in_dim3A_176 : vector<16xf32> to vector<1x16xf32>
        tpu.vector_store %arg9[%swap3A_1140, %swap3A_1141], %swap3A_1144 {strides = array<i32>} : memref<128x128xf32, #tpu.memory_space<vmem>>, vector<1x16xf32>,
        %get3A_1145 = arith.index_cast %add3A_1111 : i32 to index
        %get3A_1146 = arith.constant 32 : index
        %get3A_1147 = tpu.vector_load %arg9[%get3A_1145, %get3A_1146] {strides = array<i32>} : memref<128x128xf32, #tpu.memory_space<vmem>>, vector<1x16xf32>,
        %get3A_1148 = vector.shape_cast %get3A_1147 : vector<1x16xf32> to vector<16xf32>
        %mul3A_1149 = arith.mulf %get3A_1148, %broadcast_in_dim3A_1114 : vector<16xf32>
        %swap3A_1150 = arith.index_cast %add3A_1111 : i32 to index
        %swap3A_1151 = arith.constant 96 : index
        %swap3A_1152 = tpu.vector_load %arg9[%swap3A_1150, %swap3A_1151] {strides = array<i32>} : memref<128x128xf32, #tpu.memory_space<vmem>>, vector<1x16xf32>,
        %swap3A_1153 = vector.shape_cast %swap3A_1152 : vector<1x16xf32> to vector<16xf32>
        %swap3A_1154 = vector.shape_cast %mul3A_1149 : vector<16xf32> to vector<1x16xf32>
        tpu.vector_store %arg9[%swap3A_1150, %swap3A_1151], %swap3A_1154 {strides = array<i32>} : memref<128x128xf32, #tpu.memory_space<vmem>>, vector<1x16xf32>,
        %swap3A_1155 = arith.index_cast %add3A_1111 : i32 to index
        %swap3A_1156 = arith.constant 32 : index
        %swap3A_1157 = tpu.vector_load %arg9[%swap3A_1155, %swap3A_1156] {strides = array<i32>} : memref<128x128xf32, #tpu.memory_space<vmem>>, vector<1x16xf32>,
        %swap3A_1158 = vector.shape_cast %swap3A_1157 : vector<1x16xf32> to vector<16xf32>
        %swap3A_1159 = vector.shape_cast %broadcast_in_dim3A_176 : vector<16xf32> to vector<1x16xf32>
        tpu.vector_store %arg9[%swap3A_1155, %swap3A_1156], %swap3A_1159 {strides = array<i32>} : memref<128x128xf32, #tpu.memory_space<vmem>>, vector<1x16xf32>,
        %get3A_1160 = arith.index_cast %add3A_1111 : i32 to index
        %get3A_1161 = arith.constant 48 : index
        %get3A_1162 = tpu.vector_load %arg9[%get3A_1160, %get3A_1161] {strides = array<i32>} : memref<128x128xf32, #tpu.memory_space<vmem>>, vector<1x16xf32>,
        %get3A_1163 = vector.shape_cast %get3A_1162 : vector<1x16xf32> to vector<16xf32>
        %mul3A_1164 = arith.mulf %get3A_1163, %broadcast_in_dim3A_1114 : vector<16xf32>
        %swap3A_1165 = arith.index_cast %add3A_1111 : i32 to index
        %swap3A_1166 = arith.constant 112 : index
        %swap3A_1167 = tpu.vector_load %arg9[%swap3A_1165, %swap3A_1166] {strides = array<i32>} : memref<128x128xf32, #tpu.memory_space<vmem>>, vector<1x16xf32>,
        %swap3A_1168 = vector.shape_cast %swap3A_1167 : vector<1x16xf32> to vector<16xf32>
        %swap3A_1169 = vector.shape_cast %mul3A_1164 : vector<16xf32> to vector<1x16xf32>
        tpu.vector_store %arg9[%swap3A_1165, %swap3A_1166], %swap3A_1169 {strides = array<i32>} : memref<128x128xf32, #tpu.memory_space<vmem>>, vector<1x16xf32>,
        %swap3A_1170 = arith.index_cast %add3A_1111 : i32 to index
        %swap3A_1171 = arith.constant 48 : index
        %swap3A_1172 = tpu.vector_load %arg9[%swap3A_1170, %swap3A_1171] {strides = array<i32>} : memref<128x128xf32, #tpu.memory_space<vmem>>, vector<1x16xf32>,
        %swap3A_1173 = vector.shape_cast %swap3A_1172 : vector<1x16xf32> to vector<16xf32>
        %swap3A_1174 = vector.shape_cast %broadcast_in_dim3A_176 : vector<16xf32> to vector<1x16xf32>
        tpu.vector_store %arg9[%swap3A_1170, %swap3A_1171], %swap3A_1174 {strides = array<i32>} : memref<128x128xf32, #tpu.memory_space<vmem>>, vector<1x16xf32>,
        %mul3A_1175 = arith.constant 16 : i32
        %mul3A_1176 = arith.muli %scan3A_230, %mul3A_1175 : i32
        %add3A_1177 = arith.constant 14 : i32
        %add3A_1178 = arith.addi %mul3A_1176, %add3A_1177 : i32
        %slice3A_1179 = vector.extract_strided_slice %bitcast_convert_type3A {offsets = [14], sizes = [1], strides = [1]} : vector<16xf32> to vector<1xf32>
        %squeeze3A_1180 = vector.extract %slice3A_1179[0] : f32 from vector<1xf32>
        %broadcast_in_dim3A_1181 = vector.broadcast %squeeze3A_1180 : f32 to vector<16xf32>
        %get3A_1182 = arith.index_cast %add3A_1178 : i32 to index
        %get3A_1183 = arith.constant 0 : index
        %get3A_1184 = tpu.vector_load %arg9[%get3A_1182, %get3A_1183] {strides = array<i32>} : memref<128x128xf32, #tpu.memory_space<vmem>>, vector<1x16xf32>,
        %get3A_1185 = vector.shape_cast %get3A_1184 : vector<1x16xf32> to vector<16xf32>
        %mul3A_1186 = arith.mulf %get3A_1185, %broadcast_in_dim3A_1181 : vector<16xf32>
        %swap3A_1187 = arith.index_cast %add3A_1178 : i32 to index
        %swap3A_1188 = arith.constant 64 : index
        %swap3A_1189 = tpu.vector_load %arg9[%swap3A_1187, %swap3A_1188] {strides = array<i32>} : memref<128x128xf32, #tpu.memory_space<vmem>>, vector<1x16xf32>,
        %swap3A_1190 = vector.shape_cast %swap3A_1189 : vector<1x16xf32> to vector<16xf32>
        %swap3A_1191 = vector.shape_cast %mul3A_1186 : vector<16xf32> to vector<1x16xf32>
        tpu.vector_store %arg9[%swap3A_1187, %swap3A_1188], %swap3A_1191 {strides = array<i32>} : memref<128x128xf32, #tpu.memory_space<vmem>>, vector<1x16xf32>,
        %swap3A_1192 = arith.index_cast %add3A_1178 : i32 to index
        %swap3A_1193 = arith.constant 0 : index
        %swap3A_1194 = tpu.vector_load %arg9[%swap3A_1192, %swap3A_1193] {strides = array<i32>} : memref<128x128xf32, #tpu.memory_space<vmem>>, vector<1x16xf32>,
        %swap3A_1195 = vector.shape_cast %swap3A_1194 : vector<1x16xf32> to vector<16xf32>
        %swap3A_1196 = vector.shape_cast %broadcast_in_dim3A_176 : vector<16xf32> to vector<1x16xf32>
        tpu.vector_store %arg9[%swap3A_1192, %swap3A_1193], %swap3A_1196 {strides = array<i32>} : memref<128x128xf32, #tpu.memory_space<vmem>>, vector<1x16xf32>,
        %get3A_1197 = arith.index_cast %add3A_1178 : i32 to index
        %get3A_1198 = arith.constant 16 : index
        %get3A_1199 = tpu.vector_load %arg9[%get3A_1197, %get3A_1198] {strides = array<i32>} : memref<128x128xf32, #tpu.memory_space<vmem>>, vector<1x16xf32>,
        %get3A_1200 = vector.shape_cast %get3A_1199 : vector<1x16xf32> to vector<16xf32>
        %mul3A_1201 = arith.mulf %get3A_1200, %broadcast_in_dim3A_1181 : vector<16xf32>
        %swap3A_1202 = arith.index_cast %add3A_1178 : i32 to index
        %swap3A_1203 = arith.constant 80 : index
        %swap3A_1204 = tpu.vector_load %arg9[%swap3A_1202, %swap3A_1203] {strides = array<i32>} : memref<128x128xf32, #tpu.memory_space<vmem>>, vector<1x16xf32>,
        %swap3A_1205 = vector.shape_cast %swap3A_1204 : vector<1x16xf32> to vector<16xf32>
        %swap3A_1206 = vector.shape_cast %mul3A_1201 : vector<16xf32> to vector<1x16xf32>
        tpu.vector_store %arg9[%swap3A_1202, %swap3A_1203], %swap3A_1206 {strides = array<i32>} : memref<128x128xf32, #tpu.memory_space<vmem>>, vector<1x16xf32>,
        %swap3A_1207 = arith.index_cast %add3A_1178 : i32 to index
        %swap3A_1208 = arith.constant 16 : index
        %swap3A_1209 = tpu.vector_load %arg9[%swap3A_1207, %swap3A_1208] {strides = array<i32>} : memref<128x128xf32, #tpu.memory_space<vmem>>, vector<1x16xf32>,
        %swap3A_1210 = vector.shape_cast %swap3A_1209 : vector<1x16xf32> to vector<16xf32>
        %swap3A_1211 = vector.shape_cast %broadcast_in_dim3A_176 : vector<16xf32> to vector<1x16xf32>
        tpu.vector_store %arg9[%swap3A_1207, %swap3A_1208], %swap3A_1211 {strides = array<i32>} : memref<128x128xf32, #tpu.memory_space<vmem>>, vector<1x16xf32>,
        %get3A_1212 = arith.index_cast %add3A_1178 : i32 to index
        %get3A_1213 = arith.constant 32 : index
        %get3A_1214 = tpu.vector_load %arg9[%get3A_1212, %get3A_1213] {strides = array<i32>} : memref<128x128xf32, #tpu.memory_space<vmem>>, vector<1x16xf32>,
        %get3A_1215 = vector.shape_cast %get3A_1214 : vector<1x16xf32> to vector<16xf32>
        %mul3A_1216 = arith.mulf %get3A_1215, %broadcast_in_dim3A_1181 : vector<16xf32>
        %swap3A_1217 = arith.index_cast %add3A_1178 : i32 to index
        %swap3A_1218 = arith.constant 96 : index
        %swap3A_1219 = tpu.vector_load %arg9[%swap3A_1217, %swap3A_1218] {strides = array<i32>} : memref<128x128xf32, #tpu.memory_space<vmem>>, vector<1x16xf32>,
        %swap3A_1220 = vector.shape_cast %swap3A_1219 : vector<1x16xf32> to vector<16xf32>
        %swap3A_1221 = vector.shape_cast %mul3A_1216 : vector<16xf32> to vector<1x16xf32>
        tpu.vector_store %arg9[%swap3A_1217, %swap3A_1218], %swap3A_1221 {strides = array<i32>} : memref<128x128xf32, #tpu.memory_space<vmem>>, vector<1x16xf32>,
        %swap3A_1222 = arith.index_cast %add3A_1178 : i32 to index
        %swap3A_1223 = arith.constant 32 : index
        %swap3A_1224 = tpu.vector_load %arg9[%swap3A_1222, %swap3A_1223] {strides = array<i32>} : memref<128x128xf32, #tpu.memory_space<vmem>>, vector<1x16xf32>,
        %swap3A_1225 = vector.shape_cast %swap3A_1224 : vector<1x16xf32> to vector<16xf32>
        %swap3A_1226 = vector.shape_cast %broadcast_in_dim3A_176 : vector<16xf32> to vector<1x16xf32>
        tpu.vector_store %arg9[%swap3A_1222, %swap3A_1223], %swap3A_1226 {strides = array<i32>} : memref<128x128xf32, #tpu.memory_space<vmem>>, vector<1x16xf32>,
        %get3A_1227 = arith.index_cast %add3A_1178 : i32 to index
        %get3A_1228 = arith.constant 48 : index
        %get3A_1229 = tpu.vector_load %arg9[%get3A_1227, %get3A_1228] {strides = array<i32>} : memref<128x128xf32, #tpu.memory_space<vmem>>, vector<1x16xf32>,
        %get3A_1230 = vector.shape_cast %get3A_1229 : vector<1x16xf32> to vector<16xf32>
        %mul3A_1231 = arith.mulf %get3A_1230, %broadcast_in_dim3A_1181 : vector<16xf32>
        %swap3A_1232 = arith.index_cast %add3A_1178 : i32 to index
        %swap3A_1233 = arith.constant 112 : index
        %swap3A_1234 = tpu.vector_load %arg9[%swap3A_1232, %swap3A_1233] {strides = array<i32>} : memref<128x128xf32, #tpu.memory_space<vmem>>, vector<1x16xf32>,
        %swap3A_1235 = vector.shape_cast %swap3A_1234 : vector<1x16xf32> to vector<16xf32>
        %swap3A_1236 = vector.shape_cast %mul3A_1231 : vector<16xf32> to vector<1x16xf32>
        tpu.vector_store %arg9[%swap3A_1232, %swap3A_1233], %swap3A_1236 {strides = array<i32>} : memref<128x128xf32, #tpu.memory_space<vmem>>, vector<1x16xf32>,
        %swap3A_1237 = arith.index_cast %add3A_1178 : i32 to index
        %swap3A_1238 = arith.constant 48 : index
        %swap3A_1239 = tpu.vector_load %arg9[%swap3A_1237, %swap3A_1238] {strides = array<i32>} : memref<128x128xf32, #tpu.memory_space<vmem>>, vector<1x16xf32>,
        %swap3A_1240 = vector.shape_cast %swap3A_1239 : vector<1x16xf32> to vector<16xf32>
        %swap3A_1241 = vector.shape_cast %broadcast_in_dim3A_176 : vector<16xf32> to vector<1x16xf32>
        tpu.vector_store %arg9[%swap3A_1237, %swap3A_1238], %swap3A_1241 {strides = array<i32>} : memref<128x128xf32, #tpu.memory_space<vmem>>, vector<1x16xf32>,
        %mul3A_1242 = arith.constant 16 : i32
        %mul3A_1243 = arith.muli %scan3A_230, %mul3A_1242 : i32
        %add3A_1244 = arith.constant 15 : i32
        %add3A_1245 = arith.addi %mul3A_1243, %add3A_1244 : i32
        %slice3A_1246 = vector.extract_strided_slice %bitcast_convert_type3A {offsets = [15], sizes = [1], strides = [1]} : vector<16xf32> to vector<1xf32>
        %squeeze3A_1247 = vector.extract %slice3A_1246[0] : f32 from vector<1xf32>
        %broadcast_in_dim3A_1248 = vector.broadcast %squeeze3A_1247 : f32 to vector<16xf32>
        %get3A_1249 = arith.index_cast %add3A_1245 : i32 to index
        %get3A_1250 = arith.constant 0 : index
        %get3A_1251 = tpu.vector_load %arg9[%get3A_1249, %get3A_1250] {strides = array<i32>} : memref<128x128xf32, #tpu.memory_space<vmem>>, vector<1x16xf32>,
        %get3A_1252 = vector.shape_cast %get3A_1251 : vector<1x16xf32> to vector<16xf32>
        %mul3A_1253 = arith.mulf %get3A_1252, %broadcast_in_dim3A_1248 : vector<16xf32>
        %swap3A_1254 = arith.index_cast %add3A_1245 : i32 to index
        %swap3A_1255 = arith.constant 64 : index
        %swap3A_1256 = tpu.vector_load %arg9[%swap3A_1254, %swap3A_1255] {strides = array<i32>} : memref<128x128xf32, #tpu.memory_space<vmem>>, vector<1x16xf32>,
        %swap3A_1257 = vector.shape_cast %swap3A_1256 : vector<1x16xf32> to vector<16xf32>
        %swap3A_1258 = vector.shape_cast %mul3A_1253 : vector<16xf32> to vector<1x16xf32>
        tpu.vector_store %arg9[%swap3A_1254, %swap3A_1255], %swap3A_1258 {strides = array<i32>} : memref<128x128xf32, #tpu.memory_space<vmem>>, vector<1x16xf32>,
        %swap3A_1259 = arith.index_cast %add3A_1245 : i32 to index
        %swap3A_1260 = arith.constant 0 : index
        %swap3A_1261 = tpu.vector_load %arg9[%swap3A_1259, %swap3A_1260] {strides = array<i32>} : memref<128x128xf32, #tpu.memory_space<vmem>>, vector<1x16xf32>,
        %swap3A_1262 = vector.shape_cast %swap3A_1261 : vector<1x16xf32> to vector<16xf32>
        %swap3A_1263 = vector.shape_cast %broadcast_in_dim3A_176 : vector<16xf32> to vector<1x16xf32>
        tpu.vector_store %arg9[%swap3A_1259, %swap3A_1260], %swap3A_1263 {strides = array<i32>} : memref<128x128xf32, #tpu.memory_space<vmem>>, vector<1x16xf32>,
        %get3A_1264 = arith.index_cast %add3A_1245 : i32 to index
        %get3A_1265 = arith.constant 16 : index
        %get3A_1266 = tpu.vector_load %arg9[%get3A_1264, %get3A_1265] {strides = array<i32>} : memref<128x128xf32, #tpu.memory_space<vmem>>, vector<1x16xf32>,
        %get3A_1267 = vector.shape_cast %get3A_1266 : vector<1x16xf32> to vector<16xf32>
        %mul3A_1268 = arith.mulf %get3A_1267, %broadcast_in_dim3A_1248 : vector<16xf32>
        %swap3A_1269 = arith.index_cast %add3A_1245 : i32 to index
        %swap3A_1270 = arith.constant 80 : index
        %swap3A_1271 = tpu.vector_load %arg9[%swap3A_1269, %swap3A_1270] {strides = array<i32>} : memref<128x128xf32, #tpu.memory_space<vmem>>, vector<1x16xf32>,
        %swap3A_1272 = vector.shape_cast %swap3A_1271 : vector<1x16xf32> to vector<16xf32>
        %swap3A_1273 = vector.shape_cast %mul3A_1268 : vector<16xf32> to vector<1x16xf32>
        tpu.vector_store %arg9[%swap3A_1269, %swap3A_1270], %swap3A_1273 {strides = array<i32>} : memref<128x128xf32, #tpu.memory_space<vmem>>, vector<1x16xf32>,
        %swap3A_1274 = arith.index_cast %add3A_1245 : i32 to index
        %swap3A_1275 = arith.constant 16 : index
        %swap3A_1276 = tpu.vector_load %arg9[%swap3A_1274, %swap3A_1275] {strides = array<i32>} : memref<128x128xf32, #tpu.memory_space<vmem>>, vector<1x16xf32>,
        %swap3A_1277 = vector.shape_cast %swap3A_1276 : vector<1x16xf32> to vector<16xf32>
        %swap3A_1278 = vector.shape_cast %broadcast_in_dim3A_176 : vector<16xf32> to vector<1x16xf32>
        tpu.vector_store %arg9[%swap3A_1274, %swap3A_1275], %swap3A_1278 {strides = array<i32>} : memref<128x128xf32, #tpu.memory_space<vmem>>, vector<1x16xf32>,
        %get3A_1279 = arith.index_cast %add3A_1245 : i32 to index
        %get3A_1280 = arith.constant 32 : index
        %get3A_1281 = tpu.vector_load %arg9[%get3A_1279, %get3A_1280] {strides = array<i32>} : memref<128x128xf32, #tpu.memory_space<vmem>>, vector<1x16xf32>,
        %get3A_1282 = vector.shape_cast %get3A_1281 : vector<1x16xf32> to vector<16xf32>
        %mul3A_1283 = arith.mulf %get3A_1282, %broadcast_in_dim3A_1248 : vector<16xf32>
        %swap3A_1284 = arith.index_cast %add3A_1245 : i32 to index
        %swap3A_1285 = arith.constant 96 : index
        %swap3A_1286 = tpu.vector_load %arg9[%swap3A_1284, %swap3A_1285] {strides = array<i32>} : memref<128x128xf32, #tpu.memory_space<vmem>>, vector<1x16xf32>,
        %swap3A_1287 = vector.shape_cast %swap3A_1286 : vector<1x16xf32> to vector<16xf32>
        %swap3A_1288 = vector.shape_cast %mul3A_1283 : vector<16xf32> to vector<1x16xf32>
        tpu.vector_store %arg9[%swap3A_1284, %swap3A_1285], %swap3A_1288 {strides = array<i32>} : memref<128x128xf32, #tpu.memory_space<vmem>>, vector<1x16xf32>,
        %swap3A_1289 = arith.index_cast %add3A_1245 : i32 to index
        %swap3A_1290 = arith.constant 32 : index
        %swap3A_1291 = tpu.vector_load %arg9[%swap3A_1289, %swap3A_1290] {strides = array<i32>} : memref<128x128xf32, #tpu.memory_space<vmem>>, vector<1x16xf32>,
        %swap3A_1292 = vector.shape_cast %swap3A_1291 : vector<1x16xf32> to vector<16xf32>
        %swap3A_1293 = vector.shape_cast %broadcast_in_dim3A_176 : vector<16xf32> to vector<1x16xf32>
        tpu.vector_store %arg9[%swap3A_1289, %swap3A_1290], %swap3A_1293 {strides = array<i32>} : memref<128x128xf32, #tpu.memory_space<vmem>>, vector<1x16xf32>,
        %get3A_1294 = arith.index_cast %add3A_1245 : i32 to index
        %get3A_1295 = arith.constant 48 : index
        %get3A_1296 = tpu.vector_load %arg9[%get3A_1294, %get3A_1295] {strides = array<i32>} : memref<128x128xf32, #tpu.memory_space<vmem>>, vector<1x16xf32>,
        %get3A_1297 = vector.shape_cast %get3A_1296 : vector<1x16xf32> to vector<16xf32>
        %mul3A_1298 = arith.mulf %get3A_1297, %broadcast_in_dim3A_1248 : vector<16xf32>
        %swap3A_1299 = arith.index_cast %add3A_1245 : i32 to index
        %swap3A_1300 = arith.constant 112 : index
        %swap3A_1301 = tpu.vector_load %arg9[%swap3A_1299, %swap3A_1300] {strides = array<i32>} : memref<128x128xf32, #tpu.memory_space<vmem>>, vector<1x16xf32>,
        %swap3A_1302 = vector.shape_cast %swap3A_1301 : vector<1x16xf32> to vector<16xf32>
        %swap3A_1303 = vector.shape_cast %mul3A_1298 : vector<16xf32> to vector<1x16xf32>
        tpu.vector_store %arg9[%swap3A_1299, %swap3A_1300], %swap3A_1303 {strides = array<i32>} : memref<128x128xf32, #tpu.memory_space<vmem>>, vector<1x16xf32>,
        %swap3A_1304 = arith.index_cast %add3A_1245 : i32 to index
        %swap3A_1305 = arith.constant 48 : index
        %swap3A_1306 = tpu.vector_load %arg9[%swap3A_1304, %swap3A_1305] {strides = array<i32>} : memref<128x128xf32, #tpu.memory_space<vmem>>, vector<1x16xf32>,
        %swap3A_1307 = vector.shape_cast %swap3A_1306 : vector<1x16xf32> to vector<16xf32>
        %swap3A_1308 = vector.shape_cast %broadcast_in_dim3A_176 : vector<16xf32> to vector<1x16xf32>
        tpu.vector_store %arg9[%swap3A_1304, %swap3A_1305], %swap3A_1308 {strides = array<i32>} : memref<128x128xf32, #tpu.memory_space<vmem>>, vector<1x16xf32>,
        %scan3A_1309 = arith.constant 0 : i32
        scf.yield %scan3A_1309 : i32
      }
      %scan3A_183 = arith.constant 8 : i32
      %add3A_184 = arith.constant 2 : i32
      %add3A_185 = arith.addi %add3A_164, %add3A_184 : i32
      %lt3A_186 = arith.constant 160 : i32
      %lt3A_187 = arith.cmpi slt, %add3A_185, %lt3A_186 : i32
      %convert_element_type3A_188 = arith.extui %lt3A_187 : i1 to i32
      %cond3A_189 = arith.constant 0 : i32
      %cond3A_190 = arith.cmpi ne, %convert_element_type3A_188, %cond3A_189 : i32
      scf.if %cond3A_190 {
        %add3A_230 = arith.addi %mul3A_0, %add3A_185 : i32
        %dma_start3A_231 = arith.constant 0 : i32
        %dma_start3A_232 = arith.constant 0 : i32
        %dma_start3A_233 = tpu.memref_slice %arg2[%add3A_230, %dma_start3A_231, %dma_start3A_232] : memref<2560x3x128xi32, #tpu.memory_space<hbm>> -> memref<1x3x128xi32, #tpu.memory_space<hbm>>
        %dma_start3A_234 = tpu.memref_squeeze %dma_start3A_233 : memref<1x3x128xi32, #tpu.memory_space<hbm>> -> memref<3x128xi32, #tpu.memory_space<hbm>>
        %dma_start3A_235 = arith.constant 0 : i32
        %dma_start3A_236 = arith.constant 0 : i32
        %dma_start3A_237 = tpu.memref_slice %arg2[%add3A_230, %dma_start3A_235, %dma_start3A_236] : memref<2560x3x128xi32, #tpu.memory_space<hbm>> -> memref<1x3x128xi32, #tpu.memory_space<hbm>>
        %dma_start3A_238 = tpu.memref_squeeze %dma_start3A_237 : memref<1x3x128xi32, #tpu.memory_space<hbm>> -> memref<3x128xi32, #tpu.memory_space<hbm>>
        tpu.enqueue_dma source(%dma_start3A_238 : memref<3x128xi32, #tpu.memory_space<hbm>>) target(%arg5 : memref<3x128xi32, #tpu.memory_space<vmem>>) target_semaphore(%arg11 : memref<!tpu.dma_semaphore, #tpu.memory_space<semaphore_mem>>)
      } else {
      }
      %dma_start3A_191 = arith.constant 0 : i32
      %dma_start3A_192 = arith.constant 0 : i32
      %dma_start3A_193 = tpu.memref_slice %arg17[%dma_start3A_191, %dma_start3A_192] : memref<10240x128xf32, #tpu.memory_space<vmem_shared>> -> memref<10240x128xf32, #tpu.memory_space<vmem_shared>>
      tpu.enqueue_indirect_dma source(%arg9 : memref<128x128xf32, #tpu.memory_space<vmem>>) target(%dma_start3A_193 : memref<10240x128xf32, #tpu.memory_space<vmem_shared>>) offsets(%arg7 : memref<128xi32, #tpu.memory_space<vmem>>) semaphore(%arg15 : memref<!tpu.dma_semaphore, #tpu.memory_space<semaphore_mem>>) {add = true}
      %add3A_194 = arith.constant 1 : i32
      %add3A_195 = arith.addi %mul3A_162, %add3A_194 : i32
      %add3A_196 = arith.constant 1 : i32
      %add3A_197 = arith.addi %add3A_195, %add3A_196 : i32
      %lt3A_198 = arith.constant 160 : i32
      %lt3A_199 = arith.cmpi slt, %add3A_197, %lt3A_198 : i32
      %convert_element_type3A_200 = arith.extui %lt3A_199 : i1 to i32
      %cond3A_201 = arith.constant 0 : i32
      %cond3A_202 = arith.cmpi ne, %convert_element_type3A_200, %cond3A_201 : i32
      scf.if %cond3A_202 {
        %dma_wait3A_230 = arith.constant 0 : i32
        %dma_wait3A_231 = arith.constant 0 : i32
        %dma_wait3A_232 = arith.constant 0 : i32
        %dma_wait3A_233 = tpu.memref_slice %arg2[%dma_wait3A_230, %dma_wait3A_231, %dma_wait3A_232] : memref<2560x3x128xi32, #tpu.memory_space<hbm>> -> memref<1x3x128xi32, #tpu.memory_space<hbm>>
        %dma_wait3A_234 = tpu.memref_squeeze %dma_wait3A_233 : memref<1x3x128xi32, #tpu.memory_space<hbm>> -> memref<3x128xi32, #tpu.memory_space<hbm>>
        %dma_wait3A_235 = arith.constant 0 : i32
        %dma_wait3A_236 = arith.constant 0 : i32
        %dma_wait3A_237 = tpu.memref_slice %arg2[%dma_wait3A_230, %dma_wait3A_235, %dma_wait3A_236] : memref<2560x3x128xi32, #tpu.memory_space<hbm>> -> memref<1x3x128xi32, #tpu.memory_space<hbm>>
        %dma_wait3A_238 = tpu.memref_squeeze %dma_wait3A_237 : memref<1x3x128xi32, #tpu.memory_space<hbm>> -> memref<3x128xi32, #tpu.memory_space<hbm>>
        tpu.wait_dma2 semaphore(%arg11 : memref<!tpu.dma_semaphore, #tpu.memory_space<semaphore_mem>>) src(%dma_wait3A_238 : memref<3x128xi32, #tpu.memory_space<hbm>>) dst(%arg5 : memref<3x128xi32, #tpu.memory_space<vmem>>)
        %ge3A = arith.constant 2 : i32
        %ge3A_239 = arith.cmpi sge, %add3A_197, %ge3A : i32
        %convert_element_type3A_240 = arith.extui %ge3A_239 : i1 to i32
        %cond3A_241 = arith.constant 0 : i32
        %cond3A_242 = arith.cmpi ne, %convert_element_type3A_240, %cond3A_241 : i32
        scf.if %cond3A_242 {
          %dma_wait3A_322 = arith.constant 0 : i32
          %dma_wait3A_323 = arith.constant 0 : i32
          %dma_wait3A_324 = tpu.memref_slice %arg17[%dma_wait3A_322, %dma_wait3A_323] : memref<10240x128xf32, #tpu.memory_space<vmem_shared>> -> memref<10240x128xf32, #tpu.memory_space<vmem_shared>>
          tpu.wait_indirect_dma semaphore(%arg15 : memref<!tpu.dma_semaphore, #tpu.memory_space<semaphore_mem>>) src(%arg9 : memref<128x128xf32, #tpu.memory_space<vmem>>) dst(%dma_wait3A_324 : memref<10240x128xf32, #tpu.memory_space<vmem_shared>>)
        } else {
        }
        %dma_start3A_243 = arith.constant 1 : i32
        %dma_start3A_244 = arith.constant 0 : i32
        %dma_start3A_245 = tpu.memref_slice %arg5[%dma_start3A_243, %dma_start3A_244] : memref<3x128xi32, #tpu.memory_space<vmem>> -> memref<1x128xi32, #tpu.memory_space<vmem>>
        %dma_start3A_246 = tpu.memref_squeeze %dma_start3A_245 : memref<1x128xi32, #tpu.memory_space<vmem>> -> memref<128xi32, #tpu.memory_space<vmem>>
        %dma_start3A_247 = arith.constant 0 : i32
        %dma_start3A_248 = arith.constant 0 : i32
        %dma_start3A_249 = tpu.memref_slice %arg17[%dma_start3A_247, %dma_start3A_248] : memref<10240x128xf32, #tpu.memory_space<vmem_shared>> -> memref<10240x128xf32, #tpu.memory_space<vmem_shared>>
        tpu.enqueue_indirect_dma source(%dma_start3A_249 : memref<10240x128xf32, #tpu.memory_space<vmem_shared>>) target(%arg9 : memref<128x128xf32, #tpu.memory_space<vmem>>) offsets(%dma_start3A_246 : memref<128xi32, #tpu.memory_space<vmem>>) semaphore(%arg13 : memref<!tpu.dma_semaphore, #tpu.memory_space<semaphore_mem>>)
        %get3A_250 = arith.constant 0 : i32
        %get3A_251 = arith.index_cast %get3A_250 : i32 to index
        %get3A_252 = arith.constant 0 : index
        %get3A_253 = tpu.vector_load %arg5[%get3A_251, %get3A_252] {strides = array<i32>} : memref<3x128xi32, #tpu.memory_space<vmem>>, vector<1x16xi32>,
        %get3A_254 = vector.shape_cast %get3A_253 : vector<1x16xi32> to vector<16xi32>
        %swap3A_255 = arith.constant 0 : index
        %swap3A_256 = tpu.vector_load %arg7[%swap3A_255] {strides = array<i32>} : memref<128xi32, #tpu.memory_space<vmem>>, vector<16xi32>,
        %swap3A_257 = vector.shape_cast %swap3A_256 : vector<16xi32> to vector<16xi32>
        %swap3A_258 = vector.shape_cast %get3A_254 : vector<16xi32> to vector<16xi32>
        tpu.vector_store %arg7[%swap3A_255], %swap3A_258 {strides = array<i32>} : memref<128xi32, #tpu.memory_space<vmem>>, vector<16xi32>,
        %get3A_259 = arith.constant 0 : i32
        %get3A_260 = arith.index_cast %get3A_259 : i32 to index
        %get3A_261 = arith.constant 16 : index
        %get3A_262 = tpu.vector_load %arg5[%get3A_260, %get3A_261] {strides = array<i32>} : memref<3x128xi32, #tpu.memory_space<vmem>>, vector<1x16xi32>,
        %get3A_263 = vector.shape_cast %get3A_262 : vector<1x16xi32> to vector<16xi32>
        %swap3A_264 = arith.constant 16 : index
        %swap3A_265 = tpu.vector_load %arg7[%swap3A_264] {strides = array<i32>} : memref<128xi32, #tpu.memory_space<vmem>>, vector<16xi32>,
        %swap3A_266 = vector.shape_cast %swap3A_265 : vector<16xi32> to vector<16xi32>
        %swap3A_267 = vector.shape_cast %get3A_263 : vector<16xi32> to vector<16xi32>
        tpu.vector_store %arg7[%swap3A_264], %swap3A_267 {strides = array<i32>} : memref<128xi32, #tpu.memory_space<vmem>>, vector<16xi32>,
        %get3A_268 = arith.constant 0 : i32
        %get3A_269 = arith.index_cast %get3A_268 : i32 to index
        %get3A_270 = arith.constant 32 : index
        %get3A_271 = tpu.vector_load %arg5[%get3A_269, %get3A_270] {strides = array<i32>} : memref<3x128xi32, #tpu.memory_space<vmem>>, vector<1x16xi32>,
        %get3A_272 = vector.shape_cast %get3A_271 : vector<1x16xi32> to vector<16xi32>
        %swap3A_273 = arith.constant 32 : index
        %swap3A_274 = tpu.vector_load %arg7[%swap3A_273] {strides = array<i32>} : memref<128xi32, #tpu.memory_space<vmem>>, vector<16xi32>,
        %swap3A_275 = vector.shape_cast %swap3A_274 : vector<16xi32> to vector<16xi32>
        %swap3A_276 = vector.shape_cast %get3A_272 : vector<16xi32> to vector<16xi32>
        tpu.vector_store %arg7[%swap3A_273], %swap3A_276 {strides = array<i32>} : memref<128xi32, #tpu.memory_space<vmem>>, vector<16xi32>,
        %get3A_277 = arith.constant 0 : i32
        %get3A_278 = arith.index_cast %get3A_277 : i32 to index
        %get3A_279 = arith.constant 48 : index
        %get3A_280 = tpu.vector_load %arg5[%get3A_278, %get3A_279] {strides = array<i32>} : memref<3x128xi32, #tpu.memory_space<vmem>>, vector<1x16xi32>,
        %get3A_281 = vector.shape_cast %get3A_280 : vector<1x16xi32> to vector<16xi32>
        %swap3A_282 = arith.constant 48 : index
        %swap3A_283 = tpu.vector_load %arg7[%swap3A_282] {strides = array<i32>} : memref<128xi32, #tpu.memory_space<vmem>>, vector<16xi32>,
        %swap3A_284 = vector.shape_cast %swap3A_283 : vector<16xi32> to vector<16xi32>
        %swap3A_285 = vector.shape_cast %get3A_281 : vector<16xi32> to vector<16xi32>
        tpu.vector_store %arg7[%swap3A_282], %swap3A_285 {strides = array<i32>} : memref<128xi32, #tpu.memory_space<vmem>>, vector<16xi32>,
        %get3A_286 = arith.constant 0 : i32
        %get3A_287 = arith.index_cast %get3A_286 : i32 to index
        %get3A_288 = arith.constant 64 : index
        %get3A_289 = tpu.vector_load %arg5[%get3A_287, %get3A_288] {strides = array<i32>} : memref<3x128xi32, #tpu.memory_space<vmem>>, vector<1x16xi32>,
        %get3A_290 = vector.shape_cast %get3A_289 : vector<1x16xi32> to vector<16xi32>
        %swap3A_291 = arith.constant 64 : index
        %swap3A_292 = tpu.vector_load %arg7[%swap3A_291] {strides = array<i32>} : memref<128xi32, #tpu.memory_space<vmem>>, vector<16xi32>,
        %swap3A_293 = vector.shape_cast %swap3A_292 : vector<16xi32> to vector<16xi32>
        %swap3A_294 = vector.shape_cast %get3A_290 : vector<16xi32> to vector<16xi32>
        tpu.vector_store %arg7[%swap3A_291], %swap3A_294 {strides = array<i32>} : memref<128xi32, #tpu.memory_space<vmem>>, vector<16xi32>,
        %get3A_295 = arith.constant 0 : i32
        %get3A_296 = arith.index_cast %get3A_295 : i32 to index
        %get3A_297 = arith.constant 80 : index
        %get3A_298 = tpu.vector_load %arg5[%get3A_296, %get3A_297] {strides = array<i32>} : memref<3x128xi32, #tpu.memory_space<vmem>>, vector<1x16xi32>,
        %get3A_299 = vector.shape_cast %get3A_298 : vector<1x16xi32> to vector<16xi32>
        %swap3A_300 = arith.constant 80 : index
        %swap3A_301 = tpu.vector_load %arg7[%swap3A_300] {strides = array<i32>} : memref<128xi32, #tpu.memory_space<vmem>>, vector<16xi32>,
        %swap3A_302 = vector.shape_cast %swap3A_301 : vector<16xi32> to vector<16xi32>
        %swap3A_303 = vector.shape_cast %get3A_299 : vector<16xi32> to vector<16xi32>
        tpu.vector_store %arg7[%swap3A_300], %swap3A_303 {strides = array<i32>} : memref<128xi32, #tpu.memory_space<vmem>>, vector<16xi32>,
        %get3A_304 = arith.constant 0 : i32
        %get3A_305 = arith.index_cast %get3A_304 : i32 to index
        %get3A_306 = arith.constant 96 : index
        %get3A_307 = tpu.vector_load %arg5[%get3A_305, %get3A_306] {strides = array<i32>} : memref<3x128xi32, #tpu.memory_space<vmem>>, vector<1x16xi32>,
        %get3A_308 = vector.shape_cast %get3A_307 : vector<1x16xi32> to vector<16xi32>
        %swap3A_309 = arith.constant 96 : index
        %swap3A_310 = tpu.vector_load %arg7[%swap3A_309] {strides = array<i32>} : memref<128xi32, #tpu.memory_space<vmem>>, vector<16xi32>,
        %swap3A_311 = vector.shape_cast %swap3A_310 : vector<16xi32> to vector<16xi32>
        %swap3A_312 = vector.shape_cast %get3A_308 : vector<16xi32> to vector<16xi32>
        tpu.vector_store %arg7[%swap3A_309], %swap3A_312 {strides = array<i32>} : memref<128xi32, #tpu.memory_space<vmem>>, vector<16xi32>,
        %get3A_313 = arith.constant 0 : i32
        %get3A_314 = arith.index_cast %get3A_313 : i32 to index
        %get3A_315 = arith.constant 112 : index
        %get3A_316 = tpu.vector_load %arg5[%get3A_314, %get3A_315] {strides = array<i32>} : memref<3x128xi32, #tpu.memory_space<vmem>>, vector<1x16xi32>,
        %get3A_317 = vector.shape_cast %get3A_316 : vector<1x16xi32> to vector<16xi32>
        %swap3A_318 = arith.constant 112 : index
        %swap3A_319 = tpu.vector_load %arg7[%swap3A_318] {strides = array<i32>} : memref<128xi32, #tpu.memory_space<vmem>>, vector<16xi32>,
        %swap3A_320 = vector.shape_cast %swap3A_319 : vector<16xi32> to vector<16xi32>
        %swap3A_321 = vector.shape_cast %get3A_317 : vector<16xi32> to vector<16xi32>
        tpu.vector_store %arg7[%swap3A_318], %swap3A_321 {strides = array<i32>} : memref<128xi32, #tpu.memory_space<vmem>>, vector<16xi32>,
      } else {
      }
      %dma_wait3A_203 = arith.constant 1 : i32
      %dma_wait3A_204 = arith.constant 0 : i32
      %dma_wait3A_205 = tpu.memref_slice %arg6[%dma_wait3A_203, %dma_wait3A_204] : memref<3x128xi32, #tpu.memory_space<vmem>> -> memref<1x128xi32, #tpu.memory_space<vmem>>
      %dma_wait3A_206 = tpu.memref_squeeze %dma_wait3A_205 : memref<1x128xi32, #tpu.memory_space<vmem>> -> memref<128xi32, #tpu.memory_space<vmem>>
      %dma_wait3A_207 = arith.constant 0 : i32
      %dma_wait3A_208 = arith.constant 0 : i32
      %dma_wait3A_209 = tpu.memref_slice %arg17[%dma_wait3A_207, %dma_wait3A_208] : memref<10240x128xf32, #tpu.memory_space<vmem_shared>> -> memref<10240x128xf32, #tpu.memory_space<vmem_shared>>
      tpu.wait_indirect_dma semaphore(%arg14 : memref<!tpu.dma_semaphore, #tpu.memory_space<semaphore_mem>>) src(%dma_wait3A_209 : memref<10240x128xf32, #tpu.memory_space<vmem_shared>>) dst(%arg10 : memref<128x128xf32, #tpu.memory_space<vmem>>)
      %broadcast_in_dim3A_210 = arith.constant 0.000000e+00 : f32
      %broadcast_in_dim3A_211 = vector.broadcast %broadcast_in_dim3A_210 : f32 to vector<16xf32>
      %scan3A_212 = arith.constant 0 : i32
      %scan3A_213 = arith.constant 0 : i32
      %scan3A_214 = arith.constant 8 : i32
      %scan3A_215 = arith.addi %scan3A_213, %scan3A_214 : i32
      %scan3A_216 = arith.constant 1 : i32
      %scan3A_217 = scf.for %scan3A_230 = %scan3A_213 to %scan3A_215 step %scan3A_216 iter_args(%scan3A_231 = %scan3A_212) -> (i32)  : i32 {
        %mul3A_232 = arith.constant 16 : i32
        %mul3A_233 = arith.muli %scan3A_230, %mul3A_232 : i32
        %get3A_234 = arith.constant 2 : i32
        %get3A_235 = arith.index_cast %get3A_234 : i32 to index
        %get3A_236 = arith.index_cast %mul3A_233 : i32 to index
        %get3A_237 = tpu.vector_load %arg6[%get3A_235, %get3A_236] {strides = array<i32>} : memref<3x128xi32, #tpu.memory_space<vmem>>, vector<1x16xi32>,
        %get3A_238 = vector.shape_cast %get3A_237 : vector<1x16xi32> to vector<16xi32>
        %bitcast_convert_type3A = tpu.bitcast %get3A_238 : vector<16xi32> -> vector<16xf32>
        %mul3A_239 = arith.constant 16 : i32
        %mul3A_240 = arith.muli %scan3A_230, %mul3A_239 : i32
        %add3A_241 = arith.constant 0 : i32
        %add3A_242 = arith.addi %mul3A_240, %add3A_241 : i32
        %slice3A = vector.extract_strided_slice %bitcast_convert_type3A {offsets = [0], sizes = [1], strides = [1]} : vector<16xf32> to vector<1xf32>
        %squeeze3A = vector.extract %slice3A[0] : f32 from vector<1xf32>
        %broadcast_in_dim3A_243 = vector.broadcast %squeeze3A : f32 to vector<16xf32>
        %get3A_244 = arith.index_cast %add3A_242 : i32 to index
        %get3A_245 = arith.constant 0 : index
        %get3A_246 = tpu.vector_load %arg10[%get3A_244, %get3A_245] {strides = array<i32>} : memref<128x128xf32, #tpu.memory_space<vmem>>, vector<1x16xf32>,
        %get3A_247 = vector.shape_cast %get3A_246 : vector<1x16xf32> to vector<16xf32>
        %mul3A_248 = arith.mulf %get3A_247, %broadcast_in_dim3A_243 : vector<16xf32>
        %swap3A_249 = arith.index_cast %add3A_242 : i32 to index
        %swap3A_250 = arith.constant 64 : index
        %swap3A_251 = tpu.vector_load %arg10[%swap3A_249, %swap3A_250] {strides = array<i32>} : memref<128x128xf32, #tpu.memory_space<vmem>>, vector<1x16xf32>,
        %swap3A_252 = vector.shape_cast %swap3A_251 : vector<1x16xf32> to vector<16xf32>
        %swap3A_253 = vector.shape_cast %mul3A_248 : vector<16xf32> to vector<1x16xf32>
        tpu.vector_store %arg10[%swap3A_249, %swap3A_250], %swap3A_253 {strides = array<i32>} : memref<128x128xf32, #tpu.memory_space<vmem>>, vector<1x16xf32>,
        %swap3A_254 = arith.index_cast %add3A_242 : i32 to index
        %swap3A_255 = arith.constant 0 : index
        %swap3A_256 = tpu.vector_load %arg10[%swap3A_254, %swap3A_255] {strides = array<i32>} : memref<128x128xf32, #tpu.memory_space<vmem>>, vector<1x16xf32>,
        %swap3A_257 = vector.shape_cast %swap3A_256 : vector<1x16xf32> to vector<16xf32>
        %swap3A_258 = vector.shape_cast %broadcast_in_dim3A_211 : vector<16xf32> to vector<1x16xf32>
        tpu.vector_store %arg10[%swap3A_254, %swap3A_255], %swap3A_258 {strides = array<i32>} : memref<128x128xf32, #tpu.memory_space<vmem>>, vector<1x16xf32>,
        %get3A_259 = arith.index_cast %add3A_242 : i32 to index
        %get3A_260 = arith.constant 16 : index
        %get3A_261 = tpu.vector_load %arg10[%get3A_259, %get3A_260] {strides = array<i32>} : memref<128x128xf32, #tpu.memory_space<vmem>>, vector<1x16xf32>,
        %get3A_262 = vector.shape_cast %get3A_261 : vector<1x16xf32> to vector<16xf32>
        %mul3A_263 = arith.mulf %get3A_262, %broadcast_in_dim3A_243 : vector<16xf32>
        %swap3A_264 = arith.index_cast %add3A_242 : i32 to index
        %swap3A_265 = arith.constant 80 : index
        %swap3A_266 = tpu.vector_load %arg10[%swap3A_264, %swap3A_265] {strides = array<i32>} : memref<128x128xf32, #tpu.memory_space<vmem>>, vector<1x16xf32>,
        %swap3A_267 = vector.shape_cast %swap3A_266 : vector<1x16xf32> to vector<16xf32>
        %swap3A_268 = vector.shape_cast %mul3A_263 : vector<16xf32> to vector<1x16xf32>
        tpu.vector_store %arg10[%swap3A_264, %swap3A_265], %swap3A_268 {strides = array<i32>} : memref<128x128xf32, #tpu.memory_space<vmem>>, vector<1x16xf32>,
        %swap3A_269 = arith.index_cast %add3A_242 : i32 to index
        %swap3A_270 = arith.constant 16 : index
        %swap3A_271 = tpu.vector_load %arg10[%swap3A_269, %swap3A_270] {strides = array<i32>} : memref<128x128xf32, #tpu.memory_space<vmem>>, vector<1x16xf32>,
        %swap3A_272 = vector.shape_cast %swap3A_271 : vector<1x16xf32> to vector<16xf32>
        %swap3A_273 = vector.shape_cast %broadcast_in_dim3A_211 : vector<16xf32> to vector<1x16xf32>
        tpu.vector_store %arg10[%swap3A_269, %swap3A_270], %swap3A_273 {strides = array<i32>} : memref<128x128xf32, #tpu.memory_space<vmem>>, vector<1x16xf32>,
        %get3A_274 = arith.index_cast %add3A_242 : i32 to index
        %get3A_275 = arith.constant 32 : index
        %get3A_276 = tpu.vector_load %arg10[%get3A_274, %get3A_275] {strides = array<i32>} : memref<128x128xf32, #tpu.memory_space<vmem>>, vector<1x16xf32>,
        %get3A_277 = vector.shape_cast %get3A_276 : vector<1x16xf32> to vector<16xf32>
        %mul3A_278 = arith.mulf %get3A_277, %broadcast_in_dim3A_243 : vector<16xf32>
        %swap3A_279 = arith.index_cast %add3A_242 : i32 to index
        %swap3A_280 = arith.constant 96 : index
        %swap3A_281 = tpu.vector_load %arg10[%swap3A_279, %swap3A_280] {strides = array<i32>} : memref<128x128xf32, #tpu.memory_space<vmem>>, vector<1x16xf32>,
        %swap3A_282 = vector.shape_cast %swap3A_281 : vector<1x16xf32> to vector<16xf32>
        %swap3A_283 = vector.shape_cast %mul3A_278 : vector<16xf32> to vector<1x16xf32>
        tpu.vector_store %arg10[%swap3A_279, %swap3A_280], %swap3A_283 {strides = array<i32>} : memref<128x128xf32, #tpu.memory_space<vmem>>, vector<1x16xf32>,
        %swap3A_284 = arith.index_cast %add3A_242 : i32 to index
        %swap3A_285 = arith.constant 32 : index
        %swap3A_286 = tpu.vector_load %arg10[%swap3A_284, %swap3A_285] {strides = array<i32>} : memref<128x128xf32, #tpu.memory_space<vmem>>, vector<1x16xf32>,
        %swap3A_287 = vector.shape_cast %swap3A_286 : vector<1x16xf32> to vector<16xf32>
        %swap3A_288 = vector.shape_cast %broadcast_in_dim3A_211 : vector<16xf32> to vector<1x16xf32>
        tpu.vector_store %arg10[%swap3A_284, %swap3A_285], %swap3A_288 {strides = array<i32>} : memref<128x128xf32, #tpu.memory_space<vmem>>, vector<1x16xf32>,
        %get3A_289 = arith.index_cast %add3A_242 : i32 to index
        %get3A_290 = arith.constant 48 : index
        %get3A_291 = tpu.vector_load %arg10[%get3A_289, %get3A_290] {strides = array<i32>} : memref<128x128xf32, #tpu.memory_space<vmem>>, vector<1x16xf32>,
        %get3A_292 = vector.shape_cast %get3A_291 : vector<1x16xf32> to vector<16xf32>
        %mul3A_293 = arith.mulf %get3A_292, %broadcast_in_dim3A_243 : vector<16xf32>
        %swap3A_294 = arith.index_cast %add3A_242 : i32 to index
        %swap3A_295 = arith.constant 112 : index
        %swap3A_296 = tpu.vector_load %arg10[%swap3A_294, %swap3A_295] {strides = array<i32>} : memref<128x128xf32, #tpu.memory_space<vmem>>, vector<1x16xf32>,
        %swap3A_297 = vector.shape_cast %swap3A_296 : vector<1x16xf32> to vector<16xf32>
        %swap3A_298 = vector.shape_cast %mul3A_293 : vector<16xf32> to vector<1x16xf32>
        tpu.vector_store %arg10[%swap3A_294, %swap3A_295], %swap3A_298 {strides = array<i32>} : memref<128x128xf32, #tpu.memory_space<vmem>>, vector<1x16xf32>,
        %swap3A_299 = arith.index_cast %add3A_242 : i32 to index
        %swap3A_300 = arith.constant 48 : index
        %swap3A_301 = tpu.vector_load %arg10[%swap3A_299, %swap3A_300] {strides = array<i32>} : memref<128x128xf32, #tpu.memory_space<vmem>>, vector<1x16xf32>,
        %swap3A_302 = vector.shape_cast %swap3A_301 : vector<1x16xf32> to vector<16xf32>
        %swap3A_303 = vector.shape_cast %broadcast_in_dim3A_211 : vector<16xf32> to vector<1x16xf32>
        tpu.vector_store %arg10[%swap3A_299, %swap3A_300], %swap3A_303 {strides = array<i32>} : memref<128x128xf32, #tpu.memory_space<vmem>>, vector<1x16xf32>,
        %mul3A_304 = arith.constant 16 : i32
        %mul3A_305 = arith.muli %scan3A_230, %mul3A_304 : i32
        %add3A_306 = arith.constant 1 : i32
        %add3A_307 = arith.addi %mul3A_305, %add3A_306 : i32
        %slice3A_308 = vector.extract_strided_slice %bitcast_convert_type3A {offsets = [1], sizes = [1], strides = [1]} : vector<16xf32> to vector<1xf32>
        %squeeze3A_309 = vector.extract %slice3A_308[0] : f32 from vector<1xf32>
        %broadcast_in_dim3A_310 = vector.broadcast %squeeze3A_309 : f32 to vector<16xf32>
        %get3A_311 = arith.index_cast %add3A_307 : i32 to index
        %get3A_312 = arith.constant 0 : index
        %get3A_313 = tpu.vector_load %arg10[%get3A_311, %get3A_312] {strides = array<i32>} : memref<128x128xf32, #tpu.memory_space<vmem>>, vector<1x16xf32>,
        %get3A_314 = vector.shape_cast %get3A_313 : vector<1x16xf32> to vector<16xf32>
        %mul3A_315 = arith.mulf %get3A_314, %broadcast_in_dim3A_310 : vector<16xf32>
        %swap3A_316 = arith.index_cast %add3A_307 : i32 to index
        %swap3A_317 = arith.constant 64 : index
        %swap3A_318 = tpu.vector_load %arg10[%swap3A_316, %swap3A_317] {strides = array<i32>} : memref<128x128xf32, #tpu.memory_space<vmem>>, vector<1x16xf32>,
        %swap3A_319 = vector.shape_cast %swap3A_318 : vector<1x16xf32> to vector<16xf32>
        %swap3A_320 = vector.shape_cast %mul3A_315 : vector<16xf32> to vector<1x16xf32>
        tpu.vector_store %arg10[%swap3A_316, %swap3A_317], %swap3A_320 {strides = array<i32>} : memref<128x128xf32, #tpu.memory_space<vmem>>, vector<1x16xf32>,
        %swap3A_321 = arith.index_cast %add3A_307 : i32 to index
        %swap3A_322 = arith.constant 0 : index
        %swap3A_323 = tpu.vector_load %arg10[%swap3A_321, %swap3A_322] {strides = array<i32>} : memref<128x128xf32, #tpu.memory_space<vmem>>, vector<1x16xf32>,
        %swap3A_324 = vector.shape_cast %swap3A_323 : vector<1x16xf32> to vector<16xf32>
        %swap3A_325 = vector.shape_cast %broadcast_in_dim3A_211 : vector<16xf32> to vector<1x16xf32>
        tpu.vector_store %arg10[%swap3A_321, %swap3A_322], %swap3A_325 {strides = array<i32>} : memref<128x128xf32, #tpu.memory_space<vmem>>, vector<1x16xf32>,
        %get3A_326 = arith.index_cast %add3A_307 : i32 to index
        %get3A_327 = arith.constant 16 : index
        %get3A_328 = tpu.vector_load %arg10[%get3A_326, %get3A_327] {strides = array<i32>} : memref<128x128xf32, #tpu.memory_space<vmem>>, vector<1x16xf32>,
        %get3A_329 = vector.shape_cast %get3A_328 : vector<1x16xf32> to vector<16xf32>
        %mul3A_330 = arith.mulf %get3A_329, %broadcast_in_dim3A_310 : vector<16xf32>
        %swap3A_331 = arith.index_cast %add3A_307 : i32 to index
        %swap3A_332 = arith.constant 80 : index
        %swap3A_333 = tpu.vector_load %arg10[%swap3A_331, %swap3A_332] {strides = array<i32>} : memref<128x128xf32, #tpu.memory_space<vmem>>, vector<1x16xf32>,
        %swap3A_334 = vector.shape_cast %swap3A_333 : vector<1x16xf32> to vector<16xf32>
        %swap3A_335 = vector.shape_cast %mul3A_330 : vector<16xf32> to vector<1x16xf32>
        tpu.vector_store %arg10[%swap3A_331, %swap3A_332], %swap3A_335 {strides = array<i32>} : memref<128x128xf32, #tpu.memory_space<vmem>>, vector<1x16xf32>,
        %swap3A_336 = arith.index_cast %add3A_307 : i32 to index
        %swap3A_337 = arith.constant 16 : index
        %swap3A_338 = tpu.vector_load %arg10[%swap3A_336, %swap3A_337] {strides = array<i32>} : memref<128x128xf32, #tpu.memory_space<vmem>>, vector<1x16xf32>,
        %swap3A_339 = vector.shape_cast %swap3A_338 : vector<1x16xf32> to vector<16xf32>
        %swap3A_340 = vector.shape_cast %broadcast_in_dim3A_211 : vector<16xf32> to vector<1x16xf32>
        tpu.vector_store %arg10[%swap3A_336, %swap3A_337], %swap3A_340 {strides = array<i32>} : memref<128x128xf32, #tpu.memory_space<vmem>>, vector<1x16xf32>,
        %get3A_341 = arith.index_cast %add3A_307 : i32 to index
        %get3A_342 = arith.constant 32 : index
        %get3A_343 = tpu.vector_load %arg10[%get3A_341, %get3A_342] {strides = array<i32>} : memref<128x128xf32, #tpu.memory_space<vmem>>, vector<1x16xf32>,
        %get3A_344 = vector.shape_cast %get3A_343 : vector<1x16xf32> to vector<16xf32>
        %mul3A_345 = arith.mulf %get3A_344, %broadcast_in_dim3A_310 : vector<16xf32>
        %swap3A_346 = arith.index_cast %add3A_307 : i32 to index
        %swap3A_347 = arith.constant 96 : index
        %swap3A_348 = tpu.vector_load %arg10[%swap3A_346, %swap3A_347] {strides = array<i32>} : memref<128x128xf32, #tpu.memory_space<vmem>>, vector<1x16xf32>,
        %swap3A_349 = vector.shape_cast %swap3A_348 : vector<1x16xf32> to vector<16xf32>
        %swap3A_350 = vector.shape_cast %mul3A_345 : vector<16xf32> to vector<1x16xf32>
        tpu.vector_store %arg10[%swap3A_346, %swap3A_347], %swap3A_350 {strides = array<i32>} : memref<128x128xf32, #tpu.memory_space<vmem>>, vector<1x16xf32>,
        %swap3A_351 = arith.index_cast %add3A_307 : i32 to index
        %swap3A_352 = arith.constant 32 : index
        %swap3A_353 = tpu.vector_load %arg10[%swap3A_351, %swap3A_352] {strides = array<i32>} : memref<128x128xf32, #tpu.memory_space<vmem>>, vector<1x16xf32>,
        %swap3A_354 = vector.shape_cast %swap3A_353 : vector<1x16xf32> to vector<16xf32>
        %swap3A_355 = vector.shape_cast %broadcast_in_dim3A_211 : vector<16xf32> to vector<1x16xf32>
        tpu.vector_store %arg10[%swap3A_351, %swap3A_352], %swap3A_355 {strides = array<i32>} : memref<128x128xf32, #tpu.memory_space<vmem>>, vector<1x16xf32>,
        %get3A_356 = arith.index_cast %add3A_307 : i32 to index
        %get3A_357 = arith.constant 48 : index
        %get3A_358 = tpu.vector_load %arg10[%get3A_356, %get3A_357] {strides = array<i32>} : memref<128x128xf32, #tpu.memory_space<vmem>>, vector<1x16xf32>,
        %get3A_359 = vector.shape_cast %get3A_358 : vector<1x16xf32> to vector<16xf32>
        %mul3A_360 = arith.mulf %get3A_359, %broadcast_in_dim3A_310 : vector<16xf32>
        %swap3A_361 = arith.index_cast %add3A_307 : i32 to index
        %swap3A_362 = arith.constant 112 : index
        %swap3A_363 = tpu.vector_load %arg10[%swap3A_361, %swap3A_362] {strides = array<i32>} : memref<128x128xf32, #tpu.memory_space<vmem>>, vector<1x16xf32>,
        %swap3A_364 = vector.shape_cast %swap3A_363 : vector<1x16xf32> to vector<16xf32>
        %swap3A_365 = vector.shape_cast %mul3A_360 : vector<16xf32> to vector<1x16xf32>
        tpu.vector_store %arg10[%swap3A_361, %swap3A_362], %swap3A_365 {strides = array<i32>} : memref<128x128xf32, #tpu.memory_space<vmem>>, vector<1x16xf32>,
        %swap3A_366 = arith.index_cast %add3A_307 : i32 to index
        %swap3A_367 = arith.constant 48 : index
        %swap3A_368 = tpu.vector_load %arg10[%swap3A_366, %swap3A_367] {strides = array<i32>} : memref<128x128xf32, #tpu.memory_space<vmem>>, vector<1x16xf32>,
        %swap3A_369 = vector.shape_cast %swap3A_368 : vector<1x16xf32> to vector<16xf32>
        %swap3A_370 = vector.shape_cast %broadcast_in_dim3A_211 : vector<16xf32> to vector<1x16xf32>
        tpu.vector_store %arg10[%swap3A_366, %swap3A_367], %swap3A_370 {strides = array<i32>} : memref<128x128xf32, #tpu.memory_space<vmem>>, vector<1x16xf32>,
        %mul3A_371 = arith.constant 16 : i32
        %mul3A_372 = arith.muli %scan3A_230, %mul3A_371 : i32
        %add3A_373 = arith.constant 2 : i32
        %add3A_374 = arith.addi %mul3A_372, %add3A_373 : i32
        %slice3A_375 = vector.extract_strided_slice %bitcast_convert_type3A {offsets = [2], sizes = [1], strides = [1]} : vector<16xf32> to vector<1xf32>
        %squeeze3A_376 = vector.extract %slice3A_375[0] : f32 from vector<1xf32>
        %broadcast_in_dim3A_377 = vector.broadcast %squeeze3A_376 : f32 to vector<16xf32>
        %get3A_378 = arith.index_cast %add3A_374 : i32 to index
        %get3A_379 = arith.constant 0 : index
        %get3A_380 = tpu.vector_load %arg10[%get3A_378, %get3A_379] {strides = array<i32>} : memref<128x128xf32, #tpu.memory_space<vmem>>, vector<1x16xf32>,
        %get3A_381 = vector.shape_cast %get3A_380 : vector<1x16xf32> to vector<16xf32>
        %mul3A_382 = arith.mulf %get3A_381, %broadcast_in_dim3A_377 : vector<16xf32>
        %swap3A_383 = arith.index_cast %add3A_374 : i32 to index
        %swap3A_384 = arith.constant 64 : index
        %swap3A_385 = tpu.vector_load %arg10[%swap3A_383, %swap3A_384] {strides = array<i32>} : memref<128x128xf32, #tpu.memory_space<vmem>>, vector<1x16xf32>,
        %swap3A_386 = vector.shape_cast %swap3A_385 : vector<1x16xf32> to vector<16xf32>
        %swap3A_387 = vector.shape_cast %mul3A_382 : vector<16xf32> to vector<1x16xf32>
        tpu.vector_store %arg10[%swap3A_383, %swap3A_384], %swap3A_387 {strides = array<i32>} : memref<128x128xf32, #tpu.memory_space<vmem>>, vector<1x16xf32>,
        %swap3A_388 = arith.index_cast %add3A_374 : i32 to index
        %swap3A_389 = arith.constant 0 : index
        %swap3A_390 = tpu.vector_load %arg10[%swap3A_388, %swap3A_389] {strides = array<i32>} : memref<128x128xf32, #tpu.memory_space<vmem>>, vector<1x16xf32>,
        %swap3A_391 = vector.shape_cast %swap3A_390 : vector<1x16xf32> to vector<16xf32>
        %swap3A_392 = vector.shape_cast %broadcast_in_dim3A_211 : vector<16xf32> to vector<1x16xf32>
        tpu.vector_store %arg10[%swap3A_388, %swap3A_389], %swap3A_392 {strides = array<i32>} : memref<128x128xf32, #tpu.memory_space<vmem>>, vector<1x16xf32>,
        %get3A_393 = arith.index_cast %add3A_374 : i32 to index
        %get3A_394 = arith.constant 16 : index
        %get3A_395 = tpu.vector_load %arg10[%get3A_393, %get3A_394] {strides = array<i32>} : memref<128x128xf32, #tpu.memory_space<vmem>>, vector<1x16xf32>,
        %get3A_396 = vector.shape_cast %get3A_395 : vector<1x16xf32> to vector<16xf32>
        %mul3A_397 = arith.mulf %get3A_396, %broadcast_in_dim3A_377 : vector<16xf32>
        %swap3A_398 = arith.index_cast %add3A_374 : i32 to index
        %swap3A_399 = arith.constant 80 : index
        %swap3A_400 = tpu.vector_load %arg10[%swap3A_398, %swap3A_399] {strides = array<i32>} : memref<128x128xf32, #tpu.memory_space<vmem>>, vector<1x16xf32>,
        %swap3A_401 = vector.shape_cast %swap3A_400 : vector<1x16xf32> to vector<16xf32>
        %swap3A_402 = vector.shape_cast %mul3A_397 : vector<16xf32> to vector<1x16xf32>
        tpu.vector_store %arg10[%swap3A_398, %swap3A_399], %swap3A_402 {strides = array<i32>} : memref<128x128xf32, #tpu.memory_space<vmem>>, vector<1x16xf32>,
        %swap3A_403 = arith.index_cast %add3A_374 : i32 to index
        %swap3A_404 = arith.constant 16 : index
        %swap3A_405 = tpu.vector_load %arg10[%swap3A_403, %swap3A_404] {strides = array<i32>} : memref<128x128xf32, #tpu.memory_space<vmem>>, vector<1x16xf32>,
        %swap3A_406 = vector.shape_cast %swap3A_405 : vector<1x16xf32> to vector<16xf32>
        %swap3A_407 = vector.shape_cast %broadcast_in_dim3A_211 : vector<16xf32> to vector<1x16xf32>
        tpu.vector_store %arg10[%swap3A_403, %swap3A_404], %swap3A_407 {strides = array<i32>} : memref<128x128xf32, #tpu.memory_space<vmem>>, vector<1x16xf32>,
        %get3A_408 = arith.index_cast %add3A_374 : i32 to index
        %get3A_409 = arith.constant 32 : index
        %get3A_410 = tpu.vector_load %arg10[%get3A_408, %get3A_409] {strides = array<i32>} : memref<128x128xf32, #tpu.memory_space<vmem>>, vector<1x16xf32>,
        %get3A_411 = vector.shape_cast %get3A_410 : vector<1x16xf32> to vector<16xf32>
        %mul3A_412 = arith.mulf %get3A_411, %broadcast_in_dim3A_377 : vector<16xf32>
        %swap3A_413 = arith.index_cast %add3A_374 : i32 to index
        %swap3A_414 = arith.constant 96 : index
        %swap3A_415 = tpu.vector_load %arg10[%swap3A_413, %swap3A_414] {strides = array<i32>} : memref<128x128xf32, #tpu.memory_space<vmem>>, vector<1x16xf32>,
        %swap3A_416 = vector.shape_cast %swap3A_415 : vector<1x16xf32> to vector<16xf32>
        %swap3A_417 = vector.shape_cast %mul3A_412 : vector<16xf32> to vector<1x16xf32>
        tpu.vector_store %arg10[%swap3A_413, %swap3A_414], %swap3A_417 {strides = array<i32>} : memref<128x128xf32, #tpu.memory_space<vmem>>, vector<1x16xf32>,
        %swap3A_418 = arith.index_cast %add3A_374 : i32 to index
        %swap3A_419 = arith.constant 32 : index
        %swap3A_420 = tpu.vector_load %arg10[%swap3A_418, %swap3A_419] {strides = array<i32>} : memref<128x128xf32, #tpu.memory_space<vmem>>, vector<1x16xf32>,
        %swap3A_421 = vector.shape_cast %swap3A_420 : vector<1x16xf32> to vector<16xf32>
        %swap3A_422 = vector.shape_cast %broadcast_in_dim3A_211 : vector<16xf32> to vector<1x16xf32>
        tpu.vector_store %arg10[%swap3A_418, %swap3A_419], %swap3A_422 {strides = array<i32>} : memref<128x128xf32, #tpu.memory_space<vmem>>, vector<1x16xf32>,
        %get3A_423 = arith.index_cast %add3A_374 : i32 to index
        %get3A_424 = arith.constant 48 : index
        %get3A_425 = tpu.vector_load %arg10[%get3A_423, %get3A_424] {strides = array<i32>} : memref<128x128xf32, #tpu.memory_space<vmem>>, vector<1x16xf32>,
        %get3A_426 = vector.shape_cast %get3A_425 : vector<1x16xf32> to vector<16xf32>
        %mul3A_427 = arith.mulf %get3A_426, %broadcast_in_dim3A_377 : vector<16xf32>
        %swap3A_428 = arith.index_cast %add3A_374 : i32 to index
        %swap3A_429 = arith.constant 112 : index
        %swap3A_430 = tpu.vector_load %arg10[%swap3A_428, %swap3A_429] {strides = array<i32>} : memref<128x128xf32, #tpu.memory_space<vmem>>, vector<1x16xf32>,
        %swap3A_431 = vector.shape_cast %swap3A_430 : vector<1x16xf32> to vector<16xf32>
        %swap3A_432 = vector.shape_cast %mul3A_427 : vector<16xf32> to vector<1x16xf32>
        tpu.vector_store %arg10[%swap3A_428, %swap3A_429], %swap3A_432 {strides = array<i32>} : memref<128x128xf32, #tpu.memory_space<vmem>>, vector<1x16xf32>,
        %swap3A_433 = arith.index_cast %add3A_374 : i32 to index
        %swap3A_434 = arith.constant 48 : index
        %swap3A_435 = tpu.vector_load %arg10[%swap3A_433, %swap3A_434] {strides = array<i32>} : memref<128x128xf32, #tpu.memory_space<vmem>>, vector<1x16xf32>,
        %swap3A_436 = vector.shape_cast %swap3A_435 : vector<1x16xf32> to vector<16xf32>
        %swap3A_437 = vector.shape_cast %broadcast_in_dim3A_211 : vector<16xf32> to vector<1x16xf32>
        tpu.vector_store %arg10[%swap3A_433, %swap3A_434], %swap3A_437 {strides = array<i32>} : memref<128x128xf32, #tpu.memory_space<vmem>>, vector<1x16xf32>,
        %mul3A_438 = arith.constant 16 : i32
        %mul3A_439 = arith.muli %scan3A_230, %mul3A_438 : i32
        %add3A_440 = arith.constant 3 : i32
        %add3A_441 = arith.addi %mul3A_439, %add3A_440 : i32
        %slice3A_442 = vector.extract_strided_slice %bitcast_convert_type3A {offsets = [3], sizes = [1], strides = [1]} : vector<16xf32> to vector<1xf32>
        %squeeze3A_443 = vector.extract %slice3A_442[0] : f32 from vector<1xf32>
        %broadcast_in_dim3A_444 = vector.broadcast %squeeze3A_443 : f32 to vector<16xf32>
        %get3A_445 = arith.index_cast %add3A_441 : i32 to index
        %get3A_446 = arith.constant 0 : index
        %get3A_447 = tpu.vector_load %arg10[%get3A_445, %get3A_446] {strides = array<i32>} : memref<128x128xf32, #tpu.memory_space<vmem>>, vector<1x16xf32>,
        %get3A_448 = vector.shape_cast %get3A_447 : vector<1x16xf32> to vector<16xf32>
        %mul3A_449 = arith.mulf %get3A_448, %broadcast_in_dim3A_444 : vector<16xf32>
        %swap3A_450 = arith.index_cast %add3A_441 : i32 to index
        %swap3A_451 = arith.constant 64 : index
        %swap3A_452 = tpu.vector_load %arg10[%swap3A_450, %swap3A_451] {strides = array<i32>} : memref<128x128xf32, #tpu.memory_space<vmem>>, vector<1x16xf32>,
        %swap3A_453 = vector.shape_cast %swap3A_452 : vector<1x16xf32> to vector<16xf32>
        %swap3A_454 = vector.shape_cast %mul3A_449 : vector<16xf32> to vector<1x16xf32>
        tpu.vector_store %arg10[%swap3A_450, %swap3A_451], %swap3A_454 {strides = array<i32>} : memref<128x128xf32, #tpu.memory_space<vmem>>, vector<1x16xf32>,
        %swap3A_455 = arith.index_cast %add3A_441 : i32 to index
        %swap3A_456 = arith.constant 0 : index
        %swap3A_457 = tpu.vector_load %arg10[%swap3A_455, %swap3A_456] {strides = array<i32>} : memref<128x128xf32, #tpu.memory_space<vmem>>, vector<1x16xf32>,
        %swap3A_458 = vector.shape_cast %swap3A_457 : vector<1x16xf32> to vector<16xf32>
        %swap3A_459 = vector.shape_cast %broadcast_in_dim3A_211 : vector<16xf32> to vector<1x16xf32>
        tpu.vector_store %arg10[%swap3A_455, %swap3A_456], %swap3A_459 {strides = array<i32>} : memref<128x128xf32, #tpu.memory_space<vmem>>, vector<1x16xf32>,
        %get3A_460 = arith.index_cast %add3A_441 : i32 to index
        %get3A_461 = arith.constant 16 : index
        %get3A_462 = tpu.vector_load %arg10[%get3A_460, %get3A_461] {strides = array<i32>} : memref<128x128xf32, #tpu.memory_space<vmem>>, vector<1x16xf32>,
        %get3A_463 = vector.shape_cast %get3A_462 : vector<1x16xf32> to vector<16xf32>
        %mul3A_464 = arith.mulf %get3A_463, %broadcast_in_dim3A_444 : vector<16xf32>
        %swap3A_465 = arith.index_cast %add3A_441 : i32 to index
        %swap3A_466 = arith.constant 80 : index
        %swap3A_467 = tpu.vector_load %arg10[%swap3A_465, %swap3A_466] {strides = array<i32>} : memref<128x128xf32, #tpu.memory_space<vmem>>, vector<1x16xf32>,
        %swap3A_468 = vector.shape_cast %swap3A_467 : vector<1x16xf32> to vector<16xf32>
        %swap3A_469 = vector.shape_cast %mul3A_464 : vector<16xf32> to vector<1x16xf32>
        tpu.vector_store %arg10[%swap3A_465, %swap3A_466], %swap3A_469 {strides = array<i32>} : memref<128x128xf32, #tpu.memory_space<vmem>>, vector<1x16xf32>,
        %swap3A_470 = arith.index_cast %add3A_441 : i32 to index
        %swap3A_471 = arith.constant 16 : index
        %swap3A_472 = tpu.vector_load %arg10[%swap3A_470, %swap3A_471] {strides = array<i32>} : memref<128x128xf32, #tpu.memory_space<vmem>>, vector<1x16xf32>,
        %swap3A_473 = vector.shape_cast %swap3A_472 : vector<1x16xf32> to vector<16xf32>
        %swap3A_474 = vector.shape_cast %broadcast_in_dim3A_211 : vector<16xf32> to vector<1x16xf32>
        tpu.vector_store %arg10[%swap3A_470, %swap3A_471], %swap3A_474 {strides = array<i32>} : memref<128x128xf32, #tpu.memory_space<vmem>>, vector<1x16xf32>,
        %get3A_475 = arith.index_cast %add3A_441 : i32 to index
        %get3A_476 = arith.constant 32 : index
        %get3A_477 = tpu.vector_load %arg10[%get3A_475, %get3A_476] {strides = array<i32>} : memref<128x128xf32, #tpu.memory_space<vmem>>, vector<1x16xf32>,
        %get3A_478 = vector.shape_cast %get3A_477 : vector<1x16xf32> to vector<16xf32>
        %mul3A_479 = arith.mulf %get3A_478, %broadcast_in_dim3A_444 : vector<16xf32>
        %swap3A_480 = arith.index_cast %add3A_441 : i32 to index
        %swap3A_481 = arith.constant 96 : index
        %swap3A_482 = tpu.vector_load %arg10[%swap3A_480, %swap3A_481] {strides = array<i32>} : memref<128x128xf32, #tpu.memory_space<vmem>>, vector<1x16xf32>,
        %swap3A_483 = vector.shape_cast %swap3A_482 : vector<1x16xf32> to vector<16xf32>
        %swap3A_484 = vector.shape_cast %mul3A_479 : vector<16xf32> to vector<1x16xf32>
        tpu.vector_store %arg10[%swap3A_480, %swap3A_481], %swap3A_484 {strides = array<i32>} : memref<128x128xf32, #tpu.memory_space<vmem>>, vector<1x16xf32>,
        %swap3A_485 = arith.index_cast %add3A_441 : i32 to index
        %swap3A_486 = arith.constant 32 : index
        %swap3A_487 = tpu.vector_load %arg10[%swap3A_485, %swap3A_486] {strides = array<i32>} : memref<128x128xf32, #tpu.memory_space<vmem>>, vector<1x16xf32>,
        %swap3A_488 = vector.shape_cast %swap3A_487 : vector<1x16xf32> to vector<16xf32>
        %swap3A_489 = vector.shape_cast %broadcast_in_dim3A_211 : vector<16xf32> to vector<1x16xf32>
        tpu.vector_store %arg10[%swap3A_485, %swap3A_486], %swap3A_489 {strides = array<i32>} : memref<128x128xf32, #tpu.memory_space<vmem>>, vector<1x16xf32>,
        %get3A_490 = arith.index_cast %add3A_441 : i32 to index
        %get3A_491 = arith.constant 48 : index
        %get3A_492 = tpu.vector_load %arg10[%get3A_490, %get3A_491] {strides = array<i32>} : memref<128x128xf32, #tpu.memory_space<vmem>>, vector<1x16xf32>,
        %get3A_493 = vector.shape_cast %get3A_492 : vector<1x16xf32> to vector<16xf32>
        %mul3A_494 = arith.mulf %get3A_493, %broadcast_in_dim3A_444 : vector<16xf32>
        %swap3A_495 = arith.index_cast %add3A_441 : i32 to index
        %swap3A_496 = arith.constant 112 : index
        %swap3A_497 = tpu.vector_load %arg10[%swap3A_495, %swap3A_496] {strides = array<i32>} : memref<128x128xf32, #tpu.memory_space<vmem>>, vector<1x16xf32>,
        %swap3A_498 = vector.shape_cast %swap3A_497 : vector<1x16xf32> to vector<16xf32>
        %swap3A_499 = vector.shape_cast %mul3A_494 : vector<16xf32> to vector<1x16xf32>
        tpu.vector_store %arg10[%swap3A_495, %swap3A_496], %swap3A_499 {strides = array<i32>} : memref<128x128xf32, #tpu.memory_space<vmem>>, vector<1x16xf32>,
        %swap3A_500 = arith.index_cast %add3A_441 : i32 to index
        %swap3A_501 = arith.constant 48 : index
        %swap3A_502 = tpu.vector_load %arg10[%swap3A_500, %swap3A_501] {strides = array<i32>} : memref<128x128xf32, #tpu.memory_space<vmem>>, vector<1x16xf32>,
        %swap3A_503 = vector.shape_cast %swap3A_502 : vector<1x16xf32> to vector<16xf32>
        %swap3A_504 = vector.shape_cast %broadcast_in_dim3A_211 : vector<16xf32> to vector<1x16xf32>
        tpu.vector_store %arg10[%swap3A_500, %swap3A_501], %swap3A_504 {strides = array<i32>} : memref<128x128xf32, #tpu.memory_space<vmem>>, vector<1x16xf32>,
        %mul3A_505 = arith.constant 16 : i32
        %mul3A_506 = arith.muli %scan3A_230, %mul3A_505 : i32
        %add3A_507 = arith.constant 4 : i32
        %add3A_508 = arith.addi %mul3A_506, %add3A_507 : i32
        %slice3A_509 = vector.extract_strided_slice %bitcast_convert_type3A {offsets = [4], sizes = [1], strides = [1]} : vector<16xf32> to vector<1xf32>
        %squeeze3A_510 = vector.extract %slice3A_509[0] : f32 from vector<1xf32>
        %broadcast_in_dim3A_511 = vector.broadcast %squeeze3A_510 : f32 to vector<16xf32>
        %get3A_512 = arith.index_cast %add3A_508 : i32 to index
        %get3A_513 = arith.constant 0 : index
        %get3A_514 = tpu.vector_load %arg10[%get3A_512, %get3A_513] {strides = array<i32>} : memref<128x128xf32, #tpu.memory_space<vmem>>, vector<1x16xf32>,
        %get3A_515 = vector.shape_cast %get3A_514 : vector<1x16xf32> to vector<16xf32>
        %mul3A_516 = arith.mulf %get3A_515, %broadcast_in_dim3A_511 : vector<16xf32>
        %swap3A_517 = arith.index_cast %add3A_508 : i32 to index
        %swap3A_518 = arith.constant 64 : index
        %swap3A_519 = tpu.vector_load %arg10[%swap3A_517, %swap3A_518] {strides = array<i32>} : memref<128x128xf32, #tpu.memory_space<vmem>>, vector<1x16xf32>,
        %swap3A_520 = vector.shape_cast %swap3A_519 : vector<1x16xf32> to vector<16xf32>
        %swap3A_521 = vector.shape_cast %mul3A_516 : vector<16xf32> to vector<1x16xf32>
        tpu.vector_store %arg10[%swap3A_517, %swap3A_518], %swap3A_521 {strides = array<i32>} : memref<128x128xf32, #tpu.memory_space<vmem>>, vector<1x16xf32>,
        %swap3A_522 = arith.index_cast %add3A_508 : i32 to index
        %swap3A_523 = arith.constant 0 : index
        %swap3A_524 = tpu.vector_load %arg10[%swap3A_522, %swap3A_523] {strides = array<i32>} : memref<128x128xf32, #tpu.memory_space<vmem>>, vector<1x16xf32>,
        %swap3A_525 = vector.shape_cast %swap3A_524 : vector<1x16xf32> to vector<16xf32>
        %swap3A_526 = vector.shape_cast %broadcast_in_dim3A_211 : vector<16xf32> to vector<1x16xf32>
        tpu.vector_store %arg10[%swap3A_522, %swap3A_523], %swap3A_526 {strides = array<i32>} : memref<128x128xf32, #tpu.memory_space<vmem>>, vector<1x16xf32>,
        %get3A_527 = arith.index_cast %add3A_508 : i32 to index
        %get3A_528 = arith.constant 16 : index
        %get3A_529 = tpu.vector_load %arg10[%get3A_527, %get3A_528] {strides = array<i32>} : memref<128x128xf32, #tpu.memory_space<vmem>>, vector<1x16xf32>,
        %get3A_530 = vector.shape_cast %get3A_529 : vector<1x16xf32> to vector<16xf32>
        %mul3A_531 = arith.mulf %get3A_530, %broadcast_in_dim3A_511 : vector<16xf32>
        %swap3A_532 = arith.index_cast %add3A_508 : i32 to index
        %swap3A_533 = arith.constant 80 : index
        %swap3A_534 = tpu.vector_load %arg10[%swap3A_532, %swap3A_533] {strides = array<i32>} : memref<128x128xf32, #tpu.memory_space<vmem>>, vector<1x16xf32>,
        %swap3A_535 = vector.shape_cast %swap3A_534 : vector<1x16xf32> to vector<16xf32>
        %swap3A_536 = vector.shape_cast %mul3A_531 : vector<16xf32> to vector<1x16xf32>
        tpu.vector_store %arg10[%swap3A_532, %swap3A_533], %swap3A_536 {strides = array<i32>} : memref<128x128xf32, #tpu.memory_space<vmem>>, vector<1x16xf32>,
        %swap3A_537 = arith.index_cast %add3A_508 : i32 to index
        %swap3A_538 = arith.constant 16 : index
        %swap3A_539 = tpu.vector_load %arg10[%swap3A_537, %swap3A_538] {strides = array<i32>} : memref<128x128xf32, #tpu.memory_space<vmem>>, vector<1x16xf32>,
        %swap3A_540 = vector.shape_cast %swap3A_539 : vector<1x16xf32> to vector<16xf32>
        %swap3A_541 = vector.shape_cast %broadcast_in_dim3A_211 : vector<16xf32> to vector<1x16xf32>
        tpu.vector_store %arg10[%swap3A_537, %swap3A_538], %swap3A_541 {strides = array<i32>} : memref<128x128xf32, #tpu.memory_space<vmem>>, vector<1x16xf32>,
        %get3A_542 = arith.index_cast %add3A_508 : i32 to index
        %get3A_543 = arith.constant 32 : index
        %get3A_544 = tpu.vector_load %arg10[%get3A_542, %get3A_543] {strides = array<i32>} : memref<128x128xf32, #tpu.memory_space<vmem>>, vector<1x16xf32>,
        %get3A_545 = vector.shape_cast %get3A_544 : vector<1x16xf32> to vector<16xf32>
        %mul3A_546 = arith.mulf %get3A_545, %broadcast_in_dim3A_511 : vector<16xf32>
        %swap3A_547 = arith.index_cast %add3A_508 : i32 to index
        %swap3A_548 = arith.constant 96 : index
        %swap3A_549 = tpu.vector_load %arg10[%swap3A_547, %swap3A_548] {strides = array<i32>} : memref<128x128xf32, #tpu.memory_space<vmem>>, vector<1x16xf32>,
        %swap3A_550 = vector.shape_cast %swap3A_549 : vector<1x16xf32> to vector<16xf32>
        %swap3A_551 = vector.shape_cast %mul3A_546 : vector<16xf32> to vector<1x16xf32>
        tpu.vector_store %arg10[%swap3A_547, %swap3A_548], %swap3A_551 {strides = array<i32>} : memref<128x128xf32, #tpu.memory_space<vmem>>, vector<1x16xf32>,
        %swap3A_552 = arith.index_cast %add3A_508 : i32 to index
        %swap3A_553 = arith.constant 32 : index
        %swap3A_554 = tpu.vector_load %arg10[%swap3A_552, %swap3A_553] {strides = array<i32>} : memref<128x128xf32, #tpu.memory_space<vmem>>, vector<1x16xf32>,
        %swap3A_555 = vector.shape_cast %swap3A_554 : vector<1x16xf32> to vector<16xf32>
        %swap3A_556 = vector.shape_cast %broadcast_in_dim3A_211 : vector<16xf32> to vector<1x16xf32>
        tpu.vector_store %arg10[%swap3A_552, %swap3A_553], %swap3A_556 {strides = array<i32>} : memref<128x128xf32, #tpu.memory_space<vmem>>, vector<1x16xf32>,
        %get3A_557 = arith.index_cast %add3A_508 : i32 to index
        %get3A_558 = arith.constant 48 : index
        %get3A_559 = tpu.vector_load %arg10[%get3A_557, %get3A_558] {strides = array<i32>} : memref<128x128xf32, #tpu.memory_space<vmem>>, vector<1x16xf32>,
        %get3A_560 = vector.shape_cast %get3A_559 : vector<1x16xf32> to vector<16xf32>
        %mul3A_561 = arith.mulf %get3A_560, %broadcast_in_dim3A_511 : vector<16xf32>
        %swap3A_562 = arith.index_cast %add3A_508 : i32 to index
        %swap3A_563 = arith.constant 112 : index
        %swap3A_564 = tpu.vector_load %arg10[%swap3A_562, %swap3A_563] {strides = array<i32>} : memref<128x128xf32, #tpu.memory_space<vmem>>, vector<1x16xf32>,
        %swap3A_565 = vector.shape_cast %swap3A_564 : vector<1x16xf32> to vector<16xf32>
        %swap3A_566 = vector.shape_cast %mul3A_561 : vector<16xf32> to vector<1x16xf32>
        tpu.vector_store %arg10[%swap3A_562, %swap3A_563], %swap3A_566 {strides = array<i32>} : memref<128x128xf32, #tpu.memory_space<vmem>>, vector<1x16xf32>,
        %swap3A_567 = arith.index_cast %add3A_508 : i32 to index
        %swap3A_568 = arith.constant 48 : index
        %swap3A_569 = tpu.vector_load %arg10[%swap3A_567, %swap3A_568] {strides = array<i32>} : memref<128x128xf32, #tpu.memory_space<vmem>>, vector<1x16xf32>,
        %swap3A_570 = vector.shape_cast %swap3A_569 : vector<1x16xf32> to vector<16xf32>
        %swap3A_571 = vector.shape_cast %broadcast_in_dim3A_211 : vector<16xf32> to vector<1x16xf32>
        tpu.vector_store %arg10[%swap3A_567, %swap3A_568], %swap3A_571 {strides = array<i32>} : memref<128x128xf32, #tpu.memory_space<vmem>>, vector<1x16xf32>,
        %mul3A_572 = arith.constant 16 : i32
        %mul3A_573 = arith.muli %scan3A_230, %mul3A_572 : i32
        %add3A_574 = arith.constant 5 : i32
        %add3A_575 = arith.addi %mul3A_573, %add3A_574 : i32
        %slice3A_576 = vector.extract_strided_slice %bitcast_convert_type3A {offsets = [5], sizes = [1], strides = [1]} : vector<16xf32> to vector<1xf32>
        %squeeze3A_577 = vector.extract %slice3A_576[0] : f32 from vector<1xf32>
        %broadcast_in_dim3A_578 = vector.broadcast %squeeze3A_577 : f32 to vector<16xf32>
        %get3A_579 = arith.index_cast %add3A_575 : i32 to index
        %get3A_580 = arith.constant 0 : index
        %get3A_581 = tpu.vector_load %arg10[%get3A_579, %get3A_580] {strides = array<i32>} : memref<128x128xf32, #tpu.memory_space<vmem>>, vector<1x16xf32>,
        %get3A_582 = vector.shape_cast %get3A_581 : vector<1x16xf32> to vector<16xf32>
        %mul3A_583 = arith.mulf %get3A_582, %broadcast_in_dim3A_578 : vector<16xf32>
        %swap3A_584 = arith.index_cast %add3A_575 : i32 to index
        %swap3A_585 = arith.constant 64 : index
        %swap3A_586 = tpu.vector_load %arg10[%swap3A_584, %swap3A_585] {strides = array<i32>} : memref<128x128xf32, #tpu.memory_space<vmem>>, vector<1x16xf32>,
        %swap3A_587 = vector.shape_cast %swap3A_586 : vector<1x16xf32> to vector<16xf32>
        %swap3A_588 = vector.shape_cast %mul3A_583 : vector<16xf32> to vector<1x16xf32>
        tpu.vector_store %arg10[%swap3A_584, %swap3A_585], %swap3A_588 {strides = array<i32>} : memref<128x128xf32, #tpu.memory_space<vmem>>, vector<1x16xf32>,
        %swap3A_589 = arith.index_cast %add3A_575 : i32 to index
        %swap3A_590 = arith.constant 0 : index
        %swap3A_591 = tpu.vector_load %arg10[%swap3A_589, %swap3A_590] {strides = array<i32>} : memref<128x128xf32, #tpu.memory_space<vmem>>, vector<1x16xf32>,
        %swap3A_592 = vector.shape_cast %swap3A_591 : vector<1x16xf32> to vector<16xf32>
        %swap3A_593 = vector.shape_cast %broadcast_in_dim3A_211 : vector<16xf32> to vector<1x16xf32>
        tpu.vector_store %arg10[%swap3A_589, %swap3A_590], %swap3A_593 {strides = array<i32>} : memref<128x128xf32, #tpu.memory_space<vmem>>, vector<1x16xf32>,
        %get3A_594 = arith.index_cast %add3A_575 : i32 to index
        %get3A_595 = arith.constant 16 : index
        %get3A_596 = tpu.vector_load %arg10[%get3A_594, %get3A_595] {strides = array<i32>} : memref<128x128xf32, #tpu.memory_space<vmem>>, vector<1x16xf32>,
        %get3A_597 = vector.shape_cast %get3A_596 : vector<1x16xf32> to vector<16xf32>
        %mul3A_598 = arith.mulf %get3A_597, %broadcast_in_dim3A_578 : vector<16xf32>
        %swap3A_599 = arith.index_cast %add3A_575 : i32 to index
        %swap3A_600 = arith.constant 80 : index
        %swap3A_601 = tpu.vector_load %arg10[%swap3A_599, %swap3A_600] {strides = array<i32>} : memref<128x128xf32, #tpu.memory_space<vmem>>, vector<1x16xf32>,
        %swap3A_602 = vector.shape_cast %swap3A_601 : vector<1x16xf32> to vector<16xf32>
        %swap3A_603 = vector.shape_cast %mul3A_598 : vector<16xf32> to vector<1x16xf32>
        tpu.vector_store %arg10[%swap3A_599, %swap3A_600], %swap3A_603 {strides = array<i32>} : memref<128x128xf32, #tpu.memory_space<vmem>>, vector<1x16xf32>,
        %swap3A_604 = arith.index_cast %add3A_575 : i32 to index
        %swap3A_605 = arith.constant 16 : index
        %swap3A_606 = tpu.vector_load %arg10[%swap3A_604, %swap3A_605] {strides = array<i32>} : memref<128x128xf32, #tpu.memory_space<vmem>>, vector<1x16xf32>,
        %swap3A_607 = vector.shape_cast %swap3A_606 : vector<1x16xf32> to vector<16xf32>
        %swap3A_608 = vector.shape_cast %broadcast_in_dim3A_211 : vector<16xf32> to vector<1x16xf32>
        tpu.vector_store %arg10[%swap3A_604, %swap3A_605], %swap3A_608 {strides = array<i32>} : memref<128x128xf32, #tpu.memory_space<vmem>>, vector<1x16xf32>,
        %get3A_609 = arith.index_cast %add3A_575 : i32 to index
        %get3A_610 = arith.constant 32 : index
        %get3A_611 = tpu.vector_load %arg10[%get3A_609, %get3A_610] {strides = array<i32>} : memref<128x128xf32, #tpu.memory_space<vmem>>, vector<1x16xf32>,
        %get3A_612 = vector.shape_cast %get3A_611 : vector<1x16xf32> to vector<16xf32>
        %mul3A_613 = arith.mulf %get3A_612, %broadcast_in_dim3A_578 : vector<16xf32>
        %swap3A_614 = arith.index_cast %add3A_575 : i32 to index
        %swap3A_615 = arith.constant 96 : index
        %swap3A_616 = tpu.vector_load %arg10[%swap3A_614, %swap3A_615] {strides = array<i32>} : memref<128x128xf32, #tpu.memory_space<vmem>>, vector<1x16xf32>,
        %swap3A_617 = vector.shape_cast %swap3A_616 : vector<1x16xf32> to vector<16xf32>
        %swap3A_618 = vector.shape_cast %mul3A_613 : vector<16xf32> to vector<1x16xf32>
        tpu.vector_store %arg10[%swap3A_614, %swap3A_615], %swap3A_618 {strides = array<i32>} : memref<128x128xf32, #tpu.memory_space<vmem>>, vector<1x16xf32>,
        %swap3A_619 = arith.index_cast %add3A_575 : i32 to index
        %swap3A_620 = arith.constant 32 : index
        %swap3A_621 = tpu.vector_load %arg10[%swap3A_619, %swap3A_620] {strides = array<i32>} : memref<128x128xf32, #tpu.memory_space<vmem>>, vector<1x16xf32>,
        %swap3A_622 = vector.shape_cast %swap3A_621 : vector<1x16xf32> to vector<16xf32>
        %swap3A_623 = vector.shape_cast %broadcast_in_dim3A_211 : vector<16xf32> to vector<1x16xf32>
        tpu.vector_store %arg10[%swap3A_619, %swap3A_620], %swap3A_623 {strides = array<i32>} : memref<128x128xf32, #tpu.memory_space<vmem>>, vector<1x16xf32>,
        %get3A_624 = arith.index_cast %add3A_575 : i32 to index
        %get3A_625 = arith.constant 48 : index
        %get3A_626 = tpu.vector_load %arg10[%get3A_624, %get3A_625] {strides = array<i32>} : memref<128x128xf32, #tpu.memory_space<vmem>>, vector<1x16xf32>,
        %get3A_627 = vector.shape_cast %get3A_626 : vector<1x16xf32> to vector<16xf32>
        %mul3A_628 = arith.mulf %get3A_627, %broadcast_in_dim3A_578 : vector<16xf32>
        %swap3A_629 = arith.index_cast %add3A_575 : i32 to index
        %swap3A_630 = arith.constant 112 : index
        %swap3A_631 = tpu.vector_load %arg10[%swap3A_629, %swap3A_630] {strides = array<i32>} : memref<128x128xf32, #tpu.memory_space<vmem>>, vector<1x16xf32>,
        %swap3A_632 = vector.shape_cast %swap3A_631 : vector<1x16xf32> to vector<16xf32>
        %swap3A_633 = vector.shape_cast %mul3A_628 : vector<16xf32> to vector<1x16xf32>
        tpu.vector_store %arg10[%swap3A_629, %swap3A_630], %swap3A_633 {strides = array<i32>} : memref<128x128xf32, #tpu.memory_space<vmem>>, vector<1x16xf32>,
        %swap3A_634 = arith.index_cast %add3A_575 : i32 to index
        %swap3A_635 = arith.constant 48 : index
        %swap3A_636 = tpu.vector_load %arg10[%swap3A_634, %swap3A_635] {strides = array<i32>} : memref<128x128xf32, #tpu.memory_space<vmem>>, vector<1x16xf32>,
        %swap3A_637 = vector.shape_cast %swap3A_636 : vector<1x16xf32> to vector<16xf32>
        %swap3A_638 = vector.shape_cast %broadcast_in_dim3A_211 : vector<16xf32> to vector<1x16xf32>
        tpu.vector_store %arg10[%swap3A_634, %swap3A_635], %swap3A_638 {strides = array<i32>} : memref<128x128xf32, #tpu.memory_space<vmem>>, vector<1x16xf32>,
        %mul3A_639 = arith.constant 16 : i32
        %mul3A_640 = arith.muli %scan3A_230, %mul3A_639 : i32
        %add3A_641 = arith.constant 6 : i32
        %add3A_642 = arith.addi %mul3A_640, %add3A_641 : i32
        %slice3A_643 = vector.extract_strided_slice %bitcast_convert_type3A {offsets = [6], sizes = [1], strides = [1]} : vector<16xf32> to vector<1xf32>
        %squeeze3A_644 = vector.extract %slice3A_643[0] : f32 from vector<1xf32>
        %broadcast_in_dim3A_645 = vector.broadcast %squeeze3A_644 : f32 to vector<16xf32>
        %get3A_646 = arith.index_cast %add3A_642 : i32 to index
        %get3A_647 = arith.constant 0 : index
        %get3A_648 = tpu.vector_load %arg10[%get3A_646, %get3A_647] {strides = array<i32>} : memref<128x128xf32, #tpu.memory_space<vmem>>, vector<1x16xf32>,
        %get3A_649 = vector.shape_cast %get3A_648 : vector<1x16xf32> to vector<16xf32>
        %mul3A_650 = arith.mulf %get3A_649, %broadcast_in_dim3A_645 : vector<16xf32>
        %swap3A_651 = arith.index_cast %add3A_642 : i32 to index
        %swap3A_652 = arith.constant 64 : index
        %swap3A_653 = tpu.vector_load %arg10[%swap3A_651, %swap3A_652] {strides = array<i32>} : memref<128x128xf32, #tpu.memory_space<vmem>>, vector<1x16xf32>,
        %swap3A_654 = vector.shape_cast %swap3A_653 : vector<1x16xf32> to vector<16xf32>
        %swap3A_655 = vector.shape_cast %mul3A_650 : vector<16xf32> to vector<1x16xf32>
        tpu.vector_store %arg10[%swap3A_651, %swap3A_652], %swap3A_655 {strides = array<i32>} : memref<128x128xf32, #tpu.memory_space<vmem>>, vector<1x16xf32>,
        %swap3A_656 = arith.index_cast %add3A_642 : i32 to index
        %swap3A_657 = arith.constant 0 : index
        %swap3A_658 = tpu.vector_load %arg10[%swap3A_656, %swap3A_657] {strides = array<i32>} : memref<128x128xf32, #tpu.memory_space<vmem>>, vector<1x16xf32>,
        %swap3A_659 = vector.shape_cast %swap3A_658 : vector<1x16xf32> to vector<16xf32>
        %swap3A_660 = vector.shape_cast %broadcast_in_dim3A_211 : vector<16xf32> to vector<1x16xf32>
        tpu.vector_store %arg10[%swap3A_656, %swap3A_657], %swap3A_660 {strides = array<i32>} : memref<128x128xf32, #tpu.memory_space<vmem>>, vector<1x16xf32>,
        %get3A_661 = arith.index_cast %add3A_642 : i32 to index
        %get3A_662 = arith.constant 16 : index
        %get3A_663 = tpu.vector_load %arg10[%get3A_661, %get3A_662] {strides = array<i32>} : memref<128x128xf32, #tpu.memory_space<vmem>>, vector<1x16xf32>,
        %get3A_664 = vector.shape_cast %get3A_663 : vector<1x16xf32> to vector<16xf32>
        %mul3A_665 = arith.mulf %get3A_664, %broadcast_in_dim3A_645 : vector<16xf32>
        %swap3A_666 = arith.index_cast %add3A_642 : i32 to index
        %swap3A_667 = arith.constant 80 : index
        %swap3A_668 = tpu.vector_load %arg10[%swap3A_666, %swap3A_667] {strides = array<i32>} : memref<128x128xf32, #tpu.memory_space<vmem>>, vector<1x16xf32>,
        %swap3A_669 = vector.shape_cast %swap3A_668 : vector<1x16xf32> to vector<16xf32>
        %swap3A_670 = vector.shape_cast %mul3A_665 : vector<16xf32> to vector<1x16xf32>
        tpu.vector_store %arg10[%swap3A_666, %swap3A_667], %swap3A_670 {strides = array<i32>} : memref<128x128xf32, #tpu.memory_space<vmem>>, vector<1x16xf32>,
        %swap3A_671 = arith.index_cast %add3A_642 : i32 to index
        %swap3A_672 = arith.constant 16 : index
        %swap3A_673 = tpu.vector_load %arg10[%swap3A_671, %swap3A_672] {strides = array<i32>} : memref<128x128xf32, #tpu.memory_space<vmem>>, vector<1x16xf32>,
        %swap3A_674 = vector.shape_cast %swap3A_673 : vector<1x16xf32> to vector<16xf32>
        %swap3A_675 = vector.shape_cast %broadcast_in_dim3A_211 : vector<16xf32> to vector<1x16xf32>
        tpu.vector_store %arg10[%swap3A_671, %swap3A_672], %swap3A_675 {strides = array<i32>} : memref<128x128xf32, #tpu.memory_space<vmem>>, vector<1x16xf32>,
        %get3A_676 = arith.index_cast %add3A_642 : i32 to index
        %get3A_677 = arith.constant 32 : index
        %get3A_678 = tpu.vector_load %arg10[%get3A_676, %get3A_677] {strides = array<i32>} : memref<128x128xf32, #tpu.memory_space<vmem>>, vector<1x16xf32>,
        %get3A_679 = vector.shape_cast %get3A_678 : vector<1x16xf32> to vector<16xf32>
        %mul3A_680 = arith.mulf %get3A_679, %broadcast_in_dim3A_645 : vector<16xf32>
        %swap3A_681 = arith.index_cast %add3A_642 : i32 to index
        %swap3A_682 = arith.constant 96 : index
        %swap3A_683 = tpu.vector_load %arg10[%swap3A_681, %swap3A_682] {strides = array<i32>} : memref<128x128xf32, #tpu.memory_space<vmem>>, vector<1x16xf32>,
        %swap3A_684 = vector.shape_cast %swap3A_683 : vector<1x16xf32> to vector<16xf32>
        %swap3A_685 = vector.shape_cast %mul3A_680 : vector<16xf32> to vector<1x16xf32>
        tpu.vector_store %arg10[%swap3A_681, %swap3A_682], %swap3A_685 {strides = array<i32>} : memref<128x128xf32, #tpu.memory_space<vmem>>, vector<1x16xf32>,
        %swap3A_686 = arith.index_cast %add3A_642 : i32 to index
        %swap3A_687 = arith.constant 32 : index
        %swap3A_688 = tpu.vector_load %arg10[%swap3A_686, %swap3A_687] {strides = array<i32>} : memref<128x128xf32, #tpu.memory_space<vmem>>, vector<1x16xf32>,
        %swap3A_689 = vector.shape_cast %swap3A_688 : vector<1x16xf32> to vector<16xf32>
        %swap3A_690 = vector.shape_cast %broadcast_in_dim3A_211 : vector<16xf32> to vector<1x16xf32>
        tpu.vector_store %arg10[%swap3A_686, %swap3A_687], %swap3A_690 {strides = array<i32>} : memref<128x128xf32, #tpu.memory_space<vmem>>, vector<1x16xf32>,
        %get3A_691 = arith.index_cast %add3A_642 : i32 to index
        %get3A_692 = arith.constant 48 : index
        %get3A_693 = tpu.vector_load %arg10[%get3A_691, %get3A_692] {strides = array<i32>} : memref<128x128xf32, #tpu.memory_space<vmem>>, vector<1x16xf32>,
        %get3A_694 = vector.shape_cast %get3A_693 : vector<1x16xf32> to vector<16xf32>
        %mul3A_695 = arith.mulf %get3A_694, %broadcast_in_dim3A_645 : vector<16xf32>
        %swap3A_696 = arith.index_cast %add3A_642 : i32 to index
        %swap3A_697 = arith.constant 112 : index
        %swap3A_698 = tpu.vector_load %arg10[%swap3A_696, %swap3A_697] {strides = array<i32>} : memref<128x128xf32, #tpu.memory_space<vmem>>, vector<1x16xf32>,
        %swap3A_699 = vector.shape_cast %swap3A_698 : vector<1x16xf32> to vector<16xf32>
        %swap3A_700 = vector.shape_cast %mul3A_695 : vector<16xf32> to vector<1x16xf32>
        tpu.vector_store %arg10[%swap3A_696, %swap3A_697], %swap3A_700 {strides = array<i32>} : memref<128x128xf32, #tpu.memory_space<vmem>>, vector<1x16xf32>,
        %swap3A_701 = arith.index_cast %add3A_642 : i32 to index
        %swap3A_702 = arith.constant 48 : index
        %swap3A_703 = tpu.vector_load %arg10[%swap3A_701, %swap3A_702] {strides = array<i32>} : memref<128x128xf32, #tpu.memory_space<vmem>>, vector<1x16xf32>,
        %swap3A_704 = vector.shape_cast %swap3A_703 : vector<1x16xf32> to vector<16xf32>
        %swap3A_705 = vector.shape_cast %broadcast_in_dim3A_211 : vector<16xf32> to vector<1x16xf32>
        tpu.vector_store %arg10[%swap3A_701, %swap3A_702], %swap3A_705 {strides = array<i32>} : memref<128x128xf32, #tpu.memory_space<vmem>>, vector<1x16xf32>,
        %mul3A_706 = arith.constant 16 : i32
        %mul3A_707 = arith.muli %scan3A_230, %mul3A_706 : i32
        %add3A_708 = arith.constant 7 : i32
        %add3A_709 = arith.addi %mul3A_707, %add3A_708 : i32
        %slice3A_710 = vector.extract_strided_slice %bitcast_convert_type3A {offsets = [7], sizes = [1], strides = [1]} : vector<16xf32> to vector<1xf32>
        %squeeze3A_711 = vector.extract %slice3A_710[0] : f32 from vector<1xf32>
        %broadcast_in_dim3A_712 = vector.broadcast %squeeze3A_711 : f32 to vector<16xf32>
        %get3A_713 = arith.index_cast %add3A_709 : i32 to index
        %get3A_714 = arith.constant 0 : index
        %get3A_715 = tpu.vector_load %arg10[%get3A_713, %get3A_714] {strides = array<i32>} : memref<128x128xf32, #tpu.memory_space<vmem>>, vector<1x16xf32>,
        %get3A_716 = vector.shape_cast %get3A_715 : vector<1x16xf32> to vector<16xf32>
        %mul3A_717 = arith.mulf %get3A_716, %broadcast_in_dim3A_712 : vector<16xf32>
        %swap3A_718 = arith.index_cast %add3A_709 : i32 to index
        %swap3A_719 = arith.constant 64 : index
        %swap3A_720 = tpu.vector_load %arg10[%swap3A_718, %swap3A_719] {strides = array<i32>} : memref<128x128xf32, #tpu.memory_space<vmem>>, vector<1x16xf32>,
        %swap3A_721 = vector.shape_cast %swap3A_720 : vector<1x16xf32> to vector<16xf32>
        %swap3A_722 = vector.shape_cast %mul3A_717 : vector<16xf32> to vector<1x16xf32>
        tpu.vector_store %arg10[%swap3A_718, %swap3A_719], %swap3A_722 {strides = array<i32>} : memref<128x128xf32, #tpu.memory_space<vmem>>, vector<1x16xf32>,
        %swap3A_723 = arith.index_cast %add3A_709 : i32 to index
        %swap3A_724 = arith.constant 0 : index
        %swap3A_725 = tpu.vector_load %arg10[%swap3A_723, %swap3A_724] {strides = array<i32>} : memref<128x128xf32, #tpu.memory_space<vmem>>, vector<1x16xf32>,
        %swap3A_726 = vector.shape_cast %swap3A_725 : vector<1x16xf32> to vector<16xf32>
        %swap3A_727 = vector.shape_cast %broadcast_in_dim3A_211 : vector<16xf32> to vector<1x16xf32>
        tpu.vector_store %arg10[%swap3A_723, %swap3A_724], %swap3A_727 {strides = array<i32>} : memref<128x128xf32, #tpu.memory_space<vmem>>, vector<1x16xf32>,
        %get3A_728 = arith.index_cast %add3A_709 : i32 to index
        %get3A_729 = arith.constant 16 : index
        %get3A_730 = tpu.vector_load %arg10[%get3A_728, %get3A_729] {strides = array<i32>} : memref<128x128xf32, #tpu.memory_space<vmem>>, vector<1x16xf32>,
        %get3A_731 = vector.shape_cast %get3A_730 : vector<1x16xf32> to vector<16xf32>
        %mul3A_732 = arith.mulf %get3A_731, %broadcast_in_dim3A_712 : vector<16xf32>
        %swap3A_733 = arith.index_cast %add3A_709 : i32 to index
        %swap3A_734 = arith.constant 80 : index
        %swap3A_735 = tpu.vector_load %arg10[%swap3A_733, %swap3A_734] {strides = array<i32>} : memref<128x128xf32, #tpu.memory_space<vmem>>, vector<1x16xf32>,
        %swap3A_736 = vector.shape_cast %swap3A_735 : vector<1x16xf32> to vector<16xf32>
        %swap3A_737 = vector.shape_cast %mul3A_732 : vector<16xf32> to vector<1x16xf32>
        tpu.vector_store %arg10[%swap3A_733, %swap3A_734], %swap3A_737 {strides = array<i32>} : memref<128x128xf32, #tpu.memory_space<vmem>>, vector<1x16xf32>,
        %swap3A_738 = arith.index_cast %add3A_709 : i32 to index
        %swap3A_739 = arith.constant 16 : index
        %swap3A_740 = tpu.vector_load %arg10[%swap3A_738, %swap3A_739] {strides = array<i32>} : memref<128x128xf32, #tpu.memory_space<vmem>>, vector<1x16xf32>,
        %swap3A_741 = vector.shape_cast %swap3A_740 : vector<1x16xf32> to vector<16xf32>
        %swap3A_742 = vector.shape_cast %broadcast_in_dim3A_211 : vector<16xf32> to vector<1x16xf32>
        tpu.vector_store %arg10[%swap3A_738, %swap3A_739], %swap3A_742 {strides = array<i32>} : memref<128x128xf32, #tpu.memory_space<vmem>>, vector<1x16xf32>,
        %get3A_743 = arith.index_cast %add3A_709 : i32 to index
        %get3A_744 = arith.constant 32 : index
        %get3A_745 = tpu.vector_load %arg10[%get3A_743, %get3A_744] {strides = array<i32>} : memref<128x128xf32, #tpu.memory_space<vmem>>, vector<1x16xf32>,
        %get3A_746 = vector.shape_cast %get3A_745 : vector<1x16xf32> to vector<16xf32>
        %mul3A_747 = arith.mulf %get3A_746, %broadcast_in_dim3A_712 : vector<16xf32>
        %swap3A_748 = arith.index_cast %add3A_709 : i32 to index
        %swap3A_749 = arith.constant 96 : index
        %swap3A_750 = tpu.vector_load %arg10[%swap3A_748, %swap3A_749] {strides = array<i32>} : memref<128x128xf32, #tpu.memory_space<vmem>>, vector<1x16xf32>,
        %swap3A_751 = vector.shape_cast %swap3A_750 : vector<1x16xf32> to vector<16xf32>
        %swap3A_752 = vector.shape_cast %mul3A_747 : vector<16xf32> to vector<1x16xf32>
        tpu.vector_store %arg10[%swap3A_748, %swap3A_749], %swap3A_752 {strides = array<i32>} : memref<128x128xf32, #tpu.memory_space<vmem>>, vector<1x16xf32>,
        %swap3A_753 = arith.index_cast %add3A_709 : i32 to index
        %swap3A_754 = arith.constant 32 : index
        %swap3A_755 = tpu.vector_load %arg10[%swap3A_753, %swap3A_754] {strides = array<i32>} : memref<128x128xf32, #tpu.memory_space<vmem>>, vector<1x16xf32>,
        %swap3A_756 = vector.shape_cast %swap3A_755 : vector<1x16xf32> to vector<16xf32>
        %swap3A_757 = vector.shape_cast %broadcast_in_dim3A_211 : vector<16xf32> to vector<1x16xf32>
        tpu.vector_store %arg10[%swap3A_753, %swap3A_754], %swap3A_757 {strides = array<i32>} : memref<128x128xf32, #tpu.memory_space<vmem>>, vector<1x16xf32>,
        %get3A_758 = arith.index_cast %add3A_709 : i32 to index
        %get3A_759 = arith.constant 48 : index
        %get3A_760 = tpu.vector_load %arg10[%get3A_758, %get3A_759] {strides = array<i32>} : memref<128x128xf32, #tpu.memory_space<vmem>>, vector<1x16xf32>,
        %get3A_761 = vector.shape_cast %get3A_760 : vector<1x16xf32> to vector<16xf32>
        %mul3A_762 = arith.mulf %get3A_761, %broadcast_in_dim3A_712 : vector<16xf32>
        %swap3A_763 = arith.index_cast %add3A_709 : i32 to index
        %swap3A_764 = arith.constant 112 : index
        %swap3A_765 = tpu.vector_load %arg10[%swap3A_763, %swap3A_764] {strides = array<i32>} : memref<128x128xf32, #tpu.memory_space<vmem>>, vector<1x16xf32>,
        %swap3A_766 = vector.shape_cast %swap3A_765 : vector<1x16xf32> to vector<16xf32>
        %swap3A_767 = vector.shape_cast %mul3A_762 : vector<16xf32> to vector<1x16xf32>
        tpu.vector_store %arg10[%swap3A_763, %swap3A_764], %swap3A_767 {strides = array<i32>} : memref<128x128xf32, #tpu.memory_space<vmem>>, vector<1x16xf32>,
        %swap3A_768 = arith.index_cast %add3A_709 : i32 to index
        %swap3A_769 = arith.constant 48 : index
        %swap3A_770 = tpu.vector_load %arg10[%swap3A_768, %swap3A_769] {strides = array<i32>} : memref<128x128xf32, #tpu.memory_space<vmem>>, vector<1x16xf32>,
        %swap3A_771 = vector.shape_cast %swap3A_770 : vector<1x16xf32> to vector<16xf32>
        %swap3A_772 = vector.shape_cast %broadcast_in_dim3A_211 : vector<16xf32> to vector<1x16xf32>
        tpu.vector_store %arg10[%swap3A_768, %swap3A_769], %swap3A_772 {strides = array<i32>} : memref<128x128xf32, #tpu.memory_space<vmem>>, vector<1x16xf32>,
        %mul3A_773 = arith.constant 16 : i32
        %mul3A_774 = arith.muli %scan3A_230, %mul3A_773 : i32
        %add3A_775 = arith.constant 8 : i32
        %add3A_776 = arith.addi %mul3A_774, %add3A_775 : i32
        %slice3A_777 = vector.extract_strided_slice %bitcast_convert_type3A {offsets = [8], sizes = [1], strides = [1]} : vector<16xf32> to vector<1xf32>
        %squeeze3A_778 = vector.extract %slice3A_777[0] : f32 from vector<1xf32>
        %broadcast_in_dim3A_779 = vector.broadcast %squeeze3A_778 : f32 to vector<16xf32>
        %get3A_780 = arith.index_cast %add3A_776 : i32 to index
        %get3A_781 = arith.constant 0 : index
        %get3A_782 = tpu.vector_load %arg10[%get3A_780, %get3A_781] {strides = array<i32>} : memref<128x128xf32, #tpu.memory_space<vmem>>, vector<1x16xf32>,
        %get3A_783 = vector.shape_cast %get3A_782 : vector<1x16xf32> to vector<16xf32>
        %mul3A_784 = arith.mulf %get3A_783, %broadcast_in_dim3A_779 : vector<16xf32>
        %swap3A_785 = arith.index_cast %add3A_776 : i32 to index
        %swap3A_786 = arith.constant 64 : index
        %swap3A_787 = tpu.vector_load %arg10[%swap3A_785, %swap3A_786] {strides = array<i32>} : memref<128x128xf32, #tpu.memory_space<vmem>>, vector<1x16xf32>,
        %swap3A_788 = vector.shape_cast %swap3A_787 : vector<1x16xf32> to vector<16xf32>
        %swap3A_789 = vector.shape_cast %mul3A_784 : vector<16xf32> to vector<1x16xf32>
        tpu.vector_store %arg10[%swap3A_785, %swap3A_786], %swap3A_789 {strides = array<i32>} : memref<128x128xf32, #tpu.memory_space<vmem>>, vector<1x16xf32>,
        %swap3A_790 = arith.index_cast %add3A_776 : i32 to index
        %swap3A_791 = arith.constant 0 : index
        %swap3A_792 = tpu.vector_load %arg10[%swap3A_790, %swap3A_791] {strides = array<i32>} : memref<128x128xf32, #tpu.memory_space<vmem>>, vector<1x16xf32>,
        %swap3A_793 = vector.shape_cast %swap3A_792 : vector<1x16xf32> to vector<16xf32>
        %swap3A_794 = vector.shape_cast %broadcast_in_dim3A_211 : vector<16xf32> to vector<1x16xf32>
        tpu.vector_store %arg10[%swap3A_790, %swap3A_791], %swap3A_794 {strides = array<i32>} : memref<128x128xf32, #tpu.memory_space<vmem>>, vector<1x16xf32>,
        %get3A_795 = arith.index_cast %add3A_776 : i32 to index
        %get3A_796 = arith.constant 16 : index
        %get3A_797 = tpu.vector_load %arg10[%get3A_795, %get3A_796] {strides = array<i32>} : memref<128x128xf32, #tpu.memory_space<vmem>>, vector<1x16xf32>,
        %get3A_798 = vector.shape_cast %get3A_797 : vector<1x16xf32> to vector<16xf32>
        %mul3A_799 = arith.mulf %get3A_798, %broadcast_in_dim3A_779 : vector<16xf32>
        %swap3A_800 = arith.index_cast %add3A_776 : i32 to index
        %swap3A_801 = arith.constant 80 : index
        %swap3A_802 = tpu.vector_load %arg10[%swap3A_800, %swap3A_801] {strides = array<i32>} : memref<128x128xf32, #tpu.memory_space<vmem>>, vector<1x16xf32>,
        %swap3A_803 = vector.shape_cast %swap3A_802 : vector<1x16xf32> to vector<16xf32>
        %swap3A_804 = vector.shape_cast %mul3A_799 : vector<16xf32> to vector<1x16xf32>
        tpu.vector_store %arg10[%swap3A_800, %swap3A_801], %swap3A_804 {strides = array<i32>} : memref<128x128xf32, #tpu.memory_space<vmem>>, vector<1x16xf32>,
        %swap3A_805 = arith.index_cast %add3A_776 : i32 to index
        %swap3A_806 = arith.constant 16 : index
        %swap3A_807 = tpu.vector_load %arg10[%swap3A_805, %swap3A_806] {strides = array<i32>} : memref<128x128xf32, #tpu.memory_space<vmem>>, vector<1x16xf32>,
        %swap3A_808 = vector.shape_cast %swap3A_807 : vector<1x16xf32> to vector<16xf32>
        %swap3A_809 = vector.shape_cast %broadcast_in_dim3A_211 : vector<16xf32> to vector<1x16xf32>
        tpu.vector_store %arg10[%swap3A_805, %swap3A_806], %swap3A_809 {strides = array<i32>} : memref<128x128xf32, #tpu.memory_space<vmem>>, vector<1x16xf32>,
        %get3A_810 = arith.index_cast %add3A_776 : i32 to index
        %get3A_811 = arith.constant 32 : index
        %get3A_812 = tpu.vector_load %arg10[%get3A_810, %get3A_811] {strides = array<i32>} : memref<128x128xf32, #tpu.memory_space<vmem>>, vector<1x16xf32>,
        %get3A_813 = vector.shape_cast %get3A_812 : vector<1x16xf32> to vector<16xf32>
        %mul3A_814 = arith.mulf %get3A_813, %broadcast_in_dim3A_779 : vector<16xf32>
        %swap3A_815 = arith.index_cast %add3A_776 : i32 to index
        %swap3A_816 = arith.constant 96 : index
        %swap3A_817 = tpu.vector_load %arg10[%swap3A_815, %swap3A_816] {strides = array<i32>} : memref<128x128xf32, #tpu.memory_space<vmem>>, vector<1x16xf32>,
        %swap3A_818 = vector.shape_cast %swap3A_817 : vector<1x16xf32> to vector<16xf32>
        %swap3A_819 = vector.shape_cast %mul3A_814 : vector<16xf32> to vector<1x16xf32>
        tpu.vector_store %arg10[%swap3A_815, %swap3A_816], %swap3A_819 {strides = array<i32>} : memref<128x128xf32, #tpu.memory_space<vmem>>, vector<1x16xf32>,
        %swap3A_820 = arith.index_cast %add3A_776 : i32 to index
        %swap3A_821 = arith.constant 32 : index
        %swap3A_822 = tpu.vector_load %arg10[%swap3A_820, %swap3A_821] {strides = array<i32>} : memref<128x128xf32, #tpu.memory_space<vmem>>, vector<1x16xf32>,
        %swap3A_823 = vector.shape_cast %swap3A_822 : vector<1x16xf32> to vector<16xf32>
        %swap3A_824 = vector.shape_cast %broadcast_in_dim3A_211 : vector<16xf32> to vector<1x16xf32>
        tpu.vector_store %arg10[%swap3A_820, %swap3A_821], %swap3A_824 {strides = array<i32>} : memref<128x128xf32, #tpu.memory_space<vmem>>, vector<1x16xf32>,
        %get3A_825 = arith.index_cast %add3A_776 : i32 to index
        %get3A_826 = arith.constant 48 : index
        %get3A_827 = tpu.vector_load %arg10[%get3A_825, %get3A_826] {strides = array<i32>} : memref<128x128xf32, #tpu.memory_space<vmem>>, vector<1x16xf32>,
        %get3A_828 = vector.shape_cast %get3A_827 : vector<1x16xf32> to vector<16xf32>
        %mul3A_829 = arith.mulf %get3A_828, %broadcast_in_dim3A_779 : vector<16xf32>
        %swap3A_830 = arith.index_cast %add3A_776 : i32 to index
        %swap3A_831 = arith.constant 112 : index
        %swap3A_832 = tpu.vector_load %arg10[%swap3A_830, %swap3A_831] {strides = array<i32>} : memref<128x128xf32, #tpu.memory_space<vmem>>, vector<1x16xf32>,
        %swap3A_833 = vector.shape_cast %swap3A_832 : vector<1x16xf32> to vector<16xf32>
        %swap3A_834 = vector.shape_cast %mul3A_829 : vector<16xf32> to vector<1x16xf32>
        tpu.vector_store %arg10[%swap3A_830, %swap3A_831], %swap3A_834 {strides = array<i32>} : memref<128x128xf32, #tpu.memory_space<vmem>>, vector<1x16xf32>,
        %swap3A_835 = arith.index_cast %add3A_776 : i32 to index
        %swap3A_836 = arith.constant 48 : index
        %swap3A_837 = tpu.vector_load %arg10[%swap3A_835, %swap3A_836] {strides = array<i32>} : memref<128x128xf32, #tpu.memory_space<vmem>>, vector<1x16xf32>,
        %swap3A_838 = vector.shape_cast %swap3A_837 : vector<1x16xf32> to vector<16xf32>
        %swap3A_839 = vector.shape_cast %broadcast_in_dim3A_211 : vector<16xf32> to vector<1x16xf32>
        tpu.vector_store %arg10[%swap3A_835, %swap3A_836], %swap3A_839 {strides = array<i32>} : memref<128x128xf32, #tpu.memory_space<vmem>>, vector<1x16xf32>,
        %mul3A_840 = arith.constant 16 : i32
        %mul3A_841 = arith.muli %scan3A_230, %mul3A_840 : i32
        %add3A_842 = arith.constant 9 : i32
        %add3A_843 = arith.addi %mul3A_841, %add3A_842 : i32
        %slice3A_844 = vector.extract_strided_slice %bitcast_convert_type3A {offsets = [9], sizes = [1], strides = [1]} : vector<16xf32> to vector<1xf32>
        %squeeze3A_845 = vector.extract %slice3A_844[0] : f32 from vector<1xf32>
        %broadcast_in_dim3A_846 = vector.broadcast %squeeze3A_845 : f32 to vector<16xf32>
        %get3A_847 = arith.index_cast %add3A_843 : i32 to index
        %get3A_848 = arith.constant 0 : index
        %get3A_849 = tpu.vector_load %arg10[%get3A_847, %get3A_848] {strides = array<i32>} : memref<128x128xf32, #tpu.memory_space<vmem>>, vector<1x16xf32>,
        %get3A_850 = vector.shape_cast %get3A_849 : vector<1x16xf32> to vector<16xf32>
        %mul3A_851 = arith.mulf %get3A_850, %broadcast_in_dim3A_846 : vector<16xf32>
        %swap3A_852 = arith.index_cast %add3A_843 : i32 to index
        %swap3A_853 = arith.constant 64 : index
        %swap3A_854 = tpu.vector_load %arg10[%swap3A_852, %swap3A_853] {strides = array<i32>} : memref<128x128xf32, #tpu.memory_space<vmem>>, vector<1x16xf32>,
        %swap3A_855 = vector.shape_cast %swap3A_854 : vector<1x16xf32> to vector<16xf32>
        %swap3A_856 = vector.shape_cast %mul3A_851 : vector<16xf32> to vector<1x16xf32>
        tpu.vector_store %arg10[%swap3A_852, %swap3A_853], %swap3A_856 {strides = array<i32>} : memref<128x128xf32, #tpu.memory_space<vmem>>, vector<1x16xf32>,
        %swap3A_857 = arith.index_cast %add3A_843 : i32 to index
        %swap3A_858 = arith.constant 0 : index
        %swap3A_859 = tpu.vector_load %arg10[%swap3A_857, %swap3A_858] {strides = array<i32>} : memref<128x128xf32, #tpu.memory_space<vmem>>, vector<1x16xf32>,
        %swap3A_860 = vector.shape_cast %swap3A_859 : vector<1x16xf32> to vector<16xf32>
        %swap3A_861 = vector.shape_cast %broadcast_in_dim3A_211 : vector<16xf32> to vector<1x16xf32>
        tpu.vector_store %arg10[%swap3A_857, %swap3A_858], %swap3A_861 {strides = array<i32>} : memref<128x128xf32, #tpu.memory_space<vmem>>, vector<1x16xf32>,
        %get3A_862 = arith.index_cast %add3A_843 : i32 to index
        %get3A_863 = arith.constant 16 : index
        %get3A_864 = tpu.vector_load %arg10[%get3A_862, %get3A_863] {strides = array<i32>} : memref<128x128xf32, #tpu.memory_space<vmem>>, vector<1x16xf32>,
        %get3A_865 = vector.shape_cast %get3A_864 : vector<1x16xf32> to vector<16xf32>
        %mul3A_866 = arith.mulf %get3A_865, %broadcast_in_dim3A_846 : vector<16xf32>
        %swap3A_867 = arith.index_cast %add3A_843 : i32 to index
        %swap3A_868 = arith.constant 80 : index
        %swap3A_869 = tpu.vector_load %arg10[%swap3A_867, %swap3A_868] {strides = array<i32>} : memref<128x128xf32, #tpu.memory_space<vmem>>, vector<1x16xf32>,
        %swap3A_870 = vector.shape_cast %swap3A_869 : vector<1x16xf32> to vector<16xf32>
        %swap3A_871 = vector.shape_cast %mul3A_866 : vector<16xf32> to vector<1x16xf32>
        tpu.vector_store %arg10[%swap3A_867, %swap3A_868], %swap3A_871 {strides = array<i32>} : memref<128x128xf32, #tpu.memory_space<vmem>>, vector<1x16xf32>,
        %swap3A_872 = arith.index_cast %add3A_843 : i32 to index
        %swap3A_873 = arith.constant 16 : index
        %swap3A_874 = tpu.vector_load %arg10[%swap3A_872, %swap3A_873] {strides = array<i32>} : memref<128x128xf32, #tpu.memory_space<vmem>>, vector<1x16xf32>,
        %swap3A_875 = vector.shape_cast %swap3A_874 : vector<1x16xf32> to vector<16xf32>
        %swap3A_876 = vector.shape_cast %broadcast_in_dim3A_211 : vector<16xf32> to vector<1x16xf32>
        tpu.vector_store %arg10[%swap3A_872, %swap3A_873], %swap3A_876 {strides = array<i32>} : memref<128x128xf32, #tpu.memory_space<vmem>>, vector<1x16xf32>,
        %get3A_877 = arith.index_cast %add3A_843 : i32 to index
        %get3A_878 = arith.constant 32 : index
        %get3A_879 = tpu.vector_load %arg10[%get3A_877, %get3A_878] {strides = array<i32>} : memref<128x128xf32, #tpu.memory_space<vmem>>, vector<1x16xf32>,
        %get3A_880 = vector.shape_cast %get3A_879 : vector<1x16xf32> to vector<16xf32>
        %mul3A_881 = arith.mulf %get3A_880, %broadcast_in_dim3A_846 : vector<16xf32>
        %swap3A_882 = arith.index_cast %add3A_843 : i32 to index
        %swap3A_883 = arith.constant 96 : index
        %swap3A_884 = tpu.vector_load %arg10[%swap3A_882, %swap3A_883] {strides = array<i32>} : memref<128x128xf32, #tpu.memory_space<vmem>>, vector<1x16xf32>,
        %swap3A_885 = vector.shape_cast %swap3A_884 : vector<1x16xf32> to vector<16xf32>
        %swap3A_886 = vector.shape_cast %mul3A_881 : vector<16xf32> to vector<1x16xf32>
        tpu.vector_store %arg10[%swap3A_882, %swap3A_883], %swap3A_886 {strides = array<i32>} : memref<128x128xf32, #tpu.memory_space<vmem>>, vector<1x16xf32>,
        %swap3A_887 = arith.index_cast %add3A_843 : i32 to index
        %swap3A_888 = arith.constant 32 : index
        %swap3A_889 = tpu.vector_load %arg10[%swap3A_887, %swap3A_888] {strides = array<i32>} : memref<128x128xf32, #tpu.memory_space<vmem>>, vector<1x16xf32>,
        %swap3A_890 = vector.shape_cast %swap3A_889 : vector<1x16xf32> to vector<16xf32>
        %swap3A_891 = vector.shape_cast %broadcast_in_dim3A_211 : vector<16xf32> to vector<1x16xf32>
        tpu.vector_store %arg10[%swap3A_887, %swap3A_888], %swap3A_891 {strides = array<i32>} : memref<128x128xf32, #tpu.memory_space<vmem>>, vector<1x16xf32>,
        %get3A_892 = arith.index_cast %add3A_843 : i32 to index
        %get3A_893 = arith.constant 48 : index
        %get3A_894 = tpu.vector_load %arg10[%get3A_892, %get3A_893] {strides = array<i32>} : memref<128x128xf32, #tpu.memory_space<vmem>>, vector<1x16xf32>,
        %get3A_895 = vector.shape_cast %get3A_894 : vector<1x16xf32> to vector<16xf32>
        %mul3A_896 = arith.mulf %get3A_895, %broadcast_in_dim3A_846 : vector<16xf32>
        %swap3A_897 = arith.index_cast %add3A_843 : i32 to index
        %swap3A_898 = arith.constant 112 : index
        %swap3A_899 = tpu.vector_load %arg10[%swap3A_897, %swap3A_898] {strides = array<i32>} : memref<128x128xf32, #tpu.memory_space<vmem>>, vector<1x16xf32>,
        %swap3A_900 = vector.shape_cast %swap3A_899 : vector<1x16xf32> to vector<16xf32>
        %swap3A_901 = vector.shape_cast %mul3A_896 : vector<16xf32> to vector<1x16xf32>
        tpu.vector_store %arg10[%swap3A_897, %swap3A_898], %swap3A_901 {strides = array<i32>} : memref<128x128xf32, #tpu.memory_space<vmem>>, vector<1x16xf32>,
        %swap3A_902 = arith.index_cast %add3A_843 : i32 to index
        %swap3A_903 = arith.constant 48 : index
        %swap3A_904 = tpu.vector_load %arg10[%swap3A_902, %swap3A_903] {strides = array<i32>} : memref<128x128xf32, #tpu.memory_space<vmem>>, vector<1x16xf32>,
        %swap3A_905 = vector.shape_cast %swap3A_904 : vector<1x16xf32> to vector<16xf32>
        %swap3A_906 = vector.shape_cast %broadcast_in_dim3A_211 : vector<16xf32> to vector<1x16xf32>
        tpu.vector_store %arg10[%swap3A_902, %swap3A_903], %swap3A_906 {strides = array<i32>} : memref<128x128xf32, #tpu.memory_space<vmem>>, vector<1x16xf32>,
        %mul3A_907 = arith.constant 16 : i32
        %mul3A_908 = arith.muli %scan3A_230, %mul3A_907 : i32
        %add3A_909 = arith.constant 10 : i32
        %add3A_910 = arith.addi %mul3A_908, %add3A_909 : i32
        %slice3A_911 = vector.extract_strided_slice %bitcast_convert_type3A {offsets = [10], sizes = [1], strides = [1]} : vector<16xf32> to vector<1xf32>
        %squeeze3A_912 = vector.extract %slice3A_911[0] : f32 from vector<1xf32>
        %broadcast_in_dim3A_913 = vector.broadcast %squeeze3A_912 : f32 to vector<16xf32>
        %get3A_914 = arith.index_cast %add3A_910 : i32 to index
        %get3A_915 = arith.constant 0 : index
        %get3A_916 = tpu.vector_load %arg10[%get3A_914, %get3A_915] {strides = array<i32>} : memref<128x128xf32, #tpu.memory_space<vmem>>, vector<1x16xf32>,
        %get3A_917 = vector.shape_cast %get3A_916 : vector<1x16xf32> to vector<16xf32>
        %mul3A_918 = arith.mulf %get3A_917, %broadcast_in_dim3A_913 : vector<16xf32>
        %swap3A_919 = arith.index_cast %add3A_910 : i32 to index
        %swap3A_920 = arith.constant 64 : index
        %swap3A_921 = tpu.vector_load %arg10[%swap3A_919, %swap3A_920] {strides = array<i32>} : memref<128x128xf32, #tpu.memory_space<vmem>>, vector<1x16xf32>,
        %swap3A_922 = vector.shape_cast %swap3A_921 : vector<1x16xf32> to vector<16xf32>
        %swap3A_923 = vector.shape_cast %mul3A_918 : vector<16xf32> to vector<1x16xf32>
        tpu.vector_store %arg10[%swap3A_919, %swap3A_920], %swap3A_923 {strides = array<i32>} : memref<128x128xf32, #tpu.memory_space<vmem>>, vector<1x16xf32>,
        %swap3A_924 = arith.index_cast %add3A_910 : i32 to index
        %swap3A_925 = arith.constant 0 : index
        %swap3A_926 = tpu.vector_load %arg10[%swap3A_924, %swap3A_925] {strides = array<i32>} : memref<128x128xf32, #tpu.memory_space<vmem>>, vector<1x16xf32>,
        %swap3A_927 = vector.shape_cast %swap3A_926 : vector<1x16xf32> to vector<16xf32>
        %swap3A_928 = vector.shape_cast %broadcast_in_dim3A_211 : vector<16xf32> to vector<1x16xf32>
        tpu.vector_store %arg10[%swap3A_924, %swap3A_925], %swap3A_928 {strides = array<i32>} : memref<128x128xf32, #tpu.memory_space<vmem>>, vector<1x16xf32>,
        %get3A_929 = arith.index_cast %add3A_910 : i32 to index
        %get3A_930 = arith.constant 16 : index
        %get3A_931 = tpu.vector_load %arg10[%get3A_929, %get3A_930] {strides = array<i32>} : memref<128x128xf32, #tpu.memory_space<vmem>>, vector<1x16xf32>,
        %get3A_932 = vector.shape_cast %get3A_931 : vector<1x16xf32> to vector<16xf32>
        %mul3A_933 = arith.mulf %get3A_932, %broadcast_in_dim3A_913 : vector<16xf32>
        %swap3A_934 = arith.index_cast %add3A_910 : i32 to index
        %swap3A_935 = arith.constant 80 : index
        %swap3A_936 = tpu.vector_load %arg10[%swap3A_934, %swap3A_935] {strides = array<i32>} : memref<128x128xf32, #tpu.memory_space<vmem>>, vector<1x16xf32>,
        %swap3A_937 = vector.shape_cast %swap3A_936 : vector<1x16xf32> to vector<16xf32>
        %swap3A_938 = vector.shape_cast %mul3A_933 : vector<16xf32> to vector<1x16xf32>
        tpu.vector_store %arg10[%swap3A_934, %swap3A_935], %swap3A_938 {strides = array<i32>} : memref<128x128xf32, #tpu.memory_space<vmem>>, vector<1x16xf32>,
        %swap3A_939 = arith.index_cast %add3A_910 : i32 to index
        %swap3A_940 = arith.constant 16 : index
        %swap3A_941 = tpu.vector_load %arg10[%swap3A_939, %swap3A_940] {strides = array<i32>} : memref<128x128xf32, #tpu.memory_space<vmem>>, vector<1x16xf32>,
        %swap3A_942 = vector.shape_cast %swap3A_941 : vector<1x16xf32> to vector<16xf32>
        %swap3A_943 = vector.shape_cast %broadcast_in_dim3A_211 : vector<16xf32> to vector<1x16xf32>
        tpu.vector_store %arg10[%swap3A_939, %swap3A_940], %swap3A_943 {strides = array<i32>} : memref<128x128xf32, #tpu.memory_space<vmem>>, vector<1x16xf32>,
        %get3A_944 = arith.index_cast %add3A_910 : i32 to index
        %get3A_945 = arith.constant 32 : index
        %get3A_946 = tpu.vector_load %arg10[%get3A_944, %get3A_945] {strides = array<i32>} : memref<128x128xf32, #tpu.memory_space<vmem>>, vector<1x16xf32>,
        %get3A_947 = vector.shape_cast %get3A_946 : vector<1x16xf32> to vector<16xf32>
        %mul3A_948 = arith.mulf %get3A_947, %broadcast_in_dim3A_913 : vector<16xf32>
        %swap3A_949 = arith.index_cast %add3A_910 : i32 to index
        %swap3A_950 = arith.constant 96 : index
        %swap3A_951 = tpu.vector_load %arg10[%swap3A_949, %swap3A_950] {strides = array<i32>} : memref<128x128xf32, #tpu.memory_space<vmem>>, vector<1x16xf32>,
        %swap3A_952 = vector.shape_cast %swap3A_951 : vector<1x16xf32> to vector<16xf32>
        %swap3A_953 = vector.shape_cast %mul3A_948 : vector<16xf32> to vector<1x16xf32>
        tpu.vector_store %arg10[%swap3A_949, %swap3A_950], %swap3A_953 {strides = array<i32>} : memref<128x128xf32, #tpu.memory_space<vmem>>, vector<1x16xf32>,
        %swap3A_954 = arith.index_cast %add3A_910 : i32 to index
        %swap3A_955 = arith.constant 32 : index
        %swap3A_956 = tpu.vector_load %arg10[%swap3A_954, %swap3A_955] {strides = array<i32>} : memref<128x128xf32, #tpu.memory_space<vmem>>, vector<1x16xf32>,
        %swap3A_957 = vector.shape_cast %swap3A_956 : vector<1x16xf32> to vector<16xf32>
        %swap3A_958 = vector.shape_cast %broadcast_in_dim3A_211 : vector<16xf32> to vector<1x16xf32>
        tpu.vector_store %arg10[%swap3A_954, %swap3A_955], %swap3A_958 {strides = array<i32>} : memref<128x128xf32, #tpu.memory_space<vmem>>, vector<1x16xf32>,
        %get3A_959 = arith.index_cast %add3A_910 : i32 to index
        %get3A_960 = arith.constant 48 : index
        %get3A_961 = tpu.vector_load %arg10[%get3A_959, %get3A_960] {strides = array<i32>} : memref<128x128xf32, #tpu.memory_space<vmem>>, vector<1x16xf32>,
        %get3A_962 = vector.shape_cast %get3A_961 : vector<1x16xf32> to vector<16xf32>
        %mul3A_963 = arith.mulf %get3A_962, %broadcast_in_dim3A_913 : vector<16xf32>
        %swap3A_964 = arith.index_cast %add3A_910 : i32 to index
        %swap3A_965 = arith.constant 112 : index
        %swap3A_966 = tpu.vector_load %arg10[%swap3A_964, %swap3A_965] {strides = array<i32>} : memref<128x128xf32, #tpu.memory_space<vmem>>, vector<1x16xf32>,
        %swap3A_967 = vector.shape_cast %swap3A_966 : vector<1x16xf32> to vector<16xf32>
        %swap3A_968 = vector.shape_cast %mul3A_963 : vector<16xf32> to vector<1x16xf32>
        tpu.vector_store %arg10[%swap3A_964, %swap3A_965], %swap3A_968 {strides = array<i32>} : memref<128x128xf32, #tpu.memory_space<vmem>>, vector<1x16xf32>,
        %swap3A_969 = arith.index_cast %add3A_910 : i32 to index
        %swap3A_970 = arith.constant 48 : index
        %swap3A_971 = tpu.vector_load %arg10[%swap3A_969, %swap3A_970] {strides = array<i32>} : memref<128x128xf32, #tpu.memory_space<vmem>>, vector<1x16xf32>,
        %swap3A_972 = vector.shape_cast %swap3A_971 : vector<1x16xf32> to vector<16xf32>
        %swap3A_973 = vector.shape_cast %broadcast_in_dim3A_211 : vector<16xf32> to vector<1x16xf32>
        tpu.vector_store %arg10[%swap3A_969, %swap3A_970], %swap3A_973 {strides = array<i32>} : memref<128x128xf32, #tpu.memory_space<vmem>>, vector<1x16xf32>,
        %mul3A_974 = arith.constant 16 : i32
        %mul3A_975 = arith.muli %scan3A_230, %mul3A_974 : i32
        %add3A_976 = arith.constant 11 : i32
        %add3A_977 = arith.addi %mul3A_975, %add3A_976 : i32
        %slice3A_978 = vector.extract_strided_slice %bitcast_convert_type3A {offsets = [11], sizes = [1], strides = [1]} : vector<16xf32> to vector<1xf32>
        %squeeze3A_979 = vector.extract %slice3A_978[0] : f32 from vector<1xf32>
        %broadcast_in_dim3A_980 = vector.broadcast %squeeze3A_979 : f32 to vector<16xf32>
        %get3A_981 = arith.index_cast %add3A_977 : i32 to index
        %get3A_982 = arith.constant 0 : index
        %get3A_983 = tpu.vector_load %arg10[%get3A_981, %get3A_982] {strides = array<i32>} : memref<128x128xf32, #tpu.memory_space<vmem>>, vector<1x16xf32>,
        %get3A_984 = vector.shape_cast %get3A_983 : vector<1x16xf32> to vector<16xf32>
        %mul3A_985 = arith.mulf %get3A_984, %broadcast_in_dim3A_980 : vector<16xf32>
        %swap3A_986 = arith.index_cast %add3A_977 : i32 to index
        %swap3A_987 = arith.constant 64 : index
        %swap3A_988 = tpu.vector_load %arg10[%swap3A_986, %swap3A_987] {strides = array<i32>} : memref<128x128xf32, #tpu.memory_space<vmem>>, vector<1x16xf32>,
        %swap3A_989 = vector.shape_cast %swap3A_988 : vector<1x16xf32> to vector<16xf32>
        %swap3A_990 = vector.shape_cast %mul3A_985 : vector<16xf32> to vector<1x16xf32>
        tpu.vector_store %arg10[%swap3A_986, %swap3A_987], %swap3A_990 {strides = array<i32>} : memref<128x128xf32, #tpu.memory_space<vmem>>, vector<1x16xf32>,
        %swap3A_991 = arith.index_cast %add3A_977 : i32 to index
        %swap3A_992 = arith.constant 0 : index
        %swap3A_993 = tpu.vector_load %arg10[%swap3A_991, %swap3A_992] {strides = array<i32>} : memref<128x128xf32, #tpu.memory_space<vmem>>, vector<1x16xf32>,
        %swap3A_994 = vector.shape_cast %swap3A_993 : vector<1x16xf32> to vector<16xf32>
        %swap3A_995 = vector.shape_cast %broadcast_in_dim3A_211 : vector<16xf32> to vector<1x16xf32>
        tpu.vector_store %arg10[%swap3A_991, %swap3A_992], %swap3A_995 {strides = array<i32>} : memref<128x128xf32, #tpu.memory_space<vmem>>, vector<1x16xf32>,
        %get3A_996 = arith.index_cast %add3A_977 : i32 to index
        %get3A_997 = arith.constant 16 : index
        %get3A_998 = tpu.vector_load %arg10[%get3A_996, %get3A_997] {strides = array<i32>} : memref<128x128xf32, #tpu.memory_space<vmem>>, vector<1x16xf32>,
        %get3A_999 = vector.shape_cast %get3A_998 : vector<1x16xf32> to vector<16xf32>
        %mul3A_1000 = arith.mulf %get3A_999, %broadcast_in_dim3A_980 : vector<16xf32>
        %swap3A_1001 = arith.index_cast %add3A_977 : i32 to index
        %swap3A_1002 = arith.constant 80 : index
        %swap3A_1003 = tpu.vector_load %arg10[%swap3A_1001, %swap3A_1002] {strides = array<i32>} : memref<128x128xf32, #tpu.memory_space<vmem>>, vector<1x16xf32>,
        %swap3A_1004 = vector.shape_cast %swap3A_1003 : vector<1x16xf32> to vector<16xf32>
        %swap3A_1005 = vector.shape_cast %mul3A_1000 : vector<16xf32> to vector<1x16xf32>
        tpu.vector_store %arg10[%swap3A_1001, %swap3A_1002], %swap3A_1005 {strides = array<i32>} : memref<128x128xf32, #tpu.memory_space<vmem>>, vector<1x16xf32>,
        %swap3A_1006 = arith.index_cast %add3A_977 : i32 to index
        %swap3A_1007 = arith.constant 16 : index
        %swap3A_1008 = tpu.vector_load %arg10[%swap3A_1006, %swap3A_1007] {strides = array<i32>} : memref<128x128xf32, #tpu.memory_space<vmem>>, vector<1x16xf32>,
        %swap3A_1009 = vector.shape_cast %swap3A_1008 : vector<1x16xf32> to vector<16xf32>
        %swap3A_1010 = vector.shape_cast %broadcast_in_dim3A_211 : vector<16xf32> to vector<1x16xf32>
        tpu.vector_store %arg10[%swap3A_1006, %swap3A_1007], %swap3A_1010 {strides = array<i32>} : memref<128x128xf32, #tpu.memory_space<vmem>>, vector<1x16xf32>,
        %get3A_1011 = arith.index_cast %add3A_977 : i32 to index
        %get3A_1012 = arith.constant 32 : index
        %get3A_1013 = tpu.vector_load %arg10[%get3A_1011, %get3A_1012] {strides = array<i32>} : memref<128x128xf32, #tpu.memory_space<vmem>>, vector<1x16xf32>,
        %get3A_1014 = vector.shape_cast %get3A_1013 : vector<1x16xf32> to vector<16xf32>
        %mul3A_1015 = arith.mulf %get3A_1014, %broadcast_in_dim3A_980 : vector<16xf32>
        %swap3A_1016 = arith.index_cast %add3A_977 : i32 to index
        %swap3A_1017 = arith.constant 96 : index
        %swap3A_1018 = tpu.vector_load %arg10[%swap3A_1016, %swap3A_1017] {strides = array<i32>} : memref<128x128xf32, #tpu.memory_space<vmem>>, vector<1x16xf32>,
        %swap3A_1019 = vector.shape_cast %swap3A_1018 : vector<1x16xf32> to vector<16xf32>
        %swap3A_1020 = vector.shape_cast %mul3A_1015 : vector<16xf32> to vector<1x16xf32>
        tpu.vector_store %arg10[%swap3A_1016, %swap3A_1017], %swap3A_1020 {strides = array<i32>} : memref<128x128xf32, #tpu.memory_space<vmem>>, vector<1x16xf32>,
        %swap3A_1021 = arith.index_cast %add3A_977 : i32 to index
        %swap3A_1022 = arith.constant 32 : index
        %swap3A_1023 = tpu.vector_load %arg10[%swap3A_1021, %swap3A_1022] {strides = array<i32>} : memref<128x128xf32, #tpu.memory_space<vmem>>, vector<1x16xf32>,
        %swap3A_1024 = vector.shape_cast %swap3A_1023 : vector<1x16xf32> to vector<16xf32>
        %swap3A_1025 = vector.shape_cast %broadcast_in_dim3A_211 : vector<16xf32> to vector<1x16xf32>
        tpu.vector_store %arg10[%swap3A_1021, %swap3A_1022], %swap3A_1025 {strides = array<i32>} : memref<128x128xf32, #tpu.memory_space<vmem>>, vector<1x16xf32>,
        %get3A_1026 = arith.index_cast %add3A_977 : i32 to index
        %get3A_1027 = arith.constant 48 : index
        %get3A_1028 = tpu.vector_load %arg10[%get3A_1026, %get3A_1027] {strides = array<i32>} : memref<128x128xf32, #tpu.memory_space<vmem>>, vector<1x16xf32>,
        %get3A_1029 = vector.shape_cast %get3A_1028 : vector<1x16xf32> to vector<16xf32>
        %mul3A_1030 = arith.mulf %get3A_1029, %broadcast_in_dim3A_980 : vector<16xf32>
        %swap3A_1031 = arith.index_cast %add3A_977 : i32 to index
        %swap3A_1032 = arith.constant 112 : index
        %swap3A_1033 = tpu.vector_load %arg10[%swap3A_1031, %swap3A_1032] {strides = array<i32>} : memref<128x128xf32, #tpu.memory_space<vmem>>, vector<1x16xf32>,
        %swap3A_1034 = vector.shape_cast %swap3A_1033 : vector<1x16xf32> to vector<16xf32>
        %swap3A_1035 = vector.shape_cast %mul3A_1030 : vector<16xf32> to vector<1x16xf32>
        tpu.vector_store %arg10[%swap3A_1031, %swap3A_1032], %swap3A_1035 {strides = array<i32>} : memref<128x128xf32, #tpu.memory_space<vmem>>, vector<1x16xf32>,
        %swap3A_1036 = arith.index_cast %add3A_977 : i32 to index
        %swap3A_1037 = arith.constant 48 : index
        %swap3A_1038 = tpu.vector_load %arg10[%swap3A_1036, %swap3A_1037] {strides = array<i32>} : memref<128x128xf32, #tpu.memory_space<vmem>>, vector<1x16xf32>,
        %swap3A_1039 = vector.shape_cast %swap3A_1038 : vector<1x16xf32> to vector<16xf32>
        %swap3A_1040 = vector.shape_cast %broadcast_in_dim3A_211 : vector<16xf32> to vector<1x16xf32>
        tpu.vector_store %arg10[%swap3A_1036, %swap3A_1037], %swap3A_1040 {strides = array<i32>} : memref<128x128xf32, #tpu.memory_space<vmem>>, vector<1x16xf32>,
        %mul3A_1041 = arith.constant 16 : i32
        %mul3A_1042 = arith.muli %scan3A_230, %mul3A_1041 : i32
        %add3A_1043 = arith.constant 12 : i32
        %add3A_1044 = arith.addi %mul3A_1042, %add3A_1043 : i32
        %slice3A_1045 = vector.extract_strided_slice %bitcast_convert_type3A {offsets = [12], sizes = [1], strides = [1]} : vector<16xf32> to vector<1xf32>
        %squeeze3A_1046 = vector.extract %slice3A_1045[0] : f32 from vector<1xf32>
        %broadcast_in_dim3A_1047 = vector.broadcast %squeeze3A_1046 : f32 to vector<16xf32>
        %get3A_1048 = arith.index_cast %add3A_1044 : i32 to index
        %get3A_1049 = arith.constant 0 : index
        %get3A_1050 = tpu.vector_load %arg10[%get3A_1048, %get3A_1049] {strides = array<i32>} : memref<128x128xf32, #tpu.memory_space<vmem>>, vector<1x16xf32>,
        %get3A_1051 = vector.shape_cast %get3A_1050 : vector<1x16xf32> to vector<16xf32>
        %mul3A_1052 = arith.mulf %get3A_1051, %broadcast_in_dim3A_1047 : vector<16xf32>
        %swap3A_1053 = arith.index_cast %add3A_1044 : i32 to index
        %swap3A_1054 = arith.constant 64 : index
        %swap3A_1055 = tpu.vector_load %arg10[%swap3A_1053, %swap3A_1054] {strides = array<i32>} : memref<128x128xf32, #tpu.memory_space<vmem>>, vector<1x16xf32>,
        %swap3A_1056 = vector.shape_cast %swap3A_1055 : vector<1x16xf32> to vector<16xf32>
        %swap3A_1057 = vector.shape_cast %mul3A_1052 : vector<16xf32> to vector<1x16xf32>
        tpu.vector_store %arg10[%swap3A_1053, %swap3A_1054], %swap3A_1057 {strides = array<i32>} : memref<128x128xf32, #tpu.memory_space<vmem>>, vector<1x16xf32>,
        %swap3A_1058 = arith.index_cast %add3A_1044 : i32 to index
        %swap3A_1059 = arith.constant 0 : index
        %swap3A_1060 = tpu.vector_load %arg10[%swap3A_1058, %swap3A_1059] {strides = array<i32>} : memref<128x128xf32, #tpu.memory_space<vmem>>, vector<1x16xf32>,
        %swap3A_1061 = vector.shape_cast %swap3A_1060 : vector<1x16xf32> to vector<16xf32>
        %swap3A_1062 = vector.shape_cast %broadcast_in_dim3A_211 : vector<16xf32> to vector<1x16xf32>
        tpu.vector_store %arg10[%swap3A_1058, %swap3A_1059], %swap3A_1062 {strides = array<i32>} : memref<128x128xf32, #tpu.memory_space<vmem>>, vector<1x16xf32>,
        %get3A_1063 = arith.index_cast %add3A_1044 : i32 to index
        %get3A_1064 = arith.constant 16 : index
        %get3A_1065 = tpu.vector_load %arg10[%get3A_1063, %get3A_1064] {strides = array<i32>} : memref<128x128xf32, #tpu.memory_space<vmem>>, vector<1x16xf32>,
        %get3A_1066 = vector.shape_cast %get3A_1065 : vector<1x16xf32> to vector<16xf32>
        %mul3A_1067 = arith.mulf %get3A_1066, %broadcast_in_dim3A_1047 : vector<16xf32>
        %swap3A_1068 = arith.index_cast %add3A_1044 : i32 to index
        %swap3A_1069 = arith.constant 80 : index
        %swap3A_1070 = tpu.vector_load %arg10[%swap3A_1068, %swap3A_1069] {strides = array<i32>} : memref<128x128xf32, #tpu.memory_space<vmem>>, vector<1x16xf32>,
        %swap3A_1071 = vector.shape_cast %swap3A_1070 : vector<1x16xf32> to vector<16xf32>
        %swap3A_1072 = vector.shape_cast %mul3A_1067 : vector<16xf32> to vector<1x16xf32>
        tpu.vector_store %arg10[%swap3A_1068, %swap3A_1069], %swap3A_1072 {strides = array<i32>} : memref<128x128xf32, #tpu.memory_space<vmem>>, vector<1x16xf32>,
        %swap3A_1073 = arith.index_cast %add3A_1044 : i32 to index
        %swap3A_1074 = arith.constant 16 : index
        %swap3A_1075 = tpu.vector_load %arg10[%swap3A_1073, %swap3A_1074] {strides = array<i32>} : memref<128x128xf32, #tpu.memory_space<vmem>>, vector<1x16xf32>,
        %swap3A_1076 = vector.shape_cast %swap3A_1075 : vector<1x16xf32> to vector<16xf32>
        %swap3A_1077 = vector.shape_cast %broadcast_in_dim3A_211 : vector<16xf32> to vector<1x16xf32>
        tpu.vector_store %arg10[%swap3A_1073, %swap3A_1074], %swap3A_1077 {strides = array<i32>} : memref<128x128xf32, #tpu.memory_space<vmem>>, vector<1x16xf32>,
        %get3A_1078 = arith.index_cast %add3A_1044 : i32 to index
        %get3A_1079 = arith.constant 32 : index
        %get3A_1080 = tpu.vector_load %arg10[%get3A_1078, %get3A_1079] {strides = array<i32>} : memref<128x128xf32, #tpu.memory_space<vmem>>, vector<1x16xf32>,
        %get3A_1081 = vector.shape_cast %get3A_1080 : vector<1x16xf32> to vector<16xf32>
        %mul3A_1082 = arith.mulf %get3A_1081, %broadcast_in_dim3A_1047 : vector<16xf32>
        %swap3A_1083 = arith.index_cast %add3A_1044 : i32 to index
        %swap3A_1084 = arith.constant 96 : index
        %swap3A_1085 = tpu.vector_load %arg10[%swap3A_1083, %swap3A_1084] {strides = array<i32>} : memref<128x128xf32, #tpu.memory_space<vmem>>, vector<1x16xf32>,
        %swap3A_1086 = vector.shape_cast %swap3A_1085 : vector<1x16xf32> to vector<16xf32>
        %swap3A_1087 = vector.shape_cast %mul3A_1082 : vector<16xf32> to vector<1x16xf32>
        tpu.vector_store %arg10[%swap3A_1083, %swap3A_1084], %swap3A_1087 {strides = array<i32>} : memref<128x128xf32, #tpu.memory_space<vmem>>, vector<1x16xf32>,
        %swap3A_1088 = arith.index_cast %add3A_1044 : i32 to index
        %swap3A_1089 = arith.constant 32 : index
        %swap3A_1090 = tpu.vector_load %arg10[%swap3A_1088, %swap3A_1089] {strides = array<i32>} : memref<128x128xf32, #tpu.memory_space<vmem>>, vector<1x16xf32>,
        %swap3A_1091 = vector.shape_cast %swap3A_1090 : vector<1x16xf32> to vector<16xf32>
        %swap3A_1092 = vector.shape_cast %broadcast_in_dim3A_211 : vector<16xf32> to vector<1x16xf32>
        tpu.vector_store %arg10[%swap3A_1088, %swap3A_1089], %swap3A_1092 {strides = array<i32>} : memref<128x128xf32, #tpu.memory_space<vmem>>, vector<1x16xf32>,
        %get3A_1093 = arith.index_cast %add3A_1044 : i32 to index
        %get3A_1094 = arith.constant 48 : index
        %get3A_1095 = tpu.vector_load %arg10[%get3A_1093, %get3A_1094] {strides = array<i32>} : memref<128x128xf32, #tpu.memory_space<vmem>>, vector<1x16xf32>,
        %get3A_1096 = vector.shape_cast %get3A_1095 : vector<1x16xf32> to vector<16xf32>
        %mul3A_1097 = arith.mulf %get3A_1096, %broadcast_in_dim3A_1047 : vector<16xf32>
        %swap3A_1098 = arith.index_cast %add3A_1044 : i32 to index
        %swap3A_1099 = arith.constant 112 : index
        %swap3A_1100 = tpu.vector_load %arg10[%swap3A_1098, %swap3A_1099] {strides = array<i32>} : memref<128x128xf32, #tpu.memory_space<vmem>>, vector<1x16xf32>,
        %swap3A_1101 = vector.shape_cast %swap3A_1100 : vector<1x16xf32> to vector<16xf32>
        %swap3A_1102 = vector.shape_cast %mul3A_1097 : vector<16xf32> to vector<1x16xf32>
        tpu.vector_store %arg10[%swap3A_1098, %swap3A_1099], %swap3A_1102 {strides = array<i32>} : memref<128x128xf32, #tpu.memory_space<vmem>>, vector<1x16xf32>,
        %swap3A_1103 = arith.index_cast %add3A_1044 : i32 to index
        %swap3A_1104 = arith.constant 48 : index
        %swap3A_1105 = tpu.vector_load %arg10[%swap3A_1103, %swap3A_1104] {strides = array<i32>} : memref<128x128xf32, #tpu.memory_space<vmem>>, vector<1x16xf32>,
        %swap3A_1106 = vector.shape_cast %swap3A_1105 : vector<1x16xf32> to vector<16xf32>
        %swap3A_1107 = vector.shape_cast %broadcast_in_dim3A_211 : vector<16xf32> to vector<1x16xf32>
        tpu.vector_store %arg10[%swap3A_1103, %swap3A_1104], %swap3A_1107 {strides = array<i32>} : memref<128x128xf32, #tpu.memory_space<vmem>>, vector<1x16xf32>,
        %mul3A_1108 = arith.constant 16 : i32
        %mul3A_1109 = arith.muli %scan3A_230, %mul3A_1108 : i32
        %add3A_1110 = arith.constant 13 : i32
        %add3A_1111 = arith.addi %mul3A_1109, %add3A_1110 : i32
        %slice3A_1112 = vector.extract_strided_slice %bitcast_convert_type3A {offsets = [13], sizes = [1], strides = [1]} : vector<16xf32> to vector<1xf32>
        %squeeze3A_1113 = vector.extract %slice3A_1112[0] : f32 from vector<1xf32>
        %broadcast_in_dim3A_1114 = vector.broadcast %squeeze3A_1113 : f32 to vector<16xf32>
        %get3A_1115 = arith.index_cast %add3A_1111 : i32 to index
        %get3A_1116 = arith.constant 0 : index
        %get3A_1117 = tpu.vector_load %arg10[%get3A_1115, %get3A_1116] {strides = array<i32>} : memref<128x128xf32, #tpu.memory_space<vmem>>, vector<1x16xf32>,
        %get3A_1118 = vector.shape_cast %get3A_1117 : vector<1x16xf32> to vector<16xf32>
        %mul3A_1119 = arith.mulf %get3A_1118, %broadcast_in_dim3A_1114 : vector<16xf32>
        %swap3A_1120 = arith.index_cast %add3A_1111 : i32 to index
        %swap3A_1121 = arith.constant 64 : index
        %swap3A_1122 = tpu.vector_load %arg10[%swap3A_1120, %swap3A_1121] {strides = array<i32>} : memref<128x128xf32, #tpu.memory_space<vmem>>, vector<1x16xf32>,
        %swap3A_1123 = vector.shape_cast %swap3A_1122 : vector<1x16xf32> to vector<16xf32>
        %swap3A_1124 = vector.shape_cast %mul3A_1119 : vector<16xf32> to vector<1x16xf32>
        tpu.vector_store %arg10[%swap3A_1120, %swap3A_1121], %swap3A_1124 {strides = array<i32>} : memref<128x128xf32, #tpu.memory_space<vmem>>, vector<1x16xf32>,
        %swap3A_1125 = arith.index_cast %add3A_1111 : i32 to index
        %swap3A_1126 = arith.constant 0 : index
        %swap3A_1127 = tpu.vector_load %arg10[%swap3A_1125, %swap3A_1126] {strides = array<i32>} : memref<128x128xf32, #tpu.memory_space<vmem>>, vector<1x16xf32>,
        %swap3A_1128 = vector.shape_cast %swap3A_1127 : vector<1x16xf32> to vector<16xf32>
        %swap3A_1129 = vector.shape_cast %broadcast_in_dim3A_211 : vector<16xf32> to vector<1x16xf32>
        tpu.vector_store %arg10[%swap3A_1125, %swap3A_1126], %swap3A_1129 {strides = array<i32>} : memref<128x128xf32, #tpu.memory_space<vmem>>, vector<1x16xf32>,
        %get3A_1130 = arith.index_cast %add3A_1111 : i32 to index
        %get3A_1131 = arith.constant 16 : index
        %get3A_1132 = tpu.vector_load %arg10[%get3A_1130, %get3A_1131] {strides = array<i32>} : memref<128x128xf32, #tpu.memory_space<vmem>>, vector<1x16xf32>,
        %get3A_1133 = vector.shape_cast %get3A_1132 : vector<1x16xf32> to vector<16xf32>
        %mul3A_1134 = arith.mulf %get3A_1133, %broadcast_in_dim3A_1114 : vector<16xf32>
        %swap3A_1135 = arith.index_cast %add3A_1111 : i32 to index
        %swap3A_1136 = arith.constant 80 : index
        %swap3A_1137 = tpu.vector_load %arg10[%swap3A_1135, %swap3A_1136] {strides = array<i32>} : memref<128x128xf32, #tpu.memory_space<vmem>>, vector<1x16xf32>,
        %swap3A_1138 = vector.shape_cast %swap3A_1137 : vector<1x16xf32> to vector<16xf32>
        %swap3A_1139 = vector.shape_cast %mul3A_1134 : vector<16xf32> to vector<1x16xf32>
        tpu.vector_store %arg10[%swap3A_1135, %swap3A_1136], %swap3A_1139 {strides = array<i32>} : memref<128x128xf32, #tpu.memory_space<vmem>>, vector<1x16xf32>,
        %swap3A_1140 = arith.index_cast %add3A_1111 : i32 to index
        %swap3A_1141 = arith.constant 16 : index
        %swap3A_1142 = tpu.vector_load %arg10[%swap3A_1140, %swap3A_1141] {strides = array<i32>} : memref<128x128xf32, #tpu.memory_space<vmem>>, vector<1x16xf32>,
        %swap3A_1143 = vector.shape_cast %swap3A_1142 : vector<1x16xf32> to vector<16xf32>
        %swap3A_1144 = vector.shape_cast %broadcast_in_dim3A_211 : vector<16xf32> to vector<1x16xf32>
        tpu.vector_store %arg10[%swap3A_1140, %swap3A_1141], %swap3A_1144 {strides = array<i32>} : memref<128x128xf32, #tpu.memory_space<vmem>>, vector<1x16xf32>,
        %get3A_1145 = arith.index_cast %add3A_1111 : i32 to index
        %get3A_1146 = arith.constant 32 : index
        %get3A_1147 = tpu.vector_load %arg10[%get3A_1145, %get3A_1146] {strides = array<i32>} : memref<128x128xf32, #tpu.memory_space<vmem>>, vector<1x16xf32>,
        %get3A_1148 = vector.shape_cast %get3A_1147 : vector<1x16xf32> to vector<16xf32>
        %mul3A_1149 = arith.mulf %get3A_1148, %broadcast_in_dim3A_1114 : vector<16xf32>
        %swap3A_1150 = arith.index_cast %add3A_1111 : i32 to index
        %swap3A_1151 = arith.constant 96 : index
        %swap3A_1152 = tpu.vector_load %arg10[%swap3A_1150, %swap3A_1151] {strides = array<i32>} : memref<128x128xf32, #tpu.memory_space<vmem>>, vector<1x16xf32>,
        %swap3A_1153 = vector.shape_cast %swap3A_1152 : vector<1x16xf32> to vector<16xf32>
        %swap3A_1154 = vector.shape_cast %mul3A_1149 : vector<16xf32> to vector<1x16xf32>
        tpu.vector_store %arg10[%swap3A_1150, %swap3A_1151], %swap3A_1154 {strides = array<i32>} : memref<128x128xf32, #tpu.memory_space<vmem>>, vector<1x16xf32>,
        %swap3A_1155 = arith.index_cast %add3A_1111 : i32 to index
        %swap3A_1156 = arith.constant 32 : index
        %swap3A_1157 = tpu.vector_load %arg10[%swap3A_1155, %swap3A_1156] {strides = array<i32>} : memref<128x128xf32, #tpu.memory_space<vmem>>, vector<1x16xf32>,
        %swap3A_1158 = vector.shape_cast %swap3A_1157 : vector<1x16xf32> to vector<16xf32>
        %swap3A_1159 = vector.shape_cast %broadcast_in_dim3A_211 : vector<16xf32> to vector<1x16xf32>
        tpu.vector_store %arg10[%swap3A_1155, %swap3A_1156], %swap3A_1159 {strides = array<i32>} : memref<128x128xf32, #tpu.memory_space<vmem>>, vector<1x16xf32>,
        %get3A_1160 = arith.index_cast %add3A_1111 : i32 to index
        %get3A_1161 = arith.constant 48 : index
        %get3A_1162 = tpu.vector_load %arg10[%get3A_1160, %get3A_1161] {strides = array<i32>} : memref<128x128xf32, #tpu.memory_space<vmem>>, vector<1x16xf32>,
        %get3A_1163 = vector.shape_cast %get3A_1162 : vector<1x16xf32> to vector<16xf32>
        %mul3A_1164 = arith.mulf %get3A_1163, %broadcast_in_dim3A_1114 : vector<16xf32>
        %swap3A_1165 = arith.index_cast %add3A_1111 : i32 to index
        %swap3A_1166 = arith.constant 112 : index
        %swap3A_1167 = tpu.vector_load %arg10[%swap3A_1165, %swap3A_1166] {strides = array<i32>} : memref<128x128xf32, #tpu.memory_space<vmem>>, vector<1x16xf32>,
        %swap3A_1168 = vector.shape_cast %swap3A_1167 : vector<1x16xf32> to vector<16xf32>
        %swap3A_1169 = vector.shape_cast %mul3A_1164 : vector<16xf32> to vector<1x16xf32>
        tpu.vector_store %arg10[%swap3A_1165, %swap3A_1166], %swap3A_1169 {strides = array<i32>} : memref<128x128xf32, #tpu.memory_space<vmem>>, vector<1x16xf32>,
        %swap3A_1170 = arith.index_cast %add3A_1111 : i32 to index
        %swap3A_1171 = arith.constant 48 : index
        %swap3A_1172 = tpu.vector_load %arg10[%swap3A_1170, %swap3A_1171] {strides = array<i32>} : memref<128x128xf32, #tpu.memory_space<vmem>>, vector<1x16xf32>,
        %swap3A_1173 = vector.shape_cast %swap3A_1172 : vector<1x16xf32> to vector<16xf32>
        %swap3A_1174 = vector.shape_cast %broadcast_in_dim3A_211 : vector<16xf32> to vector<1x16xf32>
        tpu.vector_store %arg10[%swap3A_1170, %swap3A_1171], %swap3A_1174 {strides = array<i32>} : memref<128x128xf32, #tpu.memory_space<vmem>>, vector<1x16xf32>,
        %mul3A_1175 = arith.constant 16 : i32
        %mul3A_1176 = arith.muli %scan3A_230, %mul3A_1175 : i32
        %add3A_1177 = arith.constant 14 : i32
        %add3A_1178 = arith.addi %mul3A_1176, %add3A_1177 : i32
        %slice3A_1179 = vector.extract_strided_slice %bitcast_convert_type3A {offsets = [14], sizes = [1], strides = [1]} : vector<16xf32> to vector<1xf32>
        %squeeze3A_1180 = vector.extract %slice3A_1179[0] : f32 from vector<1xf32>
        %broadcast_in_dim3A_1181 = vector.broadcast %squeeze3A_1180 : f32 to vector<16xf32>
        %get3A_1182 = arith.index_cast %add3A_1178 : i32 to index
        %get3A_1183 = arith.constant 0 : index
        %get3A_1184 = tpu.vector_load %arg10[%get3A_1182, %get3A_1183] {strides = array<i32>} : memref<128x128xf32, #tpu.memory_space<vmem>>, vector<1x16xf32>,
        %get3A_1185 = vector.shape_cast %get3A_1184 : vector<1x16xf32> to vector<16xf32>
        %mul3A_1186 = arith.mulf %get3A_1185, %broadcast_in_dim3A_1181 : vector<16xf32>
        %swap3A_1187 = arith.index_cast %add3A_1178 : i32 to index
        %swap3A_1188 = arith.constant 64 : index
        %swap3A_1189 = tpu.vector_load %arg10[%swap3A_1187, %swap3A_1188] {strides = array<i32>} : memref<128x128xf32, #tpu.memory_space<vmem>>, vector<1x16xf32>,
        %swap3A_1190 = vector.shape_cast %swap3A_1189 : vector<1x16xf32> to vector<16xf32>
        %swap3A_1191 = vector.shape_cast %mul3A_1186 : vector<16xf32> to vector<1x16xf32>
        tpu.vector_store %arg10[%swap3A_1187, %swap3A_1188], %swap3A_1191 {strides = array<i32>} : memref<128x128xf32, #tpu.memory_space<vmem>>, vector<1x16xf32>,
        %swap3A_1192 = arith.index_cast %add3A_1178 : i32 to index
        %swap3A_1193 = arith.constant 0 : index
        %swap3A_1194 = tpu.vector_load %arg10[%swap3A_1192, %swap3A_1193] {strides = array<i32>} : memref<128x128xf32, #tpu.memory_space<vmem>>, vector<1x16xf32>,
        %swap3A_1195 = vector.shape_cast %swap3A_1194 : vector<1x16xf32> to vector<16xf32>
        %swap3A_1196 = vector.shape_cast %broadcast_in_dim3A_211 : vector<16xf32> to vector<1x16xf32>
        tpu.vector_store %arg10[%swap3A_1192, %swap3A_1193], %swap3A_1196 {strides = array<i32>} : memref<128x128xf32, #tpu.memory_space<vmem>>, vector<1x16xf32>,
        %get3A_1197 = arith.index_cast %add3A_1178 : i32 to index
        %get3A_1198 = arith.constant 16 : index
        %get3A_1199 = tpu.vector_load %arg10[%get3A_1197, %get3A_1198] {strides = array<i32>} : memref<128x128xf32, #tpu.memory_space<vmem>>, vector<1x16xf32>,
        %get3A_1200 = vector.shape_cast %get3A_1199 : vector<1x16xf32> to vector<16xf32>
        %mul3A_1201 = arith.mulf %get3A_1200, %broadcast_in_dim3A_1181 : vector<16xf32>
        %swap3A_1202 = arith.index_cast %add3A_1178 : i32 to index
        %swap3A_1203 = arith.constant 80 : index
        %swap3A_1204 = tpu.vector_load %arg10[%swap3A_1202, %swap3A_1203] {strides = array<i32>} : memref<128x128xf32, #tpu.memory_space<vmem>>, vector<1x16xf32>,
        %swap3A_1205 = vector.shape_cast %swap3A_1204 : vector<1x16xf32> to vector<16xf32>
        %swap3A_1206 = vector.shape_cast %mul3A_1201 : vector<16xf32> to vector<1x16xf32>
        tpu.vector_store %arg10[%swap3A_1202, %swap3A_1203], %swap3A_1206 {strides = array<i32>} : memref<128x128xf32, #tpu.memory_space<vmem>>, vector<1x16xf32>,
        %swap3A_1207 = arith.index_cast %add3A_1178 : i32 to index
        %swap3A_1208 = arith.constant 16 : index
        %swap3A_1209 = tpu.vector_load %arg10[%swap3A_1207, %swap3A_1208] {strides = array<i32>} : memref<128x128xf32, #tpu.memory_space<vmem>>, vector<1x16xf32>,
        %swap3A_1210 = vector.shape_cast %swap3A_1209 : vector<1x16xf32> to vector<16xf32>
        %swap3A_1211 = vector.shape_cast %broadcast_in_dim3A_211 : vector<16xf32> to vector<1x16xf32>
        tpu.vector_store %arg10[%swap3A_1207, %swap3A_1208], %swap3A_1211 {strides = array<i32>} : memref<128x128xf32, #tpu.memory_space<vmem>>, vector<1x16xf32>,
        %get3A_1212 = arith.index_cast %add3A_1178 : i32 to index
        %get3A_1213 = arith.constant 32 : index
        %get3A_1214 = tpu.vector_load %arg10[%get3A_1212, %get3A_1213] {strides = array<i32>} : memref<128x128xf32, #tpu.memory_space<vmem>>, vector<1x16xf32>,
        %get3A_1215 = vector.shape_cast %get3A_1214 : vector<1x16xf32> to vector<16xf32>
        %mul3A_1216 = arith.mulf %get3A_1215, %broadcast_in_dim3A_1181 : vector<16xf32>
        %swap3A_1217 = arith.index_cast %add3A_1178 : i32 to index
        %swap3A_1218 = arith.constant 96 : index
        %swap3A_1219 = tpu.vector_load %arg10[%swap3A_1217, %swap3A_1218] {strides = array<i32>} : memref<128x128xf32, #tpu.memory_space<vmem>>, vector<1x16xf32>,
        %swap3A_1220 = vector.shape_cast %swap3A_1219 : vector<1x16xf32> to vector<16xf32>
        %swap3A_1221 = vector.shape_cast %mul3A_1216 : vector<16xf32> to vector<1x16xf32>
        tpu.vector_store %arg10[%swap3A_1217, %swap3A_1218], %swap3A_1221 {strides = array<i32>} : memref<128x128xf32, #tpu.memory_space<vmem>>, vector<1x16xf32>,
        %swap3A_1222 = arith.index_cast %add3A_1178 : i32 to index
        %swap3A_1223 = arith.constant 32 : index
        %swap3A_1224 = tpu.vector_load %arg10[%swap3A_1222, %swap3A_1223] {strides = array<i32>} : memref<128x128xf32, #tpu.memory_space<vmem>>, vector<1x16xf32>,
        %swap3A_1225 = vector.shape_cast %swap3A_1224 : vector<1x16xf32> to vector<16xf32>
        %swap3A_1226 = vector.shape_cast %broadcast_in_dim3A_211 : vector<16xf32> to vector<1x16xf32>
        tpu.vector_store %arg10[%swap3A_1222, %swap3A_1223], %swap3A_1226 {strides = array<i32>} : memref<128x128xf32, #tpu.memory_space<vmem>>, vector<1x16xf32>,
        %get3A_1227 = arith.index_cast %add3A_1178 : i32 to index
        %get3A_1228 = arith.constant 48 : index
        %get3A_1229 = tpu.vector_load %arg10[%get3A_1227, %get3A_1228] {strides = array<i32>} : memref<128x128xf32, #tpu.memory_space<vmem>>, vector<1x16xf32>,
        %get3A_1230 = vector.shape_cast %get3A_1229 : vector<1x16xf32> to vector<16xf32>
        %mul3A_1231 = arith.mulf %get3A_1230, %broadcast_in_dim3A_1181 : vector<16xf32>
        %swap3A_1232 = arith.index_cast %add3A_1178 : i32 to index
        %swap3A_1233 = arith.constant 112 : index
        %swap3A_1234 = tpu.vector_load %arg10[%swap3A_1232, %swap3A_1233] {strides = array<i32>} : memref<128x128xf32, #tpu.memory_space<vmem>>, vector<1x16xf32>,
        %swap3A_1235 = vector.shape_cast %swap3A_1234 : vector<1x16xf32> to vector<16xf32>
        %swap3A_1236 = vector.shape_cast %mul3A_1231 : vector<16xf32> to vector<1x16xf32>
        tpu.vector_store %arg10[%swap3A_1232, %swap3A_1233], %swap3A_1236 {strides = array<i32>} : memref<128x128xf32, #tpu.memory_space<vmem>>, vector<1x16xf32>,
        %swap3A_1237 = arith.index_cast %add3A_1178 : i32 to index
        %swap3A_1238 = arith.constant 48 : index
        %swap3A_1239 = tpu.vector_load %arg10[%swap3A_1237, %swap3A_1238] {strides = array<i32>} : memref<128x128xf32, #tpu.memory_space<vmem>>, vector<1x16xf32>,
        %swap3A_1240 = vector.shape_cast %swap3A_1239 : vector<1x16xf32> to vector<16xf32>
        %swap3A_1241 = vector.shape_cast %broadcast_in_dim3A_211 : vector<16xf32> to vector<1x16xf32>
        tpu.vector_store %arg10[%swap3A_1237, %swap3A_1238], %swap3A_1241 {strides = array<i32>} : memref<128x128xf32, #tpu.memory_space<vmem>>, vector<1x16xf32>,
        %mul3A_1242 = arith.constant 16 : i32
        %mul3A_1243 = arith.muli %scan3A_230, %mul3A_1242 : i32
        %add3A_1244 = arith.constant 15 : i32
        %add3A_1245 = arith.addi %mul3A_1243, %add3A_1244 : i32
        %slice3A_1246 = vector.extract_strided_slice %bitcast_convert_type3A {offsets = [15], sizes = [1], strides = [1]} : vector<16xf32> to vector<1xf32>
        %squeeze3A_1247 = vector.extract %slice3A_1246[0] : f32 from vector<1xf32>
        %broadcast_in_dim3A_1248 = vector.broadcast %squeeze3A_1247 : f32 to vector<16xf32>
        %get3A_1249 = arith.index_cast %add3A_1245 : i32 to index
        %get3A_1250 = arith.constant 0 : index
        %get3A_1251 = tpu.vector_load %arg10[%get3A_1249, %get3A_1250] {strides = array<i32>} : memref<128x128xf32, #tpu.memory_space<vmem>>, vector<1x16xf32>,
        %get3A_1252 = vector.shape_cast %get3A_1251 : vector<1x16xf32> to vector<16xf32>
        %mul3A_1253 = arith.mulf %get3A_1252, %broadcast_in_dim3A_1248 : vector<16xf32>
        %swap3A_1254 = arith.index_cast %add3A_1245 : i32 to index
        %swap3A_1255 = arith.constant 64 : index
        %swap3A_1256 = tpu.vector_load %arg10[%swap3A_1254, %swap3A_1255] {strides = array<i32>} : memref<128x128xf32, #tpu.memory_space<vmem>>, vector<1x16xf32>,
        %swap3A_1257 = vector.shape_cast %swap3A_1256 : vector<1x16xf32> to vector<16xf32>
        %swap3A_1258 = vector.shape_cast %mul3A_1253 : vector<16xf32> to vector<1x16xf32>
        tpu.vector_store %arg10[%swap3A_1254, %swap3A_1255], %swap3A_1258 {strides = array<i32>} : memref<128x128xf32, #tpu.memory_space<vmem>>, vector<1x16xf32>,
        %swap3A_1259 = arith.index_cast %add3A_1245 : i32 to index
        %swap3A_1260 = arith.constant 0 : index
        %swap3A_1261 = tpu.vector_load %arg10[%swap3A_1259, %swap3A_1260] {strides = array<i32>} : memref<128x128xf32, #tpu.memory_space<vmem>>, vector<1x16xf32>,
        %swap3A_1262 = vector.shape_cast %swap3A_1261 : vector<1x16xf32> to vector<16xf32>
        %swap3A_1263 = vector.shape_cast %broadcast_in_dim3A_211 : vector<16xf32> to vector<1x16xf32>
        tpu.vector_store %arg10[%swap3A_1259, %swap3A_1260], %swap3A_1263 {strides = array<i32>} : memref<128x128xf32, #tpu.memory_space<vmem>>, vector<1x16xf32>,
        %get3A_1264 = arith.index_cast %add3A_1245 : i32 to index
        %get3A_1265 = arith.constant 16 : index
        %get3A_1266 = tpu.vector_load %arg10[%get3A_1264, %get3A_1265] {strides = array<i32>} : memref<128x128xf32, #tpu.memory_space<vmem>>, vector<1x16xf32>,
        %get3A_1267 = vector.shape_cast %get3A_1266 : vector<1x16xf32> to vector<16xf32>
        %mul3A_1268 = arith.mulf %get3A_1267, %broadcast_in_dim3A_1248 : vector<16xf32>
        %swap3A_1269 = arith.index_cast %add3A_1245 : i32 to index
        %swap3A_1270 = arith.constant 80 : index
        %swap3A_1271 = tpu.vector_load %arg10[%swap3A_1269, %swap3A_1270] {strides = array<i32>} : memref<128x128xf32, #tpu.memory_space<vmem>>, vector<1x16xf32>,
        %swap3A_1272 = vector.shape_cast %swap3A_1271 : vector<1x16xf32> to vector<16xf32>
        %swap3A_1273 = vector.shape_cast %mul3A_1268 : vector<16xf32> to vector<1x16xf32>
        tpu.vector_store %arg10[%swap3A_1269, %swap3A_1270], %swap3A_1273 {strides = array<i32>} : memref<128x128xf32, #tpu.memory_space<vmem>>, vector<1x16xf32>,
        %swap3A_1274 = arith.index_cast %add3A_1245 : i32 to index
        %swap3A_1275 = arith.constant 16 : index
        %swap3A_1276 = tpu.vector_load %arg10[%swap3A_1274, %swap3A_1275] {strides = array<i32>} : memref<128x128xf32, #tpu.memory_space<vmem>>, vector<1x16xf32>,
        %swap3A_1277 = vector.shape_cast %swap3A_1276 : vector<1x16xf32> to vector<16xf32>
        %swap3A_1278 = vector.shape_cast %broadcast_in_dim3A_211 : vector<16xf32> to vector<1x16xf32>
        tpu.vector_store %arg10[%swap3A_1274, %swap3A_1275], %swap3A_1278 {strides = array<i32>} : memref<128x128xf32, #tpu.memory_space<vmem>>, vector<1x16xf32>,
        %get3A_1279 = arith.index_cast %add3A_1245 : i32 to index
        %get3A_1280 = arith.constant 32 : index
        %get3A_1281 = tpu.vector_load %arg10[%get3A_1279, %get3A_1280] {strides = array<i32>} : memref<128x128xf32, #tpu.memory_space<vmem>>, vector<1x16xf32>,
        %get3A_1282 = vector.shape_cast %get3A_1281 : vector<1x16xf32> to vector<16xf32>
        %mul3A_1283 = arith.mulf %get3A_1282, %broadcast_in_dim3A_1248 : vector<16xf32>
        %swap3A_1284 = arith.index_cast %add3A_1245 : i32 to index
        %swap3A_1285 = arith.constant 96 : index
        %swap3A_1286 = tpu.vector_load %arg10[%swap3A_1284, %swap3A_1285] {strides = array<i32>} : memref<128x128xf32, #tpu.memory_space<vmem>>, vector<1x16xf32>,
        %swap3A_1287 = vector.shape_cast %swap3A_1286 : vector<1x16xf32> to vector<16xf32>
        %swap3A_1288 = vector.shape_cast %mul3A_1283 : vector<16xf32> to vector<1x16xf32>
        tpu.vector_store %arg10[%swap3A_1284, %swap3A_1285], %swap3A_1288 {strides = array<i32>} : memref<128x128xf32, #tpu.memory_space<vmem>>, vector<1x16xf32>,
        %swap3A_1289 = arith.index_cast %add3A_1245 : i32 to index
        %swap3A_1290 = arith.constant 32 : index
        %swap3A_1291 = tpu.vector_load %arg10[%swap3A_1289, %swap3A_1290] {strides = array<i32>} : memref<128x128xf32, #tpu.memory_space<vmem>>, vector<1x16xf32>,
        %swap3A_1292 = vector.shape_cast %swap3A_1291 : vector<1x16xf32> to vector<16xf32>
        %swap3A_1293 = vector.shape_cast %broadcast_in_dim3A_211 : vector<16xf32> to vector<1x16xf32>
        tpu.vector_store %arg10[%swap3A_1289, %swap3A_1290], %swap3A_1293 {strides = array<i32>} : memref<128x128xf32, #tpu.memory_space<vmem>>, vector<1x16xf32>,
        %get3A_1294 = arith.index_cast %add3A_1245 : i32 to index
        %get3A_1295 = arith.constant 48 : index
        %get3A_1296 = tpu.vector_load %arg10[%get3A_1294, %get3A_1295] {strides = array<i32>} : memref<128x128xf32, #tpu.memory_space<vmem>>, vector<1x16xf32>,
        %get3A_1297 = vector.shape_cast %get3A_1296 : vector<1x16xf32> to vector<16xf32>
        %mul3A_1298 = arith.mulf %get3A_1297, %broadcast_in_dim3A_1248 : vector<16xf32>
        %swap3A_1299 = arith.index_cast %add3A_1245 : i32 to index
        %swap3A_1300 = arith.constant 112 : index
        %swap3A_1301 = tpu.vector_load %arg10[%swap3A_1299, %swap3A_1300] {strides = array<i32>} : memref<128x128xf32, #tpu.memory_space<vmem>>, vector<1x16xf32>,
        %swap3A_1302 = vector.shape_cast %swap3A_1301 : vector<1x16xf32> to vector<16xf32>
        %swap3A_1303 = vector.shape_cast %mul3A_1298 : vector<16xf32> to vector<1x16xf32>
        tpu.vector_store %arg10[%swap3A_1299, %swap3A_1300], %swap3A_1303 {strides = array<i32>} : memref<128x128xf32, #tpu.memory_space<vmem>>, vector<1x16xf32>,
        %swap3A_1304 = arith.index_cast %add3A_1245 : i32 to index
        %swap3A_1305 = arith.constant 48 : index
        %swap3A_1306 = tpu.vector_load %arg10[%swap3A_1304, %swap3A_1305] {strides = array<i32>} : memref<128x128xf32, #tpu.memory_space<vmem>>, vector<1x16xf32>,
        %swap3A_1307 = vector.shape_cast %swap3A_1306 : vector<1x16xf32> to vector<16xf32>
        %swap3A_1308 = vector.shape_cast %broadcast_in_dim3A_211 : vector<16xf32> to vector<1x16xf32>
        tpu.vector_store %arg10[%swap3A_1304, %swap3A_1305], %swap3A_1308 {strides = array<i32>} : memref<128x128xf32, #tpu.memory_space<vmem>>, vector<1x16xf32>,
        %scan3A_1309 = arith.constant 0 : i32
        scf.yield %scan3A_1309 : i32
      }
      %scan3A_218 = arith.constant 8 : i32
      %add3A_219 = arith.constant 2 : i32
      %add3A_220 = arith.addi %add3A_195, %add3A_219 : i32
      %lt3A_221 = arith.constant 160 : i32
      %lt3A_222 = arith.cmpi slt, %add3A_220, %lt3A_221 : i32
      %convert_element_type3A_223 = arith.extui %lt3A_222 : i1 to i32
      %cond3A_224 = arith.constant 0 : i32
      %cond3A_225 = arith.cmpi ne, %convert_element_type3A_223, %cond3A_224 : i32
      scf.if %cond3A_225 {
        %add3A_230 = arith.addi %mul3A_0, %add3A_220 : i32
        %dma_start3A_231 = arith.constant 0 : i32
        %dma_start3A_232 = arith.constant 0 : i32
        %dma_start3A_233 = tpu.memref_slice %arg2[%add3A_230, %dma_start3A_231, %dma_start3A_232] : memref<2560x3x128xi32, #tpu.memory_space<hbm>> -> memref<1x3x128xi32, #tpu.memory_space<hbm>>
        %dma_start3A_234 = tpu.memref_squeeze %dma_start3A_233 : memref<1x3x128xi32, #tpu.memory_space<hbm>> -> memref<3x128xi32, #tpu.memory_space<hbm>>
        %dma_start3A_235 = arith.constant 0 : i32
        %dma_start3A_236 = arith.constant 0 : i32
        %dma_start3A_237 = tpu.memref_slice %arg2[%add3A_230, %dma_start3A_235, %dma_start3A_236] : memref<2560x3x128xi32, #tpu.memory_space<hbm>> -> memref<1x3x128xi32, #tpu.memory_space<hbm>>
        %dma_start3A_238 = tpu.memref_squeeze %dma_start3A_237 : memref<1x3x128xi32, #tpu.memory_space<hbm>> -> memref<3x128xi32, #tpu.memory_space<hbm>>
        tpu.enqueue_dma source(%dma_start3A_238 : memref<3x128xi32, #tpu.memory_space<hbm>>) target(%arg6 : memref<3x128xi32, #tpu.memory_space<vmem>>) target_semaphore(%arg12 : memref<!tpu.dma_semaphore, #tpu.memory_space<semaphore_mem>>)
      } else {
      }
      %dma_start3A_226 = arith.constant 0 : i32
      %dma_start3A_227 = arith.constant 0 : i32
      %dma_start3A_228 = tpu.memref_slice %arg17[%dma_start3A_226, %dma_start3A_227] : memref<10240x128xf32, #tpu.memory_space<vmem_shared>> -> memref<10240x128xf32, #tpu.memory_space<vmem_shared>>
      tpu.enqueue_indirect_dma source(%arg10 : memref<128x128xf32, #tpu.memory_space<vmem>>) target(%dma_start3A_228 : memref<10240x128xf32, #tpu.memory_space<vmem_shared>>) offsets(%arg8 : memref<128xi32, #tpu.memory_space<vmem>>) semaphore(%arg16 : memref<!tpu.dma_semaphore, #tpu.memory_space<semaphore_mem>>) {add = true}
      %scan3A_229 = arith.constant 0 : i32
      scf.yield %scan3A_229 : i32
    }
    %scan3A_131 = arith.constant 80 : i32
    %dma_wait3A_132 = arith.constant 0 : i32
    %dma_wait3A_133 = arith.constant 0 : i32
    %dma_wait3A_134 = tpu.memref_slice %arg17[%dma_wait3A_132, %dma_wait3A_133] : memref<10240x128xf32, #tpu.memory_space<vmem_shared>> -> memref<10240x128xf32, #tpu.memory_space<vmem_shared>>
    tpu.wait_indirect_dma semaphore(%arg15 : memref<!tpu.dma_semaphore, #tpu.memory_space<semaphore_mem>>) src(%arg9 : memref<128x128xf32, #tpu.memory_space<vmem>>) dst(%dma_wait3A_134 : memref<10240x128xf32, #tpu.memory_space<vmem_shared>>)
    %dma_wait3A_135 = arith.constant 0 : i32
    %dma_wait3A_136 = arith.constant 0 : i32
    %dma_wait3A_137 = tpu.memref_slice %arg17[%dma_wait3A_135, %dma_wait3A_136] : memref<10240x128xf32, #tpu.memory_space<vmem_shared>> -> memref<10240x128xf32, #tpu.memory_space<vmem_shared>>
    tpu.wait_indirect_dma semaphore(%arg16 : memref<!tpu.dma_semaphore, #tpu.memory_space<semaphore_mem>>) src(%arg10 : memref<128x128xf32, #tpu.memory_space<vmem>>) dst(%dma_wait3A_137 : memref<10240x128xf32, #tpu.memory_space<vmem_shared>>)
    %barrier3A_138 = arith.constant 0 : index
    tpu.barrier barrier_id(%barrier3A_138)
    %add3A_139 = arith.constant 0 : i32
    %add3A_140 = arith.addi %mul3A_2, %add3A_139 : i32
    "tpu.region"() ({
      %run_scoped3A = tpu.sem_alloc : memref<!tpu.dma_semaphore, #tpu.memory_space<semaphore_mem>>
      %dma_start3A_159 = arith.constant 0 : i32
      %dma_start3A_160 = tpu.memref_slice %arg17[%add3A_140, %dma_start3A_159] : memref<10240x128xf32, #tpu.memory_space<vmem_shared>> -> memref<128x128xf32, #tpu.memory_space<vmem_shared>>
      %dma_start3A_161 = arith.constant 0 : i32
      %dma_start3A_162 = tpu.memref_slice %arg17[%add3A_140, %dma_start3A_161] : memref<10240x128xf32, #tpu.memory_space<vmem_shared>> -> memref<128x128xf32, #tpu.memory_space<vmem_shared>>
      tpu.enqueue_dma source(%dma_start3A_162 : memref<128x128xf32, #tpu.memory_space<vmem_shared>>) target(%arg9 : memref<128x128xf32, #tpu.memory_space<vmem>>) target_semaphore(%run_scoped3A : memref<!tpu.dma_semaphore, #tpu.memory_space<semaphore_mem>>)
      %dma_wait3A_163 = arith.constant 0 : i32
      %dma_wait3A_164 = tpu.memref_slice %arg17[%add3A_140, %dma_wait3A_163] : memref<10240x128xf32, #tpu.memory_space<vmem_shared>> -> memref<128x128xf32, #tpu.memory_space<vmem_shared>>
      %dma_wait3A_165 = arith.constant 0 : i32
      %dma_wait3A_166 = tpu.memref_slice %arg17[%add3A_140, %dma_wait3A_165] : memref<10240x128xf32, #tpu.memory_space<vmem_shared>> -> memref<128x128xf32, #tpu.memory_space<vmem_shared>>
      tpu.wait_dma2 semaphore(%run_scoped3A : memref<!tpu.dma_semaphore, #tpu.memory_space<semaphore_mem>>) src(%dma_wait3A_166 : memref<128x128xf32, #tpu.memory_space<vmem_shared>>) dst(%arg9 : memref<128x128xf32, #tpu.memory_space<vmem>>)
      tpu.yield
    }) : () -> ()
    %add3A_141 = arith.constant 0 : i32
    %add3A_142 = arith.addi %mul3A_2, %add3A_141 : i32
    "tpu.region"() ({
      %run_scoped3A = tpu.sem_alloc : memref<!tpu.dma_semaphore, #tpu.memory_space<semaphore_mem>>
      %dma_start3A_159 = arith.constant 0 : i32
      %dma_start3A_160 = tpu.memref_slice %arg4[%arg0, %add3A_142, %dma_start3A_159] : memref<2x10240x128xf32, #tpu.memory_space<hbm>> -> memref<1x128x128xf32, #tpu.memory_space<hbm>>
      %dma_start3A_161 = tpu.memref_squeeze %dma_start3A_160 : memref<1x128x128xf32, #tpu.memory_space<hbm>> -> memref<128x128xf32, #tpu.memory_space<hbm>>
      %dma_start3A_162 = arith.constant 0 : i32
      %dma_start3A_163 = tpu.memref_slice %arg4[%arg0, %add3A_142, %dma_start3A_162] : memref<2x10240x128xf32, #tpu.memory_space<hbm>> -> memref<1x128x128xf32, #tpu.memory_space<hbm>>
      %dma_start3A_164 = tpu.memref_squeeze %dma_start3A_163 : memref<1x128x128xf32, #tpu.memory_space<hbm>> -> memref<128x128xf32, #tpu.memory_space<hbm>>
      tpu.enqueue_dma source(%arg9 : memref<128x128xf32, #tpu.memory_space<vmem>>) target(%dma_start3A_164 : memref<128x128xf32, #tpu.memory_space<hbm>>) target_semaphore(%run_scoped3A : memref<!tpu.dma_semaphore, #tpu.memory_space<semaphore_mem>>)
      %dma_wait3A_165 = arith.constant 0 : i32
      %dma_wait3A_166 = tpu.memref_slice %arg4[%arg0, %add3A_142, %dma_wait3A_165] : memref<2x10240x128xf32, #tpu.memory_space<hbm>> -> memref<1x128x128xf32, #tpu.memory_space<hbm>>
      %dma_wait3A_167 = tpu.memref_squeeze %dma_wait3A_166 : memref<1x128x128xf32, #tpu.memory_space<hbm>> -> memref<128x128xf32, #tpu.memory_space<hbm>>
      %dma_wait3A_168 = arith.constant 0 : i32
      %dma_wait3A_169 = tpu.memref_slice %arg4[%arg0, %add3A_142, %dma_wait3A_168] : memref<2x10240x128xf32, #tpu.memory_space<hbm>> -> memref<1x128x128xf32, #tpu.memory_space<hbm>>
      %dma_wait3A_170 = tpu.memref_squeeze %dma_wait3A_169 : memref<1x128x128xf32, #tpu.memory_space<hbm>> -> memref<128x128xf32, #tpu.memory_space<hbm>>
      tpu.wait_dma2 semaphore(%run_scoped3A : memref<!tpu.dma_semaphore, #tpu.memory_space<semaphore_mem>>) src(%arg9 : memref<128x128xf32, #tpu.memory_space<vmem>>) dst(%dma_wait3A_170 : memref<128x128xf32, #tpu.memory_space<hbm>>)
      tpu.yield
    }) : () -> ()
    %add3A_143 = arith.constant 128 : i32
    %add3A_144 = arith.addi %mul3A_2, %add3A_143 : i32
    "tpu.region"() ({
      %run_scoped3A = tpu.sem_alloc : memref<!tpu.dma_semaphore, #tpu.memory_space<semaphore_mem>>
      %dma_start3A_159 = arith.constant 0 : i32
      %dma_start3A_160 = tpu.memref_slice %arg17[%add3A_144, %dma_start3A_159] : memref<10240x128xf32, #tpu.memory_space<vmem_shared>> -> memref<128x128xf32, #tpu.memory_space<vmem_shared>>
      %dma_start3A_161 = arith.constant 0 : i32
      %dma_start3A_162 = tpu.memref_slice %arg17[%add3A_144, %dma_start3A_161] : memref<10240x128xf32, #tpu.memory_space<vmem_shared>> -> memref<128x128xf32, #tpu.memory_space<vmem_shared>>
      tpu.enqueue_dma source(%dma_start3A_162 : memref<128x128xf32, #tpu.memory_space<vmem_shared>>) target(%arg9 : memref<128x128xf32, #tpu.memory_space<vmem>>) target_semaphore(%run_scoped3A : memref<!tpu.dma_semaphore, #tpu.memory_space<semaphore_mem>>)
      %dma_wait3A_163 = arith.constant 0 : i32
      %dma_wait3A_164 = tpu.memref_slice %arg17[%add3A_144, %dma_wait3A_163] : memref<10240x128xf32, #tpu.memory_space<vmem_shared>> -> memref<128x128xf32, #tpu.memory_space<vmem_shared>>
      %dma_wait3A_165 = arith.constant 0 : i32
      %dma_wait3A_166 = tpu.memref_slice %arg17[%add3A_144, %dma_wait3A_165] : memref<10240x128xf32, #tpu.memory_space<vmem_shared>> -> memref<128x128xf32, #tpu.memory_space<vmem_shared>>
      tpu.wait_dma2 semaphore(%run_scoped3A : memref<!tpu.dma_semaphore, #tpu.memory_space<semaphore_mem>>) src(%dma_wait3A_166 : memref<128x128xf32, #tpu.memory_space<vmem_shared>>) dst(%arg9 : memref<128x128xf32, #tpu.memory_space<vmem>>)
      tpu.yield
    }) : () -> ()
    %add3A_145 = arith.constant 128 : i32
    %add3A_146 = arith.addi %mul3A_2, %add3A_145 : i32
    "tpu.region"() ({
      %run_scoped3A = tpu.sem_alloc : memref<!tpu.dma_semaphore, #tpu.memory_space<semaphore_mem>>
      %dma_start3A_159 = arith.constant 0 : i32
      %dma_start3A_160 = tpu.memref_slice %arg4[%arg0, %add3A_146, %dma_start3A_159] : memref<2x10240x128xf32, #tpu.memory_space<hbm>> -> memref<1x128x128xf32, #tpu.memory_space<hbm>>
      %dma_start3A_161 = tpu.memref_squeeze %dma_start3A_160 : memref<1x128x128xf32, #tpu.memory_space<hbm>> -> memref<128x128xf32, #tpu.memory_space<hbm>>
      %dma_start3A_162 = arith.constant 0 : i32
      %dma_start3A_163 = tpu.memref_slice %arg4[%arg0, %add3A_146, %dma_start3A_162] : memref<2x10240x128xf32, #tpu.memory_space<hbm>> -> memref<1x128x128xf32, #tpu.memory_space<hbm>>
      %dma_start3A_164 = tpu.memref_squeeze %dma_start3A_163 : memref<1x128x128xf32, #tpu.memory_space<hbm>> -> memref<128x128xf32, #tpu.memory_space<hbm>>
      tpu.enqueue_dma source(%arg9 : memref<128x128xf32, #tpu.memory_space<vmem>>) target(%dma_start3A_164 : memref<128x128xf32, #tpu.memory_space<hbm>>) target_semaphore(%run_scoped3A : memref<!tpu.dma_semaphore, #tpu.memory_space<semaphore_mem>>)
      %dma_wait3A_165 = arith.constant 0 : i32
      %dma_wait3A_166 = tpu.memref_slice %arg4[%arg0, %add3A_146, %dma_wait3A_165] : memref<2x10240x128xf32, #tpu.memory_space<hbm>> -> memref<1x128x128xf32, #tpu.memory_space<hbm>>
      %dma_wait3A_167 = tpu.memref_squeeze %dma_wait3A_166 : memref<1x128x128xf32, #tpu.memory_space<hbm>> -> memref<128x128xf32, #tpu.memory_space<hbm>>
      %dma_wait3A_168 = arith.constant 0 : i32
      %dma_wait3A_169 = tpu.memref_slice %arg4[%arg0, %add3A_146, %dma_wait3A_168] : memref<2x10240x128xf32, #tpu.memory_space<hbm>> -> memref<1x128x128xf32, #tpu.memory_space<hbm>>
      %dma_wait3A_170 = tpu.memref_squeeze %dma_wait3A_169 : memref<1x128x128xf32, #tpu.memory_space<hbm>> -> memref<128x128xf32, #tpu.memory_space<hbm>>
      tpu.wait_dma2 semaphore(%run_scoped3A : memref<!tpu.dma_semaphore, #tpu.memory_space<semaphore_mem>>) src(%arg9 : memref<128x128xf32, #tpu.memory_space<vmem>>) dst(%dma_wait3A_170 : memref<128x128xf32, #tpu.memory_space<hbm>>)
      tpu.yield
    }) : () -> ()
    %add3A_147 = arith.constant 256 : i32
    %add3A_148 = arith.addi %mul3A_2, %add3A_147 : i32
    "tpu.region"() ({
      %run_scoped3A = tpu.sem_alloc : memref<!tpu.dma_semaphore, #tpu.memory_space<semaphore_mem>>
      %dma_start3A_159 = arith.constant 0 : i32
      %dma_start3A_160 = tpu.memref_slice %arg17[%add3A_148, %dma_start3A_159] : memref<10240x128xf32, #tpu.memory_space<vmem_shared>> -> memref<128x128xf32, #tpu.memory_space<vmem_shared>>
      %dma_start3A_161 = arith.constant 0 : i32
      %dma_start3A_162 = tpu.memref_slice %arg17[%add3A_148, %dma_start3A_161] : memref<10240x128xf32, #tpu.memory_space<vmem_shared>> -> memref<128x128xf32, #tpu.memory_space<vmem_shared>>
      tpu.enqueue_dma source(%dma_start3A_162 : memref<128x128xf32, #tpu.memory_space<vmem_shared>>) target(%arg9 : memref<128x128xf32, #tpu.memory_space<vmem>>) target_semaphore(%run_scoped3A : memref<!tpu.dma_semaphore, #tpu.memory_space<semaphore_mem>>)
      %dma_wait3A_163 = arith.constant 0 : i32
      %dma_wait3A_164 = tpu.memref_slice %arg17[%add3A_148, %dma_wait3A_163] : memref<10240x128xf32, #tpu.memory_space<vmem_shared>> -> memref<128x128xf32, #tpu.memory_space<vmem_shared>>
      %dma_wait3A_165 = arith.constant 0 : i32
      %dma_wait3A_166 = tpu.memref_slice %arg17[%add3A_148, %dma_wait3A_165] : memref<10240x128xf32, #tpu.memory_space<vmem_shared>> -> memref<128x128xf32, #tpu.memory_space<vmem_shared>>
      tpu.wait_dma2 semaphore(%run_scoped3A : memref<!tpu.dma_semaphore, #tpu.memory_space<semaphore_mem>>) src(%dma_wait3A_166 : memref<128x128xf32, #tpu.memory_space<vmem_shared>>) dst(%arg9 : memref<128x128xf32, #tpu.memory_space<vmem>>)
      tpu.yield
    }) : () -> ()
    %add3A_149 = arith.constant 256 : i32
    %add3A_150 = arith.addi %mul3A_2, %add3A_149 : i32
    "tpu.region"() ({
      %run_scoped3A = tpu.sem_alloc : memref<!tpu.dma_semaphore, #tpu.memory_space<semaphore_mem>>
      %dma_start3A_159 = arith.constant 0 : i32
      %dma_start3A_160 = tpu.memref_slice %arg4[%arg0, %add3A_150, %dma_start3A_159] : memref<2x10240x128xf32, #tpu.memory_space<hbm>> -> memref<1x128x128xf32, #tpu.memory_space<hbm>>
      %dma_start3A_161 = tpu.memref_squeeze %dma_start3A_160 : memref<1x128x128xf32, #tpu.memory_space<hbm>> -> memref<128x128xf32, #tpu.memory_space<hbm>>
      %dma_start3A_162 = arith.constant 0 : i32
      %dma_start3A_163 = tpu.memref_slice %arg4[%arg0, %add3A_150, %dma_start3A_162] : memref<2x10240x128xf32, #tpu.memory_space<hbm>> -> memref<1x128x128xf32, #tpu.memory_space<hbm>>
      %dma_start3A_164 = tpu.memref_squeeze %dma_start3A_163 : memref<1x128x128xf32, #tpu.memory_space<hbm>> -> memref<128x128xf32, #tpu.memory_space<hbm>>
      tpu.enqueue_dma source(%arg9 : memref<128x128xf32, #tpu.memory_space<vmem>>) target(%dma_start3A_164 : memref<128x128xf32, #tpu.memory_space<hbm>>) target_semaphore(%run_scoped3A : memref<!tpu.dma_semaphore, #tpu.memory_space<semaphore_mem>>)
      %dma_wait3A_165 = arith.constant 0 : i32
      %dma_wait3A_166 = tpu.memref_slice %arg4[%arg0, %add3A_150, %dma_wait3A_165] : memref<2x10240x128xf32, #tpu.memory_space<hbm>> -> memref<1x128x128xf32, #tpu.memory_space<hbm>>
      %dma_wait3A_167 = tpu.memref_squeeze %dma_wait3A_166 : memref<1x128x128xf32, #tpu.memory_space<hbm>> -> memref<128x128xf32, #tpu.memory_space<hbm>>
      %dma_wait3A_168 = arith.constant 0 : i32
      %dma_wait3A_169 = tpu.memref_slice %arg4[%arg0, %add3A_150, %dma_wait3A_168] : memref<2x10240x128xf32, #tpu.memory_space<hbm>> -> memref<1x128x128xf32, #tpu.memory_space<hbm>>
      %dma_wait3A_170 = tpu.memref_squeeze %dma_wait3A_169 : memref<1x128x128xf32, #tpu.memory_space<hbm>> -> memref<128x128xf32, #tpu.memory_space<hbm>>
      tpu.wait_dma2 semaphore(%run_scoped3A : memref<!tpu.dma_semaphore, #tpu.memory_space<semaphore_mem>>) src(%arg9 : memref<128x128xf32, #tpu.memory_space<vmem>>) dst(%dma_wait3A_170 : memref<128x128xf32, #tpu.memory_space<hbm>>)
      tpu.yield
    }) : () -> ()
    %add3A_151 = arith.constant 384 : i32
    %add3A_152 = arith.addi %mul3A_2, %add3A_151 : i32
    "tpu.region"() ({
      %run_scoped3A = tpu.sem_alloc : memref<!tpu.dma_semaphore, #tpu.memory_space<semaphore_mem>>
      %dma_start3A_159 = arith.constant 0 : i32
      %dma_start3A_160 = tpu.memref_slice %arg17[%add3A_152, %dma_start3A_159] : memref<10240x128xf32, #tpu.memory_space<vmem_shared>> -> memref<128x128xf32, #tpu.memory_space<vmem_shared>>
      %dma_start3A_161 = arith.constant 0 : i32
      %dma_start3A_162 = tpu.memref_slice %arg17[%add3A_152, %dma_start3A_161] : memref<10240x128xf32, #tpu.memory_space<vmem_shared>> -> memref<128x128xf32, #tpu.memory_space<vmem_shared>>
      tpu.enqueue_dma source(%dma_start3A_162 : memref<128x128xf32, #tpu.memory_space<vmem_shared>>) target(%arg9 : memref<128x128xf32, #tpu.memory_space<vmem>>) target_semaphore(%run_scoped3A : memref<!tpu.dma_semaphore, #tpu.memory_space<semaphore_mem>>)
      %dma_wait3A_163 = arith.constant 0 : i32
      %dma_wait3A_164 = tpu.memref_slice %arg17[%add3A_152, %dma_wait3A_163] : memref<10240x128xf32, #tpu.memory_space<vmem_shared>> -> memref<128x128xf32, #tpu.memory_space<vmem_shared>>
      %dma_wait3A_165 = arith.constant 0 : i32
      %dma_wait3A_166 = tpu.memref_slice %arg17[%add3A_152, %dma_wait3A_165] : memref<10240x128xf32, #tpu.memory_space<vmem_shared>> -> memref<128x128xf32, #tpu.memory_space<vmem_shared>>
      tpu.wait_dma2 semaphore(%run_scoped3A : memref<!tpu.dma_semaphore, #tpu.memory_space<semaphore_mem>>) src(%dma_wait3A_166 : memref<128x128xf32, #tpu.memory_space<vmem_shared>>) dst(%arg9 : memref<128x128xf32, #tpu.memory_space<vmem>>)
      tpu.yield
    }) : () -> ()
    %add3A_153 = arith.constant 384 : i32
    %add3A_154 = arith.addi %mul3A_2, %add3A_153 : i32
    "tpu.region"() ({
      %run_scoped3A = tpu.sem_alloc : memref<!tpu.dma_semaphore, #tpu.memory_space<semaphore_mem>>
      %dma_start3A_159 = arith.constant 0 : i32
      %dma_start3A_160 = tpu.memref_slice %arg4[%arg0, %add3A_154, %dma_start3A_159] : memref<2x10240x128xf32, #tpu.memory_space<hbm>> -> memref<1x128x128xf32, #tpu.memory_space<hbm>>
      %dma_start3A_161 = tpu.memref_squeeze %dma_start3A_160 : memref<1x128x128xf32, #tpu.memory_space<hbm>> -> memref<128x128xf32, #tpu.memory_space<hbm>>
      %dma_start3A_162 = arith.constant 0 : i32
      %dma_start3A_163 = tpu.memref_slice %arg4[%arg0, %add3A_154, %dma_start3A_162] : memref<2x10240x128xf32, #tpu.memory_space<hbm>> -> memref<1x128x128xf32, #tpu.memory_space<hbm>>
      %dma_start3A_164 = tpu.memref_squeeze %dma_start3A_163 : memref<1x128x128xf32, #tpu.memory_space<hbm>> -> memref<128x128xf32, #tpu.memory_space<hbm>>
      tpu.enqueue_dma source(%arg9 : memref<128x128xf32, #tpu.memory_space<vmem>>) target(%dma_start3A_164 : memref<128x128xf32, #tpu.memory_space<hbm>>) target_semaphore(%run_scoped3A : memref<!tpu.dma_semaphore, #tpu.memory_space<semaphore_mem>>)
      %dma_wait3A_165 = arith.constant 0 : i32
      %dma_wait3A_166 = tpu.memref_slice %arg4[%arg0, %add3A_154, %dma_wait3A_165] : memref<2x10240x128xf32, #tpu.memory_space<hbm>> -> memref<1x128x128xf32, #tpu.memory_space<hbm>>
      %dma_wait3A_167 = tpu.memref_squeeze %dma_wait3A_166 : memref<1x128x128xf32, #tpu.memory_space<hbm>> -> memref<128x128xf32, #tpu.memory_space<hbm>>
      %dma_wait3A_168 = arith.constant 0 : i32
      %dma_wait3A_169 = tpu.memref_slice %arg4[%arg0, %add3A_154, %dma_wait3A_168] : memref<2x10240x128xf32, #tpu.memory_space<hbm>> -> memref<1x128x128xf32, #tpu.memory_space<hbm>>
      %dma_wait3A_170 = tpu.memref_squeeze %dma_wait3A_169 : memref<1x128x128xf32, #tpu.memory_space<hbm>> -> memref<128x128xf32, #tpu.memory_space<hbm>>
      tpu.wait_dma2 semaphore(%run_scoped3A : memref<!tpu.dma_semaphore, #tpu.memory_space<semaphore_mem>>) src(%arg9 : memref<128x128xf32, #tpu.memory_space<vmem>>) dst(%dma_wait3A_170 : memref<128x128xf32, #tpu.memory_space<hbm>>)
      tpu.yield
    }) : () -> ()
    %add3A_155 = arith.constant 512 : i32
    %add3A_156 = arith.addi %mul3A_2, %add3A_155 : i32
    "tpu.region"() ({
      %run_scoped3A = tpu.sem_alloc : memref<!tpu.dma_semaphore, #tpu.memory_space<semaphore_mem>>
      %dma_start3A_159 = arith.constant 0 : i32
      %dma_start3A_160 = tpu.memref_slice %arg17[%add3A_156, %dma_start3A_159] : memref<10240x128xf32, #tpu.memory_space<vmem_shared>> -> memref<128x128xf32, #tpu.memory_space<vmem_shared>>
      %dma_start3A_161 = arith.constant 0 : i32
      %dma_start3A_162 = tpu.memref_slice %arg17[%add3A_156, %dma_start3A_161] : memref<10240x128xf32, #tpu.memory_space<vmem_shared>> -> memref<128x128xf32, #tpu.memory_space<vmem_shared>>
      tpu.enqueue_dma source(%dma_start3A_162 : memref<128x128xf32, #tpu.memory_space<vmem_shared>>) target(%arg9 : memref<128x128xf32, #tpu.memory_space<vmem>>) target_semaphore(%run_scoped3A : memref<!tpu.dma_semaphore, #tpu.memory_space<semaphore_mem>>)
      %dma_wait3A_163 = arith.constant 0 : i32
      %dma_wait3A_164 = tpu.memref_slice %arg17[%add3A_156, %dma_wait3A_163] : memref<10240x128xf32, #tpu.memory_space<vmem_shared>> -> memref<128x128xf32, #tpu.memory_space<vmem_shared>>
      %dma_wait3A_165 = arith.constant 0 : i32
      %dma_wait3A_166 = tpu.memref_slice %arg17[%add3A_156, %dma_wait3A_165] : memref<10240x128xf32, #tpu.memory_space<vmem_shared>> -> memref<128x128xf32, #tpu.memory_space<vmem_shared>>
      tpu.wait_dma2 semaphore(%run_scoped3A : memref<!tpu.dma_semaphore, #tpu.memory_space<semaphore_mem>>) src(%dma_wait3A_166 : memref<128x128xf32, #tpu.memory_space<vmem_shared>>) dst(%arg9 : memref<128x128xf32, #tpu.memory_space<vmem>>)
      tpu.yield
    }) : () -> ()
    %add3A_157 = arith.constant 512 : i32
    %add3A_158 = arith.addi %mul3A_2, %add3A_157 : i32
    "tpu.region"() ({
      %run_scoped3A = tpu.sem_alloc : memref<!tpu.dma_semaphore, #tpu.memory_space<semaphore_mem>>
      %dma_start3A_159 = arith.constant 0 : i32
      %dma_start3A_160 = tpu.memref_slice %arg4[%arg0, %add3A_158, %dma_start3A_159] : memref<2x10240x128xf32, #tpu.memory_space<hbm>> -> memref<1x128x128xf32, #tpu.memory_space<hbm>>
      %dma_start3A_161 = tpu.memref_squeeze %dma_start3A_160 : memref<1x128x128xf32, #tpu.memory_space<hbm>> -> memref<128x128xf32, #tpu.memory_space<hbm>>
      %dma_start3A_162 = arith.constant 0 : i32
      %dma_start3A_163 = tpu.memref_slice %arg4[%arg0, %add3A_158, %dma_start3A_162] : memref<2x10240x128xf32, #tpu.memory_space<hbm>> -> memref<1x128x128xf32, #tpu.memory_space<hbm>>
      %dma_start3A_164 = tpu.memref_squeeze %dma_start3A_163 : memref<1x128x128xf32, #tpu.memory_space<hbm>> -> memref<128x128xf32, #tpu.memory_space<hbm>>
      tpu.enqueue_dma source(%arg9 : memref<128x128xf32, #tpu.memory_space<vmem>>) target(%dma_start3A_164 : memref<128x128xf32, #tpu.memory_space<hbm>>) target_semaphore(%run_scoped3A : memref<!tpu.dma_semaphore, #tpu.memory_space<semaphore_mem>>)
      %dma_wait3A_165 = arith.constant 0 : i32
      %dma_wait3A_166 = tpu.memref_slice %arg4[%arg0, %add3A_158, %dma_wait3A_165] : memref<2x10240x128xf32, #tpu.memory_space<hbm>> -> memref<1x128x128xf32, #tpu.memory_space<hbm>>
      %dma_wait3A_167 = tpu.memref_squeeze %dma_wait3A_166 : memref<1x128x128xf32, #tpu.memory_space<hbm>> -> memref<128x128xf32, #tpu.memory_space<hbm>>
      %dma_wait3A_168 = arith.constant 0 : i32
      %dma_wait3A_169 = tpu.memref_slice %arg4[%arg0, %add3A_158, %dma_wait3A_168] : memref<2x10240x128xf32, #tpu.memory_space<hbm>> -> memref<1x128x128xf32, #tpu.memory_space<hbm>>
      %dma_wait3A_170 = tpu.memref_squeeze %dma_wait3A_169 : memref<1x128x128xf32, #tpu.memory_space<hbm>> -> memref<128x128xf32, #tpu.memory_space<hbm>>
      tpu.wait_dma2 semaphore(%run_scoped3A : memref<!tpu.dma_semaphore, #tpu.memory_space<semaphore_mem>>) src(%arg9 : memref<128x128xf32, #tpu.memory_space<vmem>>) dst(%dma_wait3A_170 : memref<128x128xf32, #tpu.memory_space<hbm>>)
      tpu.yield
    }) : () -> ()
    return
  }
}

</mosaic_0001>

<sc_bundles>
// kernel: _spmm.3.cloned.1.call-start
scs
__scs_entry_jumppad:
0x0: {  	(pc) =	sbr.rel $0x88, $3  }
0x1: {  	(tag) =	ssettag $0x0;
	lr =	simm.s32 $0x1  }
0x2: {  	[smem:$0x3F9F] =	sst lr;
	_ =	strace $0xD0000000  }
0x3: {  	_ = 	snop  }
0x4: {  	_ = 	snop  }
0x5: {  	_ = 	snop  }
0x6: {  	_ = 	snop  }
0x7: {  	_ = 	snop  }
__scs_overlays_trampoline_lowered:
0x8: {  	[smem:$0x3FAE] =	sst s0  }
0x9: {  	[smem:$0x3FAF] =	sst s1  }
0xa: {  	[smem:$0x3FB0] =	sst s2  }
0xb: {  	[smem:$0x3FB1] =	sst s3  }
0xc: {  	[smem:$0x3FB2] =	sst s4  }
0xd: {  	[smem:$0x3FB3] =	sst s5  }
0xe: {  	[smem:$0x3FB4] =	sst s6  }
0xf: {  	[smem:$0x3FB5] =	sst s7  }
0x10: {  	[smem:$0x3FB6] =	sst s8  }
0x11: {  	[smem:$0x3FB7] =	sst s9;
	s0 =	simm.s32 @!p0 $0x0  }
0x12: {  	s1 =	sld [smem:$0x3F9D];
	s0 =	simm.s32 @p0 $0x1  }
0x13: {  	[smem:$0x3FB8] =	sst s0;
	s0 =	simm.s32 @!p1 $0x0  }
0x14: {  	s2 =	sld [smem:$0x3F9C];
	s0 =	simm.s32 @p1 $0x1  }
0x15: {  	[smem:$0x3FB9] =	sst s0;
	s0 =	simm.s32 @!p2 $0x0  }
0x16: {  	s3 =	sld [smem:$0x3FDB];
	s0 =	simm.s32 @p2 $0x1  }
0x17: {  	s4 =	simm.s32 $0x1BF5;
	[smem:$0x3FBB] =	sst s0  }
0x18: {  	s0 =	sld [smem:$0x3F9E];
	_ =	swait.ge [sflag:s4], $0x0  }
0x19: {  	s7 =	sld [smem:$0x3F9F]  }
0x1a: {  	s8 =	sadd.s32 $0xFFFFE003, lr  }
0x1b: {  	s9 =	sadd.s32 $0xFFFFFEF7, lr;
	s5 =	simm.s32 $0xFFFFFFFF;
	p2 =	slt.u32 s8, $0xFFFFF086  }
0x1c: {  	p1 =	slt.u32 s9, $0xF7A;
	s5 =	simm.s32 @!p2 $0x0  }
0x1d: {  	s5 =	simm.s32 @p1 $0x1;
	p0 =	seq.s32 s7, s2  }
0x1e: {  	s7 =	smul.u32 @!p0 $0xF7A, s2;
	p2 =	seq.s32 @!p0 s5, $0x0  }
0x1f: {  	s9 =	smul.u32 $0xF7A, s1;
	s8 =	simm.s32 @!p0 $0x1BF5;
	p2 =	por !p2, p0  }
0x20: {  	[sflag:s8] =	ssyncset.s32 @!p0 $0xFFFFF086;
	s6 =	sadd.s32 @!p0 s3, s7;
	s7 =	simm.s32 @!p0 $0x108  }
0x21: {  	s3 =	sadd.s32 s3, s9;
	s6 =	sadd.s32 @!p0 $0x88, s6;
	s7 =	simm.s32 @p2 $0x1082  }
0x22: {  	[simem:s7], [sflag:s8] =	dma.local @!p0 [hbm:s6], $0xF7A  }
0x23: {  	s9 =	sor.u32 $0xD0000000, s2;
	s6 =	simm.s32 $0x108;
	_ =	swait.ge @!p0 [sflag:s8], $0x0  }
0x24: {  	s3 =	sadd.s32 $0x88, s3;
	s6 =	simm.s32 @!p1 $0x1082;
	[sflag:s4] =	ssyncset.s32 $0xFFFFF086  }
0x25: {  	[simem:s6], [sflag:s4] =	dma.local [hbm:s3], $0xF7A  }
0x26: {  	[smem:$0x3F9F] =	sst s1;
	(tag) =	ssettag s2;
	_ =	strace s9  }
0x27: {  	s1 =	sld [smem:$0x3FAF]  }
0x28: {  	s2 =	sld [smem:$0x3FB0]  }
0x29: {  	s4 =	sld [smem:$0x3FB2]  }
0x2a: {  	p0 =	seq.s32 s5, $0x0;
	s5 =	sld [smem:$0x3FB3]  }
0x2b: {  	s6 =	sld [smem:$0x3FB4]  }
0x2c: {  	s7 =	sld [smem:$0x3FB5]  }
0x2d: {  	s3 =	simm.s32 $0x108;
	s8 =	sld [smem:$0x3FB6]  }
0x2e: {  	s3 =	simm.s32 @!p0 $0x1082;
	s9 =	sld [smem:$0x3FB7]  }
0x2f: {  	lr =	sadd.s32 s0, s3;
	s0 =	sld [smem:$0x3FAE]  }
0x30: {  	s3 =	sld [smem:$0x3FB1]  }
0x31: {  	[smem:$0x3FBA] =	sst s10  }
0x32: {  	s10 =	sld [smem:$0x3FB8];
	_ =	sdelay $0x3  }
0x33: {  	p0 =	seq.s32 s10, $0x1;
	s10 =	sld [smem:$0x3FBA];
	_ =	sdelay $0x3  }
0x34: {  	[smem:$0x3FBA] =	sst s10  }
0x35: {  	s10 =	sld [smem:$0x3FB9];
	_ =	sdelay $0x3  }
0x36: {  	p1 =	seq.s32 s10, $0x1;
	s10 =	sld [smem:$0x3FBA];
	_ =	sdelay $0x3  }
0x37: {  	[smem:$0x3FBA] =	sst s10  }
0x38: {  	s10 =	sld [smem:$0x3FBB]  }
0x39: {  	_ = 	snop;
	(pc) =	sbr.ind lr, $3  }
0x3a: {  	_ = 	snop  }
0x3b: {  	_ = 	snop  }
0x3c: {  	p2 =	seq.s32 s10, $0x1;
	s10 =	sld [smem:$0x3FBA]  }
0x3d: {  	_ =	shalt  }
0x3e: {  	_ =	shalt  }
0x3f: {  	_ =	shalt  }
0x40: {  	_ =	shalt  }
0x41: {  	_ =	shalt  }
0x42: {  	_ =	shalt  }
0x43: {  	_ =	shalt  }
0x44: {  	_ =	shalt  }
0x45: {  	_ =	shalt  }
0x46: {  	_ =	shalt  }
0x47: {  	_ =	shalt  }
0x48: {  	_ =	shalt  }
0x49: {  	_ =	shalt  }
0x4a: {  	_ =	shalt  }
0x4b: {  	_ =	shalt  }
0x4c: {  	_ =	shalt  }
0x4d: {  	_ =	shalt  }
0x4e: {  	_ =	shalt  }
0x4f: {  	_ =	shalt  }
0x50: {  	_ =	shalt  }
0x51: {  	_ =	shalt  }
0x52: {  	_ =	shalt  }
0x53: {  	_ =	shalt  }
0x54: {  	_ =	shalt  }
0x55: {  	_ =	shalt  }
0x56: {  	_ =	shalt  }
0x57: {  	_ =	shalt  }
0x58: {  	_ =	shalt  }
0x59: {  	_ =	shalt  }
0x5a: {  	_ =	shalt  }
0x5b: {  	_ =	shalt  }
0x5c: {  	_ =	shalt  }
0x5d: {  	_ =	shalt  }
0x5e: {  	_ =	shalt  }
0x5f: {  	_ =	shalt  }
0x60: {  	_ =	shalt  }
0x61: {  	_ =	shalt  }
0x62: {  	_ =	shalt  }
0x63: {  	_ =	shalt  }
0x64: {  	_ =	shalt  }
0x65: {  	_ =	shalt  }
0x66: {  	_ =	shalt  }
0x67: {  	_ =	shalt  }
0x68: {  	_ =	shalt  }
0x69: {  	_ =	shalt  }
0x6a: {  	_ =	shalt  }
0x6b: {  	_ =	shalt  }
0x6c: {  	_ =	shalt  }
0x6d: {  	_ =	shalt  }
0x6e: {  	_ =	shalt  }
0x6f: {  	_ =	shalt  }
0x70: {  	_ =	shalt  }
0x71: {  	_ =	shalt  }
0x72: {  	_ =	shalt  }
0x73: {  	_ =	shalt  }
0x74: {  	_ =	shalt  }
0x75: {  	_ =	shalt  }
0x76: {  	_ =	shalt  }
0x77: {  	_ =	shalt  }
0x78: {  	_ =	shalt  }
0x79: {  	_ =	shalt  }
0x7a: {  	_ =	shalt  }
0x7b: {  	_ =	shalt  }
0x7c: {  	_ =	shalt  }
0x7d: {  	_ =	shalt  }
0x7e: {  	_ =	shalt  }
0x7f: {  	_ =	shalt  }
0x80: {  	_ =	shalt  }
0x81: {  	_ =	shalt  }
0x82: {  	_ =	shalt  }
0x83: {  	_ =	shalt  }
0x84: {  	_ =	shalt  }
0x85: {  	_ =	shalt  }
0x86: {  	_ =	shalt  }
0x87: {  	_ =	shalt  }
.Lfunc_end0:
.L_simem_size_0:
called_computation_lowered:
.L_overlay_start_0:
0x88: {  	s2 =	sld [smem:$0x3FD9]  }
0x89: {  	s3 =	sld [smem:$0x3FFE];
	_ =	sdelay $0x1  }
0x8a: {  	s1 =	srdreg.scid  }
0x8b: {  	s0 =	sand.u32 $0x1, s1  }
0x8c: {  	s17 =	sshll.u32 s0, $0xA;
	s2 =	sadd.s32 s3, s2  }
0x8d: {  	s2 =	sadd.s32 s2, s17  }
0x8e: {  	[smem:$0x3FC6] =	sst s2  }
0x8f: {  	_ = 	snop  }
0x90: {  	s2 =	sld [smem:$0x3FC8];
	(tm) =	ssettm $0x1  }
0x91: {  	s18 =	sld [smem:$0x3FFB];
	_ =	sdelay $0x3  }
0x92: {  	_ =	strace s18  }
0x93: {  	s3 =	sld [smem:$0x3FFC];
	_ =	sdelay $0x3  }
0x94: {  	_ =	strace s3  }
0x95: {  	s3 =	sld [smem:$0x3FFD];
	_ =	sdelay $0x3  }
0x96: {  	_ =	strace s3  }
0x97: {  	_ =	strace $0x8FFFFFFF  }
0x98: {  	s19 =	sld [smem:$0x3FDB];
	_ =	sdelay $0x1  }
0x99: {  	s4 =	simm.s32 $_scs_section_size  }
0x9a: {  	s5 =	simm.s32 $_size__tile_overlayer_lowered;
	s6 =	simm.s32 $_tile_overlayer_lowered  }
0x9b: {  	s22 =	simm.s32 $0x1BFF;
	s21 =	sshll.u32 s6, $0x1;
	s3 =	sadd.s32 s4, s19  }
0x9c: {  	s7 =	simm.s32 $0x0;
	s20 =	sshll.u32 s5, $0x1;
	s5 =	sadd.s32 s21, s3  }
0x9d: {  	[timem:s7], [sflag:s22] =	dma.local [hbm:s5], s20  }
0x9e: {  	_ =	swait.ge [sflag:s22], s20  }
0x9f: {  	s4 =	ssub.s32 $0x0, s20;
	[sflag:s22] =	ssyncset.done $0x0  }
0xa0: {  	[sflag:s22] =	ssyncadd.s32 s4;
	_ =	sdelay $0x1  }
0xa1: {  	s23 =	simm.s32 $0x1B8B  }
0xa2: {  	_ =	swait.ge [sflag:s23], $0x1  }
0xa3: {  	[sflag:s23] =	ssyncset.done $0x0  }
0xa4: {  	s25 =	simm.s32 $0x1B8E;
	s24 =	sld [smem:$0x3FFE];
	[sflag:s23] =	ssyncadd.s32 $0xFFFFFFFF  }
0xa5: {  	s26 =	simm.s32 $execute0_lowered;
	[smem:$0x3FD2] =	sst s25  }
0xa6: {  	s5 =	sshll.u32 s26, $0x1;
	_ =	strace $0x80000046;
	[dreg:$0x1] =	wrdreg $0xFFFFFFFF  }
0xa7: {  	s28 =	simm.s32 $_size_execute0_lowered;
	s3 =	sadd.s32 s3, s5;
	[dreg:$0x0] =	wrdreg $0x0  }
0xa8: {  	s5 =	sshll.u32 s28, $0x1;
	[dreg:$0x2] =	wrdreg s3  }
0xa9: {  	[dreg:$0x3] =	wrdreg s5  }
0xaa: {  	[dreg:$0x4] =	wrdreg $0xC0  }
0xab: {  	_ =	task [dreg:s7], $0x5FFFF  }
0xac: {  	[dreg:$0x1] =	wrdreg $0xFFFFFFFF  }
0xad: {  	[dreg:$0x0] =	wrdreg $0x60  }
0xae: {  	[dreg:$0x2] =	wrdreg s24  }
0xaf: {  	[dreg:$0x3] =	wrdreg s2  }
0xb0: {  	[dreg:$0x4] =	wrdreg $0x85000  }
0xb1: {  	[dreg:$0x5] =	wrdreg $0x9  }
0xb2: {  	_ =	task.clear_ibuf [dreg:s7], $0x6FFFF;
	_ =	strace $0x90000046  }
0xb3: {  	s29 =	simm.s32 $0x9;
	_ =	strace $0x80000048  }
0xb4: {  	_ =	swait.ge [sflag:s29], $0x1  }
0xb5: {  	[sflag:s29] =	ssyncadd.s32 $0xFFFFFFFF  }
0xb6: {  	_ =	strace $0x90000048  }
0xb7: {  	_ =	sfence  }
0xb8: {  	s30 =	sld [smem:$0x0];
	_ =	sdelay $0x2  }
0xb9: {  	s31 =	sshll.u32 s1, $0xD;
	s1 =	sshrl.u32 s1, $0x2  }
0xba: {  	s3 =	sand.u32 $0x4000, s31;
	s1 =	sadd.s32 s1, s30  }
0xbb: {  	s0 =	sor.u32 s3, s0;
	s1 =	sshll.u32 s1, $0x11  }
0xbc: {  	s0 =	sor.u32 s1, s0  }
0xbd: {  	s0 =	sadd.s32 $0x8F2B, s0  }
0xbe: {  	[sflag:s0] =	ssyncadd.remote.s32 $0x1  }
0xbf: {  	_ =	sfence.sel $0xFFFF  }
0xc0: {  	[dreg:$0x0] =	wrdreg $0xFFFFFFFF;
	(pc) =	sbr.abs _section_cstart, $3  }
0xc1: {  	[dreg:$0x1] =	wrdreg $0xFFFFFFFF  }
0xc2: {  	_ =	task.clear_ibuf [dreg:s7], $0x2FFFF;
	_ =	strace $0x9FFFFFFF  }
0xc3: {  	(tm) =	ssettm $0x7FFFFFFF  }
tec
execute0_lowered:
.L_overlay_start_1:
0x0: {  	(tag) =	ssettag $0x1  }
0x1: {  	s0 =	rddreg [dreg:$0x0]  }
0x2: {  	s2 =	rddreg [dreg:$0x1]  }
0x3: {  	s1 =	rddreg [dreg:$0x2];
	s15 =	stileid.u32  }
0x4: {  	s3 =	srdreg.scid;
	s7 =	smul.u32 $0x14000, s15  }
0x5: {  	s28 =	simm.s32 $0x200;
	s29 =	simm.s32 $0x1;
	s20 =	smul.u32 $0x50000, s15  }
0x6: {  	s30 =	simm.s32 $0x80;
	s31 =	simm.s32 $0x2;
	s13 =	smul.u32 $0xA0, s15  }
0x7: {  	s4 =	sand.u32 $0x1, s3;
	s3 =	simm.s32 $0x0;
	s17 =	smul.u32 $0x2800, s15  }
0x8: {  	s5 =	smul.u32 $0x140000, s4;
	[smem:$0x7FF] =	sst s3;
	s6 =	ssub.s32 $0x2, s4  }
0x9: {  	s4 =	sadd.s32 $0x600, s0;
	s0 =	sadd.s32 $0x28600, s0;
	_ =	strace $0x80000047  }
0xa: {  	s8 =	sshrl.u32 s6, $0x1;
	s21 =	sadd.s32 $0x4000, s7;
	s23 =	sadd.s32 $0x8000, s7  }
0xb: {  	s25 =	sadd.s32 $0xC000, s7;
	s9 =	ssub.s32 s6, s8;
	s19 =	sadd.s32 s7, s5  }
0xc: {  	s22 =	sadd.s32 s5, s21;
	s6 =	sshrl.u32 s20, $0x2;
	s24 =	sadd.s32 s5, s23  }
0xd: {  	s8 =	sadd.s32 s21, s1;
	s26 =	sadd.s32 s5, s25;
	s7 =	sadd.s32 $0x10000, s7  }
0xe: {  	s11 =	sshrl.u32 s19, $0x3;
	s16 =	sshrl.u32 s22, $0x3;
	s6 =	sadd.s32 s6, s1  }
0xf: {  	s19 =	sshrl.u32 s24, $0x3;
	s20 =	sshrl.u32 s26, $0x3;
	s5 =	sadd.s32 s5, s7  }
0x10: {  	s15 =	sadd.s32 s7, s1;
	s26 =	smax.u32 s9, $0x1;
	s7 =	simm.s32 $0x4  }
0x11: {  	s9 =	simm.s32 $0x480;
	s10 =	sadd.s32 s2, s11;
	s12 =	sadd.s32 s2, s16  }
0x12: {  	s14 =	sadd.s32 s2, s19;
	s18 =	sadd.s32 s2, s20;
	[dreg:$0xf] =	wrdreg s26  }
0x13: {  	s5 =	sshrl.u32 s5, $0x3;
	s22 =	sadd.s32 s0, s11;
	[dreg:$0x4] =	wrdreg s10  }
0x14: {  	s24 =	sadd.s32 s0, s19;
	s26 =	simm.s32 $0x7;
	[dreg:$0x5] =	wrdreg s12  }
0x15: {  	s11 =	simm.s32 $0x5;
	[dreg:$0x6] =	wrdreg s14;
	s10 =	sadd.s32 s23, s1  }
0x16: {  	[dreg:$0x7] =	wrdreg s18;
	s12 =	sadd.s32 s25, s1;
	s2 =	sadd.s32 s2, s5  }
0x17: {  	s14 =	sadd.s32 s4, s17;
	s17 =	sor.u32 $0x2, s13;
	[dreg:$0xa] =	wrdreg s22  }
0x18: {  	s18 =	sor.u32 $0x3, s13;
	s23 =	sadd.s32 s0, s16;
	[dreg:$0xc] =	wrdreg s24  }
.Ltmp0:
0x19: {  	s25 =	sadd.s32 s0, s20;
	[dreg:$0x8] =	wrdreg s2;
	(pc) =	sbr.rel .LBB2_1-.Ltmp0, $4  }
0x1a: {  	s0 =	sadd.s32 s0, s5;
	s5 =	simm.s32 $0x3;
	[dreg:$0xb] =	wrdreg s23  }
0x1b: {  	s13 =	simm.s32 $0x6;
	s16 =	simm.s32 $0x0;
	[dreg:$0xd] =	wrdreg s25  }
0x1c: {  	s21 =	sadd.s32 $0x40, s14;
	[dreg:$0xe] =	wrdreg s0;
	s25 =	simm.s32 $0x500  }
0x1d: {  	v0 =	vimm.f32 $0.0e+00;
	s0 =	simm.s32 $0x280;
	s2 =	simm.s32 $0x4500;
	[dreg:$0x9] =	wrdreg s21  }
.LBB2_8:
0x1e: {  	[spmem:s1] =	stream.indirect.scatter.add.f32 [tilespmem:s2], [sflag:$0x6], $0x80, s9, s30, $0xb8;
	[tilespmem:$0x1C500] =	vst v63  }
0x1f: {  	_ =	swait.ge [sflag:s11], $0x4000  }
0x20: {  	[sflag:s11] =	ssyncset.done $0x0  }
0x21: {  	[sflag:s11] =	ssyncadd.s32 $0xFFFFC000  }
0x22: {  	_ =	swait.ge [sflag:s13], $0x4000  }
0x23: {  	[sflag:s13] =	ssyncset.done $0x0  }
0x24: {  	[sflag:s13] =	ssyncadd.s32 $0xFFFFC000  }
0x25: {  	[bflag:$0x0] =	sbarrier.arrive $0xFFFF  }
0x26: {  	[tilespmem:s25], [sflag:$0x7] =	stream.linear.gather [spmem:s6], $0x4000, $0x38;
	[tilespmem:$0x1C500] =	vst v63  }
0x27: {  	_ =	swait.ge [sflag:s26], $0x4000  }
0x28: {  	[sflag:s26] =	ssyncset.done $0x0  }
0x29: {  	s19 =	rddreg [dreg:$0xa];
	[sflag:s26] =	ssyncadd.s32 $0xFFFFC000  }
0x2a: {  	[hbm4b:s19+s3] =	stream.linear.scatter [tilespmem:s25], [sflag:$0x7], $0x4000, $0x38;
	[tilespmem:$0x1C500] =	vst v63  }
0x2b: {  	_ =	swait.ge [sflag:s26], $0x4000  }
0x2c: {  	[sflag:s26] =	ssyncset.done $0x0  }
0x2d: {  	[sflag:s26] =	ssyncadd.s32 $0xFFFFC000  }
0x2e: {  	[tilespmem:s25], [sflag:$0x7] =	stream.linear.gather [spmem:s8], $0x4000, $0x38;
	[tilespmem:$0x1C500] =	vst v63  }
0x2f: {  	_ =	swait.ge [sflag:s26], $0x4000  }
0x30: {  	[sflag:s26] =	ssyncset.done $0x0  }
0x31: {  	s20 =	rddreg [dreg:$0xb];
	[sflag:s26] =	ssyncadd.s32 $0xFFFFC000  }
0x32: {  	[hbm4b:s20+s3] =	stream.linear.scatter [tilespmem:s25], [sflag:$0x7], $0x4000, $0x38;
	[tilespmem:$0x1C500] =	vst v63  }
0x33: {  	_ =	swait.ge [sflag:s26], $0x4000  }
0x34: {  	[sflag:s26] =	ssyncset.done $0x0  }
0x35: {  	[sflag:s26] =	ssyncadd.s32 $0xFFFFC000  }
0x36: {  	[tilespmem:s25], [sflag:$0x7] =	stream.linear.gather [spmem:s10], $0x4000, $0x38;
	[tilespmem:$0x1C500] =	vst v63  }
0x37: {  	_ =	swait.ge [sflag:s26], $0x4000  }
0x38: {  	[sflag:s26] =	ssyncset.done $0x0  }
0x39: {  	s21 =	rddreg [dreg:$0xc];
	[sflag:s26] =	ssyncadd.s32 $0xFFFFC000  }
0x3a: {  	[hbm4b:s21+s3] =	stream.linear.scatter [tilespmem:s25], [sflag:$0x7], $0x4000, $0x38;
	[tilespmem:$0x1C500] =	vst v63  }
0x3b: {  	_ =	swait.ge [sflag:s26], $0x4000  }
0x3c: {  	[sflag:s26] =	ssyncset.done $0x0  }
0x3d: {  	[sflag:s26] =	ssyncadd.s32 $0xFFFFC000  }
0x3e: {  	[tilespmem:s25], [sflag:$0x7] =	stream.linear.gather [spmem:s12], $0x4000, $0x38;
	[tilespmem:$0x1C500] =	vst v63  }
0x3f: {  	_ =	swait.ge [sflag:s26], $0x4000  }
0x40: {  	[sflag:s26] =	ssyncset.done $0x0  }
0x41: {  	s22 =	rddreg [dreg:$0xd];
	[sflag:s26] =	ssyncadd.s32 $0xFFFFC000  }
0x42: {  	[hbm4b:s22+s3] =	stream.linear.scatter [tilespmem:s25], [sflag:$0x7], $0x4000, $0x38;
	[tilespmem:$0x1C500] =	vst v63  }
0x43: {  	_ =	swait.ge [sflag:s26], $0x4000  }
0x44: {  	[sflag:s26] =	ssyncset.done $0x0  }
0x45: {  	[sflag:s26] =	ssyncadd.s32 $0xFFFFC000  }
0x46: {  	[tilespmem:s25], [sflag:$0x7] =	stream.linear.gather [spmem:s15], $0x4000, $0x38;
	[tilespmem:$0x1C500] =	vst v63  }
0x47: {  	_ =	swait.ge [sflag:s26], $0x4000  }
0x48: {  	[sflag:s26] =	ssyncset.done $0x0  }
0x49: {  	s23 =	rddreg [dreg:$0xe];
	[sflag:s26] =	ssyncadd.s32 $0xFFFFC000  }
0x4a: {  	[hbm4b:s23+s3] =	stream.linear.scatter [tilespmem:s25], [sflag:$0x7], $0x4000, $0x38;
	[tilespmem:$0x1C500] =	vst v63  }
0x4b: {  	_ =	swait.ge [sflag:s26], $0x4000  }
0x4c: {  	s16 =	sadd.s32 $0x1, s16;
	s24 =	rddreg [dreg:$0xf]  }
0x4d: {  	p0 =	sne.s32 s16, s24  }
.Ltmp1:
0x4e: {  	_ = 	snop;
	(pc) =	sbr.rel @!p0 .LBB2_9-.Ltmp1, $3  }
0x4f: {  	_ =	sdelay $0x1  }
0x50: {  	[sflag:s26] =	ssyncset.done $0x0  }
0x51: {  	[sflag:s26] =	ssyncadd.s32 $0xFFFFC000  }
.LBB2_1:
0x52: {  	s19 =	rddreg [dreg:$0x4]  }
0x53: {  	[tilespmem:s25], [sflag:$0x7] =	stream.linear.gather [hbm4b:s19+s3], $0x4000, $0x38;
	[tilespmem:$0x1C500] =	vst v63  }
0x54: {  	_ =	swait.ge [sflag:s26], $0x4000  }
0x55: {  	[sflag:s26] =	ssyncset.done $0x0  }
0x56: {  	[sflag:s26] =	ssyncadd.s32 $0xFFFFC000  }
0x57: {  	[spmem:s6] =	stream.linear.scatter [tilespmem:s25], [sflag:$0x7], $0x4000, $0x38;
	[tilespmem:$0x1C500] =	vst v63  }
0x58: {  	_ =	swait.ge [sflag:s26], $0x4000  }
0x59: {  	[sflag:s26] =	ssyncset.done $0x0  }
0x5a: {  	s20 =	rddreg [dreg:$0x5];
	[sflag:s26] =	ssyncadd.s32 $0xFFFFC000  }
0x5b: {  	[tilespmem:s25], [sflag:$0x7] =	stream.linear.gather [hbm4b:s20+s3], $0x4000, $0x38;
	[tilespmem:$0x1C500] =	vst v63  }
0x5c: {  	_ =	swait.ge [sflag:s26], $0x4000  }
0x5d: {  	[sflag:s26] =	ssyncset.done $0x0  }
0x5e: {  	[sflag:s26] =	ssyncadd.s32 $0xFFFFC000  }
0x5f: {  	[spmem:s8] =	stream.linear.scatter [tilespmem:s25], [sflag:$0x7], $0x4000, $0x38;
	[tilespmem:$0x1C500] =	vst v63  }
0x60: {  	_ =	swait.ge [sflag:s26], $0x4000  }
0x61: {  	[sflag:s26] =	ssyncset.done $0x0  }
0x62: {  	s21 =	rddreg [dreg:$0x6];
	[sflag:s26] =	ssyncadd.s32 $0xFFFFC000  }
0x63: {  	[tilespmem:s25], [sflag:$0x7] =	stream.linear.gather [hbm4b:s21+s3], $0x4000, $0x38;
	[tilespmem:$0x1C500] =	vst v63  }
0x64: {  	_ =	swait.ge [sflag:s26], $0x4000  }
0x65: {  	[sflag:s26] =	ssyncset.done $0x0  }
0x66: {  	[sflag:s26] =	ssyncadd.s32 $0xFFFFC000  }
0x67: {  	[spmem:s10] =	stream.linear.scatter [tilespmem:s25], [sflag:$0x7], $0x4000, $0x38;
	[tilespmem:$0x1C500] =	vst v63  }
0x68: {  	_ =	swait.ge [sflag:s26], $0x4000  }
0x69: {  	[sflag:s26] =	ssyncset.done $0x0  }
0x6a: {  	s22 =	rddreg [dreg:$0x7];
	[sflag:s26] =	ssyncadd.s32 $0xFFFFC000  }
0x6b: {  	[tilespmem:s25], [sflag:$0x7] =	stream.linear.gather [hbm4b:s22+s3], $0x4000, $0x38;
	[tilespmem:$0x1C500] =	vst v63  }
0x6c: {  	_ =	swait.ge [sflag:s26], $0x4000  }
0x6d: {  	[sflag:s26] =	ssyncset.done $0x0  }
0x6e: {  	[sflag:s26] =	ssyncadd.s32 $0xFFFFC000  }
0x6f: {  	[spmem:s12] =	stream.linear.scatter [tilespmem:s25], [sflag:$0x7], $0x4000, $0x38;
	[tilespmem:$0x1C500] =	vst v63  }
0x70: {  	_ =	swait.ge [sflag:s26], $0x4000  }
0x71: {  	[sflag:s26] =	ssyncset.done $0x0  }
0x72: {  	s23 =	rddreg [dreg:$0x8];
	[sflag:s26] =	ssyncadd.s32 $0xFFFFC000  }
0x73: {  	[tilespmem:s25], [sflag:$0x7] =	stream.linear.gather [hbm4b:s23+s3], $0x4000, $0x38;
	[tilespmem:$0x1C500] =	vst v63  }
0x74: {  	_ =	swait.ge [sflag:s26], $0x4000  }
0x75: {  	[sflag:s26] =	ssyncset.done $0x0  }
0x76: {  	[sflag:s26] =	ssyncadd.s32 $0xFFFFC000  }
0x77: {  	[spmem:s15] =	stream.linear.scatter [tilespmem:s25], [sflag:$0x7], $0x4000, $0x38;
	[tilespmem:$0x1C500] =	vst v63  }
0x78: {  	_ =	swait.ge [sflag:s26], $0x4000  }
0x79: {  	[sflag:s26] =	ssyncset.done $0x0  }
0x7a: {  	[sflag:s26] =	ssyncadd.s32 $0xFFFFC000  }
0x7b: {  	[bflag:$0x0] =	sbarrier.arrive $0xFFFF  }
0x7c: {  	[tilespmem:s3], [sflag:$0x1] =	stream.linear.gather [hbm4b:s14+s3], $0x180, $0x38;
	[tilespmem:$0x1C500] =	vst v63  }
0x7d: {  	s24 =	rddreg [dreg:$0x9]  }
0x7e: {  	[tilespmem:s28], [sflag:$0x2] =	stream.linear.gather [hbm4b:s24+s3], $0x180, $0x38;
	[tilespmem:$0x1C500] =	vst v63  }
0x7f: {  	_ =	swait.ge [sflag:s29], $0x180  }
0x80: {  	[sflag:s29] =	ssyncset.done $0x0  }
0x81: {  	[sflag:s29] =	ssyncadd.s32 $0xFFFFFE80  }
0x82: {  	[tilespmem:s25], [sflag:$0x3] =	stream.indirect.gather [spmem:s1], $0x80, s30, s30, $0xb8;
	[tilespmem:$0x1C500] =	vst v63  }
0x83: {  	v1 =	vld [tilespmem:$0x0]  }
0x84: {  	v2 =	vld [tilespmem:$0x10]  }
0x85: {  	v3 =	vld [tilespmem:$0x20]  }
0x86: {  	v4 =	vld [tilespmem:$0x30]  }
0x87: {  	v5 =	vld [tilespmem:$0x40]  }
0x88: {  	[tilespmem:$0x400] =	vst v1;
	v1 =	vld [tilespmem:$0x50]  }
0x89: {  	[tilespmem:$0x410] =	vst v2;
	v2 =	vld [tilespmem:$0x60]  }
0x8a: {  	[tilespmem:$0x420] =	vst v3;
	v3 =	vld [tilespmem:$0x70]  }
0x8b: {  	[tilespmem:$0x430] =	vst v4  }
0x8c: {  	[tilespmem:$0x440] =	vst v5  }
0x8d: {  	[tilespmem:$0x450] =	vst v1  }
0x8e: {  	[tilespmem:$0x460] =	vst v2  }
0x8f: {  	s19 =	simm.s32 $0x0;
	[tilespmem:$0x470] =	vst v3  }
.LBB2_2:
0x90: {  	_ =	swait.ge [sflag:s31], $0x180  }
0x91: {  	p0 =	seq.s32 s19, $0x0;
	[sflag:s31] =	ssyncset.done $0x0  }
0x92: {  	s20 =	simm.s32 @!p0 $0x6;
	[sflag:s31] =	ssyncadd.s32 $0xFFFFFE80  }
0x93: {  	_ =	swait.ge @!p0 [sflag:s20], $0x4000  }
0x94: {  	[sflag:s20] =	ssyncset.done @!p0 $0x0  }
0x95: {  	[sflag:s20] =	ssyncadd.s32 @!p0 $0xFFFFC000  }
0x96: {  	[tilespmem:s2], [sflag:$0x4] =	stream.indirect.gather [spmem:s1], $0x80, s0, s30, $0xb8;
	[tilespmem:$0x1C500] =	vst v63  }
0x97: {  	v1 =	vld [tilespmem:$0x200]  }
0x98: {  	v2 =	vld [tilespmem:$0x210]  }
0x99: {  	v3 =	vld [tilespmem:$0x220]  }
0x9a: {  	v4 =	vld [tilespmem:$0x230]  }
0x9b: {  	v5 =	vld [tilespmem:$0x240]  }
0x9c: {  	[tilespmem:$0x480] =	vst v1;
	v1 =	vld [tilespmem:$0x250]  }
0x9d: {  	[tilespmem:$0x490] =	vst v2;
	v2 =	vld [tilespmem:$0x260]  }
0x9e: {  	[tilespmem:$0x4A0] =	vst v3;
	v3 =	vld [tilespmem:$0x270]  }
0x9f: {  	[tilespmem:$0x4B0] =	vst v4  }
0xa0: {  	[tilespmem:$0x4C0] =	vst v5  }
0xa1: {  	[tilespmem:$0x4D0] =	vst v1  }
0xa2: {  	[tilespmem:$0x4E0] =	vst v2  }
0xa3: {  	[tilespmem:$0x4F0] =	vst v3  }
0xa4: {  	_ =	swait.ge [sflag:s5], $0x4000  }
0xa5: {  	[sflag:s5] =	ssyncset.done $0x0  }
0xa6: {  	s24 =	simm.s32 $0x0;
	[sflag:s5] =	ssyncadd.s32 $0xFFFFC000  }
0xa7: {  	s21 =	simm.s32 $0x900;
	v3 =	vld [tilespmem:s24+$0x100]  }
0xa8: {  	v39 =	vld [tilespmem:s21+$0xFFFFFC00]  }
0xa9: {  	v1 =	vld [tilespmem:s21+$0x330];
	[tilespmem:s21+$0xFFFFFC00] =	vst v0  }
0xaa: {  	v40 =	vld [tilespmem:s21+$0xFFFFFC10];
	[tilespmem:s21+$0xFFFFFC10] =	vst v0  }
0xab: {  	v2 =	vld [tilespmem:s21+$0x380];
	[tilespmem:s21+$0x330] =	vst v0  }
0xac: {  	v6 =	vld [tilespmem:s21+$0xFFFFFC20];
	[tilespmem:s21+$0xFFFFFC20] =	vst v0  }
0xad: {  	v7 =	vld [tilespmem:s21+$0xFFFFFC80];
	[tilespmem:s21+$0xFFFFFC80] =	vst v0  }
0xae: {  	v9 =	vld [tilespmem:s21+$0xFFFFFC30];
	[tilespmem:s21+$0x380] =	vst v0  }
0xaf: {  	v10 =	vld [tilespmem:s21+$0xFFFFFC90];
	[tilespmem:s21+$0xFFFFFC90] =	vst v0  }
0xb0: {  	[tilespmem:s21+$0xFFFFFC30] =	vst v0;
	v11 =	vld [tilespmem:s21+$0xFFFFFCA0]  }
0xb1: {  	v29 =	vld [tilespmem:s21+$0xFFFFFF00];
	[tilespmem:s21+$0xFFFFFF00] =	vst v0  }
0xb2: {  	v53 =	vld [tilespmem:s21+$0xFFFFFD80];
	[tilespmem:s21+$0xFFFFFD80] =	vst v0  }
0xb3: {  	v57 =	vld [tilespmem:s21+$0xFFFFFDA0];
	[tilespmem:s21+$0xFFFFFDA0] =	vst v0  }
0xb4: {  	v12 =	vld [tilespmem:s21+$0xFFFFFCB0];
	[tilespmem:s21+$0xFFFFFCA0] =	vst v0  }
0xb5: {  	v27 =	vld [tilespmem:s21+$0xFFFFFEB0];
	[tilespmem:s21+$0xFFFFFEB0] =	vst v0  }
0xb6: {  	v48 =	vld [tilespmem:s21+$0xFFFFFD20];
	[tilespmem:s21+$0xFFFFFD20] =	vst v0  }
0xb7: {  	v38 =	vld [tilespmem:s21+$0xFFFFFF80];
	[tilespmem:s21+$0xFFFFFF80] =	vst v0  }
0xb8: {  	v33 =	vld [tilespmem:s21+$0xFFFFFF20];
	[tilespmem:s21+$0xFFFFFF20] =	vst v0  }
0xb9: {  	v36 =	vld [tilespmem:s21+$0xFFFFFF30];
	[tilespmem:s21+$0xFFFFFF30] =	vst v0  }
0xba: {  	v31 =	vld [tilespmem:s21+$0xFFFFFF10];
	[tilespmem:s21+$0xFFFFFF10] =	vst v0  }
0xbb: {  	v24 =	vld [tilespmem:s21+$0xFFFFFEA0];
	[tilespmem:s21+$0xFFFFFEA0] =	vst v0  }
0xbc: {  	v20 =	vld [tilespmem:s21+$0xFFFFFE80];
	[tilespmem:s21+$0xFFFFFE80] =	vst v0  }
0xbd: {  	v22 =	vld [tilespmem:s21+$0xFFFFFE90];
	[tilespmem:s21+$0xFFFFFE90] =	vst v0  }
0xbe: {  	v15 =	vld [tilespmem:s21+$0xFFFFFE20];
	[tilespmem:s21+$0xFFFFFE20] =	vst v0  }
0xbf: {  	v18 =	vld [tilespmem:s21+$0xFFFFFE30];
	[tilespmem:s21+$0xFFFFFE30] =	vst v0  }
0xc0: {  	v62 =	vld [tilespmem:s21+$0xFFFFFE00];
	[tilespmem:s21+$0xFFFFFE00] =	vst v0  }
0xc1: {  	v13 =	vld [tilespmem:s21+$0xFFFFFE10];
	[tilespmem:s21+$0xFFFFFE10] =	vst v0  }
0xc2: {  	v55 =	vld [tilespmem:s21+$0xFFFFFD90];
	[tilespmem:s21+$0xFFFFFD90] =	vst v0  }
0xc3: {  	v51 =	vld [tilespmem:s21+$0xFFFFFD30];
	[tilespmem:s21+$0xFFFFFD30] =	vst v0  }
0xc4: {  	v60 =	vld [tilespmem:s21+$0xFFFFFDB0];
	[tilespmem:s21+$0xFFFFFDB0] =	vst v0;
	v8 =	vbroadcast v3, $0x0  }
0xc5: {  	v44 =	vld [tilespmem:s21+$0xFFFFFD00];
	[tilespmem:s21+$0xFFFFFD00] =	vst v0;
	v42 =	vbroadcast v3, $0x1;
	v49 =	vbroadcast v3, $0x2  }
0xc6: {  	v46 =	vld [tilespmem:s21+$0xFFFFFD10];
	[tilespmem:s21+$0xFFFFFD10] =	vst v0;
	v26 =	vbroadcast v3, $0x5;
	v5 =	vmul.f32 v40, v8  }
0xc7: {  	[tilespmem:s21+$0xFFFFFCB0] =	vst v0;
	v45 =	vmul.f32 v7, v42;
	v47 =	vmul.f32 v10, v42  }
0xc8: {  	v50 =	vmul.f32 v11, v42;
	v52 =	vmul.f32 v12, v42;
	v40 =	vld [tilespmem:s21+$0xFFFFFF90];
	[tilespmem:s21+$0xFFFFFF90] =	vst v0  }
0xc9: {  	v30 =	vmul.f32 v20, v26;
	v32 =	vmul.f32 v22, v26;
	v42 =	vld [tilespmem:s21+$0xFFFFFFA0];
	[tilespmem:s21+$0xFFFFFFA0] =	vst v0  }
0xca: {  	v34 =	vmul.f32 v24, v26;
	v37 =	vmul.f32 v27, v26;
	v26 =	vld [tilespmem:s21+$0x190];
	[tilespmem:s21+$0x190] =	vst v0  }
0xcb: {  	v59 =	vbroadcast v3, $0x3;
	v17 =	vbroadcast v3, $0x4;
	v24 =	vld [tilespmem:s21+$0x180];
	[tilespmem:s21+$0x180] =	vst v0  }
0xcc: {  	v4 =	vmul.f32 v8, v39;
	v54 =	vmul.f32 v44, v49;
	v22 =	vld [tilespmem:s21+$0x130];
	[tilespmem:s21+$0x130] =	vst v0  }
0xcd: {  	v21 =	vmul.f32 v62, v17;
	v25 =	vmul.f32 v15, v17;
	v15 =	vld [tilespmem:s21+$0x100];
	[tilespmem:s21+$0x100] =	vst v0  }
0xce: {  	v23 =	vmul.f32 v13, v17;
	v28 =	vmul.f32 v18, v17;
	v17 =	vld [tilespmem:s21+$0x110];
	[tilespmem:s21+$0x110] =	vst v0  }
0xcf: {  	v56 =	vmul.f32 v46, v49;
	v19 =	vmul.f32 v60, v59;
	v60 =	vld [tilespmem:s21+$0xA0];
	[tilespmem:s21+$0xA0] =	vst v0  }
0xd0: {  	v58 =	vmul.f32 v48, v49;
	v61 =	vmul.f32 v51, v49;
	v49 =	vld [tilespmem:s21+$0x10];
	[tilespmem:s21+$0x10] =	vst v0  }
0xd1: {  	v51 =	vld [tilespmem:s21+$0x20];
	[tilespmem:s21+$0x20] =	vst v0  }
0xd2: {  	v41 =	vmul.f32 v6, v8;
	[tilespmem:s21+$0xFFFFFC40] =	vst v4  }
0xd3: {  	v43 =	vmul.f32 v9, v8;
	[tilespmem:s21+$0xFFFFFC50] =	vst v5  }
0xd4: {  	[tilespmem:s21+$0xFFFFFC60] =	vst v41  }
0xd5: {  	[tilespmem:s21+$0xFFFFFC70] =	vst v43  }
0xd6: {  	[tilespmem:s21+$0xFFFFFCC0] =	vst v45  }
0xd7: {  	[tilespmem:s21+$0xFFFFFCD0] =	vst v47  }
0xd8: {  	[tilespmem:s21+$0xFFFFFCE0] =	vst v50  }
0xd9: {  	[tilespmem:s21+$0xFFFFFCF0] =	vst v52  }
0xda: {  	[tilespmem:s21+$0xFFFFFD40] =	vst v54  }
0xdb: {  	[tilespmem:s21+$0xFFFFFD50] =	vst v56  }
0xdc: {  	v63 =	vmul.f32 v53, v59;
	[tilespmem:s21+$0xFFFFFD60] =	vst v58  }
0xdd: {  	v14 =	vmul.f32 v55, v59;
	[tilespmem:s21+$0xFFFFFD70] =	vst v61  }
0xde: {  	v16 =	vmul.f32 v57, v59;
	[tilespmem:s21+$0xFFFFFDC0] =	vst v63  }
0xdf: {  	[tilespmem:s21+$0xFFFFFDD0] =	vst v14  }
0xe0: {  	[tilespmem:s21+$0xFFFFFDE0] =	vst v16  }
0xe1: {  	[tilespmem:s21+$0xFFFFFDF0] =	vst v19  }
0xe2: {  	[tilespmem:s21+$0xFFFFFE40] =	vst v21  }
0xe3: {  	[tilespmem:s21+$0xFFFFFE50] =	vst v23  }
0xe4: {  	[tilespmem:s21+$0xFFFFFE60] =	vst v25  }
0xe5: {  	[tilespmem:s21+$0xFFFFFE70] =	vst v28  }
0xe6: {  	v35 =	vbroadcast v3, $0x6;
	[tilespmem:s21+$0xFFFFFEC0] =	vst v30  }
0xe7: {  	[tilespmem:s21+$0xFFFFFED0] =	vst v32  }
0xe8: {  	v39 =	vmul.f32 v29, v35;
	[tilespmem:s21+$0xFFFFFEE0] =	vst v34  }
0xe9: {  	v46 =	vmul.f32 v36, v35;
	[tilespmem:s21+$0xFFFFFEF0] =	vst v37  }
0xea: {  	[tilespmem:s21+$0xFFFFFF40] =	vst v39  }
0xeb: {  	[tilespmem:s21+$0xFFFFFF70] =	vst v46  }
0xec: {  	v45 =	vld [tilespmem:s21+$0xFFFFFFB0];
	[tilespmem:s21+$0xFFFFFFB0] =	vst v0  }
0xed: {  	v43 =	vmul.f32 v33, v35;
	v33 =	vld [tilespmem:s21+$0x200];
	[tilespmem:s21+$0x200] =	vst v0  }
0xee: {  	v37 =	vld [tilespmem:s21+$0x220];
	[tilespmem:s21+$0x220] =	vst v0  }
0xef: {  	v41 =	vmul.f32 v31, v35;
	v35 =	vld [tilespmem:s21+$0x210];
	[tilespmem:s21+$0x210] =	vst v0  }
0xf0: {  	v28 =	vld [tilespmem:s21+$0x1A0];
	[tilespmem:s21+$0x1A0] =	vst v0  }
0xf1: {  	v31 =	vld [tilespmem:s21+$0x1B0];
	[tilespmem:s21+$0x1B0] =	vst v0  }
0xf2: {  	v19 =	vld [tilespmem:s21+$0x120];
	[tilespmem:s21+$0x120] =	vst v0  }
0xf3: {  	v63 =	vld [tilespmem:s21+$0xB0];
	[tilespmem:s21+$0xB0] =	vst v0  }
0xf4: {  	v56 =	vld [tilespmem:s21+$0x80];
	[tilespmem:s21+$0x80] =	vst v0  }
0xf5: {  	v58 =	vld [tilespmem:s21+$0x90];
	[tilespmem:s21+$0x90] =	vst v0  }
0xf6: {  	v44 =	vbroadcast v3, $0x7;
	v54 =	vld [tilespmem:s21+$0x30];
	[tilespmem:s21+$0x30] =	vst v0  }
0xf7: {  	v47 =	vld [tilespmem:s21+$0x0];
	[tilespmem:s21+$0x0] =	vst v0  }
0xf8: {  	v48 =	vmul.f32 v38, v44;
	[tilespmem:s21+$0xFFFFFF50] =	vst v41  }
0xf9: {  	[tilespmem:s21+$0xFFFFFF60] =	vst v43  }
0xfa: {  	[tilespmem:s21+$0xFFFFFFC0] =	vst v48  }
0xfb: {  	v53 =	vbroadcast v3, $0x8;
	v41 =	vld [tilespmem:s21+$0x230];
	[tilespmem:s21+$0x230] =	vst v0  }
0xfc: {  	v43 =	vld [tilespmem:s21+$0x280];
	[tilespmem:s21+$0x280] =	vst v0;
	v50 =	vmul.f32 v40, v44  }
0xfd: {  	v52 =	vmul.f32 v42, v44;
	v61 =	vmul.f32 v51, v53;
	v51 =	vld [tilespmem:s21+$0x300];
	[tilespmem:s21+$0x300] =	vst v0  }
0xfe: {  	v62 =	vbroadcast v3, $0x9;
	v59 =	vmul.f32 v49, v53;
	[tilespmem:s21+$0xFFFFFFD0] =	vst v50  }
0xff: {  	v21 =	vbroadcast v3, $0xA;
	[tilespmem:s21+$0xFFFFFFE0] =	vst v52  }
0x100: {  	v20 =	vmul.f32 v60, v62;
	[tilespmem:s21+$0x50] =	vst v59  }
0x101: {  	v25 =	vmul.f32 v15, v21;
	[tilespmem:s21+$0x60] =	vst v61  }
0x102: {  	v30 =	vbroadcast v3, $0xB;
	v27 =	vmul.f32 v17, v21;
	[tilespmem:s21+$0xE0] =	vst v20  }
0x103: {  	v32 =	vmul.f32 v22, v21;
	[tilespmem:s21+$0x140] =	vst v25  }
0x104: {  	v34 =	vmul.f32 v24, v30;
	[tilespmem:s21+$0x150] =	vst v27  }
0x105: {  	v36 =	vmul.f32 v26, v30;
	[tilespmem:s21+$0x170] =	vst v32  }
0x106: {  	[tilespmem:s21+$0x1C0] =	vst v34  }
0x107: {  	[tilespmem:s21+$0x1D0] =	vst v36  }
0x108: {  	v55 =	vmul.f32 v45, v44;
	v45 =	vld [tilespmem:s21+$0x290];
	[tilespmem:s21+$0x290] =	vst v0  }
0x109: {  	v57 =	vmul.f32 v47, v53;
	v47 =	vld [tilespmem:s21+$0x2A0];
	[tilespmem:s21+$0x2A0] =	vst v0  }
0x10a: {  	v50 =	vld [tilespmem:s21+$0x2B0];
	[tilespmem:s21+$0x2B0] =	vst v0  }
0x10b: {  	v14 =	vmul.f32 v54, v53;
	v53 =	vld [tilespmem:s21+$0x310];
	[tilespmem:s21+$0x310] =	vst v0  }
0x10c: {  	v16 =	vmul.f32 v56, v62;
	v59 =	vld [tilespmem:s21+$0x390];
	[tilespmem:s21+$0x390] =	vst v0  }
0x10d: {  	v18 =	vmul.f32 v58, v62;
	v23 =	vmul.f32 v63, v62;
	v62 =	vld [tilespmem:s21+$0x3A0];
	[tilespmem:s21+$0x3A0] =	vst v0  }
0x10e: {  	[tilespmem:s21+$0xFFFFFFF0] =	vst v55  }
0x10f: {  	[tilespmem:s21+$0x40] =	vst v57  }
0x110: {  	[tilespmem:s21+$0x70] =	vst v14  }
0x111: {  	[tilespmem:s21+$0xC0] =	vst v16  }
0x112: {  	v29 =	vmul.f32 v19, v21;
	[tilespmem:s21+$0xD0] =	vst v18  }
0x113: {  	v39 =	vbroadcast v3, $0xC;
	v38 =	vmul.f32 v28, v30;
	[tilespmem:s21+$0xF0] =	vst v23  }
0x114: {  	v40 =	vmul.f32 v31, v30;
	[tilespmem:s21+$0x160] =	vst v29  }
0x115: {  	v42 =	vmul.f32 v33, v39;
	[tilespmem:s21+$0x1E0] =	vst v38  }
0x116: {  	v44 =	vmul.f32 v35, v39;
	[tilespmem:s21+$0x1F0] =	vst v40  }
0x117: {  	v46 =	vmul.f32 v37, v39;
	[tilespmem:s21+$0x240] =	vst v42  }
0x118: {  	v48 =	vbroadcast v3, $0xD;
	[tilespmem:s21+$0x250] =	vst v44  }
0x119: {  	v56 =	vbroadcast v3, $0xE;
	[tilespmem:s21+$0x260] =	vst v46;
	v49 =	vmul.f32 v41, v39  }
0x11a: {  	v3 =	vbroadcast v3, $0xF;
	v8 =	vmul.f32 v43, v48;
	v55 =	vld [tilespmem:s21+$0x320];
	[tilespmem:s21+$0x320] =	vst v0  }
0x11b: {  	v1 =	vmul.f32 v1, v56;
	[tilespmem:s21+$0x270] =	vst v49  }
0x11c: {  	v2 =	vmul.f32 v2, v3;
	[tilespmem:s21+$0x2C0] =	vst v8  }
0x11d: {  	v58 =	vmul.f32 v51, v56;
	[tilespmem:s21+$0x370] =	vst v1  }
0x11e: {  	[tilespmem:s21+$0x3C0] =	vst v2;
	v52 =	vmul.f32 v45, v48  }
0x11f: {  	v54 =	vmul.f32 v47, v48;
	[tilespmem:s21+$0x340] =	vst v58  }
0x120: {  	v63 =	vld [tilespmem:s21+$0x3B0];
	v57 =	vmul.f32 v50, v48;
	[tilespmem:s21+$0x2D0] =	vst v52  }
0x121: {  	v1 =	vmul.f32 v59, v3;
	[tilespmem:s21+$0x2E0] =	vst v54  }
0x122: {  	v60 =	vmul.f32 v53, v56;
	[tilespmem:s21+$0x2F0] =	vst v57  }
0x123: {  	[tilespmem:s21+$0x3D0] =	vst v1;
	v1 =	vmul.f32 v62, v3  }
0x124: {  	v61 =	vmul.f32 v55, v56;
	[tilespmem:s21+$0x350] =	vst v60  }
0x125: {  	[tilespmem:s21+$0x3E0] =	vst v1;
	v1 =	vmul.f32 v63, v3  }
0x126: {  	[tilespmem:s21+$0x360] =	vst v61  }
0x127: {  	s22 =	simm.s32 $0x40;
	s23 =	simm.s32 $0x1100;
	s20 =	sshll.u32 s19, $0x1;
	[tilespmem:s21+$0x3F0] =	vst v1  }
.LBB2_3:
0x128: {  	s24 =	sshra.s32 s22, $0x2;
	v1 =	vld [tilespmem:s23+$0x330];
	p0 =	sne.s32 s22, $0x1C0;
	s22 =	sadd.s32 $0x40, s22;
	[tilespmem:s21+$0x3B0] =	vst v0  }
0x129: {  	s21 =	smov.u32 s23;
	v5 =	vld [tilespmem:s24+$0x100]  }
0x12a: {  	[tilespmem:s23+$0x330] =	vst v0;
	v2 =	vld [tilespmem:s23+$0x380]  }
0x12b: {  	v6 =	vld [tilespmem:s23+$0xFFFFFC00];
	[tilespmem:s23+$0x380] =	vst v0  }
0x12c: {  	[tilespmem:s23+$0xFFFFFC00] =	vst v0;
	v7 =	vld [tilespmem:s23+$0xFFFFFC10]  }
0x12d: {  	[tilespmem:s23+$0xFFFFFC10] =	vst v0;
	v8 =	vld [tilespmem:s23+$0xFFFFFC20]  }
0x12e: {  	v9 =	vbroadcast v5, $0x0;
	[tilespmem:s23+$0xFFFFFC20] =	vst v0;
	v10 =	vld [tilespmem:s23+$0xFFFFFC30];
	v11 =	vbroadcast v5, $0x2  }
0x12f: {  	v4 =	vbroadcast v5, $0xE;
	v3 =	vbroadcast v5, $0xF;
	[tilespmem:s23+$0xFFFFFC30] =	vst v0;
	v12 =	vld [tilespmem:s23+$0xFFFFFC80]  }
0x130: {  	v6 =	vmul.f32 v9, v6;
	[tilespmem:s23+$0xFFFFFC80] =	vst v0;
	v13 =	vld [tilespmem:s23+$0xFFFFFC90]  }
0x131: {  	v7 =	vmul.f32 v7, v9;
	[tilespmem:s23+$0xFFFFFC90] =	vst v0;
	v14 =	vld [tilespmem:s23+$0xFFFFFCA0]  }
0x132: {  	[tilespmem:s23+$0xFFFFFC40] =	vst v6;
	v6 =	vmul.f32 v8, v9;
	v8 =	vbroadcast v5, $0x1;
	v15 =	vld [tilespmem:s23+$0xFFFFFCB0]  }
0x133: {  	[tilespmem:s23+$0xFFFFFC50] =	vst v7;
	v7 =	vmul.f32 v10, v9;
	v9 =	vld [tilespmem:s23+$0xFFFFFD00]  }
0x134: {  	[tilespmem:s23+$0xFFFFFC60] =	vst v6;
	v6 =	vmul.f32 v12, v8;
	v10 =	vld [tilespmem:s23+$0xFFFFFD10]  }
0x135: {  	[tilespmem:s23+$0xFFFFFC70] =	vst v7;
	v7 =	vmul.f32 v13, v8;
	v12 =	vld [tilespmem:s23+$0xFFFFFD20]  }
0x136: {  	[tilespmem:s23+$0xFFFFFCC0] =	vst v6;
	v6 =	vmul.f32 v14, v8;
	v13 =	vld [tilespmem:s23+$0xFFFFFD30]  }
0x137: {  	[tilespmem:s23+$0xFFFFFCD0] =	vst v7;
	v7 =	vmul.f32 v15, v8;
	v8 =	vld [tilespmem:s23+$0xFFFFFD80]  }
0x138: {  	[tilespmem:s23+$0xFFFFFCE0] =	vst v6;
	v6 =	vmul.f32 v9, v11;
	v9 =	vld [tilespmem:s23+$0xFFFFFD90]  }
0x139: {  	[tilespmem:s23+$0xFFFFFCF0] =	vst v7;
	v7 =	vmul.f32 v10, v11;
	v10 =	vld [tilespmem:s23+$0xFFFFFDA0]  }
0x13a: {  	[tilespmem:s23+$0xFFFFFD40] =	vst v6;
	v6 =	vmul.f32 v12, v11;
	v12 =	vbroadcast v5, $0x3;
	v14 =	vld [tilespmem:s23+$0xFFFFFDB0]  }
0x13b: {  	[tilespmem:s23+$0xFFFFFD50] =	vst v7;
	v7 =	vmul.f32 v13, v11;
	v11 =	vld [tilespmem:s23+$0xFFFFFE00]  }
0x13c: {  	[tilespmem:s23+$0xFFFFFD60] =	vst v6;
	v6 =	vmul.f32 v8, v12;
	v8 =	vld [tilespmem:s23+$0xFFFFFE10]  }
0x13d: {  	[tilespmem:s23+$0xFFFFFD70] =	vst v7;
	v7 =	vmul.f32 v9, v12;
	v9 =	vld [tilespmem:s23+$0xFFFFFE20]  }
0x13e: {  	[tilespmem:s23+$0xFFFFFDC0] =	vst v6;
	v6 =	vmul.f32 v10, v12;
	v10 =	vbroadcast v5, $0x4;
	v13 =	vld [tilespmem:s23+$0xFFFFFE30]  }
0x13f: {  	[tilespmem:s23+$0xFFFFFDD0] =	vst v7;
	v7 =	vmul.f32 v14, v12;
	v12 =	vld [tilespmem:s23+$0xFFFFFE80]  }
0x140: {  	[tilespmem:s23+$0xFFFFFDE0] =	vst v6;
	v6 =	vmul.f32 v11, v10;
	v11 =	vld [tilespmem:s23+$0xFFFFFE90]  }
0x141: {  	[tilespmem:s23+$0xFFFFFDF0] =	vst v7;
	v7 =	vmul.f32 v8, v10;
	v8 =	vld [tilespmem:s23+$0xFFFFFEA0]  }
0x142: {  	[tilespmem:s23+$0xFFFFFE40] =	vst v6;
	v6 =	vmul.f32 v9, v10;
	v9 =	vbroadcast v5, $0x5;
	v14 =	vld [tilespmem:s23+$0xFFFFFEB0]  }
0x143: {  	[tilespmem:s23+$0xFFFFFE50] =	vst v7;
	v7 =	vmul.f32 v13, v10;
	v10 =	vld [tilespmem:s23+$0xFFFFFF00]  }
0x144: {  	[tilespmem:s23+$0xFFFFFE60] =	vst v6;
	v6 =	vmul.f32 v12, v9;
	v12 =	vld [tilespmem:s23+$0xFFFFFF10]  }
0x145: {  	[tilespmem:s23+$0xFFFFFE70] =	vst v7;
	v7 =	vmul.f32 v11, v9;
	v11 =	vld [tilespmem:s23+$0xFFFFFF20]  }
0x146: {  	[tilespmem:s23+$0xFFFFFEC0] =	vst v6;
	v6 =	vmul.f32 v8, v9;
	v8 =	vbroadcast v5, $0x6;
	v13 =	vld [tilespmem:s23+$0xFFFFFF30]  }
0x147: {  	[tilespmem:s23+$0xFFFFFED0] =	vst v7;
	v7 =	vmul.f32 v14, v9;
	v9 =	vld [tilespmem:s23+$0xFFFFFF80]  }
0x148: {  	[tilespmem:s23+$0xFFFFFEE0] =	vst v6;
	v6 =	vmul.f32 v10, v8;
	v10 =	vld [tilespmem:s23+$0xFFFFFF90]  }
0x149: {  	[tilespmem:s23+$0xFFFFFEF0] =	vst v7;
	v7 =	vmul.f32 v12, v8;
	v12 =	vld [tilespmem:s23+$0xFFFFFFA0]  }
0x14a: {  	[tilespmem:s23+$0xFFFFFF40] =	vst v6;
	v6 =	vmul.f32 v11, v8;
	v11 =	vbroadcast v5, $0x7;
	v14 =	vld [tilespmem:s23+$0xFFFFFFB0]  }
0x14b: {  	[tilespmem:s23+$0xFFFFFF50] =	vst v7;
	v7 =	vmul.f32 v13, v8;
	v8 =	vld [tilespmem:s23+$0x0]  }
0x14c: {  	[tilespmem:s23+$0xFFFFFF60] =	vst v6;
	v6 =	vmul.f32 v9, v11;
	v9 =	vld [tilespmem:s23+$0x10]  }
0x14d: {  	[tilespmem:s23+$0xFFFFFF70] =	vst v7;
	v7 =	vmul.f32 v10, v11;
	v10 =	vld [tilespmem:s23+$0x20]  }
0x14e: {  	[tilespmem:s23+$0xFFFFFFC0] =	vst v6;
	v6 =	vmul.f32 v12, v11;
	v12 =	vbroadcast v5, $0x8;
	v13 =	vld [tilespmem:s23+$0x30]  }
0x14f: {  	[tilespmem:s23+$0xFFFFFFD0] =	vst v7;
	v7 =	vmul.f32 v14, v11;
	v11 =	vld [tilespmem:s23+$0x80]  }
0x150: {  	[tilespmem:s23+$0xFFFFFFE0] =	vst v6;
	v6 =	vmul.f32 v8, v12;
	v8 =	vld [tilespmem:s23+$0x90]  }
0x151: {  	[tilespmem:s23+$0xFFFFFFF0] =	vst v7;
	v7 =	vmul.f32 v9, v12;
	v9 =	vld [tilespmem:s23+$0xA0]  }
0x152: {  	[tilespmem:s23+$0x40] =	vst v6;
	v6 =	vmul.f32 v10, v12;
	v10 =	vbroadcast v5, $0x9;
	v14 =	vld [tilespmem:s23+$0xB0]  }
0x153: {  	[tilespmem:s23+$0x50] =	vst v7;
	v7 =	vmul.f32 v13, v12;
	v12 =	vld [tilespmem:s23+$0x100]  }
0x154: {  	[tilespmem:s23+$0x60] =	vst v6;
	v6 =	vmul.f32 v11, v10;
	v11 =	vld [tilespmem:s23+$0x110]  }
0x155: {  	[tilespmem:s23+$0x70] =	vst v7;
	v7 =	vmul.f32 v8, v10;
	v8 =	vld [tilespmem:s23+$0x120]  }
0x156: {  	[tilespmem:s23+$0xC0] =	vst v6;
	v6 =	vmul.f32 v9, v10;
	v9 =	vbroadcast v5, $0xA;
	v13 =	vld [tilespmem:s23+$0x130]  }
0x157: {  	[tilespmem:s23+$0xD0] =	vst v7;
	v7 =	vmul.f32 v14, v10;
	v10 =	vld [tilespmem:s23+$0x180]  }
0x158: {  	[tilespmem:s23+$0xE0] =	vst v6;
	v6 =	vmul.f32 v12, v9;
	v12 =	vld [tilespmem:s23+$0x190]  }
0x159: {  	[tilespmem:s23+$0xF0] =	vst v7;
	v7 =	vmul.f32 v11, v9;
	v11 =	vld [tilespmem:s23+$0x1A0]  }
0x15a: {  	[tilespmem:s23+$0x140] =	vst v6;
	v6 =	vmul.f32 v8, v9;
	v8 =	vbroadcast v5, $0xB;
	v14 =	vld [tilespmem:s23+$0x1B0]  }
0x15b: {  	[tilespmem:s23+$0x150] =	vst v7;
	v7 =	vmul.f32 v13, v9;
	v9 =	vld [tilespmem:s23+$0x200]  }
0x15c: {  	[tilespmem:s23+$0x160] =	vst v6;
	v6 =	vmul.f32 v10, v8;
	v10 =	vld [tilespmem:s23+$0x210]  }
0x15d: {  	[tilespmem:s23+$0x170] =	vst v7;
	v7 =	vmul.f32 v12, v8;
	v12 =	vld [tilespmem:s23+$0x220]  }
0x15e: {  	[tilespmem:s23+$0x1C0] =	vst v6;
	v6 =	vmul.f32 v11, v8;
	v11 =	vbroadcast v5, $0xC  }
0x15f: {  	[tilespmem:s23+$0x1D0] =	vst v7;
	v7 =	vmul.f32 v14, v8;
	v8 =	vld [tilespmem:s23+$0x230]  }
0x160: {  	[tilespmem:s23+$0x1E0] =	vst v6;
	v6 =	vmul.f32 v9, v11;
	v9 =	vld [tilespmem:s23+$0x280]  }
0x161: {  	[tilespmem:s23+$0x1F0] =	vst v7;
	v7 =	vmul.f32 v10, v11;
	v10 =	vld [tilespmem:s23+$0x290]  }
0x162: {  	[tilespmem:s23+$0x240] =	vst v6;
	v6 =	vmul.f32 v12, v11;
	v12 =	vld [tilespmem:s23+$0x2A0]  }
0x163: {  	v5 =	vbroadcast v5, $0xD;
	[tilespmem:s23+$0x250] =	vst v7  }
0x164: {  	[tilespmem:s23+$0x260] =	vst v6;
	v6 =	vmul.f32 v8, v11;
	v7 =	vld [tilespmem:s23+$0x2B0]  }
0x165: {  	[tilespmem:s23+$0xFFFFFF00] =	vst v0;
	v8 =	vmul.f32 v9, v5;
	v9 =	vld [tilespmem:s23+$0x300]  }
0x166: {  	[tilespmem:s23+$0x270] =	vst v6;
	v6 =	vmul.f32 v10, v5;
	v10 =	vld [tilespmem:s23+$0x310]  }
0x167: {  	[tilespmem:s23+$0x2C0] =	vst v8;
	v8 =	vmul.f32 v12, v5;
	v11 =	vld [tilespmem:s23+$0x320]  }
0x168: {  	[tilespmem:s23+$0x2D0] =	vst v6  }
0x169: {  	[tilespmem:s23+$0x2E0] =	vst v8;
	v5 =	vmul.f32 v7, v5  }
0x16a: {  	[tilespmem:s23+$0xFFFFFD80] =	vst v0;
	v6 =	vmul.f32 v9, v4;
	v7 =	vld [tilespmem:s23+$0x390]  }
0x16b: {  	[tilespmem:s23+$0x2F0] =	vst v5;
	v5 =	vmul.f32 v10, v4  }
0x16c: {  	[tilespmem:s23+$0x340] =	vst v6;
	v6 =	vmul.f32 v11, v4  }
0x16d: {  	v1 =	vmul.f32 v1, v4;
	[tilespmem:s23+$0x350] =	vst v5;
	v4 =	vld [tilespmem:s23+$0x3A0]  }
0x16e: {  	v2 =	vmul.f32 v2, v3;
	[tilespmem:s23+$0x360] =	vst v6  }
0x16f: {  	[tilespmem:s23+$0x370] =	vst v1;
	v1 =	vmul.f32 v7, v3;
	v5 =	vld [tilespmem:s23+$0x3B0]  }
0x170: {  	[tilespmem:s23+$0x3C0] =	vst v2  }
0x171: {  	[tilespmem:s23+$0x3D0] =	vst v1  }
0x172: {  	[tilespmem:s23+$0xFFFFFDA0] =	vst v0;
	v1 =	vmul.f32 v4, v3  }
0x173: {  	[tilespmem:s23+$0xFFFFFF90] =	vst v0  }
0x174: {  	[tilespmem:s23+$0x3E0] =	vst v1;
	v1 =	vmul.f32 v5, v3  }
0x175: {  	[tilespmem:s23+$0xFFFFFFA0] =	vst v0  }
0x176: {  	[tilespmem:s23+$0x3F0] =	vst v1  }
0x177: {  	[tilespmem:s23+$0xFFFFFCA0] =	vst v0  }
0x178: {  	[tilespmem:s23+$0xFFFFFFB0] =	vst v0  }
0x179: {  	[tilespmem:s23+$0x200] =	vst v0  }
0x17a: {  	[tilespmem:s23+$0x220] =	vst v0  }
0x17b: {  	[tilespmem:s23+$0xFFFFFEB0] =	vst v0  }
0x17c: {  	[tilespmem:s23+$0xFFFFFD20] =	vst v0  }
0x17d: {  	[tilespmem:s23+$0x190] =	vst v0  }
0x17e: {  	[tilespmem:s23+$0x290] =	vst v0  }
0x17f: {  	[tilespmem:s23+$0x230] =	vst v0  }
0x180: {  	[tilespmem:s23+$0x210] =	vst v0  }
0x181: {  	[tilespmem:s23+$0x1A0] =	vst v0  }
0x182: {  	[tilespmem:s23+$0x1B0] =	vst v0  }
0x183: {  	[tilespmem:s23+$0x180] =	vst v0  }
0x184: {  	[tilespmem:s23+$0x120] =	vst v0  }
0x185: {  	[tilespmem:s23+$0x130] =	vst v0  }
0x186: {  	[tilespmem:s23+$0x100] =	vst v0  }
0x187: {  	[tilespmem:s23+$0x110] =	vst v0  }
0x188: {  	[tilespmem:s23+$0xA0] =	vst v0  }
0x189: {  	[tilespmem:s23+$0xB0] =	vst v0  }
0x18a: {  	[tilespmem:s23+$0x80] =	vst v0  }
0x18b: {  	[tilespmem:s23+$0x90] =	vst v0  }
0x18c: {  	[tilespmem:s23+$0x30] =	vst v0  }
0x18d: {  	[tilespmem:s23+$0x0] =	vst v0  }
0x18e: {  	[tilespmem:s23+$0x10] =	vst v0  }
0x18f: {  	[tilespmem:s23+$0xFFFFFF80] =	vst v0  }
0x190: {  	[tilespmem:s23+$0xFFFFFF20] =	vst v0  }
0x191: {  	[tilespmem:s23+$0xFFFFFF30] =	vst v0  }
0x192: {  	[tilespmem:s23+$0xFFFFFF10] =	vst v0  }
0x193: {  	[tilespmem:s23+$0xFFFFFEA0] =	vst v0  }
0x194: {  	[tilespmem:s23+$0xFFFFFE80] =	vst v0  }
0x195: {  	[tilespmem:s23+$0xFFFFFE90] =	vst v0  }
0x196: {  	[tilespmem:s23+$0xFFFFFE20] =	vst v0  }
0x197: {  	[tilespmem:s23+$0xFFFFFE30] =	vst v0  }
0x198: {  	[tilespmem:s23+$0xFFFFFE00] =	vst v0  }
0x199: {  	[tilespmem:s23+$0xFFFFFE10] =	vst v0  }
0x19a: {  	[tilespmem:s23+$0x20] =	vst v0  }
0x19b: {  	[tilespmem:s23+$0xFFFFFD90] =	vst v0  }
0x19c: {  	[tilespmem:s23+$0xFFFFFD30] =	vst v0  }
0x19d: {  	[tilespmem:s23+$0x2A0] =	vst v0  }
0x19e: {  	[tilespmem:s23+$0xFFFFFDB0] =	vst v0  }
0x19f: {  	[tilespmem:s23+$0xFFFFFD00] =	vst v0  }
0x1a0: {  	[tilespmem:s23+$0xFFFFFD10] =	vst v0  }
0x1a1: {  	[tilespmem:s23+$0xFFFFFCB0] =	vst v0  }
0x1a2: {  	[tilespmem:s23+$0x280] =	vst v0  }
0x1a3: {  	[tilespmem:s23+$0x2B0] =	vst v0  }
.Ltmp2:
0x1a4: {  	[tilespmem:s23+$0x300] =	vst v0;
	(pc) =	sbr.rel @p0 .LBB2_3-.Ltmp2, $4  }
0x1a5: {  	[tilespmem:s23+$0x310] =	vst v0  }
0x1a6: {  	[tilespmem:s23+$0x320] =	vst v0  }
0x1a7: {  	[tilespmem:s23+$0x390] =	vst v0  }
0x1a8: {  	s23 =	sadd.s32 $0x800, s23;
	[tilespmem:s21+$0x3A0] =	vst v0  }
0x1a9: {  	p0 =	seq.s32 s19, $0x4F  }
0x1aa: {  	[tilespmem:s21+$0x3B0] =	vst v0;
	s21 =	simm.s32 @p0 $0x80;
	s22 =	simm.s32 @p0 $0x400;
	s23 =	simm.s32 @p0 $0x500  }
0x1ab: {  	[spmem:s1] =	stream.indirect.scatter.add.f32 @p0 [tilespmem:s23], [sflag:$0x5], $0x80, s22, s21, $0xb8;
	[tilespmem:$0x1C500] =	vst v63  }
0x1ac: {  	s21 =	sadd.s32 @!p0 s20, s17  }
0x1ad: {  	s21 =	sshll.u32 @!p0 s21, $0x6  }
0x1ae: {  	s22 =	simm.s32 @!p0 $0x0;
	s21 =	sadd.s32 @!p0 s4, s21  }
0x1af: {  	[tilespmem:s22], [sflag:$0x1] =	stream.linear.gather @!p0 [hbm4b:s21+s22], $0x180, $0x38;
	[tilespmem:$0x1C500] =	vst v63  }
0x1b0: {  	s23 =	simm.s32 @!p0 $0x500;
	s21 =	simm.s32 @!p0 $0x80;
	s22 =	simm.s32 @!p0 $0x400  }
0x1b1: {  	[spmem:s1] =	stream.indirect.scatter.add.f32 @!p0 [tilespmem:s23], [sflag:$0x5], $0x80, s22, s21, $0xb8;
	[tilespmem:$0x1C500] =	vst v63  }
0x1b2: {  	s22 =	simm.s32 @!p0 $0x1  }
0x1b3: {  	_ =	swait.ge @!p0 [sflag:s22], $0x180  }
0x1b4: {  	[sflag:s22] =	ssyncset.done @!p0 $0x0  }
0x1b5: {  	[sflag:s22] =	ssyncadd.s32 @!p0 $0xFFFFFE80;
	s22 =	simm.s32 @!p0 $0x5  }
0x1b6: {  	_ =	swait.ge @!p0 [sflag:s22], $0x4000  }
0x1b7: {  	[sflag:s22] =	ssyncset.done @!p0 $0x0  }
0x1b8: {  	[sflag:s22] =	ssyncadd.s32 @!p0 $0xFFFFC000  }
0x1b9: {  	[tilespmem:s23], [sflag:$0x3] =	stream.indirect.gather @!p0 [spmem:s1], $0x80, s21, s21, $0xb8;
	[tilespmem:$0x1C500] =	vst v63  }
0x1ba: {  	v1 =	vld @!p0 [tilespmem:$0x0]  }
0x1bb: {  	v2 =	vld @!p0 [tilespmem:$0x10]  }
0x1bc: {  	v3 =	vld @!p0 [tilespmem:$0x20]  }
0x1bd: {  	v4 =	vld @!p0 [tilespmem:$0x30]  }
0x1be: {  	v5 =	vld @!p0 [tilespmem:$0x40]  }
0x1bf: {  	[tilespmem:$0x400] =	vst @!p0 v1;
	v1 =	vld @!p0 [tilespmem:$0x50]  }
0x1c0: {  	[tilespmem:$0x410] =	vst @!p0 v2;
	v2 =	vld @!p0 [tilespmem:$0x60]  }
0x1c1: {  	[tilespmem:$0x420] =	vst @!p0 v3;
	v3 =	vld @!p0 [tilespmem:$0x70]  }
0x1c2: {  	[tilespmem:$0x430] =	vst @!p0 v4  }
0x1c3: {  	[tilespmem:$0x440] =	vst @!p0 v5  }
0x1c4: {  	[tilespmem:$0x450] =	vst @!p0 v1  }
0x1c5: {  	[tilespmem:$0x460] =	vst @!p0 v2  }
0x1c6: {  	[tilespmem:$0x470] =	vst @!p0 v3  }
0x1c7: {  	_ =	swait.ge [sflag:s7], $0x4000  }
0x1c8: {  	[sflag:s7] =	ssyncset.done $0x0  }
0x1c9: {  	s24 =	simm.s32 $0x0;
	[sflag:s7] =	ssyncadd.s32 $0xFFFFC000  }
0x1ca: {  	s21 =	simm.s32 $0x4900;
	v3 =	vld [tilespmem:s24+$0x300]  }
0x1cb: {  	v39 =	vld [tilespmem:s21+$0xFFFFFC00]  }
0x1cc: {  	v1 =	vld [tilespmem:s21+$0x330];
	[tilespmem:s21+$0xFFFFFC00] =	vst v0  }
0x1cd: {  	v40 =	vld [tilespmem:s21+$0xFFFFFC10];
	[tilespmem:s21+$0xFFFFFC10] =	vst v0  }
0x1ce: {  	v2 =	vld [tilespmem:s21+$0x380];
	[tilespmem:s21+$0x330] =	vst v0  }
0x1cf: {  	v6 =	vld [tilespmem:s21+$0xFFFFFC20];
	[tilespmem:s21+$0xFFFFFC20] =	vst v0  }
0x1d0: {  	v7 =	vld [tilespmem:s21+$0xFFFFFC80];
	[tilespmem:s21+$0xFFFFFC80] =	vst v0  }
0x1d1: {  	v9 =	vld [tilespmem:s21+$0xFFFFFC30];
	[tilespmem:s21+$0x380] =	vst v0  }
0x1d2: {  	v10 =	vld [tilespmem:s21+$0xFFFFFC90];
	[tilespmem:s21+$0xFFFFFC90] =	vst v0  }
0x1d3: {  	[tilespmem:s21+$0xFFFFFC30] =	vst v0;
	v11 =	vld [tilespmem:s21+$0xFFFFFCA0]  }
0x1d4: {  	v29 =	vld [tilespmem:s21+$0xFFFFFF00];
	[tilespmem:s21+$0xFFFFFF00] =	vst v0  }
0x1d5: {  	v53 =	vld [tilespmem:s21+$0xFFFFFD80];
	[tilespmem:s21+$0xFFFFFD80] =	vst v0  }
0x1d6: {  	v57 =	vld [tilespmem:s21+$0xFFFFFDA0];
	[tilespmem:s21+$0xFFFFFDA0] =	vst v0  }
0x1d7: {  	v12 =	vld [tilespmem:s21+$0xFFFFFCB0];
	[tilespmem:s21+$0xFFFFFCA0] =	vst v0  }
0x1d8: {  	v27 =	vld [tilespmem:s21+$0xFFFFFEB0];
	[tilespmem:s21+$0xFFFFFEB0] =	vst v0  }
0x1d9: {  	v48 =	vld [tilespmem:s21+$0xFFFFFD20];
	[tilespmem:s21+$0xFFFFFD20] =	vst v0  }
0x1da: {  	v38 =	vld [tilespmem:s21+$0xFFFFFF80];
	[tilespmem:s21+$0xFFFFFF80] =	vst v0  }
0x1db: {  	v33 =	vld [tilespmem:s21+$0xFFFFFF20];
	[tilespmem:s21+$0xFFFFFF20] =	vst v0  }
0x1dc: {  	v36 =	vld [tilespmem:s21+$0xFFFFFF30];
	[tilespmem:s21+$0xFFFFFF30] =	vst v0  }
0x1dd: {  	v31 =	vld [tilespmem:s21+$0xFFFFFF10];
	[tilespmem:s21+$0xFFFFFF10] =	vst v0  }
0x1de: {  	v24 =	vld [tilespmem:s21+$0xFFFFFEA0];
	[tilespmem:s21+$0xFFFFFEA0] =	vst v0  }
0x1df: {  	v20 =	vld [tilespmem:s21+$0xFFFFFE80];
	[tilespmem:s21+$0xFFFFFE80] =	vst v0  }
0x1e0: {  	v22 =	vld [tilespmem:s21+$0xFFFFFE90];
	[tilespmem:s21+$0xFFFFFE90] =	vst v0  }
0x1e1: {  	v15 =	vld [tilespmem:s21+$0xFFFFFE20];
	[tilespmem:s21+$0xFFFFFE20] =	vst v0  }
0x1e2: {  	v18 =	vld [tilespmem:s21+$0xFFFFFE30];
	[tilespmem:s21+$0xFFFFFE30] =	vst v0  }
0x1e3: {  	v62 =	vld [tilespmem:s21+$0xFFFFFE00];
	[tilespmem:s21+$0xFFFFFE00] =	vst v0  }
0x1e4: {  	v13 =	vld [tilespmem:s21+$0xFFFFFE10];
	[tilespmem:s21+$0xFFFFFE10] =	vst v0  }
0x1e5: {  	v55 =	vld [tilespmem:s21+$0xFFFFFD90];
	[tilespmem:s21+$0xFFFFFD90] =	vst v0  }
0x1e6: {  	v51 =	vld [tilespmem:s21+$0xFFFFFD30];
	[tilespmem:s21+$0xFFFFFD30] =	vst v0  }
0x1e7: {  	v60 =	vld [tilespmem:s21+$0xFFFFFDB0];
	[tilespmem:s21+$0xFFFFFDB0] =	vst v0;
	v8 =	vbroadcast v3, $0x0  }
0x1e8: {  	v44 =	vld [tilespmem:s21+$0xFFFFFD00];
	[tilespmem:s21+$0xFFFFFD00] =	vst v0;
	v42 =	vbroadcast v3, $0x1;
	v49 =	vbroadcast v3, $0x2  }
0x1e9: {  	v46 =	vld [tilespmem:s21+$0xFFFFFD10];
	[tilespmem:s21+$0xFFFFFD10] =	vst v0;
	v26 =	vbroadcast v3, $0x5;
	v5 =	vmul.f32 v40, v8  }
0x1ea: {  	[tilespmem:s21+$0xFFFFFCB0] =	vst v0;
	v45 =	vmul.f32 v7, v42;
	v47 =	vmul.f32 v10, v42  }
0x1eb: {  	v50 =	vmul.f32 v11, v42;
	v52 =	vmul.f32 v12, v42;
	v40 =	vld [tilespmem:s21+$0xFFFFFF90];
	[tilespmem:s21+$0xFFFFFF90] =	vst v0  }
0x1ec: {  	v30 =	vmul.f32 v20, v26;
	v32 =	vmul.f32 v22, v26;
	v42 =	vld [tilespmem:s21+$0xFFFFFFA0];
	[tilespmem:s21+$0xFFFFFFA0] =	vst v0  }
0x1ed: {  	v34 =	vmul.f32 v24, v26;
	v37 =	vmul.f32 v27, v26;
	v26 =	vld [tilespmem:s21+$0x190];
	[tilespmem:s21+$0x190] =	vst v0  }
0x1ee: {  	v59 =	vbroadcast v3, $0x3;
	v17 =	vbroadcast v3, $0x4;
	v24 =	vld [tilespmem:s21+$0x180];
	[tilespmem:s21+$0x180] =	vst v0  }
0x1ef: {  	v4 =	vmul.f32 v8, v39;
	v54 =	vmul.f32 v44, v49;
	v22 =	vld [tilespmem:s21+$0x130];
	[tilespmem:s21+$0x130] =	vst v0  }
0x1f0: {  	v21 =	vmul.f32 v62, v17;
	v25 =	vmul.f32 v15, v17;
	v15 =	vld [tilespmem:s21+$0x100];
	[tilespmem:s21+$0x100] =	vst v0  }
0x1f1: {  	v23 =	vmul.f32 v13, v17;
	v28 =	vmul.f32 v18, v17;
	v17 =	vld [tilespmem:s21+$0x110];
	[tilespmem:s21+$0x110] =	vst v0  }
0x1f2: {  	v56 =	vmul.f32 v46, v49;
	v19 =	vmul.f32 v60, v59;
	v60 =	vld [tilespmem:s21+$0xA0];
	[tilespmem:s21+$0xA0] =	vst v0  }
0x1f3: {  	v58 =	vmul.f32 v48, v49;
	v61 =	vmul.f32 v51, v49;
	v49 =	vld [tilespmem:s21+$0x10];
	[tilespmem:s21+$0x10] =	vst v0  }
0x1f4: {  	v51 =	vld [tilespmem:s21+$0x20];
	[tilespmem:s21+$0x20] =	vst v0  }
0x1f5: {  	v41 =	vmul.f32 v6, v8;
	[tilespmem:s21+$0xFFFFFC40] =	vst v4  }
0x1f6: {  	v43 =	vmul.f32 v9, v8;
	[tilespmem:s21+$0xFFFFFC50] =	vst v5  }
0x1f7: {  	[tilespmem:s21+$0xFFFFFC60] =	vst v41  }
0x1f8: {  	[tilespmem:s21+$0xFFFFFC70] =	vst v43  }
0x1f9: {  	[tilespmem:s21+$0xFFFFFCC0] =	vst v45  }
0x1fa: {  	[tilespmem:s21+$0xFFFFFCD0] =	vst v47  }
0x1fb: {  	[tilespmem:s21+$0xFFFFFCE0] =	vst v50  }
0x1fc: {  	[tilespmem:s21+$0xFFFFFCF0] =	vst v52  }
0x1fd: {  	[tilespmem:s21+$0xFFFFFD40] =	vst v54  }
0x1fe: {  	[tilespmem:s21+$0xFFFFFD50] =	vst v56  }
0x1ff: {  	v63 =	vmul.f32 v53, v59;
	[tilespmem:s21+$0xFFFFFD60] =	vst v58  }
0x200: {  	v14 =	vmul.f32 v55, v59;
	[tilespmem:s21+$0xFFFFFD70] =	vst v61  }
0x201: {  	v16 =	vmul.f32 v57, v59;
	[tilespmem:s21+$0xFFFFFDC0] =	vst v63  }
0x202: {  	[tilespmem:s21+$0xFFFFFDD0] =	vst v14  }
0x203: {  	[tilespmem:s21+$0xFFFFFDE0] =	vst v16  }
0x204: {  	[tilespmem:s21+$0xFFFFFDF0] =	vst v19  }
0x205: {  	[tilespmem:s21+$0xFFFFFE40] =	vst v21  }
0x206: {  	[tilespmem:s21+$0xFFFFFE50] =	vst v23  }
0x207: {  	[tilespmem:s21+$0xFFFFFE60] =	vst v25  }
0x208: {  	[tilespmem:s21+$0xFFFFFE70] =	vst v28  }
0x209: {  	v35 =	vbroadcast v3, $0x6;
	[tilespmem:s21+$0xFFFFFEC0] =	vst v30  }
0x20a: {  	[tilespmem:s21+$0xFFFFFED0] =	vst v32  }
0x20b: {  	v39 =	vmul.f32 v29, v35;
	[tilespmem:s21+$0xFFFFFEE0] =	vst v34  }
0x20c: {  	v46 =	vmul.f32 v36, v35;
	[tilespmem:s21+$0xFFFFFEF0] =	vst v37  }
0x20d: {  	[tilespmem:s21+$0xFFFFFF40] =	vst v39  }
0x20e: {  	[tilespmem:s21+$0xFFFFFF70] =	vst v46  }
0x20f: {  	v45 =	vld [tilespmem:s21+$0xFFFFFFB0];
	[tilespmem:s21+$0xFFFFFFB0] =	vst v0  }
0x210: {  	v43 =	vmul.f32 v33, v35;
	v33 =	vld [tilespmem:s21+$0x200];
	[tilespmem:s21+$0x200] =	vst v0  }
0x211: {  	v37 =	vld [tilespmem:s21+$0x220];
	[tilespmem:s21+$0x220] =	vst v0  }
0x212: {  	v41 =	vmul.f32 v31, v35;
	v35 =	vld [tilespmem:s21+$0x210];
	[tilespmem:s21+$0x210] =	vst v0  }
0x213: {  	v28 =	vld [tilespmem:s21+$0x1A0];
	[tilespmem:s21+$0x1A0] =	vst v0  }
0x214: {  	v31 =	vld [tilespmem:s21+$0x1B0];
	[tilespmem:s21+$0x1B0] =	vst v0  }
0x215: {  	v19 =	vld [tilespmem:s21+$0x120];
	[tilespmem:s21+$0x120] =	vst v0  }
0x216: {  	v63 =	vld [tilespmem:s21+$0xB0];
	[tilespmem:s21+$0xB0] =	vst v0  }
0x217: {  	v56 =	vld [tilespmem:s21+$0x80];
	[tilespmem:s21+$0x80] =	vst v0  }
0x218: {  	v58 =	vld [tilespmem:s21+$0x90];
	[tilespmem:s21+$0x90] =	vst v0  }
0x219: {  	v44 =	vbroadcast v3, $0x7;
	v54 =	vld [tilespmem:s21+$0x30];
	[tilespmem:s21+$0x30] =	vst v0  }
0x21a: {  	v47 =	vld [tilespmem:s21+$0x0];
	[tilespmem:s21+$0x0] =	vst v0  }
0x21b: {  	v48 =	vmul.f32 v38, v44;
	[tilespmem:s21+$0xFFFFFF50] =	vst v41  }
0x21c: {  	[tilespmem:s21+$0xFFFFFF60] =	vst v43  }
0x21d: {  	[tilespmem:s21+$0xFFFFFFC0] =	vst v48  }
0x21e: {  	v53 =	vbroadcast v3, $0x8;
	v41 =	vld [tilespmem:s21+$0x230];
	[tilespmem:s21+$0x230] =	vst v0  }
0x21f: {  	v43 =	vld [tilespmem:s21+$0x280];
	[tilespmem:s21+$0x280] =	vst v0;
	v50 =	vmul.f32 v40, v44  }
0x220: {  	v52 =	vmul.f32 v42, v44;
	v61 =	vmul.f32 v51, v53;
	v51 =	vld [tilespmem:s21+$0x300];
	[tilespmem:s21+$0x300] =	vst v0  }
0x221: {  	v62 =	vbroadcast v3, $0x9;
	v59 =	vmul.f32 v49, v53;
	[tilespmem:s21+$0xFFFFFFD0] =	vst v50  }
0x222: {  	v21 =	vbroadcast v3, $0xA;
	[tilespmem:s21+$0xFFFFFFE0] =	vst v52  }
0x223: {  	v20 =	vmul.f32 v60, v62;
	[tilespmem:s21+$0x50] =	vst v59  }
0x224: {  	v25 =	vmul.f32 v15, v21;
	[tilespmem:s21+$0x60] =	vst v61  }
0x225: {  	v30 =	vbroadcast v3, $0xB;
	v27 =	vmul.f32 v17, v21;
	[tilespmem:s21+$0xE0] =	vst v20  }
0x226: {  	v32 =	vmul.f32 v22, v21;
	[tilespmem:s21+$0x140] =	vst v25  }
0x227: {  	v34 =	vmul.f32 v24, v30;
	[tilespmem:s21+$0x150] =	vst v27  }
0x228: {  	v36 =	vmul.f32 v26, v30;
	[tilespmem:s21+$0x170] =	vst v32  }
0x229: {  	[tilespmem:s21+$0x1C0] =	vst v34  }
0x22a: {  	[tilespmem:s21+$0x1D0] =	vst v36  }
0x22b: {  	v55 =	vmul.f32 v45, v44;
	v45 =	vld [tilespmem:s21+$0x290];
	[tilespmem:s21+$0x290] =	vst v0  }
0x22c: {  	v57 =	vmul.f32 v47, v53;
	v47 =	vld [tilespmem:s21+$0x2A0];
	[tilespmem:s21+$0x2A0] =	vst v0  }
0x22d: {  	v50 =	vld [tilespmem:s21+$0x2B0];
	[tilespmem:s21+$0x2B0] =	vst v0  }
0x22e: {  	v14 =	vmul.f32 v54, v53;
	v53 =	vld [tilespmem:s21+$0x310];
	[tilespmem:s21+$0x310] =	vst v0  }
0x22f: {  	v16 =	vmul.f32 v56, v62;
	v59 =	vld [tilespmem:s21+$0x390];
	[tilespmem:s21+$0x390] =	vst v0  }
0x230: {  	v18 =	vmul.f32 v58, v62;
	v23 =	vmul.f32 v63, v62;
	v62 =	vld [tilespmem:s21+$0x3A0];
	[tilespmem:s21+$0x3A0] =	vst v0  }
0x231: {  	[tilespmem:s21+$0xFFFFFFF0] =	vst v55  }
0x232: {  	[tilespmem:s21+$0x40] =	vst v57  }
0x233: {  	[tilespmem:s21+$0x70] =	vst v14  }
0x234: {  	[tilespmem:s21+$0xC0] =	vst v16  }
0x235: {  	v29 =	vmul.f32 v19, v21;
	[tilespmem:s21+$0xD0] =	vst v18  }
0x236: {  	v39 =	vbroadcast v3, $0xC;
	v38 =	vmul.f32 v28, v30;
	[tilespmem:s21+$0xF0] =	vst v23  }
0x237: {  	v40 =	vmul.f32 v31, v30;
	[tilespmem:s21+$0x160] =	vst v29  }
0x238: {  	v42 =	vmul.f32 v33, v39;
	[tilespmem:s21+$0x1E0] =	vst v38  }
0x239: {  	v44 =	vmul.f32 v35, v39;
	[tilespmem:s21+$0x1F0] =	vst v40  }
0x23a: {  	v46 =	vmul.f32 v37, v39;
	[tilespmem:s21+$0x240] =	vst v42  }
0x23b: {  	v48 =	vbroadcast v3, $0xD;
	[tilespmem:s21+$0x250] =	vst v44  }
0x23c: {  	v56 =	vbroadcast v3, $0xE;
	[tilespmem:s21+$0x260] =	vst v46;
	v49 =	vmul.f32 v41, v39  }
0x23d: {  	v3 =	vbroadcast v3, $0xF;
	v8 =	vmul.f32 v43, v48;
	v55 =	vld [tilespmem:s21+$0x320];
	[tilespmem:s21+$0x320] =	vst v0  }
0x23e: {  	v1 =	vmul.f32 v1, v56;
	[tilespmem:s21+$0x270] =	vst v49  }
0x23f: {  	v2 =	vmul.f32 v2, v3;
	[tilespmem:s21+$0x2C0] =	vst v8  }
0x240: {  	v58 =	vmul.f32 v51, v56;
	[tilespmem:s21+$0x370] =	vst v1  }
0x241: {  	[tilespmem:s21+$0x3C0] =	vst v2;
	v52 =	vmul.f32 v45, v48  }
0x242: {  	v54 =	vmul.f32 v47, v48;
	[tilespmem:s21+$0x340] =	vst v58  }
0x243: {  	v63 =	vld [tilespmem:s21+$0x3B0];
	v57 =	vmul.f32 v50, v48;
	[tilespmem:s21+$0x2D0] =	vst v52  }
0x244: {  	v1 =	vmul.f32 v59, v3;
	[tilespmem:s21+$0x2E0] =	vst v54  }
0x245: {  	v60 =	vmul.f32 v53, v56;
	[tilespmem:s21+$0x2F0] =	vst v57  }
0x246: {  	[tilespmem:s21+$0x3D0] =	vst v1;
	v1 =	vmul.f32 v62, v3  }
0x247: {  	v61 =	vmul.f32 v55, v56;
	[tilespmem:s21+$0x350] =	vst v60  }
0x248: {  	[tilespmem:s21+$0x3E0] =	vst v1;
	v1 =	vmul.f32 v63, v3  }
0x249: {  	[tilespmem:s21+$0x360] =	vst v61  }
0x24a: {  	s22 =	simm.s32 $0x40;
	s23 =	simm.s32 $0x5100;
	[tilespmem:s21+$0x3F0] =	vst v1  }
.LBB2_5:
0x24b: {  	s24 =	sshra.s32 s22, $0x2;
	v1 =	vld [tilespmem:s23+$0x330];
	p1 =	sne.s32 s22, $0x1C0;
	s22 =	sadd.s32 $0x40, s22;
	[tilespmem:s21+$0x3B0] =	vst v0  }
0x24c: {  	s21 =	smov.u32 s23;
	v5 =	vld [tilespmem:s24+$0x300]  }
0x24d: {  	[tilespmem:s23+$0x330] =	vst v0;
	v2 =	vld [tilespmem:s23+$0x380]  }
0x24e: {  	v6 =	vld [tilespmem:s23+$0xFFFFFC00];
	[tilespmem:s23+$0x380] =	vst v0  }
0x24f: {  	[tilespmem:s23+$0xFFFFFC00] =	vst v0;
	v7 =	vld [tilespmem:s23+$0xFFFFFC10]  }
0x250: {  	[tilespmem:s23+$0xFFFFFC10] =	vst v0;
	v8 =	vld [tilespmem:s23+$0xFFFFFC20]  }
0x251: {  	v9 =	vbroadcast v5, $0x0;
	[tilespmem:s23+$0xFFFFFC20] =	vst v0;
	v10 =	vld [tilespmem:s23+$0xFFFFFC30];
	v11 =	vbroadcast v5, $0x2  }
0x252: {  	v4 =	vbroadcast v5, $0xE;
	v3 =	vbroadcast v5, $0xF;
	[tilespmem:s23+$0xFFFFFC30] =	vst v0;
	v12 =	vld [tilespmem:s23+$0xFFFFFC80]  }
0x253: {  	v6 =	vmul.f32 v9, v6;
	[tilespmem:s23+$0xFFFFFC80] =	vst v0;
	v13 =	vld [tilespmem:s23+$0xFFFFFC90]  }
0x254: {  	v7 =	vmul.f32 v7, v9;
	[tilespmem:s23+$0xFFFFFC90] =	vst v0;
	v14 =	vld [tilespmem:s23+$0xFFFFFCA0]  }
0x255: {  	[tilespmem:s23+$0xFFFFFC40] =	vst v6;
	v6 =	vmul.f32 v8, v9;
	v8 =	vbroadcast v5, $0x1;
	v15 =	vld [tilespmem:s23+$0xFFFFFCB0]  }
0x256: {  	[tilespmem:s23+$0xFFFFFC50] =	vst v7;
	v7 =	vmul.f32 v10, v9;
	v9 =	vld [tilespmem:s23+$0xFFFFFD00]  }
0x257: {  	[tilespmem:s23+$0xFFFFFC60] =	vst v6;
	v6 =	vmul.f32 v12, v8;
	v10 =	vld [tilespmem:s23+$0xFFFFFD10]  }
0x258: {  	[tilespmem:s23+$0xFFFFFC70] =	vst v7;
	v7 =	vmul.f32 v13, v8;
	v12 =	vld [tilespmem:s23+$0xFFFFFD20]  }
0x259: {  	[tilespmem:s23+$0xFFFFFCC0] =	vst v6;
	v6 =	vmul.f32 v14, v8;
	v13 =	vld [tilespmem:s23+$0xFFFFFD30]  }
0x25a: {  	[tilespmem:s23+$0xFFFFFCD0] =	vst v7;
	v7 =	vmul.f32 v15, v8;
	v8 =	vld [tilespmem:s23+$0xFFFFFD80]  }
0x25b: {  	[tilespmem:s23+$0xFFFFFCE0] =	vst v6;
	v6 =	vmul.f32 v9, v11;
	v9 =	vld [tilespmem:s23+$0xFFFFFD90]  }
0x25c: {  	[tilespmem:s23+$0xFFFFFCF0] =	vst v7;
	v7 =	vmul.f32 v10, v11;
	v10 =	vld [tilespmem:s23+$0xFFFFFDA0]  }
0x25d: {  	[tilespmem:s23+$0xFFFFFD40] =	vst v6;
	v6 =	vmul.f32 v12, v11;
	v12 =	vbroadcast v5, $0x3;
	v14 =	vld [tilespmem:s23+$0xFFFFFDB0]  }
0x25e: {  	[tilespmem:s23+$0xFFFFFD50] =	vst v7;
	v7 =	vmul.f32 v13, v11;
	v11 =	vld [tilespmem:s23+$0xFFFFFE00]  }
0x25f: {  	[tilespmem:s23+$0xFFFFFD60] =	vst v6;
	v6 =	vmul.f32 v8, v12;
	v8 =	vld [tilespmem:s23+$0xFFFFFE10]  }
0x260: {  	[tilespmem:s23+$0xFFFFFD70] =	vst v7;
	v7 =	vmul.f32 v9, v12;
	v9 =	vld [tilespmem:s23+$0xFFFFFE20]  }
0x261: {  	[tilespmem:s23+$0xFFFFFDC0] =	vst v6;
	v6 =	vmul.f32 v10, v12;
	v10 =	vbroadcast v5, $0x4;
	v13 =	vld [tilespmem:s23+$0xFFFFFE30]  }
0x262: {  	[tilespmem:s23+$0xFFFFFDD0] =	vst v7;
	v7 =	vmul.f32 v14, v12;
	v12 =	vld [tilespmem:s23+$0xFFFFFE80]  }
0x263: {  	[tilespmem:s23+$0xFFFFFDE0] =	vst v6;
	v6 =	vmul.f32 v11, v10;
	v11 =	vld [tilespmem:s23+$0xFFFFFE90]  }
0x264: {  	[tilespmem:s23+$0xFFFFFDF0] =	vst v7;
	v7 =	vmul.f32 v8, v10;
	v8 =	vld [tilespmem:s23+$0xFFFFFEA0]  }
0x265: {  	[tilespmem:s23+$0xFFFFFE40] =	vst v6;
	v6 =	vmul.f32 v9, v10;
	v9 =	vbroadcast v5, $0x5;
	v14 =	vld [tilespmem:s23+$0xFFFFFEB0]  }
0x266: {  	[tilespmem:s23+$0xFFFFFE50] =	vst v7;
	v7 =	vmul.f32 v13, v10;
	v10 =	vld [tilespmem:s23+$0xFFFFFF00]  }
0x267: {  	[tilespmem:s23+$0xFFFFFE60] =	vst v6;
	v6 =	vmul.f32 v12, v9;
	v12 =	vld [tilespmem:s23+$0xFFFFFF10]  }
0x268: {  	[tilespmem:s23+$0xFFFFFE70] =	vst v7;
	v7 =	vmul.f32 v11, v9;
	v11 =	vld [tilespmem:s23+$0xFFFFFF20]  }
0x269: {  	[tilespmem:s23+$0xFFFFFEC0] =	vst v6;
	v6 =	vmul.f32 v8, v9;
	v8 =	vbroadcast v5, $0x6;
	v13 =	vld [tilespmem:s23+$0xFFFFFF30]  }
0x26a: {  	[tilespmem:s23+$0xFFFFFED0] =	vst v7;
	v7 =	vmul.f32 v14, v9;
	v9 =	vld [tilespmem:s23+$0xFFFFFF80]  }
0x26b: {  	[tilespmem:s23+$0xFFFFFEE0] =	vst v6;
	v6 =	vmul.f32 v10, v8;
	v10 =	vld [tilespmem:s23+$0xFFFFFF90]  }
0x26c: {  	[tilespmem:s23+$0xFFFFFEF0] =	vst v7;
	v7 =	vmul.f32 v12, v8;
	v12 =	vld [tilespmem:s23+$0xFFFFFFA0]  }
0x26d: {  	[tilespmem:s23+$0xFFFFFF40] =	vst v6;
	v6 =	vmul.f32 v11, v8;
	v11 =	vbroadcast v5, $0x7;
	v14 =	vld [tilespmem:s23+$0xFFFFFFB0]  }
0x26e: {  	[tilespmem:s23+$0xFFFFFF50] =	vst v7;
	v7 =	vmul.f32 v13, v8;
	v8 =	vld [tilespmem:s23+$0x0]  }
0x26f: {  	[tilespmem:s23+$0xFFFFFF60] =	vst v6;
	v6 =	vmul.f32 v9, v11;
	v9 =	vld [tilespmem:s23+$0x10]  }
0x270: {  	[tilespmem:s23+$0xFFFFFF70] =	vst v7;
	v7 =	vmul.f32 v10, v11;
	v10 =	vld [tilespmem:s23+$0x20]  }
0x271: {  	[tilespmem:s23+$0xFFFFFFC0] =	vst v6;
	v6 =	vmul.f32 v12, v11;
	v12 =	vbroadcast v5, $0x8;
	v13 =	vld [tilespmem:s23+$0x30]  }
0x272: {  	[tilespmem:s23+$0xFFFFFFD0] =	vst v7;
	v7 =	vmul.f32 v14, v11;
	v11 =	vld [tilespmem:s23+$0x80]  }
0x273: {  	[tilespmem:s23+$0xFFFFFFE0] =	vst v6;
	v6 =	vmul.f32 v8, v12;
	v8 =	vld [tilespmem:s23+$0x90]  }
0x274: {  	[tilespmem:s23+$0xFFFFFFF0] =	vst v7;
	v7 =	vmul.f32 v9, v12;
	v9 =	vld [tilespmem:s23+$0xA0]  }
0x275: {  	[tilespmem:s23+$0x40] =	vst v6;
	v6 =	vmul.f32 v10, v12;
	v10 =	vbroadcast v5, $0x9;
	v14 =	vld [tilespmem:s23+$0xB0]  }
0x276: {  	[tilespmem:s23+$0x50] =	vst v7;
	v7 =	vmul.f32 v13, v12;
	v12 =	vld [tilespmem:s23+$0x100]  }
0x277: {  	[tilespmem:s23+$0x60] =	vst v6;
	v6 =	vmul.f32 v11, v10;
	v11 =	vld [tilespmem:s23+$0x110]  }
0x278: {  	[tilespmem:s23+$0x70] =	vst v7;
	v7 =	vmul.f32 v8, v10;
	v8 =	vld [tilespmem:s23+$0x120]  }
0x279: {  	[tilespmem:s23+$0xC0] =	vst v6;
	v6 =	vmul.f32 v9, v10;
	v9 =	vbroadcast v5, $0xA;
	v13 =	vld [tilespmem:s23+$0x130]  }
0x27a: {  	[tilespmem:s23+$0xD0] =	vst v7;
	v7 =	vmul.f32 v14, v10;
	v10 =	vld [tilespmem:s23+$0x180]  }
0x27b: {  	[tilespmem:s23+$0xE0] =	vst v6;
	v6 =	vmul.f32 v12, v9;
	v12 =	vld [tilespmem:s23+$0x190]  }
0x27c: {  	[tilespmem:s23+$0xF0] =	vst v7;
	v7 =	vmul.f32 v11, v9;
	v11 =	vld [tilespmem:s23+$0x1A0]  }
0x27d: {  	[tilespmem:s23+$0x140] =	vst v6;
	v6 =	vmul.f32 v8, v9;
	v8 =	vbroadcast v5, $0xB;
	v14 =	vld [tilespmem:s23+$0x1B0]  }
0x27e: {  	[tilespmem:s23+$0x150] =	vst v7;
	v7 =	vmul.f32 v13, v9;
	v9 =	vld [tilespmem:s23+$0x200]  }
0x27f: {  	[tilespmem:s23+$0x160] =	vst v6;
	v6 =	vmul.f32 v10, v8;
	v10 =	vld [tilespmem:s23+$0x210]  }
0x280: {  	[tilespmem:s23+$0x170] =	vst v7;
	v7 =	vmul.f32 v12, v8;
	v12 =	vld [tilespmem:s23+$0x220]  }
0x281: {  	[tilespmem:s23+$0x1C0] =	vst v6;
	v6 =	vmul.f32 v11, v8;
	v11 =	vbroadcast v5, $0xC  }
0x282: {  	[tilespmem:s23+$0x1D0] =	vst v7;
	v7 =	vmul.f32 v14, v8;
	v8 =	vld [tilespmem:s23+$0x230]  }
0x283: {  	[tilespmem:s23+$0x1E0] =	vst v6;
	v6 =	vmul.f32 v9, v11;
	v9 =	vld [tilespmem:s23+$0x280]  }
0x284: {  	[tilespmem:s23+$0x1F0] =	vst v7;
	v7 =	vmul.f32 v10, v11;
	v10 =	vld [tilespmem:s23+$0x290]  }
0x285: {  	[tilespmem:s23+$0x240] =	vst v6;
	v6 =	vmul.f32 v12, v11;
	v12 =	vld [tilespmem:s23+$0x2A0]  }
0x286: {  	v5 =	vbroadcast v5, $0xD;
	[tilespmem:s23+$0x250] =	vst v7  }
0x287: {  	[tilespmem:s23+$0x260] =	vst v6;
	v6 =	vmul.f32 v8, v11;
	v7 =	vld [tilespmem:s23+$0x2B0]  }
0x288: {  	[tilespmem:s23+$0xFFFFFF00] =	vst v0;
	v8 =	vmul.f32 v9, v5;
	v9 =	vld [tilespmem:s23+$0x300]  }
0x289: {  	[tilespmem:s23+$0x270] =	vst v6;
	v6 =	vmul.f32 v10, v5;
	v10 =	vld [tilespmem:s23+$0x310]  }
0x28a: {  	[tilespmem:s23+$0x2C0] =	vst v8;
	v8 =	vmul.f32 v12, v5;
	v11 =	vld [tilespmem:s23+$0x320]  }
0x28b: {  	[tilespmem:s23+$0x2D0] =	vst v6  }
0x28c: {  	[tilespmem:s23+$0x2E0] =	vst v8;
	v5 =	vmul.f32 v7, v5  }
0x28d: {  	[tilespmem:s23+$0xFFFFFD80] =	vst v0;
	v6 =	vmul.f32 v9, v4;
	v7 =	vld [tilespmem:s23+$0x390]  }
0x28e: {  	[tilespmem:s23+$0x2F0] =	vst v5;
	v5 =	vmul.f32 v10, v4  }
0x28f: {  	[tilespmem:s23+$0x340] =	vst v6;
	v6 =	vmul.f32 v11, v4  }
0x290: {  	v1 =	vmul.f32 v1, v4;
	[tilespmem:s23+$0x350] =	vst v5;
	v4 =	vld [tilespmem:s23+$0x3A0]  }
0x291: {  	v2 =	vmul.f32 v2, v3;
	[tilespmem:s23+$0x360] =	vst v6  }
0x292: {  	[tilespmem:s23+$0x370] =	vst v1;
	v1 =	vmul.f32 v7, v3;
	v5 =	vld [tilespmem:s23+$0x3B0]  }
0x293: {  	[tilespmem:s23+$0x3C0] =	vst v2  }
0x294: {  	[tilespmem:s23+$0x3D0] =	vst v1  }
0x295: {  	[tilespmem:s23+$0xFFFFFDA0] =	vst v0;
	v1 =	vmul.f32 v4, v3  }
0x296: {  	[tilespmem:s23+$0xFFFFFF90] =	vst v0  }
0x297: {  	[tilespmem:s23+$0x3E0] =	vst v1;
	v1 =	vmul.f32 v5, v3  }
0x298: {  	[tilespmem:s23+$0xFFFFFFA0] =	vst v0  }
0x299: {  	[tilespmem:s23+$0x3F0] =	vst v1  }
0x29a: {  	[tilespmem:s23+$0xFFFFFCA0] =	vst v0  }
0x29b: {  	[tilespmem:s23+$0xFFFFFFB0] =	vst v0  }
0x29c: {  	[tilespmem:s23+$0x200] =	vst v0  }
0x29d: {  	[tilespmem:s23+$0x220] =	vst v0  }
0x29e: {  	[tilespmem:s23+$0xFFFFFEB0] =	vst v0  }
0x29f: {  	[tilespmem:s23+$0xFFFFFD20] =	vst v0  }
0x2a0: {  	[tilespmem:s23+$0x190] =	vst v0  }
0x2a1: {  	[tilespmem:s23+$0x290] =	vst v0  }
0x2a2: {  	[tilespmem:s23+$0x230] =	vst v0  }
0x2a3: {  	[tilespmem:s23+$0x210] =	vst v0  }
0x2a4: {  	[tilespmem:s23+$0x1A0] =	vst v0  }
0x2a5: {  	[tilespmem:s23+$0x1B0] =	vst v0  }
0x2a6: {  	[tilespmem:s23+$0x180] =	vst v0  }
0x2a7: {  	[tilespmem:s23+$0x120] =	vst v0  }
0x2a8: {  	[tilespmem:s23+$0x130] =	vst v0  }
0x2a9: {  	[tilespmem:s23+$0x100] =	vst v0  }
0x2aa: {  	[tilespmem:s23+$0x110] =	vst v0  }
0x2ab: {  	[tilespmem:s23+$0xA0] =	vst v0  }
0x2ac: {  	[tilespmem:s23+$0xB0] =	vst v0  }
0x2ad: {  	[tilespmem:s23+$0x80] =	vst v0  }
0x2ae: {  	[tilespmem:s23+$0x90] =	vst v0  }
0x2af: {  	[tilespmem:s23+$0x30] =	vst v0  }
0x2b0: {  	[tilespmem:s23+$0x0] =	vst v0  }
0x2b1: {  	[tilespmem:s23+$0x10] =	vst v0  }
0x2b2: {  	[tilespmem:s23+$0xFFFFFF80] =	vst v0  }
0x2b3: {  	[tilespmem:s23+$0xFFFFFF20] =	vst v0  }
0x2b4: {  	[tilespmem:s23+$0xFFFFFF30] =	vst v0  }
0x2b5: {  	[tilespmem:s23+$0xFFFFFF10] =	vst v0  }
0x2b6: {  	[tilespmem:s23+$0xFFFFFEA0] =	vst v0  }
0x2b7: {  	[tilespmem:s23+$0xFFFFFE80] =	vst v0  }
0x2b8: {  	[tilespmem:s23+$0xFFFFFE90] =	vst v0  }
0x2b9: {  	[tilespmem:s23+$0xFFFFFE20] =	vst v0  }
0x2ba: {  	[tilespmem:s23+$0xFFFFFE30] =	vst v0  }
0x2bb: {  	[tilespmem:s23+$0xFFFFFE00] =	vst v0  }
0x2bc: {  	[tilespmem:s23+$0xFFFFFE10] =	vst v0  }
0x2bd: {  	[tilespmem:s23+$0x20] =	vst v0  }
0x2be: {  	[tilespmem:s23+$0xFFFFFD90] =	vst v0  }
0x2bf: {  	[tilespmem:s23+$0xFFFFFD30] =	vst v0  }
0x2c0: {  	[tilespmem:s23+$0x2A0] =	vst v0  }
0x2c1: {  	[tilespmem:s23+$0xFFFFFDB0] =	vst v0  }
0x2c2: {  	[tilespmem:s23+$0xFFFFFD00] =	vst v0  }
0x2c3: {  	[tilespmem:s23+$0xFFFFFD10] =	vst v0  }
0x2c4: {  	[tilespmem:s23+$0xFFFFFCB0] =	vst v0  }
0x2c5: {  	[tilespmem:s23+$0x280] =	vst v0  }
0x2c6: {  	[tilespmem:s23+$0x2B0] =	vst v0  }
.Ltmp3:
0x2c7: {  	[tilespmem:s23+$0x300] =	vst v0;
	(pc) =	sbr.rel @p1 .LBB2_5-.Ltmp3, $4  }
0x2c8: {  	[tilespmem:s23+$0x310] =	vst v0  }
0x2c9: {  	[tilespmem:s23+$0x320] =	vst v0  }
0x2ca: {  	[tilespmem:s23+$0x390] =	vst v0  }
0x2cb: {  	s23 =	sadd.s32 $0x800, s23;
	[tilespmem:s21+$0x3A0] =	vst v0  }
.Ltmp4:
0x2cc: {  	(pc) =	sbr.rel @p0 .LBB2_8-.Ltmp4, $2  }
0x2cd: {  	_ =	sdelay $0x2  }
0x2ce: {  	[tilespmem:s21+$0x3B0] =	vst v0  }
0x2cf: {  	s20 =	sadd.s32 s20, s18  }
.Ltmp5:
0x2d0: {  	s20 =	sshll.u32 s20, $0x6;
	(pc) =	sbr.rel .LBB2_2-.Ltmp5, $4  }
0x2d1: {  	s20 =	sadd.s32 s4, s20  }
0x2d2: {  	[tilespmem:s28], [sflag:$0x2] =	stream.linear.gather [hbm4b:s20+s3], $0x180, $0x38;
	[tilespmem:$0x1C500] =	vst v63  }
0x2d3: {  	s19 =	sadd.s32 $0x1, s19  }
0x2d4: {  	[spmem:s1] =	stream.indirect.scatter.add.f32 [tilespmem:s2], [sflag:$0x6], $0x80, s9, s30, $0xb8;
	[tilespmem:$0x1C500] =	vst v63  }
.LBB2_9:
0x2d5: {  	_ =	sfence.sel $0x180000  }
0x2d6: {  	[bflag:$0x0] =	sbarrier.arrive $0xFFFF  }
0x2d7: {  	_ =	strace $0x90000047  }
0x2d8: {  	s0 =	stileid.u32;
	[bflag:$0x2] =	sbarrier.arrive $0xFFFF  }
0x2d9: {  	p0 =	sne.s32 s0, $0x0;
	s0 =	rddreg [dreg:$0x3]  }
0x2da: {  	s0 =	sadd.s32 @!p0 $0x100000, s0  }
0x2db: {  	[sflag:s0] =	ssyncadd.tile.s32 @!p0 $0x1;
	_ =	shalt  }
.Lfunc_end2:
_tile_overlayer_lowered:
.L_overlay_start_2:
0x2dc: {  	(tag) =	ssettag $0x2  }
0x2dd: {  	s0 =	rddreg [dreg:$0x0];
	s2 =	stileid.u32  }
0x2de: {  	s1 =	rddreg [dreg:$0x1];
	p0 =	sne.s32 s2, $0x0  }
0x2df: {  	s3 =	rddreg [dreg:$0x2];
	[bflag:$0x3] =	sbarrier.arrive $0xFFFF;
	s2 =	simm.s32 @!p0 $0x1C07  }
0x2e0: {  	[timem:s3], [sflag:s2] =	dma.local @!p0 [hbm:s0], s1  }
0x2e1: {  	s0 =	simm.s32 @!p0 $0x7  }
0x2e2: {  	_ =	swait.ge @!p0 [sflag:s0], s1  }
0x2e3: {  	s1 =	ssub.s32 @!p0 $0x0, s1;
	[sflag:s0] =	ssyncset.done @!p0 $0x0  }
0x2e4: {  	[sflag:s0] =	ssyncadd.s32 @!p0 s1  }
0x2e5: {  	[bflag:$0x3] =	sbarrier.arrive $0xFFFF  }
0x2e6: {  	_ =	shalt  }

</sc_bundles>
